<compile_context>
chip_gen: v7x
topology: tpu7x:2x2x1
jax: 0.10.2.dev20260603
libtpu: 0.0.44.dev20260713+nightly
codegen_flags: <defaults>
</compile_context>

<pallas_src>
import jax
import jax.numpy as jnp
from jax import lax
from jax.experimental import pallas as pl
from jax.experimental.pallas import tpu as pltpu
from jax.experimental.pallas import tpu_sc as plsc

_TOKENS = 16384
_EXPERTS = 64
_K = 2

_INFO = plsc.get_sparse_core_info()
_NC, _NS, _L = _INFO.num_cores, _INFO.num_subcores, _INFO.num_lanes
_NW = _NC * _NS

_SUB = 8
_LANE = 128
_EB = _EXPERTS // _SUB
_TB = _TOKENS // _LANE
_TB_W = _TB // _NW
_STEPS_T = _LANE // _L
_GROUPS = _TB_W * _STEPS_T
_SPLITS = 4
_E_SPLIT = _EXPERTS // _SPLITS


_LOG2E = 1.4426950408889634
_RND = 12582912.0
_EXPO_BIAS = 0x4B400000 - 127
_C0 = 0.9999992251396179
_C1 = 0.6931198239326477
_C2 = 0.2402472347021103
_C3 = 0.055929675698280334
_C4 = 0.009574329480528831


def _fexp_multi(vs):
    ts = [v * _LOG2E for v in vs]
    ks = [t + _RND for t in ts]
    kfs = [k - _RND for k in ks]
    fs = [t - kf for t, kf in zip(ts, kfs)]
    ibs = [plsc.bitcast(k, jnp.int32) - _EXPO_BIAS for k in ks]
    scales = [plsc.bitcast(lax.shift_left(ib, 23), jnp.float32) for ib in ibs]
    ps = [_C4 * f + _C3 for f in fs]
    ps = [p * f + _C2 for p, f in zip(ps, fs)]
    ps = [p * f + _C1 for p, f in zip(ps, fs)]
    ps = [p * f + _C0 for p, f in zip(ps, fs)]
    return [sc * p for sc, p in zip(scales, ps)]


def _fexp(v):
    return _fexp_multi([v])[0]


def _merge(a, b):
    am1, ai1, am2, ai2 = a
    bm1, bi1, bm2, bi2 = b
    c1 = bm1 > am1
    m1 = jnp.where(c1, bm1, am1)
    i1 = jnp.where(c1, bi1, ai1)
    xv = jnp.where(c1, am1, am2)
    xi = jnp.where(c1, ai1, ai2)
    yv = jnp.where(c1, bm2, bm1)
    yi = jnp.where(c1, bi2, bi1)
    c2 = yv > xv
    m2 = jnp.where(c2, yv, xv)
    i2 = jnp.where(c2, yi, xi)
    return m1, i1, m2, i2


def _body(x_hbm, twt_hbm, tit_hbm, awt_hbm, x_v, out_v, tw_v, ti_v, sem_o):
    wid = lax.axis_index("s") * _NC + lax.axis_index("c")
    tb0 = wid * _TB_W

    pltpu.sync_copy(x_hbm.at[:, pl.ds(tb0, _TB_W)], x_v)

    @plsc.parallel_loop(0, _GROUPS, 1, unroll=2)
    def _group(g):
        tbl = g // _STEPS_T
        t0 = (g % _STEPS_T) * _L

        hs = range(_SPLITS)
        neg = jnp.full((_L,), -jnp.inf, jnp.float32)
        m1s = [neg for _ in hs]
        m2s = [neg for _ in hs]
        i1s = [jnp.zeros((_L,), jnp.int32) for _ in hs]
        i2s = [jnp.zeros((_L,), jnp.int32) for _ in hs]
        ss = [jnp.zeros((_L,), jnp.float32) for _ in hs]
        for j in range(_E_SPLIT):
            es = [h * _E_SPLIT + j for h in hs]
            vs = [x_v[e // _SUB, tbl, e % _SUB, pl.ds(t0, _L)] for e in es]
            gt1s = [v > m1 for v, m1 in zip(vs, m1s)]
            gt2s = [v > m2 for v, m2 in zip(vs, m2s)]
            t2s = [jnp.where(g2, v, m2) for g2, v, m2 in zip(gt2s, vs, m2s)]
            m2s = [jnp.where(g1, m1, t2) for g1, m1, t2 in zip(gt1s, m1s, t2s)]
            u2s = [jnp.where(g2, e, i2) for g2, e, i2 in zip(gt2s, es, i2s)]
            i2s = [jnp.where(g1, i1, u2) for g1, i1, u2 in zip(gt1s, i1s, u2s)]
            m1s = [jnp.where(g1, v, m1) for g1, v, m1 in zip(gt1s, vs, m1s)]
            i1s = [jnp.where(g1, e, i1) for g1, e, i1 in zip(gt1s, es, i1s)]
            xes = [jnp.exp(v) for v in vs]
            ss = [s + xe for s, xe in zip(ss, xes)]
            for e, xe in zip(es, xes):
                out_v[e // _SUB, tbl, e % _SUB, pl.ds(t0, _L)] = xe

        parts = list(zip(m1s, i1s, m2s, i2s))
        m1, i1, m2, i2 = _merge(_merge(parts[0], parts[1]),
                                _merge(parts[2], parts[3]))
        s = (ss[0] + ss[1]) + (ss[2] + ss[3])
        inv_s = 1.0 / s

        e21 = _fexp(m2 - m1)
        w1 = 1.0 / (1.0 + e21)
        tw_v[tbl, 0, pl.ds(t0, _L)] = w1
        tw_v[tbl, 1, pl.ds(t0, _L)] = e21 * w1
        ti_v[tbl, 0, pl.ds(t0, _L)] = i1
        ti_v[tbl, 1, pl.ds(t0, _L)] = i2

        for e0 in range(0, _EXPERTS, 8):
            es = range(e0, e0 + 8)
            xs = [out_v[e // _SUB, tbl, e % _SUB, pl.ds(t0, _L)] for e in es]
            ys = [x * inv_s for x in xs]
            for e, y in zip(es, ys):
                out_v[e // _SUB, tbl, e % _SUB, pl.ds(t0, _L)] = y

    cout = pltpu.async_copy(out_v, awt_hbm.at[:, pl.ds(tb0, _TB_W)], sem_o)
    pltpu.sync_copy(tw_v, twt_hbm.at[pl.ds(tb0, _TB_W)])
    pltpu.sync_copy(ti_v, tit_hbm.at[pl.ds(tb0, _TB_W)])
    cout.wait()


_router = pl.kernel(
    _body,
    out_type=(
        jax.ShapeDtypeStruct((_TB, _K, _LANE), jnp.float32),
        jax.ShapeDtypeStruct((_TB, _K, _LANE), jnp.int32),
        jax.ShapeDtypeStruct((_EB, _TB, _SUB, _LANE), jnp.float32),
    ),
    mesh=plsc.VectorSubcoreMesh(core_axis_name="c", subcore_axis_name="s"),
    compiler_params=pltpu.CompilerParams(needs_layout_passes=False),
    scratch_types=(
        pltpu.VMEM((_EB, _TB_W, _SUB, _LANE), jnp.float32),
        pltpu.VMEM((_EB, _TB_W, _SUB, _LANE), jnp.float32),
        pltpu.VMEM((_TB_W, _K, _LANE), jnp.float32),
        pltpu.VMEM((_TB_W, _K, _LANE), jnp.int32),
        pltpu.SemaphoreType.DMA,
    ),
)


def kernel(gate_logits):
    a = gate_logits.T.reshape(_EB, _SUB, _TB, _LANE).transpose(0, 2, 1, 3)
    twt, tit, awt = _router(a)
    tw = twt.transpose(1, 0, 2).reshape(_K, _TOKENS).T
    ti = tit.transpose(1, 0, 2).reshape(_K, _TOKENS).T
    aw = awt.transpose(0, 2, 1, 3).reshape(_EXPERTS, _TOKENS).T
    return (tw, ti, aw)

# --- scband reference (transcript-rebuilt; emitter-appended) ---
"""Pipeline reference for scband-top-krouter-58652073394743 (READ-ONLY COPY).

The authoritative reference and input builder live on the scoring server;
editing this copy changes nothing except your own understanding.
"""

import jax, jax.numpy as jnp
import numpy as np

TOP_K = 2

def setup_inputs(seed: int = 0) -> dict:
    key = jax.random.key(seed)
    gate_logits = jax.random.normal(key, (16384, 64), dtype=jnp.float32)
    return {"gate_logits": gate_logits}

def reference(gate_logits):
    all_weights = jax.nn.softmax(gate_logits, axis=-1)
    top_k_weights, top_k_indices = jax.lax.top_k(all_weights, TOP_K)
    top_k_weights = top_k_weights / jnp.sum(top_k_weights, axis=-1, keepdims=True)
    return (top_k_weights, top_k_indices, all_weights)

if __name__ == "__main__":
    import jax
    _d = setup_inputs()
    print(jax.jit(kernel)(*tuple(_d.values())))

</pallas_src>

<mosaic_0001>
#map = affine_map<(d0, d1) -> (0, 0, 0, 0)>
#map1 = affine_map<(d0, d1) -> (0, 0, 0)>
module attributes {stable_mosaic.version = 14 : i64} {
  func.func @_body(%arg0: i32, %arg1: i32, %arg2: memref<8x128x8x128xf32, #tpu.memory_space<hbm>>, %arg3: memref<128x2x128xf32, #tpu.memory_space<hbm>>, %arg4: memref<128x2x128xi32, #tpu.memory_space<hbm>>, %arg5: memref<8x128x8x128xf32, #tpu.memory_space<hbm>>, %arg6: memref<8x4x8x128xf32, #tpu.memory_space<vmem>>, %arg7: memref<8x4x8x128xf32, #tpu.memory_space<vmem>>, %arg8: memref<4x2x128xf32, #tpu.memory_space<vmem>>, %arg9: memref<4x2x128xi32, #tpu.memory_space<vmem>>, %arg10: memref<!tpu.dma_semaphore, #tpu.memory_space<semaphore_mem>>) attributes {dimension_semantics = [#tpu.dimension_semantics<core_parallel>, #tpu.dimension_semantics<subcore_parallel>], iteration_bounds = array<i64: 2, 16>, scalar_prefetch = 0 : i64, scratch_operands = 5 : i64, tpu.core_type = #tpu.core_type<sc_vector_subcore>, window_params = [{transform_indices = #map}, {transform_indices = #map1}, {transform_indices = #map1}, {transform_indices = #map}]} {
    %mul3A = arith.constant 2 : i32
    %mul3A_0 = arith.muli %arg1, %mul3A : i32
    %add3A = arith.addi %mul3A_0, %arg0 : i32
    %mul3A_1 = arith.constant 4 : i32
    %mul3A_2 = arith.muli %add3A, %mul3A_1 : i32
    "tpu.region"() ({
      %run_scoped3A = tpu.sem_alloc : memref<!tpu.dma_semaphore, #tpu.memory_space<semaphore_mem>>
      %dma_start3A_19 = arith.constant 0 : i32
      %dma_start3A_20 = arith.constant 0 : i32
      %dma_start3A_21 = arith.constant 0 : i32
      %dma_start3A_22 = tpu.memref_slice %arg2[%dma_start3A_19, %mul3A_2, %dma_start3A_20, %dma_start3A_21] : memref<8x128x8x128xf32, #tpu.memory_space<hbm>> -> memref<8x4x8x128xf32, #tpu.memory_space<hbm>>
      %dma_start3A_23 = arith.constant 0 : i32
      %dma_start3A_24 = arith.constant 0 : i32
      %dma_start3A_25 = arith.constant 0 : i32
      %dma_start3A_26 = tpu.memref_slice %arg2[%dma_start3A_23, %mul3A_2, %dma_start3A_24, %dma_start3A_25] : memref<8x128x8x128xf32, #tpu.memory_space<hbm>> -> memref<8x4x8x128xf32, #tpu.memory_space<hbm>>
      tpu.enqueue_dma source(%dma_start3A_26 : memref<8x4x8x128xf32, #tpu.memory_space<hbm>>) target(%arg6 : memref<8x4x8x128xf32, #tpu.memory_space<vmem>>) target_semaphore(%run_scoped3A : memref<!tpu.dma_semaphore, #tpu.memory_space<semaphore_mem>>)
      %dma_wait3A_27 = arith.constant 0 : i32
      %dma_wait3A_28 = arith.constant 0 : i32
      %dma_wait3A_29 = arith.constant 0 : i32
      %dma_wait3A_30 = tpu.memref_slice %arg2[%dma_wait3A_27, %mul3A_2, %dma_wait3A_28, %dma_wait3A_29] : memref<8x128x8x128xf32, #tpu.memory_space<hbm>> -> memref<8x4x8x128xf32, #tpu.memory_space<hbm>>
      %dma_wait3A_31 = arith.constant 0 : i32
      %dma_wait3A_32 = arith.constant 0 : i32
      %dma_wait3A_33 = arith.constant 0 : i32
      %dma_wait3A_34 = tpu.memref_slice %arg2[%dma_wait3A_31, %mul3A_2, %dma_wait3A_32, %dma_wait3A_33] : memref<8x128x8x128xf32, #tpu.memory_space<hbm>> -> memref<8x4x8x128xf32, #tpu.memory_space<hbm>>
      tpu.wait_dma2 semaphore(%run_scoped3A : memref<!tpu.dma_semaphore, #tpu.memory_space<semaphore_mem>>) src(%dma_wait3A_34 : memref<8x4x8x128xf32, #tpu.memory_space<hbm>>) dst(%arg6 : memref<8x4x8x128xf32, #tpu.memory_space<vmem>>)
      tpu.yield
    }) : () -> ()
    %parallel_loop3A = arith.constant 0 : i32
    %parallel_loop3A_3 = arith.constant 32 : i32
    %parallel_loop3A_4 = arith.constant 1 : i32
    scf.for %parallel_loop3A_19 = %parallel_loop3A to %parallel_loop3A_3 step %parallel_loop3A_4  : i32 {
      %parallel_loop3A_20 = arith.constant 8 : i32
      %parallel_loop3A_21 = arith.divsi %parallel_loop3A_19, %parallel_loop3A_20 : i32
      %parallel_loop3A_22 = arith.constant 0 : i32
      %parallel_loop3A_23 = arith.cmpi sgt, %parallel_loop3A_19, %parallel_loop3A_22 : i32
      %parallel_loop3A_24 = arith.extui %parallel_loop3A_23 : i1 to i32
      %parallel_loop3A_25 = arith.constant 0 : i32
      %parallel_loop3A_26 = arith.cmpi slt, %parallel_loop3A_19, %parallel_loop3A_25 : i32
      %parallel_loop3A_27 = arith.extui %parallel_loop3A_26 : i1 to i32
      %parallel_loop3A_28 = arith.subi %parallel_loop3A_24, %parallel_loop3A_27 : i32
      %parallel_loop3A_29 = arith.constant 0 : i32
      %parallel_loop3A_30 = arith.cmpi sgt, %parallel_loop3A_20, %parallel_loop3A_29 : i32
      %parallel_loop3A_31 = arith.extui %parallel_loop3A_30 : i1 to i32
      %parallel_loop3A_32 = arith.constant 0 : i32
      %parallel_loop3A_33 = arith.cmpi slt, %parallel_loop3A_20, %parallel_loop3A_32 : i32
      %parallel_loop3A_34 = arith.extui %parallel_loop3A_33 : i1 to i32
      %parallel_loop3A_35 = arith.subi %parallel_loop3A_31, %parallel_loop3A_34 : i32
      %parallel_loop3A_36 = arith.cmpi ne, %parallel_loop3A_28, %parallel_loop3A_35 : i32
      %parallel_loop3A_37 = arith.remsi %parallel_loop3A_19, %parallel_loop3A_20 : i32
      %parallel_loop3A_38 = arith.constant 0 : i32
      %parallel_loop3A_39 = arith.cmpi ne, %parallel_loop3A_37, %parallel_loop3A_38 : i32
      %parallel_loop3A_40 = arith.andi %parallel_loop3A_36, %parallel_loop3A_39 : i1
      %parallel_loop3A_41 = arith.constant 1 : i32
      %parallel_loop3A_42 = arith.subi %parallel_loop3A_21, %parallel_loop3A_41 : i32
      %parallel_loop3A_43 = arith.select %parallel_loop3A_40, %parallel_loop3A_42, %parallel_loop3A_21 : i32
      %parallel_loop3A_44 = arith.constant 8 : i32
      %parallel_loop3A_45 = arith.constant 0 : i32
      %parallel_loop3A_46 = arith.cmpi eq, %parallel_loop3A_44, %parallel_loop3A_45 : i32
      %parallel_loop3A_47 = arith.constant 1 : i32
      %parallel_loop3A_48 = arith.select %parallel_loop3A_46, %parallel_loop3A_47, %parallel_loop3A_44 : i32
      %parallel_loop3A_49 = arith.remsi %parallel_loop3A_19, %parallel_loop3A_48 : i32
      %parallel_loop3A_50 = arith.constant 0 : i32
      %parallel_loop3A_51 = arith.cmpi ne, %parallel_loop3A_49, %parallel_loop3A_50 : i32
      %parallel_loop3A_52 = arith.constant 0 : i32
      %parallel_loop3A_53 = arith.cmpi slt, %parallel_loop3A_49, %parallel_loop3A_52 : i32
      %parallel_loop3A_54 = arith.constant 0 : i32
      %parallel_loop3A_55 = arith.cmpi slt, %parallel_loop3A_48, %parallel_loop3A_54 : i32
      %parallel_loop3A_56 = arith.xori %parallel_loop3A_53, %parallel_loop3A_55 : i1
      %parallel_loop3A_57 = arith.andi %parallel_loop3A_56, %parallel_loop3A_51 : i1
      %parallel_loop3A_58 = arith.addi %parallel_loop3A_49, %parallel_loop3A_48 : i32
      %parallel_loop3A_59 = arith.select %parallel_loop3A_57, %parallel_loop3A_58, %parallel_loop3A_49 : i32
      %parallel_loop3A_60 = arith.constant 16 : i32
      %parallel_loop3A_61 = arith.muli %parallel_loop3A_59, %parallel_loop3A_60 : i32
      %parallel_loop3A_62 = arith.constant 0xFF800000 : f32
      %parallel_loop3A_63 = vector.broadcast %parallel_loop3A_62 : f32 to vector<16xf32>
      %parallel_loop3A_64 = arith.constant 0 : i32
      %parallel_loop3A_65 = vector.broadcast %parallel_loop3A_64 : i32 to vector<16xi32>
      %parallel_loop3A_66 = arith.constant 0 : i32
      %parallel_loop3A_67 = vector.broadcast %parallel_loop3A_66 : i32 to vector<16xi32>
      %parallel_loop3A_68 = arith.constant 0 : i32
      %parallel_loop3A_69 = vector.broadcast %parallel_loop3A_68 : i32 to vector<16xi32>
      %parallel_loop3A_70 = arith.constant 0 : i32
      %parallel_loop3A_71 = vector.broadcast %parallel_loop3A_70 : i32 to vector<16xi32>
      %parallel_loop3A_72 = arith.constant 0 : i32
      %parallel_loop3A_73 = vector.broadcast %parallel_loop3A_72 : i32 to vector<16xi32>
      %parallel_loop3A_74 = arith.constant 0 : i32
      %parallel_loop3A_75 = vector.broadcast %parallel_loop3A_74 : i32 to vector<16xi32>
      %parallel_loop3A_76 = arith.constant 0 : i32
      %parallel_loop3A_77 = vector.broadcast %parallel_loop3A_76 : i32 to vector<16xi32>
      %parallel_loop3A_78 = arith.constant 0 : i32
      %parallel_loop3A_79 = vector.broadcast %parallel_loop3A_78 : i32 to vector<16xi32>
      %parallel_loop3A_80 = arith.constant 0.000000e+00 : f32
      %parallel_loop3A_81 = vector.broadcast %parallel_loop3A_80 : f32 to vector<16xf32>
      %parallel_loop3A_82 = arith.constant 0.000000e+00 : f32
      %parallel_loop3A_83 = vector.broadcast %parallel_loop3A_82 : f32 to vector<16xf32>
      %parallel_loop3A_84 = arith.constant 0.000000e+00 : f32
      %parallel_loop3A_85 = vector.broadcast %parallel_loop3A_84 : f32 to vector<16xf32>
      %parallel_loop3A_86 = arith.constant 0.000000e+00 : f32
      %parallel_loop3A_87 = vector.broadcast %parallel_loop3A_86 : f32 to vector<16xf32>
      %parallel_loop3A_88 = arith.constant 0 : i32
      %parallel_loop3A_89 = arith.constant 0 : i32
      %parallel_loop3A_90 = arith.index_cast %parallel_loop3A_88 : i32 to index
      %parallel_loop3A_91 = arith.index_cast %parallel_loop3A_43 : i32 to index
      %parallel_loop3A_92 = arith.index_cast %parallel_loop3A_89 : i32 to index
      %parallel_loop3A_93 = arith.index_cast %parallel_loop3A_61 : i32 to index
      %parallel_loop3A_94 = tpu.vector_load %arg6[%parallel_loop3A_90, %parallel_loop3A_91, %parallel_loop3A_92, %parallel_loop3A_93] {strides = array<i32>} : memref<8x4x8x128xf32, #tpu.memory_space<vmem>>, vector<16xf32>,
      %parallel_loop3A_95 = arith.constant 2 : i32
      %parallel_loop3A_96 = arith.constant 0 : i32
      %parallel_loop3A_97 = arith.index_cast %parallel_loop3A_95 : i32 to index
      %parallel_loop3A_98 = arith.index_cast %parallel_loop3A_43 : i32 to index
      %parallel_loop3A_99 = arith.index_cast %parallel_loop3A_96 : i32 to index
      %parallel_loop3A_100 = arith.index_cast %parallel_loop3A_61 : i32 to index
      %parallel_loop3A_101 = tpu.vector_load %arg6[%parallel_loop3A_97, %parallel_loop3A_98, %parallel_loop3A_99, %parallel_loop3A_100] {strides = array<i32>} : memref<8x4x8x128xf32, #tpu.memory_space<vmem>>, vector<16xf32>,
      %parallel_loop3A_102 = arith.constant 4 : i32
      %parallel_loop3A_103 = arith.constant 0 : i32
      %parallel_loop3A_104 = arith.index_cast %parallel_loop3A_102 : i32 to index
      %parallel_loop3A_105 = arith.index_cast %parallel_loop3A_43 : i32 to index
      %parallel_loop3A_106 = arith.index_cast %parallel_loop3A_103 : i32 to index
      %parallel_loop3A_107 = arith.index_cast %parallel_loop3A_61 : i32 to index
      %parallel_loop3A_108 = tpu.vector_load %arg6[%parallel_loop3A_104, %parallel_loop3A_105, %parallel_loop3A_106, %parallel_loop3A_107] {strides = array<i32>} : memref<8x4x8x128xf32, #tpu.memory_space<vmem>>, vector<16xf32>,
      %parallel_loop3A_109 = arith.constant 6 : i32
      %parallel_loop3A_110 = arith.constant 0 : i32
      %parallel_loop3A_111 = arith.index_cast %parallel_loop3A_109 : i32 to index
      %parallel_loop3A_112 = arith.index_cast %parallel_loop3A_43 : i32 to index
      %parallel_loop3A_113 = arith.index_cast %parallel_loop3A_110 : i32 to index
      %parallel_loop3A_114 = arith.index_cast %parallel_loop3A_61 : i32 to index
      %parallel_loop3A_115 = tpu.vector_load %arg6[%parallel_loop3A_111, %parallel_loop3A_112, %parallel_loop3A_113, %parallel_loop3A_114] {strides = array<i32>} : memref<8x4x8x128xf32, #tpu.memory_space<vmem>>, vector<16xf32>,
      %parallel_loop3A_116 = arith.cmpf ogt, %parallel_loop3A_94, %parallel_loop3A_63 : vector<16xf32>
      %parallel_loop3A_117 = arith.cmpf ogt, %parallel_loop3A_101, %parallel_loop3A_63 : vector<16xf32>
      %parallel_loop3A_118 = arith.cmpf ogt, %parallel_loop3A_108, %parallel_loop3A_63 : vector<16xf32>
      %parallel_loop3A_119 = arith.cmpf ogt, %parallel_loop3A_115, %parallel_loop3A_63 : vector<16xf32>
      %parallel_loop3A_120 = arith.cmpf ogt, %parallel_loop3A_94, %parallel_loop3A_63 : vector<16xf32>
      %parallel_loop3A_121 = arith.cmpf ogt, %parallel_loop3A_101, %parallel_loop3A_63 : vector<16xf32>
      %parallel_loop3A_122 = arith.cmpf ogt, %parallel_loop3A_108, %parallel_loop3A_63 : vector<16xf32>
      %parallel_loop3A_123 = arith.cmpf ogt, %parallel_loop3A_115, %parallel_loop3A_63 : vector<16xf32>
      %parallel_loop3A_124 = arith.select %parallel_loop3A_120, %parallel_loop3A_94, %parallel_loop3A_63 : vector<16xi1>, vector<16xf32>
      %parallel_loop3A_125 = arith.select %parallel_loop3A_121, %parallel_loop3A_101, %parallel_loop3A_63 : vector<16xi1>, vector<16xf32>
      %parallel_loop3A_126 = arith.select %parallel_loop3A_122, %parallel_loop3A_108, %parallel_loop3A_63 : vector<16xi1>, vector<16xf32>
      %parallel_loop3A_127 = arith.select %parallel_loop3A_123, %parallel_loop3A_115, %parallel_loop3A_63 : vector<16xi1>, vector<16xf32>
      %parallel_loop3A_128 = arith.select %parallel_loop3A_116, %parallel_loop3A_63, %parallel_loop3A_124 : vector<16xi1>, vector<16xf32>
      %parallel_loop3A_129 = arith.select %parallel_loop3A_117, %parallel_loop3A_63, %parallel_loop3A_125 : vector<16xi1>, vector<16xf32>
      %parallel_loop3A_130 = arith.select %parallel_loop3A_118, %parallel_loop3A_63, %parallel_loop3A_126 : vector<16xi1>, vector<16xf32>
      %parallel_loop3A_131 = arith.select %parallel_loop3A_119, %parallel_loop3A_63, %parallel_loop3A_127 : vector<16xi1>, vector<16xf32>
      %parallel_loop3A_132 = arith.constant 0 : i32
      %parallel_loop3A_133 = vector.broadcast %parallel_loop3A_132 : i32 to vector<16xi32>
      %parallel_loop3A_134 = arith.select %parallel_loop3A_120, %parallel_loop3A_133, %parallel_loop3A_73 : vector<16xi1>, vector<16xi32>
      %parallel_loop3A_135 = arith.constant 16 : i32
      %parallel_loop3A_136 = vector.broadcast %parallel_loop3A_135 : i32 to vector<16xi32>
      %parallel_loop3A_137 = arith.select %parallel_loop3A_121, %parallel_loop3A_136, %parallel_loop3A_75 : vector<16xi1>, vector<16xi32>
      %parallel_loop3A_138 = arith.constant 32 : i32
      %parallel_loop3A_139 = vector.broadcast %parallel_loop3A_138 : i32 to vector<16xi32>
      %parallel_loop3A_140 = arith.select %parallel_loop3A_122, %parallel_loop3A_139, %parallel_loop3A_77 : vector<16xi1>, vector<16xi32>
      %parallel_loop3A_141 = arith.constant 48 : i32
      %parallel_loop3A_142 = vector.broadcast %parallel_loop3A_141 : i32 to vector<16xi32>
      %parallel_loop3A_143 = arith.select %parallel_loop3A_123, %parallel_loop3A_142, %parallel_loop3A_79 : vector<16xi1>, vector<16xi32>
      %parallel_loop3A_144 = arith.select %parallel_loop3A_116, %parallel_loop3A_65, %parallel_loop3A_134 : vector<16xi1>, vector<16xi32>
      %parallel_loop3A_145 = arith.select %parallel_loop3A_117, %parallel_loop3A_67, %parallel_loop3A_137 : vector<16xi1>, vector<16xi32>
      %parallel_loop3A_146 = arith.select %parallel_loop3A_118, %parallel_loop3A_69, %parallel_loop3A_140 : vector<16xi1>, vector<16xi32>
      %parallel_loop3A_147 = arith.select %parallel_loop3A_119, %parallel_loop3A_71, %parallel_loop3A_143 : vector<16xi1>, vector<16xi32>
      %parallel_loop3A_148 = arith.select %parallel_loop3A_116, %parallel_loop3A_94, %parallel_loop3A_63 : vector<16xi1>, vector<16xf32>
      %parallel_loop3A_149 = arith.select %parallel_loop3A_117, %parallel_loop3A_101, %parallel_loop3A_63 : vector<16xi1>, vector<16xf32>
      %parallel_loop3A_150 = arith.select %parallel_loop3A_118, %parallel_loop3A_108, %parallel_loop3A_63 : vector<16xi1>, vector<16xf32>
      %parallel_loop3A_151 = arith.select %parallel_loop3A_119, %parallel_loop3A_115, %parallel_loop3A_63 : vector<16xi1>, vector<16xf32>
      %parallel_loop3A_152 = arith.constant 0 : i32
      %parallel_loop3A_153 = vector.broadcast %parallel_loop3A_152 : i32 to vector<16xi32>
      %parallel_loop3A_154 = arith.select %parallel_loop3A_116, %parallel_loop3A_153, %parallel_loop3A_65 : vector<16xi1>, vector<16xi32>
      %parallel_loop3A_155 = arith.constant 16 : i32
      %parallel_loop3A_156 = vector.broadcast %parallel_loop3A_155 : i32 to vector<16xi32>
      %parallel_loop3A_157 = arith.select %parallel_loop3A_117, %parallel_loop3A_156, %parallel_loop3A_67 : vector<16xi1>, vector<16xi32>
      %parallel_loop3A_158 = arith.constant 32 : i32
      %parallel_loop3A_159 = vector.broadcast %parallel_loop3A_158 : i32 to vector<16xi32>
      %parallel_loop3A_160 = arith.select %parallel_loop3A_118, %parallel_loop3A_159, %parallel_loop3A_69 : vector<16xi1>, vector<16xi32>
      %parallel_loop3A_161 = arith.constant 48 : i32
      %parallel_loop3A_162 = vector.broadcast %parallel_loop3A_161 : i32 to vector<16xi32>
      %parallel_loop3A_163 = arith.select %parallel_loop3A_119, %parallel_loop3A_162, %parallel_loop3A_71 : vector<16xi1>, vector<16xi32>
      %parallel_loop3A_164 = math.exp %parallel_loop3A_94 : vector<16xf32>
      %parallel_loop3A_165 = math.exp %parallel_loop3A_101 : vector<16xf32>
      %parallel_loop3A_166 = math.exp %parallel_loop3A_108 : vector<16xf32>
      %parallel_loop3A_167 = math.exp %parallel_loop3A_115 : vector<16xf32>
      %parallel_loop3A_168 = arith.addf %parallel_loop3A_81, %parallel_loop3A_164 : vector<16xf32>
      %parallel_loop3A_169 = arith.addf %parallel_loop3A_83, %parallel_loop3A_165 : vector<16xf32>
      %parallel_loop3A_170 = arith.addf %parallel_loop3A_85, %parallel_loop3A_166 : vector<16xf32>
      %parallel_loop3A_171 = arith.addf %parallel_loop3A_87, %parallel_loop3A_167 : vector<16xf32>
      %parallel_loop3A_172 = arith.constant 0 : i32
      %parallel_loop3A_173 = arith.constant 0 : i32
      %parallel_loop3A_174 = arith.index_cast %parallel_loop3A_172 : i32 to index
      %parallel_loop3A_175 = arith.index_cast %parallel_loop3A_43 : i32 to index
      %parallel_loop3A_176 = arith.index_cast %parallel_loop3A_173 : i32 to index
      %parallel_loop3A_177 = arith.index_cast %parallel_loop3A_61 : i32 to index
      %parallel_loop3A_178 = tpu.vector_load %arg7[%parallel_loop3A_174, %parallel_loop3A_175, %parallel_loop3A_176, %parallel_loop3A_177] {strides = array<i32>} : memref<8x4x8x128xf32, #tpu.memory_space<vmem>>, vector<16xf32>,
      tpu.vector_store %arg7[%parallel_loop3A_174, %parallel_loop3A_175, %parallel_loop3A_176, %parallel_loop3A_177], %parallel_loop3A_164 {strides = array<i32>} : memref<8x4x8x128xf32, #tpu.memory_space<vmem>>, vector<16xf32>,
      %parallel_loop3A_179 = arith.constant 2 : i32
      %parallel_loop3A_180 = arith.constant 0 : i32
      %parallel_loop3A_181 = arith.index_cast %parallel_loop3A_179 : i32 to index
      %parallel_loop3A_182 = arith.index_cast %parallel_loop3A_43 : i32 to index
      %parallel_loop3A_183 = arith.index_cast %parallel_loop3A_180 : i32 to index
      %parallel_loop3A_184 = arith.index_cast %parallel_loop3A_61 : i32 to index
      %parallel_loop3A_185 = tpu.vector_load %arg7[%parallel_loop3A_181, %parallel_loop3A_182, %parallel_loop3A_183, %parallel_loop3A_184] {strides = array<i32>} : memref<8x4x8x128xf32, #tpu.memory_space<vmem>>, vector<16xf32>,
      tpu.vector_store %arg7[%parallel_loop3A_181, %parallel_loop3A_182, %parallel_loop3A_183, %parallel_loop3A_184], %parallel_loop3A_165 {strides = array<i32>} : memref<8x4x8x128xf32, #tpu.memory_space<vmem>>, vector<16xf32>,
      %parallel_loop3A_186 = arith.constant 4 : i32
      %parallel_loop3A_187 = arith.constant 0 : i32
      %parallel_loop3A_188 = arith.index_cast %parallel_loop3A_186 : i32 to index
      %parallel_loop3A_189 = arith.index_cast %parallel_loop3A_43 : i32 to index
      %parallel_loop3A_190 = arith.index_cast %parallel_loop3A_187 : i32 to index
      %parallel_loop3A_191 = arith.index_cast %parallel_loop3A_61 : i32 to index
      %parallel_loop3A_192 = tpu.vector_load %arg7[%parallel_loop3A_188, %parallel_loop3A_189, %parallel_loop3A_190, %parallel_loop3A_191] {strides = array<i32>} : memref<8x4x8x128xf32, #tpu.memory_space<vmem>>, vector<16xf32>,
      tpu.vector_store %arg7[%parallel_loop3A_188, %parallel_loop3A_189, %parallel_loop3A_190, %parallel_loop3A_191], %parallel_loop3A_166 {strides = array<i32>} : memref<8x4x8x128xf32, #tpu.memory_space<vmem>>, vector<16xf32>,
      %parallel_loop3A_193 = arith.constant 6 : i32
      %parallel_loop3A_194 = arith.constant 0 : i32
      %parallel_loop3A_195 = arith.index_cast %parallel_loop3A_193 : i32 to index
      %parallel_loop3A_196 = arith.index_cast %parallel_loop3A_43 : i32 to index
      %parallel_loop3A_197 = arith.index_cast %parallel_loop3A_194 : i32 to index
      %parallel_loop3A_198 = arith.index_cast %parallel_loop3A_61 : i32 to index
      %parallel_loop3A_199 = tpu.vector_load %arg7[%parallel_loop3A_195, %parallel_loop3A_196, %parallel_loop3A_197, %parallel_loop3A_198] {strides = array<i32>} : memref<8x4x8x128xf32, #tpu.memory_space<vmem>>, vector<16xf32>,
      tpu.vector_store %arg7[%parallel_loop3A_195, %parallel_loop3A_196, %parallel_loop3A_197, %parallel_loop3A_198], %parallel_loop3A_167 {strides = array<i32>} : memref<8x4x8x128xf32, #tpu.memory_space<vmem>>, vector<16xf32>,
      %parallel_loop3A_200 = arith.constant 0 : i32
      %parallel_loop3A_201 = arith.constant 1 : i32
      %parallel_loop3A_202 = arith.index_cast %parallel_loop3A_200 : i32 to index
      %parallel_loop3A_203 = arith.index_cast %parallel_loop3A_43 : i32 to index
      %parallel_loop3A_204 = arith.index_cast %parallel_loop3A_201 : i32 to index
      %parallel_loop3A_205 = arith.index_cast %parallel_loop3A_61 : i32 to index
      %parallel_loop3A_206 = tpu.vector_load %arg6[%parallel_loop3A_202, %parallel_loop3A_203, %parallel_loop3A_204, %parallel_loop3A_205] {strides = array<i32>} : memref<8x4x8x128xf32, #tpu.memory_space<vmem>>, vector<16xf32>,
      %parallel_loop3A_207 = arith.constant 2 : i32
      %parallel_loop3A_208 = arith.constant 1 : i32
      %parallel_loop3A_209 = arith.index_cast %parallel_loop3A_207 : i32 to index
      %parallel_loop3A_210 = arith.index_cast %parallel_loop3A_43 : i32 to index
      %parallel_loop3A_211 = arith.index_cast %parallel_loop3A_208 : i32 to index
      %parallel_loop3A_212 = arith.index_cast %parallel_loop3A_61 : i32 to index
      %parallel_loop3A_213 = tpu.vector_load %arg6[%parallel_loop3A_209, %parallel_loop3A_210, %parallel_loop3A_211, %parallel_loop3A_212] {strides = array<i32>} : memref<8x4x8x128xf32, #tpu.memory_space<vmem>>, vector<16xf32>,
      %parallel_loop3A_214 = arith.constant 4 : i32
      %parallel_loop3A_215 = arith.constant 1 : i32
      %parallel_loop3A_216 = arith.index_cast %parallel_loop3A_214 : i32 to index
      %parallel_loop3A_217 = arith.index_cast %parallel_loop3A_43 : i32 to index
      %parallel_loop3A_218 = arith.index_cast %parallel_loop3A_215 : i32 to index
      %parallel_loop3A_219 = arith.index_cast %parallel_loop3A_61 : i32 to index
      %parallel_loop3A_220 = tpu.vector_load %arg6[%parallel_loop3A_216, %parallel_loop3A_217, %parallel_loop3A_218, %parallel_loop3A_219] {strides = array<i32>} : memref<8x4x8x128xf32, #tpu.memory_space<vmem>>, vector<16xf32>,
      %parallel_loop3A_221 = arith.constant 6 : i32
      %parallel_loop3A_222 = arith.constant 1 : i32
      %parallel_loop3A_223 = arith.index_cast %parallel_loop3A_221 : i32 to index
      %parallel_loop3A_224 = arith.index_cast %parallel_loop3A_43 : i32 to index
      %parallel_loop3A_225 = arith.index_cast %parallel_loop3A_222 : i32 to index
      %parallel_loop3A_226 = arith.index_cast %parallel_loop3A_61 : i32 to index
      %parallel_loop3A_227 = tpu.vector_load %arg6[%parallel_loop3A_223, %parallel_loop3A_224, %parallel_loop3A_225, %parallel_loop3A_226] {strides = array<i32>} : memref<8x4x8x128xf32, #tpu.memory_space<vmem>>, vector<16xf32>,
      %parallel_loop3A_228 = arith.cmpf ogt, %parallel_loop3A_206, %parallel_loop3A_148 : vector<16xf32>
      %parallel_loop3A_229 = arith.cmpf ogt, %parallel_loop3A_213, %parallel_loop3A_149 : vector<16xf32>
      %parallel_loop3A_230 = arith.cmpf ogt, %parallel_loop3A_220, %parallel_loop3A_150 : vector<16xf32>
      %parallel_loop3A_231 = arith.cmpf ogt, %parallel_loop3A_227, %parallel_loop3A_151 : vector<16xf32>
      %parallel_loop3A_232 = arith.cmpf ogt, %parallel_loop3A_206, %parallel_loop3A_128 : vector<16xf32>
      %parallel_loop3A_233 = arith.cmpf ogt, %parallel_loop3A_213, %parallel_loop3A_129 : vector<16xf32>
      %parallel_loop3A_234 = arith.cmpf ogt, %parallel_loop3A_220, %parallel_loop3A_130 : vector<16xf32>
      %parallel_loop3A_235 = arith.cmpf ogt, %parallel_loop3A_227, %parallel_loop3A_131 : vector<16xf32>
      %parallel_loop3A_236 = arith.select %parallel_loop3A_232, %parallel_loop3A_206, %parallel_loop3A_128 : vector<16xi1>, vector<16xf32>
      %parallel_loop3A_237 = arith.select %parallel_loop3A_233, %parallel_loop3A_213, %parallel_loop3A_129 : vector<16xi1>, vector<16xf32>
      %parallel_loop3A_238 = arith.select %parallel_loop3A_234, %parallel_loop3A_220, %parallel_loop3A_130 : vector<16xi1>, vector<16xf32>
      %parallel_loop3A_239 = arith.select %parallel_loop3A_235, %parallel_loop3A_227, %parallel_loop3A_131 : vector<16xi1>, vector<16xf32>
      %parallel_loop3A_240 = arith.select %parallel_loop3A_228, %parallel_loop3A_148, %parallel_loop3A_236 : vector<16xi1>, vector<16xf32>
      %parallel_loop3A_241 = arith.select %parallel_loop3A_229, %parallel_loop3A_149, %parallel_loop3A_237 : vector<16xi1>, vector<16xf32>
      %parallel_loop3A_242 = arith.select %parallel_loop3A_230, %parallel_loop3A_150, %parallel_loop3A_238 : vector<16xi1>, vector<16xf32>
      %parallel_loop3A_243 = arith.select %parallel_loop3A_231, %parallel_loop3A_151, %parallel_loop3A_239 : vector<16xi1>, vector<16xf32>
      %parallel_loop3A_244 = arith.constant 1 : i32
      %parallel_loop3A_245 = vector.broadcast %parallel_loop3A_244 : i32 to vector<16xi32>
      %parallel_loop3A_246 = arith.select %parallel_loop3A_232, %parallel_loop3A_245, %parallel_loop3A_144 : vector<16xi1>, vector<16xi32>
      %parallel_loop3A_247 = arith.constant 17 : i32
      %parallel_loop3A_248 = vector.broadcast %parallel_loop3A_247 : i32 to vector<16xi32>
      %parallel_loop3A_249 = arith.select %parallel_loop3A_233, %parallel_loop3A_248, %parallel_loop3A_145 : vector<16xi1>, vector<16xi32>
      %parallel_loop3A_250 = arith.constant 33 : i32
      %parallel_loop3A_251 = vector.broadcast %parallel_loop3A_250 : i32 to vector<16xi32>
      %parallel_loop3A_252 = arith.select %parallel_loop3A_234, %parallel_loop3A_251, %parallel_loop3A_146 : vector<16xi1>, vector<16xi32>
      %parallel_loop3A_253 = arith.constant 49 : i32
      %parallel_loop3A_254 = vector.broadcast %parallel_loop3A_253 : i32 to vector<16xi32>
      %parallel_loop3A_255 = arith.select %parallel_loop3A_235, %parallel_loop3A_254, %parallel_loop3A_147 : vector<16xi1>, vector<16xi32>
      %parallel_loop3A_256 = arith.select %parallel_loop3A_228, %parallel_loop3A_154, %parallel_loop3A_246 : vector<16xi1>, vector<16xi32>
      %parallel_loop3A_257 = arith.select %parallel_loop3A_229, %parallel_loop3A_157, %parallel_loop3A_249 : vector<16xi1>, vector<16xi32>
      %parallel_loop3A_258 = arith.select %parallel_loop3A_230, %parallel_loop3A_160, %parallel_loop3A_252 : vector<16xi1>, vector<16xi32>
      %parallel_loop3A_259 = arith.select %parallel_loop3A_231, %parallel_loop3A_163, %parallel_loop3A_255 : vector<16xi1>, vector<16xi32>
      %parallel_loop3A_260 = arith.select %parallel_loop3A_228, %parallel_loop3A_206, %parallel_loop3A_148 : vector<16xi1>, vector<16xf32>
      %parallel_loop3A_261 = arith.select %parallel_loop3A_229, %parallel_loop3A_213, %parallel_loop3A_149 : vector<16xi1>, vector<16xf32>
      %parallel_loop3A_262 = arith.select %parallel_loop3A_230, %parallel_loop3A_220, %parallel_loop3A_150 : vector<16xi1>, vector<16xf32>
      %parallel_loop3A_263 = arith.select %parallel_loop3A_231, %parallel_loop3A_227, %parallel_loop3A_151 : vector<16xi1>, vector<16xf32>
      %parallel_loop3A_264 = arith.constant 1 : i32
      %parallel_loop3A_265 = vector.broadcast %parallel_loop3A_264 : i32 to vector<16xi32>
      %parallel_loop3A_266 = arith.select %parallel_loop3A_228, %parallel_loop3A_265, %parallel_loop3A_154 : vector<16xi1>, vector<16xi32>
      %parallel_loop3A_267 = arith.constant 17 : i32
      %parallel_loop3A_268 = vector.broadcast %parallel_loop3A_267 : i32 to vector<16xi32>
      %parallel_loop3A_269 = arith.select %parallel_loop3A_229, %parallel_loop3A_268, %parallel_loop3A_157 : vector<16xi1>, vector<16xi32>
      %parallel_loop3A_270 = arith.constant 33 : i32
      %parallel_loop3A_271 = vector.broadcast %parallel_loop3A_270 : i32 to vector<16xi32>
      %parallel_loop3A_272 = arith.select %parallel_loop3A_230, %parallel_loop3A_271, %parallel_loop3A_160 : vector<16xi1>, vector<16xi32>
      %parallel_loop3A_273 = arith.constant 49 : i32
      %parallel_loop3A_274 = vector.broadcast %parallel_loop3A_273 : i32 to vector<16xi32>
      %parallel_loop3A_275 = arith.select %parallel_loop3A_231, %parallel_loop3A_274, %parallel_loop3A_163 : vector<16xi1>, vector<16xi32>
      %parallel_loop3A_276 = math.exp %parallel_loop3A_206 : vector<16xf32>
      %parallel_loop3A_277 = math.exp %parallel_loop3A_213 : vector<16xf32>
      %parallel_loop3A_278 = math.exp %parallel_loop3A_220 : vector<16xf32>
      %parallel_loop3A_279 = math.exp %parallel_loop3A_227 : vector<16xf32>
      %parallel_loop3A_280 = arith.addf %parallel_loop3A_168, %parallel_loop3A_276 : vector<16xf32>
      %parallel_loop3A_281 = arith.addf %parallel_loop3A_169, %parallel_loop3A_277 : vector<16xf32>
      %parallel_loop3A_282 = arith.addf %parallel_loop3A_170, %parallel_loop3A_278 : vector<16xf32>
      %parallel_loop3A_283 = arith.addf %parallel_loop3A_171, %parallel_loop3A_279 : vector<16xf32>
      %parallel_loop3A_284 = arith.constant 0 : i32
      %parallel_loop3A_285 = arith.constant 1 : i32
      %parallel_loop3A_286 = arith.index_cast %parallel_loop3A_284 : i32 to index
      %parallel_loop3A_287 = arith.index_cast %parallel_loop3A_43 : i32 to index
      %parallel_loop3A_288 = arith.index_cast %parallel_loop3A_285 : i32 to index
      %parallel_loop3A_289 = arith.index_cast %parallel_loop3A_61 : i32 to index
      %parallel_loop3A_290 = tpu.vector_load %arg7[%parallel_loop3A_286, %parallel_loop3A_287, %parallel_loop3A_288, %parallel_loop3A_289] {strides = array<i32>} : memref<8x4x8x128xf32, #tpu.memory_space<vmem>>, vector<16xf32>,
      tpu.vector_store %arg7[%parallel_loop3A_286, %parallel_loop3A_287, %parallel_loop3A_288, %parallel_loop3A_289], %parallel_loop3A_276 {strides = array<i32>} : memref<8x4x8x128xf32, #tpu.memory_space<vmem>>, vector<16xf32>,
      %parallel_loop3A_291 = arith.constant 2 : i32
      %parallel_loop3A_292 = arith.constant 1 : i32
      %parallel_loop3A_293 = arith.index_cast %parallel_loop3A_291 : i32 to index
      %parallel_loop3A_294 = arith.index_cast %parallel_loop3A_43 : i32 to index
      %parallel_loop3A_295 = arith.index_cast %parallel_loop3A_292 : i32 to index
      %parallel_loop3A_296 = arith.index_cast %parallel_loop3A_61 : i32 to index
      %parallel_loop3A_297 = tpu.vector_load %arg7[%parallel_loop3A_293, %parallel_loop3A_294, %parallel_loop3A_295, %parallel_loop3A_296] {strides = array<i32>} : memref<8x4x8x128xf32, #tpu.memory_space<vmem>>, vector<16xf32>,
      tpu.vector_store %arg7[%parallel_loop3A_293, %parallel_loop3A_294, %parallel_loop3A_295, %parallel_loop3A_296], %parallel_loop3A_277 {strides = array<i32>} : memref<8x4x8x128xf32, #tpu.memory_space<vmem>>, vector<16xf32>,
      %parallel_loop3A_298 = arith.constant 4 : i32
      %parallel_loop3A_299 = arith.constant 1 : i32
      %parallel_loop3A_300 = arith.index_cast %parallel_loop3A_298 : i32 to index
      %parallel_loop3A_301 = arith.index_cast %parallel_loop3A_43 : i32 to index
      %parallel_loop3A_302 = arith.index_cast %parallel_loop3A_299 : i32 to index
      %parallel_loop3A_303 = arith.index_cast %parallel_loop3A_61 : i32 to index
      %parallel_loop3A_304 = tpu.vector_load %arg7[%parallel_loop3A_300, %parallel_loop3A_301, %parallel_loop3A_302, %parallel_loop3A_303] {strides = array<i32>} : memref<8x4x8x128xf32, #tpu.memory_space<vmem>>, vector<16xf32>,
      tpu.vector_store %arg7[%parallel_loop3A_300, %parallel_loop3A_301, %parallel_loop3A_302, %parallel_loop3A_303], %parallel_loop3A_278 {strides = array<i32>} : memref<8x4x8x128xf32, #tpu.memory_space<vmem>>, vector<16xf32>,
      %parallel_loop3A_305 = arith.constant 6 : i32
      %parallel_loop3A_306 = arith.constant 1 : i32
      %parallel_loop3A_307 = arith.index_cast %parallel_loop3A_305 : i32 to index
      %parallel_loop3A_308 = arith.index_cast %parallel_loop3A_43 : i32 to index
      %parallel_loop3A_309 = arith.index_cast %parallel_loop3A_306 : i32 to index
      %parallel_loop3A_310 = arith.index_cast %parallel_loop3A_61 : i32 to index
      %parallel_loop3A_311 = tpu.vector_load %arg7[%parallel_loop3A_307, %parallel_loop3A_308, %parallel_loop3A_309, %parallel_loop3A_310] {strides = array<i32>} : memref<8x4x8x128xf32, #tpu.memory_space<vmem>>, vector<16xf32>,
      tpu.vector_store %arg7[%parallel_loop3A_307, %parallel_loop3A_308, %parallel_loop3A_309, %parallel_loop3A_310], %parallel_loop3A_279 {strides = array<i32>} : memref<8x4x8x128xf32, #tpu.memory_space<vmem>>, vector<16xf32>,
      %parallel_loop3A_312 = arith.constant 0 : i32
      %parallel_loop3A_313 = arith.constant 2 : i32
      %parallel_loop3A_314 = arith.index_cast %parallel_loop3A_312 : i32 to index
      %parallel_loop3A_315 = arith.index_cast %parallel_loop3A_43 : i32 to index
      %parallel_loop3A_316 = arith.index_cast %parallel_loop3A_313 : i32 to index
      %parallel_loop3A_317 = arith.index_cast %parallel_loop3A_61 : i32 to index
      %parallel_loop3A_318 = tpu.vector_load %arg6[%parallel_loop3A_314, %parallel_loop3A_315, %parallel_loop3A_316, %parallel_loop3A_317] {strides = array<i32>} : memref<8x4x8x128xf32, #tpu.memory_space<vmem>>, vector<16xf32>,
      %parallel_loop3A_319 = arith.constant 2 : i32
      %parallel_loop3A_320 = arith.constant 2 : i32
      %parallel_loop3A_321 = arith.index_cast %parallel_loop3A_319 : i32 to index
      %parallel_loop3A_322 = arith.index_cast %parallel_loop3A_43 : i32 to index
      %parallel_loop3A_323 = arith.index_cast %parallel_loop3A_320 : i32 to index
      %parallel_loop3A_324 = arith.index_cast %parallel_loop3A_61 : i32 to index
      %parallel_loop3A_325 = tpu.vector_load %arg6[%parallel_loop3A_321, %parallel_loop3A_322, %parallel_loop3A_323, %parallel_loop3A_324] {strides = array<i32>} : memref<8x4x8x128xf32, #tpu.memory_space<vmem>>, vector<16xf32>,
      %parallel_loop3A_326 = arith.constant 4 : i32
      %parallel_loop3A_327 = arith.constant 2 : i32
      %parallel_loop3A_328 = arith.index_cast %parallel_loop3A_326 : i32 to index
      %parallel_loop3A_329 = arith.index_cast %parallel_loop3A_43 : i32 to index
      %parallel_loop3A_330 = arith.index_cast %parallel_loop3A_327 : i32 to index
      %parallel_loop3A_331 = arith.index_cast %parallel_loop3A_61 : i32 to index
      %parallel_loop3A_332 = tpu.vector_load %arg6[%parallel_loop3A_328, %parallel_loop3A_329, %parallel_loop3A_330, %parallel_loop3A_331] {strides = array<i32>} : memref<8x4x8x128xf32, #tpu.memory_space<vmem>>, vector<16xf32>,
      %parallel_loop3A_333 = arith.constant 6 : i32
      %parallel_loop3A_334 = arith.constant 2 : i32
      %parallel_loop3A_335 = arith.index_cast %parallel_loop3A_333 : i32 to index
      %parallel_loop3A_336 = arith.index_cast %parallel_loop3A_43 : i32 to index
      %parallel_loop3A_337 = arith.index_cast %parallel_loop3A_334 : i32 to index
      %parallel_loop3A_338 = arith.index_cast %parallel_loop3A_61 : i32 to index
      %parallel_loop3A_339 = tpu.vector_load %arg6[%parallel_loop3A_335, %parallel_loop3A_336, %parallel_loop3A_337, %parallel_loop3A_338] {strides = array<i32>} : memref<8x4x8x128xf32, #tpu.memory_space<vmem>>, vector<16xf32>,
      %parallel_loop3A_340 = arith.cmpf ogt, %parallel_loop3A_318, %parallel_loop3A_260 : vector<16xf32>
      %parallel_loop3A_341 = arith.cmpf ogt, %parallel_loop3A_325, %parallel_loop3A_261 : vector<16xf32>
      %parallel_loop3A_342 = arith.cmpf ogt, %parallel_loop3A_332, %parallel_loop3A_262 : vector<16xf32>
      %parallel_loop3A_343 = arith.cmpf ogt, %parallel_loop3A_339, %parallel_loop3A_263 : vector<16xf32>
      %parallel_loop3A_344 = arith.cmpf ogt, %parallel_loop3A_318, %parallel_loop3A_240 : vector<16xf32>
      %parallel_loop3A_345 = arith.cmpf ogt, %parallel_loop3A_325, %parallel_loop3A_241 : vector<16xf32>
      %parallel_loop3A_346 = arith.cmpf ogt, %parallel_loop3A_332, %parallel_loop3A_242 : vector<16xf32>
      %parallel_loop3A_347 = arith.cmpf ogt, %parallel_loop3A_339, %parallel_loop3A_243 : vector<16xf32>
      %parallel_loop3A_348 = arith.select %parallel_loop3A_344, %parallel_loop3A_318, %parallel_loop3A_240 : vector<16xi1>, vector<16xf32>
      %parallel_loop3A_349 = arith.select %parallel_loop3A_345, %parallel_loop3A_325, %parallel_loop3A_241 : vector<16xi1>, vector<16xf32>
      %parallel_loop3A_350 = arith.select %parallel_loop3A_346, %parallel_loop3A_332, %parallel_loop3A_242 : vector<16xi1>, vector<16xf32>
      %parallel_loop3A_351 = arith.select %parallel_loop3A_347, %parallel_loop3A_339, %parallel_loop3A_243 : vector<16xi1>, vector<16xf32>
      %parallel_loop3A_352 = arith.select %parallel_loop3A_340, %parallel_loop3A_260, %parallel_loop3A_348 : vector<16xi1>, vector<16xf32>
      %parallel_loop3A_353 = arith.select %parallel_loop3A_341, %parallel_loop3A_261, %parallel_loop3A_349 : vector<16xi1>, vector<16xf32>
      %parallel_loop3A_354 = arith.select %parallel_loop3A_342, %parallel_loop3A_262, %parallel_loop3A_350 : vector<16xi1>, vector<16xf32>
      %parallel_loop3A_355 = arith.select %parallel_loop3A_343, %parallel_loop3A_263, %parallel_loop3A_351 : vector<16xi1>, vector<16xf32>
      %parallel_loop3A_356 = arith.constant 2 : i32
      %parallel_loop3A_357 = vector.broadcast %parallel_loop3A_356 : i32 to vector<16xi32>
      %parallel_loop3A_358 = arith.select %parallel_loop3A_344, %parallel_loop3A_357, %parallel_loop3A_256 : vector<16xi1>, vector<16xi32>
      %parallel_loop3A_359 = arith.constant 18 : i32
      %parallel_loop3A_360 = vector.broadcast %parallel_loop3A_359 : i32 to vector<16xi32>
      %parallel_loop3A_361 = arith.select %parallel_loop3A_345, %parallel_loop3A_360, %parallel_loop3A_257 : vector<16xi1>, vector<16xi32>
      %parallel_loop3A_362 = arith.constant 34 : i32
      %parallel_loop3A_363 = vector.broadcast %parallel_loop3A_362 : i32 to vector<16xi32>
      %parallel_loop3A_364 = arith.select %parallel_loop3A_346, %parallel_loop3A_363, %parallel_loop3A_258 : vector<16xi1>, vector<16xi32>
      %parallel_loop3A_365 = arith.constant 50 : i32
      %parallel_loop3A_366 = vector.broadcast %parallel_loop3A_365 : i32 to vector<16xi32>
      %parallel_loop3A_367 = arith.select %parallel_loop3A_347, %parallel_loop3A_366, %parallel_loop3A_259 : vector<16xi1>, vector<16xi32>
      %parallel_loop3A_368 = arith.select %parallel_loop3A_340, %parallel_loop3A_266, %parallel_loop3A_358 : vector<16xi1>, vector<16xi32>
      %parallel_loop3A_369 = arith.select %parallel_loop3A_341, %parallel_loop3A_269, %parallel_loop3A_361 : vector<16xi1>, vector<16xi32>
      %parallel_loop3A_370 = arith.select %parallel_loop3A_342, %parallel_loop3A_272, %parallel_loop3A_364 : vector<16xi1>, vector<16xi32>
      %parallel_loop3A_371 = arith.select %parallel_loop3A_343, %parallel_loop3A_275, %parallel_loop3A_367 : vector<16xi1>, vector<16xi32>
      %parallel_loop3A_372 = arith.select %parallel_loop3A_340, %parallel_loop3A_318, %parallel_loop3A_260 : vector<16xi1>, vector<16xf32>
      %parallel_loop3A_373 = arith.select %parallel_loop3A_341, %parallel_loop3A_325, %parallel_loop3A_261 : vector<16xi1>, vector<16xf32>
      %parallel_loop3A_374 = arith.select %parallel_loop3A_342, %parallel_loop3A_332, %parallel_loop3A_262 : vector<16xi1>, vector<16xf32>
      %parallel_loop3A_375 = arith.select %parallel_loop3A_343, %parallel_loop3A_339, %parallel_loop3A_263 : vector<16xi1>, vector<16xf32>
      %parallel_loop3A_376 = arith.constant 2 : i32
      %parallel_loop3A_377 = vector.broadcast %parallel_loop3A_376 : i32 to vector<16xi32>
      %parallel_loop3A_378 = arith.select %parallel_loop3A_340, %parallel_loop3A_377, %parallel_loop3A_266 : vector<16xi1>, vector<16xi32>
      %parallel_loop3A_379 = arith.constant 18 : i32
      %parallel_loop3A_380 = vector.broadcast %parallel_loop3A_379 : i32 to vector<16xi32>
      %parallel_loop3A_381 = arith.select %parallel_loop3A_341, %parallel_loop3A_380, %parallel_loop3A_269 : vector<16xi1>, vector<16xi32>
      %parallel_loop3A_382 = arith.constant 34 : i32
      %parallel_loop3A_383 = vector.broadcast %parallel_loop3A_382 : i32 to vector<16xi32>
      %parallel_loop3A_384 = arith.select %parallel_loop3A_342, %parallel_loop3A_383, %parallel_loop3A_272 : vector<16xi1>, vector<16xi32>
      %parallel_loop3A_385 = arith.constant 50 : i32
      %parallel_loop3A_386 = vector.broadcast %parallel_loop3A_385 : i32 to vector<16xi32>
      %parallel_loop3A_387 = arith.select %parallel_loop3A_343, %parallel_loop3A_386, %parallel_loop3A_275 : vector<16xi1>, vector<16xi32>
      %parallel_loop3A_388 = math.exp %parallel_loop3A_318 : vector<16xf32>
      %parallel_loop3A_389 = math.exp %parallel_loop3A_325 : vector<16xf32>
      %parallel_loop3A_390 = math.exp %parallel_loop3A_332 : vector<16xf32>
      %parallel_loop3A_391 = math.exp %parallel_loop3A_339 : vector<16xf32>
      %parallel_loop3A_392 = arith.addf %parallel_loop3A_280, %parallel_loop3A_388 : vector<16xf32>
      %parallel_loop3A_393 = arith.addf %parallel_loop3A_281, %parallel_loop3A_389 : vector<16xf32>
      %parallel_loop3A_394 = arith.addf %parallel_loop3A_282, %parallel_loop3A_390 : vector<16xf32>
      %parallel_loop3A_395 = arith.addf %parallel_loop3A_283, %parallel_loop3A_391 : vector<16xf32>
      %parallel_loop3A_396 = arith.constant 0 : i32
      %parallel_loop3A_397 = arith.constant 2 : i32
      %parallel_loop3A_398 = arith.index_cast %parallel_loop3A_396 : i32 to index
      %parallel_loop3A_399 = arith.index_cast %parallel_loop3A_43 : i32 to index
      %parallel_loop3A_400 = arith.index_cast %parallel_loop3A_397 : i32 to index
      %parallel_loop3A_401 = arith.index_cast %parallel_loop3A_61 : i32 to index
      %parallel_loop3A_402 = tpu.vector_load %arg7[%parallel_loop3A_398, %parallel_loop3A_399, %parallel_loop3A_400, %parallel_loop3A_401] {strides = array<i32>} : memref<8x4x8x128xf32, #tpu.memory_space<vmem>>, vector<16xf32>,
      tpu.vector_store %arg7[%parallel_loop3A_398, %parallel_loop3A_399, %parallel_loop3A_400, %parallel_loop3A_401], %parallel_loop3A_388 {strides = array<i32>} : memref<8x4x8x128xf32, #tpu.memory_space<vmem>>, vector<16xf32>,
      %parallel_loop3A_403 = arith.constant 2 : i32
      %parallel_loop3A_404 = arith.constant 2 : i32
      %parallel_loop3A_405 = arith.index_cast %parallel_loop3A_403 : i32 to index
      %parallel_loop3A_406 = arith.index_cast %parallel_loop3A_43 : i32 to index
      %parallel_loop3A_407 = arith.index_cast %parallel_loop3A_404 : i32 to index
      %parallel_loop3A_408 = arith.index_cast %parallel_loop3A_61 : i32 to index
      %parallel_loop3A_409 = tpu.vector_load %arg7[%parallel_loop3A_405, %parallel_loop3A_406, %parallel_loop3A_407, %parallel_loop3A_408] {strides = array<i32>} : memref<8x4x8x128xf32, #tpu.memory_space<vmem>>, vector<16xf32>,
      tpu.vector_store %arg7[%parallel_loop3A_405, %parallel_loop3A_406, %parallel_loop3A_407, %parallel_loop3A_408], %parallel_loop3A_389 {strides = array<i32>} : memref<8x4x8x128xf32, #tpu.memory_space<vmem>>, vector<16xf32>,
      %parallel_loop3A_410 = arith.constant 4 : i32
      %parallel_loop3A_411 = arith.constant 2 : i32
      %parallel_loop3A_412 = arith.index_cast %parallel_loop3A_410 : i32 to index
      %parallel_loop3A_413 = arith.index_cast %parallel_loop3A_43 : i32 to index
      %parallel_loop3A_414 = arith.index_cast %parallel_loop3A_411 : i32 to index
      %parallel_loop3A_415 = arith.index_cast %parallel_loop3A_61 : i32 to index
      %parallel_loop3A_416 = tpu.vector_load %arg7[%parallel_loop3A_412, %parallel_loop3A_413, %parallel_loop3A_414, %parallel_loop3A_415] {strides = array<i32>} : memref<8x4x8x128xf32, #tpu.memory_space<vmem>>, vector<16xf32>,
      tpu.vector_store %arg7[%parallel_loop3A_412, %parallel_loop3A_413, %parallel_loop3A_414, %parallel_loop3A_415], %parallel_loop3A_390 {strides = array<i32>} : memref<8x4x8x128xf32, #tpu.memory_space<vmem>>, vector<16xf32>,
      %parallel_loop3A_417 = arith.constant 6 : i32
      %parallel_loop3A_418 = arith.constant 2 : i32
      %parallel_loop3A_419 = arith.index_cast %parallel_loop3A_417 : i32 to index
      %parallel_loop3A_420 = arith.index_cast %parallel_loop3A_43 : i32 to index
      %parallel_loop3A_421 = arith.index_cast %parallel_loop3A_418 : i32 to index
      %parallel_loop3A_422 = arith.index_cast %parallel_loop3A_61 : i32 to index
      %parallel_loop3A_423 = tpu.vector_load %arg7[%parallel_loop3A_419, %parallel_loop3A_420, %parallel_loop3A_421, %parallel_loop3A_422] {strides = array<i32>} : memref<8x4x8x128xf32, #tpu.memory_space<vmem>>, vector<16xf32>,
      tpu.vector_store %arg7[%parallel_loop3A_419, %parallel_loop3A_420, %parallel_loop3A_421, %parallel_loop3A_422], %parallel_loop3A_391 {strides = array<i32>} : memref<8x4x8x128xf32, #tpu.memory_space<vmem>>, vector<16xf32>,
      %parallel_loop3A_424 = arith.constant 0 : i32
      %parallel_loop3A_425 = arith.constant 3 : i32
      %parallel_loop3A_426 = arith.index_cast %parallel_loop3A_424 : i32 to index
      %parallel_loop3A_427 = arith.index_cast %parallel_loop3A_43 : i32 to index
      %parallel_loop3A_428 = arith.index_cast %parallel_loop3A_425 : i32 to index
      %parallel_loop3A_429 = arith.index_cast %parallel_loop3A_61 : i32 to index
      %parallel_loop3A_430 = tpu.vector_load %arg6[%parallel_loop3A_426, %parallel_loop3A_427, %parallel_loop3A_428, %parallel_loop3A_429] {strides = array<i32>} : memref<8x4x8x128xf32, #tpu.memory_space<vmem>>, vector<16xf32>,
      %parallel_loop3A_431 = arith.constant 2 : i32
      %parallel_loop3A_432 = arith.constant 3 : i32
      %parallel_loop3A_433 = arith.index_cast %parallel_loop3A_431 : i32 to index
      %parallel_loop3A_434 = arith.index_cast %parallel_loop3A_43 : i32 to index
      %parallel_loop3A_435 = arith.index_cast %parallel_loop3A_432 : i32 to index
      %parallel_loop3A_436 = arith.index_cast %parallel_loop3A_61 : i32 to index
      %parallel_loop3A_437 = tpu.vector_load %arg6[%parallel_loop3A_433, %parallel_loop3A_434, %parallel_loop3A_435, %parallel_loop3A_436] {strides = array<i32>} : memref<8x4x8x128xf32, #tpu.memory_space<vmem>>, vector<16xf32>,
      %parallel_loop3A_438 = arith.constant 4 : i32
      %parallel_loop3A_439 = arith.constant 3 : i32
      %parallel_loop3A_440 = arith.index_cast %parallel_loop3A_438 : i32 to index
      %parallel_loop3A_441 = arith.index_cast %parallel_loop3A_43 : i32 to index
      %parallel_loop3A_442 = arith.index_cast %parallel_loop3A_439 : i32 to index
      %parallel_loop3A_443 = arith.index_cast %parallel_loop3A_61 : i32 to index
      %parallel_loop3A_444 = tpu.vector_load %arg6[%parallel_loop3A_440, %parallel_loop3A_441, %parallel_loop3A_442, %parallel_loop3A_443] {strides = array<i32>} : memref<8x4x8x128xf32, #tpu.memory_space<vmem>>, vector<16xf32>,
      %parallel_loop3A_445 = arith.constant 6 : i32
      %parallel_loop3A_446 = arith.constant 3 : i32
      %parallel_loop3A_447 = arith.index_cast %parallel_loop3A_445 : i32 to index
      %parallel_loop3A_448 = arith.index_cast %parallel_loop3A_43 : i32 to index
      %parallel_loop3A_449 = arith.index_cast %parallel_loop3A_446 : i32 to index
      %parallel_loop3A_450 = arith.index_cast %parallel_loop3A_61 : i32 to index
      %parallel_loop3A_451 = tpu.vector_load %arg6[%parallel_loop3A_447, %parallel_loop3A_448, %parallel_loop3A_449, %parallel_loop3A_450] {strides = array<i32>} : memref<8x4x8x128xf32, #tpu.memory_space<vmem>>, vector<16xf32>,
      %parallel_loop3A_452 = arith.cmpf ogt, %parallel_loop3A_430, %parallel_loop3A_372 : vector<16xf32>
      %parallel_loop3A_453 = arith.cmpf ogt, %parallel_loop3A_437, %parallel_loop3A_373 : vector<16xf32>
      %parallel_loop3A_454 = arith.cmpf ogt, %parallel_loop3A_444, %parallel_loop3A_374 : vector<16xf32>
      %parallel_loop3A_455 = arith.cmpf ogt, %parallel_loop3A_451, %parallel_loop3A_375 : vector<16xf32>
      %parallel_loop3A_456 = arith.cmpf ogt, %parallel_loop3A_430, %parallel_loop3A_352 : vector<16xf32>
      %parallel_loop3A_457 = arith.cmpf ogt, %parallel_loop3A_437, %parallel_loop3A_353 : vector<16xf32>
      %parallel_loop3A_458 = arith.cmpf ogt, %parallel_loop3A_444, %parallel_loop3A_354 : vector<16xf32>
      %parallel_loop3A_459 = arith.cmpf ogt, %parallel_loop3A_451, %parallel_loop3A_355 : vector<16xf32>
      %parallel_loop3A_460 = arith.select %parallel_loop3A_456, %parallel_loop3A_430, %parallel_loop3A_352 : vector<16xi1>, vector<16xf32>
      %parallel_loop3A_461 = arith.select %parallel_loop3A_457, %parallel_loop3A_437, %parallel_loop3A_353 : vector<16xi1>, vector<16xf32>
      %parallel_loop3A_462 = arith.select %parallel_loop3A_458, %parallel_loop3A_444, %parallel_loop3A_354 : vector<16xi1>, vector<16xf32>
      %parallel_loop3A_463 = arith.select %parallel_loop3A_459, %parallel_loop3A_451, %parallel_loop3A_355 : vector<16xi1>, vector<16xf32>
      %parallel_loop3A_464 = arith.select %parallel_loop3A_452, %parallel_loop3A_372, %parallel_loop3A_460 : vector<16xi1>, vector<16xf32>
      %parallel_loop3A_465 = arith.select %parallel_loop3A_453, %parallel_loop3A_373, %parallel_loop3A_461 : vector<16xi1>, vector<16xf32>
      %parallel_loop3A_466 = arith.select %parallel_loop3A_454, %parallel_loop3A_374, %parallel_loop3A_462 : vector<16xi1>, vector<16xf32>
      %parallel_loop3A_467 = arith.select %parallel_loop3A_455, %parallel_loop3A_375, %parallel_loop3A_463 : vector<16xi1>, vector<16xf32>
      %parallel_loop3A_468 = arith.constant 3 : i32
      %parallel_loop3A_469 = vector.broadcast %parallel_loop3A_468 : i32 to vector<16xi32>
      %parallel_loop3A_470 = arith.select %parallel_loop3A_456, %parallel_loop3A_469, %parallel_loop3A_368 : vector<16xi1>, vector<16xi32>
      %parallel_loop3A_471 = arith.constant 19 : i32
      %parallel_loop3A_472 = vector.broadcast %parallel_loop3A_471 : i32 to vector<16xi32>
      %parallel_loop3A_473 = arith.select %parallel_loop3A_457, %parallel_loop3A_472, %parallel_loop3A_369 : vector<16xi1>, vector<16xi32>
      %parallel_loop3A_474 = arith.constant 35 : i32
      %parallel_loop3A_475 = vector.broadcast %parallel_loop3A_474 : i32 to vector<16xi32>
      %parallel_loop3A_476 = arith.select %parallel_loop3A_458, %parallel_loop3A_475, %parallel_loop3A_370 : vector<16xi1>, vector<16xi32>
      %parallel_loop3A_477 = arith.constant 51 : i32
      %parallel_loop3A_478 = vector.broadcast %parallel_loop3A_477 : i32 to vector<16xi32>
      %parallel_loop3A_479 = arith.select %parallel_loop3A_459, %parallel_loop3A_478, %parallel_loop3A_371 : vector<16xi1>, vector<16xi32>
      %parallel_loop3A_480 = arith.select %parallel_loop3A_452, %parallel_loop3A_378, %parallel_loop3A_470 : vector<16xi1>, vector<16xi32>
      %parallel_loop3A_481 = arith.select %parallel_loop3A_453, %parallel_loop3A_381, %parallel_loop3A_473 : vector<16xi1>, vector<16xi32>
      %parallel_loop3A_482 = arith.select %parallel_loop3A_454, %parallel_loop3A_384, %parallel_loop3A_476 : vector<16xi1>, vector<16xi32>
      %parallel_loop3A_483 = arith.select %parallel_loop3A_455, %parallel_loop3A_387, %parallel_loop3A_479 : vector<16xi1>, vector<16xi32>
      %parallel_loop3A_484 = arith.select %parallel_loop3A_452, %parallel_loop3A_430, %parallel_loop3A_372 : vector<16xi1>, vector<16xf32>
      %parallel_loop3A_485 = arith.select %parallel_loop3A_453, %parallel_loop3A_437, %parallel_loop3A_373 : vector<16xi1>, vector<16xf32>
      %parallel_loop3A_486 = arith.select %parallel_loop3A_454, %parallel_loop3A_444, %parallel_loop3A_374 : vector<16xi1>, vector<16xf32>
      %parallel_loop3A_487 = arith.select %parallel_loop3A_455, %parallel_loop3A_451, %parallel_loop3A_375 : vector<16xi1>, vector<16xf32>
      %parallel_loop3A_488 = arith.constant 3 : i32
      %parallel_loop3A_489 = vector.broadcast %parallel_loop3A_488 : i32 to vector<16xi32>
      %parallel_loop3A_490 = arith.select %parallel_loop3A_452, %parallel_loop3A_489, %parallel_loop3A_378 : vector<16xi1>, vector<16xi32>
      %parallel_loop3A_491 = arith.constant 19 : i32
      %parallel_loop3A_492 = vector.broadcast %parallel_loop3A_491 : i32 to vector<16xi32>
      %parallel_loop3A_493 = arith.select %parallel_loop3A_453, %parallel_loop3A_492, %parallel_loop3A_381 : vector<16xi1>, vector<16xi32>
      %parallel_loop3A_494 = arith.constant 35 : i32
      %parallel_loop3A_495 = vector.broadcast %parallel_loop3A_494 : i32 to vector<16xi32>
      %parallel_loop3A_496 = arith.select %parallel_loop3A_454, %parallel_loop3A_495, %parallel_loop3A_384 : vector<16xi1>, vector<16xi32>
      %parallel_loop3A_497 = arith.constant 51 : i32
      %parallel_loop3A_498 = vector.broadcast %parallel_loop3A_497 : i32 to vector<16xi32>
      %parallel_loop3A_499 = arith.select %parallel_loop3A_455, %parallel_loop3A_498, %parallel_loop3A_387 : vector<16xi1>, vector<16xi32>
      %parallel_loop3A_500 = math.exp %parallel_loop3A_430 : vector<16xf32>
      %parallel_loop3A_501 = math.exp %parallel_loop3A_437 : vector<16xf32>
      %parallel_loop3A_502 = math.exp %parallel_loop3A_444 : vector<16xf32>
      %parallel_loop3A_503 = math.exp %parallel_loop3A_451 : vector<16xf32>
      %parallel_loop3A_504 = arith.addf %parallel_loop3A_392, %parallel_loop3A_500 : vector<16xf32>
      %parallel_loop3A_505 = arith.addf %parallel_loop3A_393, %parallel_loop3A_501 : vector<16xf32>
      %parallel_loop3A_506 = arith.addf %parallel_loop3A_394, %parallel_loop3A_502 : vector<16xf32>
      %parallel_loop3A_507 = arith.addf %parallel_loop3A_395, %parallel_loop3A_503 : vector<16xf32>
      %parallel_loop3A_508 = arith.constant 0 : i32
      %parallel_loop3A_509 = arith.constant 3 : i32
      %parallel_loop3A_510 = arith.index_cast %parallel_loop3A_508 : i32 to index
      %parallel_loop3A_511 = arith.index_cast %parallel_loop3A_43 : i32 to index
      %parallel_loop3A_512 = arith.index_cast %parallel_loop3A_509 : i32 to index
      %parallel_loop3A_513 = arith.index_cast %parallel_loop3A_61 : i32 to index
      %parallel_loop3A_514 = tpu.vector_load %arg7[%parallel_loop3A_510, %parallel_loop3A_511, %parallel_loop3A_512, %parallel_loop3A_513] {strides = array<i32>} : memref<8x4x8x128xf32, #tpu.memory_space<vmem>>, vector<16xf32>,
      tpu.vector_store %arg7[%parallel_loop3A_510, %parallel_loop3A_511, %parallel_loop3A_512, %parallel_loop3A_513], %parallel_loop3A_500 {strides = array<i32>} : memref<8x4x8x128xf32, #tpu.memory_space<vmem>>, vector<16xf32>,
      %parallel_loop3A_515 = arith.constant 2 : i32
      %parallel_loop3A_516 = arith.constant 3 : i32
      %parallel_loop3A_517 = arith.index_cast %parallel_loop3A_515 : i32 to index
      %parallel_loop3A_518 = arith.index_cast %parallel_loop3A_43 : i32 to index
      %parallel_loop3A_519 = arith.index_cast %parallel_loop3A_516 : i32 to index
      %parallel_loop3A_520 = arith.index_cast %parallel_loop3A_61 : i32 to index
      %parallel_loop3A_521 = tpu.vector_load %arg7[%parallel_loop3A_517, %parallel_loop3A_518, %parallel_loop3A_519, %parallel_loop3A_520] {strides = array<i32>} : memref<8x4x8x128xf32, #tpu.memory_space<vmem>>, vector<16xf32>,
      tpu.vector_store %arg7[%parallel_loop3A_517, %parallel_loop3A_518, %parallel_loop3A_519, %parallel_loop3A_520], %parallel_loop3A_501 {strides = array<i32>} : memref<8x4x8x128xf32, #tpu.memory_space<vmem>>, vector<16xf32>,
      %parallel_loop3A_522 = arith.constant 4 : i32
      %parallel_loop3A_523 = arith.constant 3 : i32
      %parallel_loop3A_524 = arith.index_cast %parallel_loop3A_522 : i32 to index
      %parallel_loop3A_525 = arith.index_cast %parallel_loop3A_43 : i32 to index
      %parallel_loop3A_526 = arith.index_cast %parallel_loop3A_523 : i32 to index
      %parallel_loop3A_527 = arith.index_cast %parallel_loop3A_61 : i32 to index
      %parallel_loop3A_528 = tpu.vector_load %arg7[%parallel_loop3A_524, %parallel_loop3A_525, %parallel_loop3A_526, %parallel_loop3A_527] {strides = array<i32>} : memref<8x4x8x128xf32, #tpu.memory_space<vmem>>, vector<16xf32>,
      tpu.vector_store %arg7[%parallel_loop3A_524, %parallel_loop3A_525, %parallel_loop3A_526, %parallel_loop3A_527], %parallel_loop3A_502 {strides = array<i32>} : memref<8x4x8x128xf32, #tpu.memory_space<vmem>>, vector<16xf32>,
      %parallel_loop3A_529 = arith.constant 6 : i32
      %parallel_loop3A_530 = arith.constant 3 : i32
      %parallel_loop3A_531 = arith.index_cast %parallel_loop3A_529 : i32 to index
      %parallel_loop3A_532 = arith.index_cast %parallel_loop3A_43 : i32 to index
      %parallel_loop3A_533 = arith.index_cast %parallel_loop3A_530 : i32 to index
      %parallel_loop3A_534 = arith.index_cast %parallel_loop3A_61 : i32 to index
      %parallel_loop3A_535 = tpu.vector_load %arg7[%parallel_loop3A_531, %parallel_loop3A_532, %parallel_loop3A_533, %parallel_loop3A_534] {strides = array<i32>} : memref<8x4x8x128xf32, #tpu.memory_space<vmem>>, vector<16xf32>,
      tpu.vector_store %arg7[%parallel_loop3A_531, %parallel_loop3A_532, %parallel_loop3A_533, %parallel_loop3A_534], %parallel_loop3A_503 {strides = array<i32>} : memref<8x4x8x128xf32, #tpu.memory_space<vmem>>, vector<16xf32>,
      %parallel_loop3A_536 = arith.constant 0 : i32
      %parallel_loop3A_537 = arith.constant 4 : i32
      %parallel_loop3A_538 = arith.index_cast %parallel_loop3A_536 : i32 to index
      %parallel_loop3A_539 = arith.index_cast %parallel_loop3A_43 : i32 to index
      %parallel_loop3A_540 = arith.index_cast %parallel_loop3A_537 : i32 to index
      %parallel_loop3A_541 = arith.index_cast %parallel_loop3A_61 : i32 to index
      %parallel_loop3A_542 = tpu.vector_load %arg6[%parallel_loop3A_538, %parallel_loop3A_539, %parallel_loop3A_540, %parallel_loop3A_541] {strides = array<i32>} : memref<8x4x8x128xf32, #tpu.memory_space<vmem>>, vector<16xf32>,
      %parallel_loop3A_543 = arith.constant 2 : i32
      %parallel_loop3A_544 = arith.constant 4 : i32
      %parallel_loop3A_545 = arith.index_cast %parallel_loop3A_543 : i32 to index
      %parallel_loop3A_546 = arith.index_cast %parallel_loop3A_43 : i32 to index
      %parallel_loop3A_547 = arith.index_cast %parallel_loop3A_544 : i32 to index
      %parallel_loop3A_548 = arith.index_cast %parallel_loop3A_61 : i32 to index
      %parallel_loop3A_549 = tpu.vector_load %arg6[%parallel_loop3A_545, %parallel_loop3A_546, %parallel_loop3A_547, %parallel_loop3A_548] {strides = array<i32>} : memref<8x4x8x128xf32, #tpu.memory_space<vmem>>, vector<16xf32>,
      %parallel_loop3A_550 = arith.constant 4 : i32
      %parallel_loop3A_551 = arith.constant 4 : i32
      %parallel_loop3A_552 = arith.index_cast %parallel_loop3A_550 : i32 to index
      %parallel_loop3A_553 = arith.index_cast %parallel_loop3A_43 : i32 to index
      %parallel_loop3A_554 = arith.index_cast %parallel_loop3A_551 : i32 to index
      %parallel_loop3A_555 = arith.index_cast %parallel_loop3A_61 : i32 to index
      %parallel_loop3A_556 = tpu.vector_load %arg6[%parallel_loop3A_552, %parallel_loop3A_553, %parallel_loop3A_554, %parallel_loop3A_555] {strides = array<i32>} : memref<8x4x8x128xf32, #tpu.memory_space<vmem>>, vector<16xf32>,
      %parallel_loop3A_557 = arith.constant 6 : i32
      %parallel_loop3A_558 = arith.constant 4 : i32
      %parallel_loop3A_559 = arith.index_cast %parallel_loop3A_557 : i32 to index
      %parallel_loop3A_560 = arith.index_cast %parallel_loop3A_43 : i32 to index
      %parallel_loop3A_561 = arith.index_cast %parallel_loop3A_558 : i32 to index
      %parallel_loop3A_562 = arith.index_cast %parallel_loop3A_61 : i32 to index
      %parallel_loop3A_563 = tpu.vector_load %arg6[%parallel_loop3A_559, %parallel_loop3A_560, %parallel_loop3A_561, %parallel_loop3A_562] {strides = array<i32>} : memref<8x4x8x128xf32, #tpu.memory_space<vmem>>, vector<16xf32>,
      %parallel_loop3A_564 = arith.cmpf ogt, %parallel_loop3A_542, %parallel_loop3A_484 : vector<16xf32>
      %parallel_loop3A_565 = arith.cmpf ogt, %parallel_loop3A_549, %parallel_loop3A_485 : vector<16xf32>
      %parallel_loop3A_566 = arith.cmpf ogt, %parallel_loop3A_556, %parallel_loop3A_486 : vector<16xf32>
      %parallel_loop3A_567 = arith.cmpf ogt, %parallel_loop3A_563, %parallel_loop3A_487 : vector<16xf32>
      %parallel_loop3A_568 = arith.cmpf ogt, %parallel_loop3A_542, %parallel_loop3A_464 : vector<16xf32>
      %parallel_loop3A_569 = arith.cmpf ogt, %parallel_loop3A_549, %parallel_loop3A_465 : vector<16xf32>
      %parallel_loop3A_570 = arith.cmpf ogt, %parallel_loop3A_556, %parallel_loop3A_466 : vector<16xf32>
      %parallel_loop3A_571 = arith.cmpf ogt, %parallel_loop3A_563, %parallel_loop3A_467 : vector<16xf32>
      %parallel_loop3A_572 = arith.select %parallel_loop3A_568, %parallel_loop3A_542, %parallel_loop3A_464 : vector<16xi1>, vector<16xf32>
      %parallel_loop3A_573 = arith.select %parallel_loop3A_569, %parallel_loop3A_549, %parallel_loop3A_465 : vector<16xi1>, vector<16xf32>
      %parallel_loop3A_574 = arith.select %parallel_loop3A_570, %parallel_loop3A_556, %parallel_loop3A_466 : vector<16xi1>, vector<16xf32>
      %parallel_loop3A_575 = arith.select %parallel_loop3A_571, %parallel_loop3A_563, %parallel_loop3A_467 : vector<16xi1>, vector<16xf32>
      %parallel_loop3A_576 = arith.select %parallel_loop3A_564, %parallel_loop3A_484, %parallel_loop3A_572 : vector<16xi1>, vector<16xf32>
      %parallel_loop3A_577 = arith.select %parallel_loop3A_565, %parallel_loop3A_485, %parallel_loop3A_573 : vector<16xi1>, vector<16xf32>
      %parallel_loop3A_578 = arith.select %parallel_loop3A_566, %parallel_loop3A_486, %parallel_loop3A_574 : vector<16xi1>, vector<16xf32>
      %parallel_loop3A_579 = arith.select %parallel_loop3A_567, %parallel_loop3A_487, %parallel_loop3A_575 : vector<16xi1>, vector<16xf32>
      %parallel_loop3A_580 = arith.constant 4 : i32
      %parallel_loop3A_581 = vector.broadcast %parallel_loop3A_580 : i32 to vector<16xi32>
      %parallel_loop3A_582 = arith.select %parallel_loop3A_568, %parallel_loop3A_581, %parallel_loop3A_480 : vector<16xi1>, vector<16xi32>
      %parallel_loop3A_583 = arith.constant 20 : i32
      %parallel_loop3A_584 = vector.broadcast %parallel_loop3A_583 : i32 to vector<16xi32>
      %parallel_loop3A_585 = arith.select %parallel_loop3A_569, %parallel_loop3A_584, %parallel_loop3A_481 : vector<16xi1>, vector<16xi32>
      %parallel_loop3A_586 = arith.constant 36 : i32
      %parallel_loop3A_587 = vector.broadcast %parallel_loop3A_586 : i32 to vector<16xi32>
      %parallel_loop3A_588 = arith.select %parallel_loop3A_570, %parallel_loop3A_587, %parallel_loop3A_482 : vector<16xi1>, vector<16xi32>
      %parallel_loop3A_589 = arith.constant 52 : i32
      %parallel_loop3A_590 = vector.broadcast %parallel_loop3A_589 : i32 to vector<16xi32>
      %parallel_loop3A_591 = arith.select %parallel_loop3A_571, %parallel_loop3A_590, %parallel_loop3A_483 : vector<16xi1>, vector<16xi32>
      %parallel_loop3A_592 = arith.select %parallel_loop3A_564, %parallel_loop3A_490, %parallel_loop3A_582 : vector<16xi1>, vector<16xi32>
      %parallel_loop3A_593 = arith.select %parallel_loop3A_565, %parallel_loop3A_493, %parallel_loop3A_585 : vector<16xi1>, vector<16xi32>
      %parallel_loop3A_594 = arith.select %parallel_loop3A_566, %parallel_loop3A_496, %parallel_loop3A_588 : vector<16xi1>, vector<16xi32>
      %parallel_loop3A_595 = arith.select %parallel_loop3A_567, %parallel_loop3A_499, %parallel_loop3A_591 : vector<16xi1>, vector<16xi32>
      %parallel_loop3A_596 = arith.select %parallel_loop3A_564, %parallel_loop3A_542, %parallel_loop3A_484 : vector<16xi1>, vector<16xf32>
      %parallel_loop3A_597 = arith.select %parallel_loop3A_565, %parallel_loop3A_549, %parallel_loop3A_485 : vector<16xi1>, vector<16xf32>
      %parallel_loop3A_598 = arith.select %parallel_loop3A_566, %parallel_loop3A_556, %parallel_loop3A_486 : vector<16xi1>, vector<16xf32>
      %parallel_loop3A_599 = arith.select %parallel_loop3A_567, %parallel_loop3A_563, %parallel_loop3A_487 : vector<16xi1>, vector<16xf32>
      %parallel_loop3A_600 = arith.constant 4 : i32
      %parallel_loop3A_601 = vector.broadcast %parallel_loop3A_600 : i32 to vector<16xi32>
      %parallel_loop3A_602 = arith.select %parallel_loop3A_564, %parallel_loop3A_601, %parallel_loop3A_490 : vector<16xi1>, vector<16xi32>
      %parallel_loop3A_603 = arith.constant 20 : i32
      %parallel_loop3A_604 = vector.broadcast %parallel_loop3A_603 : i32 to vector<16xi32>
      %parallel_loop3A_605 = arith.select %parallel_loop3A_565, %parallel_loop3A_604, %parallel_loop3A_493 : vector<16xi1>, vector<16xi32>
      %parallel_loop3A_606 = arith.constant 36 : i32
      %parallel_loop3A_607 = vector.broadcast %parallel_loop3A_606 : i32 to vector<16xi32>
      %parallel_loop3A_608 = arith.select %parallel_loop3A_566, %parallel_loop3A_607, %parallel_loop3A_496 : vector<16xi1>, vector<16xi32>
      %parallel_loop3A_609 = arith.constant 52 : i32
      %parallel_loop3A_610 = vector.broadcast %parallel_loop3A_609 : i32 to vector<16xi32>
      %parallel_loop3A_611 = arith.select %parallel_loop3A_567, %parallel_loop3A_610, %parallel_loop3A_499 : vector<16xi1>, vector<16xi32>
      %parallel_loop3A_612 = math.exp %parallel_loop3A_542 : vector<16xf32>
      %parallel_loop3A_613 = math.exp %parallel_loop3A_549 : vector<16xf32>
      %parallel_loop3A_614 = math.exp %parallel_loop3A_556 : vector<16xf32>
      %parallel_loop3A_615 = math.exp %parallel_loop3A_563 : vector<16xf32>
      %parallel_loop3A_616 = arith.addf %parallel_loop3A_504, %parallel_loop3A_612 : vector<16xf32>
      %parallel_loop3A_617 = arith.addf %parallel_loop3A_505, %parallel_loop3A_613 : vector<16xf32>
      %parallel_loop3A_618 = arith.addf %parallel_loop3A_506, %parallel_loop3A_614 : vector<16xf32>
      %parallel_loop3A_619 = arith.addf %parallel_loop3A_507, %parallel_loop3A_615 : vector<16xf32>
      %parallel_loop3A_620 = arith.constant 0 : i32
      %parallel_loop3A_621 = arith.constant 4 : i32
      %parallel_loop3A_622 = arith.index_cast %parallel_loop3A_620 : i32 to index
      %parallel_loop3A_623 = arith.index_cast %parallel_loop3A_43 : i32 to index
      %parallel_loop3A_624 = arith.index_cast %parallel_loop3A_621 : i32 to index
      %parallel_loop3A_625 = arith.index_cast %parallel_loop3A_61 : i32 to index
      %parallel_loop3A_626 = tpu.vector_load %arg7[%parallel_loop3A_622, %parallel_loop3A_623, %parallel_loop3A_624, %parallel_loop3A_625] {strides = array<i32>} : memref<8x4x8x128xf32, #tpu.memory_space<vmem>>, vector<16xf32>,
      tpu.vector_store %arg7[%parallel_loop3A_622, %parallel_loop3A_623, %parallel_loop3A_624, %parallel_loop3A_625], %parallel_loop3A_612 {strides = array<i32>} : memref<8x4x8x128xf32, #tpu.memory_space<vmem>>, vector<16xf32>,
      %parallel_loop3A_627 = arith.constant 2 : i32
      %parallel_loop3A_628 = arith.constant 4 : i32
      %parallel_loop3A_629 = arith.index_cast %parallel_loop3A_627 : i32 to index
      %parallel_loop3A_630 = arith.index_cast %parallel_loop3A_43 : i32 to index
      %parallel_loop3A_631 = arith.index_cast %parallel_loop3A_628 : i32 to index
      %parallel_loop3A_632 = arith.index_cast %parallel_loop3A_61 : i32 to index
      %parallel_loop3A_633 = tpu.vector_load %arg7[%parallel_loop3A_629, %parallel_loop3A_630, %parallel_loop3A_631, %parallel_loop3A_632] {strides = array<i32>} : memref<8x4x8x128xf32, #tpu.memory_space<vmem>>, vector<16xf32>,
      tpu.vector_store %arg7[%parallel_loop3A_629, %parallel_loop3A_630, %parallel_loop3A_631, %parallel_loop3A_632], %parallel_loop3A_613 {strides = array<i32>} : memref<8x4x8x128xf32, #tpu.memory_space<vmem>>, vector<16xf32>,
      %parallel_loop3A_634 = arith.constant 4 : i32
      %parallel_loop3A_635 = arith.constant 4 : i32
      %parallel_loop3A_636 = arith.index_cast %parallel_loop3A_634 : i32 to index
      %parallel_loop3A_637 = arith.index_cast %parallel_loop3A_43 : i32 to index
      %parallel_loop3A_638 = arith.index_cast %parallel_loop3A_635 : i32 to index
      %parallel_loop3A_639 = arith.index_cast %parallel_loop3A_61 : i32 to index
      %parallel_loop3A_640 = tpu.vector_load %arg7[%parallel_loop3A_636, %parallel_loop3A_637, %parallel_loop3A_638, %parallel_loop3A_639] {strides = array<i32>} : memref<8x4x8x128xf32, #tpu.memory_space<vmem>>, vector<16xf32>,
      tpu.vector_store %arg7[%parallel_loop3A_636, %parallel_loop3A_637, %parallel_loop3A_638, %parallel_loop3A_639], %parallel_loop3A_614 {strides = array<i32>} : memref<8x4x8x128xf32, #tpu.memory_space<vmem>>, vector<16xf32>,
      %parallel_loop3A_641 = arith.constant 6 : i32
      %parallel_loop3A_642 = arith.constant 4 : i32
      %parallel_loop3A_643 = arith.index_cast %parallel_loop3A_641 : i32 to index
      %parallel_loop3A_644 = arith.index_cast %parallel_loop3A_43 : i32 to index
      %parallel_loop3A_645 = arith.index_cast %parallel_loop3A_642 : i32 to index
      %parallel_loop3A_646 = arith.index_cast %parallel_loop3A_61 : i32 to index
      %parallel_loop3A_647 = tpu.vector_load %arg7[%parallel_loop3A_643, %parallel_loop3A_644, %parallel_loop3A_645, %parallel_loop3A_646] {strides = array<i32>} : memref<8x4x8x128xf32, #tpu.memory_space<vmem>>, vector<16xf32>,
      tpu.vector_store %arg7[%parallel_loop3A_643, %parallel_loop3A_644, %parallel_loop3A_645, %parallel_loop3A_646], %parallel_loop3A_615 {strides = array<i32>} : memref<8x4x8x128xf32, #tpu.memory_space<vmem>>, vector<16xf32>,
      %parallel_loop3A_648 = arith.constant 0 : i32
      %parallel_loop3A_649 = arith.constant 5 : i32
      %parallel_loop3A_650 = arith.index_cast %parallel_loop3A_648 : i32 to index
      %parallel_loop3A_651 = arith.index_cast %parallel_loop3A_43 : i32 to index
      %parallel_loop3A_652 = arith.index_cast %parallel_loop3A_649 : i32 to index
      %parallel_loop3A_653 = arith.index_cast %parallel_loop3A_61 : i32 to index
      %parallel_loop3A_654 = tpu.vector_load %arg6[%parallel_loop3A_650, %parallel_loop3A_651, %parallel_loop3A_652, %parallel_loop3A_653] {strides = array<i32>} : memref<8x4x8x128xf32, #tpu.memory_space<vmem>>, vector<16xf32>,
      %parallel_loop3A_655 = arith.constant 2 : i32
      %parallel_loop3A_656 = arith.constant 5 : i32
      %parallel_loop3A_657 = arith.index_cast %parallel_loop3A_655 : i32 to index
      %parallel_loop3A_658 = arith.index_cast %parallel_loop3A_43 : i32 to index
      %parallel_loop3A_659 = arith.index_cast %parallel_loop3A_656 : i32 to index
      %parallel_loop3A_660 = arith.index_cast %parallel_loop3A_61 : i32 to index
      %parallel_loop3A_661 = tpu.vector_load %arg6[%parallel_loop3A_657, %parallel_loop3A_658, %parallel_loop3A_659, %parallel_loop3A_660] {strides = array<i32>} : memref<8x4x8x128xf32, #tpu.memory_space<vmem>>, vector<16xf32>,
      %parallel_loop3A_662 = arith.constant 4 : i32
      %parallel_loop3A_663 = arith.constant 5 : i32
      %parallel_loop3A_664 = arith.index_cast %parallel_loop3A_662 : i32 to index
      %parallel_loop3A_665 = arith.index_cast %parallel_loop3A_43 : i32 to index
      %parallel_loop3A_666 = arith.index_cast %parallel_loop3A_663 : i32 to index
      %parallel_loop3A_667 = arith.index_cast %parallel_loop3A_61 : i32 to index
      %parallel_loop3A_668 = tpu.vector_load %arg6[%parallel_loop3A_664, %parallel_loop3A_665, %parallel_loop3A_666, %parallel_loop3A_667] {strides = array<i32>} : memref<8x4x8x128xf32, #tpu.memory_space<vmem>>, vector<16xf32>,
      %parallel_loop3A_669 = arith.constant 6 : i32
      %parallel_loop3A_670 = arith.constant 5 : i32
      %parallel_loop3A_671 = arith.index_cast %parallel_loop3A_669 : i32 to index
      %parallel_loop3A_672 = arith.index_cast %parallel_loop3A_43 : i32 to index
      %parallel_loop3A_673 = arith.index_cast %parallel_loop3A_670 : i32 to index
      %parallel_loop3A_674 = arith.index_cast %parallel_loop3A_61 : i32 to index
      %parallel_loop3A_675 = tpu.vector_load %arg6[%parallel_loop3A_671, %parallel_loop3A_672, %parallel_loop3A_673, %parallel_loop3A_674] {strides = array<i32>} : memref<8x4x8x128xf32, #tpu.memory_space<vmem>>, vector<16xf32>,
      %parallel_loop3A_676 = arith.cmpf ogt, %parallel_loop3A_654, %parallel_loop3A_596 : vector<16xf32>
      %parallel_loop3A_677 = arith.cmpf ogt, %parallel_loop3A_661, %parallel_loop3A_597 : vector<16xf32>
      %parallel_loop3A_678 = arith.cmpf ogt, %parallel_loop3A_668, %parallel_loop3A_598 : vector<16xf32>
      %parallel_loop3A_679 = arith.cmpf ogt, %parallel_loop3A_675, %parallel_loop3A_599 : vector<16xf32>
      %parallel_loop3A_680 = arith.cmpf ogt, %parallel_loop3A_654, %parallel_loop3A_576 : vector<16xf32>
      %parallel_loop3A_681 = arith.cmpf ogt, %parallel_loop3A_661, %parallel_loop3A_577 : vector<16xf32>
      %parallel_loop3A_682 = arith.cmpf ogt, %parallel_loop3A_668, %parallel_loop3A_578 : vector<16xf32>
      %parallel_loop3A_683 = arith.cmpf ogt, %parallel_loop3A_675, %parallel_loop3A_579 : vector<16xf32>
      %parallel_loop3A_684 = arith.select %parallel_loop3A_680, %parallel_loop3A_654, %parallel_loop3A_576 : vector<16xi1>, vector<16xf32>
      %parallel_loop3A_685 = arith.select %parallel_loop3A_681, %parallel_loop3A_661, %parallel_loop3A_577 : vector<16xi1>, vector<16xf32>
      %parallel_loop3A_686 = arith.select %parallel_loop3A_682, %parallel_loop3A_668, %parallel_loop3A_578 : vector<16xi1>, vector<16xf32>
      %parallel_loop3A_687 = arith.select %parallel_loop3A_683, %parallel_loop3A_675, %parallel_loop3A_579 : vector<16xi1>, vector<16xf32>
      %parallel_loop3A_688 = arith.select %parallel_loop3A_676, %parallel_loop3A_596, %parallel_loop3A_684 : vector<16xi1>, vector<16xf32>
      %parallel_loop3A_689 = arith.select %parallel_loop3A_677, %parallel_loop3A_597, %parallel_loop3A_685 : vector<16xi1>, vector<16xf32>
      %parallel_loop3A_690 = arith.select %parallel_loop3A_678, %parallel_loop3A_598, %parallel_loop3A_686 : vector<16xi1>, vector<16xf32>
      %parallel_loop3A_691 = arith.select %parallel_loop3A_679, %parallel_loop3A_599, %parallel_loop3A_687 : vector<16xi1>, vector<16xf32>
      %parallel_loop3A_692 = arith.constant 5 : i32
      %parallel_loop3A_693 = vector.broadcast %parallel_loop3A_692 : i32 to vector<16xi32>
      %parallel_loop3A_694 = arith.select %parallel_loop3A_680, %parallel_loop3A_693, %parallel_loop3A_592 : vector<16xi1>, vector<16xi32>
      %parallel_loop3A_695 = arith.constant 21 : i32
      %parallel_loop3A_696 = vector.broadcast %parallel_loop3A_695 : i32 to vector<16xi32>
      %parallel_loop3A_697 = arith.select %parallel_loop3A_681, %parallel_loop3A_696, %parallel_loop3A_593 : vector<16xi1>, vector<16xi32>
      %parallel_loop3A_698 = arith.constant 37 : i32
      %parallel_loop3A_699 = vector.broadcast %parallel_loop3A_698 : i32 to vector<16xi32>
      %parallel_loop3A_700 = arith.select %parallel_loop3A_682, %parallel_loop3A_699, %parallel_loop3A_594 : vector<16xi1>, vector<16xi32>
      %parallel_loop3A_701 = arith.constant 53 : i32
      %parallel_loop3A_702 = vector.broadcast %parallel_loop3A_701 : i32 to vector<16xi32>
      %parallel_loop3A_703 = arith.select %parallel_loop3A_683, %parallel_loop3A_702, %parallel_loop3A_595 : vector<16xi1>, vector<16xi32>
      %parallel_loop3A_704 = arith.select %parallel_loop3A_676, %parallel_loop3A_602, %parallel_loop3A_694 : vector<16xi1>, vector<16xi32>
      %parallel_loop3A_705 = arith.select %parallel_loop3A_677, %parallel_loop3A_605, %parallel_loop3A_697 : vector<16xi1>, vector<16xi32>
      %parallel_loop3A_706 = arith.select %parallel_loop3A_678, %parallel_loop3A_608, %parallel_loop3A_700 : vector<16xi1>, vector<16xi32>
      %parallel_loop3A_707 = arith.select %parallel_loop3A_679, %parallel_loop3A_611, %parallel_loop3A_703 : vector<16xi1>, vector<16xi32>
      %parallel_loop3A_708 = arith.select %parallel_loop3A_676, %parallel_loop3A_654, %parallel_loop3A_596 : vector<16xi1>, vector<16xf32>
      %parallel_loop3A_709 = arith.select %parallel_loop3A_677, %parallel_loop3A_661, %parallel_loop3A_597 : vector<16xi1>, vector<16xf32>
      %parallel_loop3A_710 = arith.select %parallel_loop3A_678, %parallel_loop3A_668, %parallel_loop3A_598 : vector<16xi1>, vector<16xf32>
      %parallel_loop3A_711 = arith.select %parallel_loop3A_679, %parallel_loop3A_675, %parallel_loop3A_599 : vector<16xi1>, vector<16xf32>
      %parallel_loop3A_712 = arith.constant 5 : i32
      %parallel_loop3A_713 = vector.broadcast %parallel_loop3A_712 : i32 to vector<16xi32>
      %parallel_loop3A_714 = arith.select %parallel_loop3A_676, %parallel_loop3A_713, %parallel_loop3A_602 : vector<16xi1>, vector<16xi32>
      %parallel_loop3A_715 = arith.constant 21 : i32
      %parallel_loop3A_716 = vector.broadcast %parallel_loop3A_715 : i32 to vector<16xi32>
      %parallel_loop3A_717 = arith.select %parallel_loop3A_677, %parallel_loop3A_716, %parallel_loop3A_605 : vector<16xi1>, vector<16xi32>
      %parallel_loop3A_718 = arith.constant 37 : i32
      %parallel_loop3A_719 = vector.broadcast %parallel_loop3A_718 : i32 to vector<16xi32>
      %parallel_loop3A_720 = arith.select %parallel_loop3A_678, %parallel_loop3A_719, %parallel_loop3A_608 : vector<16xi1>, vector<16xi32>
      %parallel_loop3A_721 = arith.constant 53 : i32
      %parallel_loop3A_722 = vector.broadcast %parallel_loop3A_721 : i32 to vector<16xi32>
      %parallel_loop3A_723 = arith.select %parallel_loop3A_679, %parallel_loop3A_722, %parallel_loop3A_611 : vector<16xi1>, vector<16xi32>
      %parallel_loop3A_724 = math.exp %parallel_loop3A_654 : vector<16xf32>
      %parallel_loop3A_725 = math.exp %parallel_loop3A_661 : vector<16xf32>
      %parallel_loop3A_726 = math.exp %parallel_loop3A_668 : vector<16xf32>
      %parallel_loop3A_727 = math.exp %parallel_loop3A_675 : vector<16xf32>
      %parallel_loop3A_728 = arith.addf %parallel_loop3A_616, %parallel_loop3A_724 : vector<16xf32>
      %parallel_loop3A_729 = arith.addf %parallel_loop3A_617, %parallel_loop3A_725 : vector<16xf32>
      %parallel_loop3A_730 = arith.addf %parallel_loop3A_618, %parallel_loop3A_726 : vector<16xf32>
      %parallel_loop3A_731 = arith.addf %parallel_loop3A_619, %parallel_loop3A_727 : vector<16xf32>
      %parallel_loop3A_732 = arith.constant 0 : i32
      %parallel_loop3A_733 = arith.constant 5 : i32
      %parallel_loop3A_734 = arith.index_cast %parallel_loop3A_732 : i32 to index
      %parallel_loop3A_735 = arith.index_cast %parallel_loop3A_43 : i32 to index
      %parallel_loop3A_736 = arith.index_cast %parallel_loop3A_733 : i32 to index
      %parallel_loop3A_737 = arith.index_cast %parallel_loop3A_61 : i32 to index
      %parallel_loop3A_738 = tpu.vector_load %arg7[%parallel_loop3A_734, %parallel_loop3A_735, %parallel_loop3A_736, %parallel_loop3A_737] {strides = array<i32>} : memref<8x4x8x128xf32, #tpu.memory_space<vmem>>, vector<16xf32>,
      tpu.vector_store %arg7[%parallel_loop3A_734, %parallel_loop3A_735, %parallel_loop3A_736, %parallel_loop3A_737], %parallel_loop3A_724 {strides = array<i32>} : memref<8x4x8x128xf32, #tpu.memory_space<vmem>>, vector<16xf32>,
      %parallel_loop3A_739 = arith.constant 2 : i32
      %parallel_loop3A_740 = arith.constant 5 : i32
      %parallel_loop3A_741 = arith.index_cast %parallel_loop3A_739 : i32 to index
      %parallel_loop3A_742 = arith.index_cast %parallel_loop3A_43 : i32 to index
      %parallel_loop3A_743 = arith.index_cast %parallel_loop3A_740 : i32 to index
      %parallel_loop3A_744 = arith.index_cast %parallel_loop3A_61 : i32 to index
      %parallel_loop3A_745 = tpu.vector_load %arg7[%parallel_loop3A_741, %parallel_loop3A_742, %parallel_loop3A_743, %parallel_loop3A_744] {strides = array<i32>} : memref<8x4x8x128xf32, #tpu.memory_space<vmem>>, vector<16xf32>,
      tpu.vector_store %arg7[%parallel_loop3A_741, %parallel_loop3A_742, %parallel_loop3A_743, %parallel_loop3A_744], %parallel_loop3A_725 {strides = array<i32>} : memref<8x4x8x128xf32, #tpu.memory_space<vmem>>, vector<16xf32>,
      %parallel_loop3A_746 = arith.constant 4 : i32
      %parallel_loop3A_747 = arith.constant 5 : i32
      %parallel_loop3A_748 = arith.index_cast %parallel_loop3A_746 : i32 to index
      %parallel_loop3A_749 = arith.index_cast %parallel_loop3A_43 : i32 to index
      %parallel_loop3A_750 = arith.index_cast %parallel_loop3A_747 : i32 to index
      %parallel_loop3A_751 = arith.index_cast %parallel_loop3A_61 : i32 to index
      %parallel_loop3A_752 = tpu.vector_load %arg7[%parallel_loop3A_748, %parallel_loop3A_749, %parallel_loop3A_750, %parallel_loop3A_751] {strides = array<i32>} : memref<8x4x8x128xf32, #tpu.memory_space<vmem>>, vector<16xf32>,
      tpu.vector_store %arg7[%parallel_loop3A_748, %parallel_loop3A_749, %parallel_loop3A_750, %parallel_loop3A_751], %parallel_loop3A_726 {strides = array<i32>} : memref<8x4x8x128xf32, #tpu.memory_space<vmem>>, vector<16xf32>,
      %parallel_loop3A_753 = arith.constant 6 : i32
      %parallel_loop3A_754 = arith.constant 5 : i32
      %parallel_loop3A_755 = arith.index_cast %parallel_loop3A_753 : i32 to index
      %parallel_loop3A_756 = arith.index_cast %parallel_loop3A_43 : i32 to index
      %parallel_loop3A_757 = arith.index_cast %parallel_loop3A_754 : i32 to index
      %parallel_loop3A_758 = arith.index_cast %parallel_loop3A_61 : i32 to index
      %parallel_loop3A_759 = tpu.vector_load %arg7[%parallel_loop3A_755, %parallel_loop3A_756, %parallel_loop3A_757, %parallel_loop3A_758] {strides = array<i32>} : memref<8x4x8x128xf32, #tpu.memory_space<vmem>>, vector<16xf32>,
      tpu.vector_store %arg7[%parallel_loop3A_755, %parallel_loop3A_756, %parallel_loop3A_757, %parallel_loop3A_758], %parallel_loop3A_727 {strides = array<i32>} : memref<8x4x8x128xf32, #tpu.memory_space<vmem>>, vector<16xf32>,
      %parallel_loop3A_760 = arith.constant 0 : i32
      %parallel_loop3A_761 = arith.constant 6 : i32
      %parallel_loop3A_762 = arith.index_cast %parallel_loop3A_760 : i32 to index
      %parallel_loop3A_763 = arith.index_cast %parallel_loop3A_43 : i32 to index
      %parallel_loop3A_764 = arith.index_cast %parallel_loop3A_761 : i32 to index
      %parallel_loop3A_765 = arith.index_cast %parallel_loop3A_61 : i32 to index
      %parallel_loop3A_766 = tpu.vector_load %arg6[%parallel_loop3A_762, %parallel_loop3A_763, %parallel_loop3A_764, %parallel_loop3A_765] {strides = array<i32>} : memref<8x4x8x128xf32, #tpu.memory_space<vmem>>, vector<16xf32>,
      %parallel_loop3A_767 = arith.constant 2 : i32
      %parallel_loop3A_768 = arith.constant 6 : i32
      %parallel_loop3A_769 = arith.index_cast %parallel_loop3A_767 : i32 to index
      %parallel_loop3A_770 = arith.index_cast %parallel_loop3A_43 : i32 to index
      %parallel_loop3A_771 = arith.index_cast %parallel_loop3A_768 : i32 to index
      %parallel_loop3A_772 = arith.index_cast %parallel_loop3A_61 : i32 to index
      %parallel_loop3A_773 = tpu.vector_load %arg6[%parallel_loop3A_769, %parallel_loop3A_770, %parallel_loop3A_771, %parallel_loop3A_772] {strides = array<i32>} : memref<8x4x8x128xf32, #tpu.memory_space<vmem>>, vector<16xf32>,
      %parallel_loop3A_774 = arith.constant 4 : i32
      %parallel_loop3A_775 = arith.constant 6 : i32
      %parallel_loop3A_776 = arith.index_cast %parallel_loop3A_774 : i32 to index
      %parallel_loop3A_777 = arith.index_cast %parallel_loop3A_43 : i32 to index
      %parallel_loop3A_778 = arith.index_cast %parallel_loop3A_775 : i32 to index
      %parallel_loop3A_779 = arith.index_cast %parallel_loop3A_61 : i32 to index
      %parallel_loop3A_780 = tpu.vector_load %arg6[%parallel_loop3A_776, %parallel_loop3A_777, %parallel_loop3A_778, %parallel_loop3A_779] {strides = array<i32>} : memref<8x4x8x128xf32, #tpu.memory_space<vmem>>, vector<16xf32>,
      %parallel_loop3A_781 = arith.constant 6 : i32
      %parallel_loop3A_782 = arith.constant 6 : i32
      %parallel_loop3A_783 = arith.index_cast %parallel_loop3A_781 : i32 to index
      %parallel_loop3A_784 = arith.index_cast %parallel_loop3A_43 : i32 to index
      %parallel_loop3A_785 = arith.index_cast %parallel_loop3A_782 : i32 to index
      %parallel_loop3A_786 = arith.index_cast %parallel_loop3A_61 : i32 to index
      %parallel_loop3A_787 = tpu.vector_load %arg6[%parallel_loop3A_783, %parallel_loop3A_784, %parallel_loop3A_785, %parallel_loop3A_786] {strides = array<i32>} : memref<8x4x8x128xf32, #tpu.memory_space<vmem>>, vector<16xf32>,
      %parallel_loop3A_788 = arith.cmpf ogt, %parallel_loop3A_766, %parallel_loop3A_708 : vector<16xf32>
      %parallel_loop3A_789 = arith.cmpf ogt, %parallel_loop3A_773, %parallel_loop3A_709 : vector<16xf32>
      %parallel_loop3A_790 = arith.cmpf ogt, %parallel_loop3A_780, %parallel_loop3A_710 : vector<16xf32>
      %parallel_loop3A_791 = arith.cmpf ogt, %parallel_loop3A_787, %parallel_loop3A_711 : vector<16xf32>
      %parallel_loop3A_792 = arith.cmpf ogt, %parallel_loop3A_766, %parallel_loop3A_688 : vector<16xf32>
      %parallel_loop3A_793 = arith.cmpf ogt, %parallel_loop3A_773, %parallel_loop3A_689 : vector<16xf32>
      %parallel_loop3A_794 = arith.cmpf ogt, %parallel_loop3A_780, %parallel_loop3A_690 : vector<16xf32>
      %parallel_loop3A_795 = arith.cmpf ogt, %parallel_loop3A_787, %parallel_loop3A_691 : vector<16xf32>
      %parallel_loop3A_796 = arith.select %parallel_loop3A_792, %parallel_loop3A_766, %parallel_loop3A_688 : vector<16xi1>, vector<16xf32>
      %parallel_loop3A_797 = arith.select %parallel_loop3A_793, %parallel_loop3A_773, %parallel_loop3A_689 : vector<16xi1>, vector<16xf32>
      %parallel_loop3A_798 = arith.select %parallel_loop3A_794, %parallel_loop3A_780, %parallel_loop3A_690 : vector<16xi1>, vector<16xf32>
      %parallel_loop3A_799 = arith.select %parallel_loop3A_795, %parallel_loop3A_787, %parallel_loop3A_691 : vector<16xi1>, vector<16xf32>
      %parallel_loop3A_800 = arith.select %parallel_loop3A_788, %parallel_loop3A_708, %parallel_loop3A_796 : vector<16xi1>, vector<16xf32>
      %parallel_loop3A_801 = arith.select %parallel_loop3A_789, %parallel_loop3A_709, %parallel_loop3A_797 : vector<16xi1>, vector<16xf32>
      %parallel_loop3A_802 = arith.select %parallel_loop3A_790, %parallel_loop3A_710, %parallel_loop3A_798 : vector<16xi1>, vector<16xf32>
      %parallel_loop3A_803 = arith.select %parallel_loop3A_791, %parallel_loop3A_711, %parallel_loop3A_799 : vector<16xi1>, vector<16xf32>
      %parallel_loop3A_804 = arith.constant 6 : i32
      %parallel_loop3A_805 = vector.broadcast %parallel_loop3A_804 : i32 to vector<16xi32>
      %parallel_loop3A_806 = arith.select %parallel_loop3A_792, %parallel_loop3A_805, %parallel_loop3A_704 : vector<16xi1>, vector<16xi32>
      %parallel_loop3A_807 = arith.constant 22 : i32
      %parallel_loop3A_808 = vector.broadcast %parallel_loop3A_807 : i32 to vector<16xi32>
      %parallel_loop3A_809 = arith.select %parallel_loop3A_793, %parallel_loop3A_808, %parallel_loop3A_705 : vector<16xi1>, vector<16xi32>
      %parallel_loop3A_810 = arith.constant 38 : i32
      %parallel_loop3A_811 = vector.broadcast %parallel_loop3A_810 : i32 to vector<16xi32>
      %parallel_loop3A_812 = arith.select %parallel_loop3A_794, %parallel_loop3A_811, %parallel_loop3A_706 : vector<16xi1>, vector<16xi32>
      %parallel_loop3A_813 = arith.constant 54 : i32
      %parallel_loop3A_814 = vector.broadcast %parallel_loop3A_813 : i32 to vector<16xi32>
      %parallel_loop3A_815 = arith.select %parallel_loop3A_795, %parallel_loop3A_814, %parallel_loop3A_707 : vector<16xi1>, vector<16xi32>
      %parallel_loop3A_816 = arith.select %parallel_loop3A_788, %parallel_loop3A_714, %parallel_loop3A_806 : vector<16xi1>, vector<16xi32>
      %parallel_loop3A_817 = arith.select %parallel_loop3A_789, %parallel_loop3A_717, %parallel_loop3A_809 : vector<16xi1>, vector<16xi32>
      %parallel_loop3A_818 = arith.select %parallel_loop3A_790, %parallel_loop3A_720, %parallel_loop3A_812 : vector<16xi1>, vector<16xi32>
      %parallel_loop3A_819 = arith.select %parallel_loop3A_791, %parallel_loop3A_723, %parallel_loop3A_815 : vector<16xi1>, vector<16xi32>
      %parallel_loop3A_820 = arith.select %parallel_loop3A_788, %parallel_loop3A_766, %parallel_loop3A_708 : vector<16xi1>, vector<16xf32>
      %parallel_loop3A_821 = arith.select %parallel_loop3A_789, %parallel_loop3A_773, %parallel_loop3A_709 : vector<16xi1>, vector<16xf32>
      %parallel_loop3A_822 = arith.select %parallel_loop3A_790, %parallel_loop3A_780, %parallel_loop3A_710 : vector<16xi1>, vector<16xf32>
      %parallel_loop3A_823 = arith.select %parallel_loop3A_791, %parallel_loop3A_787, %parallel_loop3A_711 : vector<16xi1>, vector<16xf32>
      %parallel_loop3A_824 = arith.constant 6 : i32
      %parallel_loop3A_825 = vector.broadcast %parallel_loop3A_824 : i32 to vector<16xi32>
      %parallel_loop3A_826 = arith.select %parallel_loop3A_788, %parallel_loop3A_825, %parallel_loop3A_714 : vector<16xi1>, vector<16xi32>
      %parallel_loop3A_827 = arith.constant 22 : i32
      %parallel_loop3A_828 = vector.broadcast %parallel_loop3A_827 : i32 to vector<16xi32>
      %parallel_loop3A_829 = arith.select %parallel_loop3A_789, %parallel_loop3A_828, %parallel_loop3A_717 : vector<16xi1>, vector<16xi32>
      %parallel_loop3A_830 = arith.constant 38 : i32
      %parallel_loop3A_831 = vector.broadcast %parallel_loop3A_830 : i32 to vector<16xi32>
      %parallel_loop3A_832 = arith.select %parallel_loop3A_790, %parallel_loop3A_831, %parallel_loop3A_720 : vector<16xi1>, vector<16xi32>
      %parallel_loop3A_833 = arith.constant 54 : i32
      %parallel_loop3A_834 = vector.broadcast %parallel_loop3A_833 : i32 to vector<16xi32>
      %parallel_loop3A_835 = arith.select %parallel_loop3A_791, %parallel_loop3A_834, %parallel_loop3A_723 : vector<16xi1>, vector<16xi32>
      %parallel_loop3A_836 = math.exp %parallel_loop3A_766 : vector<16xf32>
      %parallel_loop3A_837 = math.exp %parallel_loop3A_773 : vector<16xf32>
      %parallel_loop3A_838 = math.exp %parallel_loop3A_780 : vector<16xf32>
      %parallel_loop3A_839 = math.exp %parallel_loop3A_787 : vector<16xf32>
      %parallel_loop3A_840 = arith.addf %parallel_loop3A_728, %parallel_loop3A_836 : vector<16xf32>
      %parallel_loop3A_841 = arith.addf %parallel_loop3A_729, %parallel_loop3A_837 : vector<16xf32>
      %parallel_loop3A_842 = arith.addf %parallel_loop3A_730, %parallel_loop3A_838 : vector<16xf32>
      %parallel_loop3A_843 = arith.addf %parallel_loop3A_731, %parallel_loop3A_839 : vector<16xf32>
      %parallel_loop3A_844 = arith.constant 0 : i32
      %parallel_loop3A_845 = arith.constant 6 : i32
      %parallel_loop3A_846 = arith.index_cast %parallel_loop3A_844 : i32 to index
      %parallel_loop3A_847 = arith.index_cast %parallel_loop3A_43 : i32 to index
      %parallel_loop3A_848 = arith.index_cast %parallel_loop3A_845 : i32 to index
      %parallel_loop3A_849 = arith.index_cast %parallel_loop3A_61 : i32 to index
      %parallel_loop3A_850 = tpu.vector_load %arg7[%parallel_loop3A_846, %parallel_loop3A_847, %parallel_loop3A_848, %parallel_loop3A_849] {strides = array<i32>} : memref<8x4x8x128xf32, #tpu.memory_space<vmem>>, vector<16xf32>,
      tpu.vector_store %arg7[%parallel_loop3A_846, %parallel_loop3A_847, %parallel_loop3A_848, %parallel_loop3A_849], %parallel_loop3A_836 {strides = array<i32>} : memref<8x4x8x128xf32, #tpu.memory_space<vmem>>, vector<16xf32>,
      %parallel_loop3A_851 = arith.constant 2 : i32
      %parallel_loop3A_852 = arith.constant 6 : i32
      %parallel_loop3A_853 = arith.index_cast %parallel_loop3A_851 : i32 to index
      %parallel_loop3A_854 = arith.index_cast %parallel_loop3A_43 : i32 to index
      %parallel_loop3A_855 = arith.index_cast %parallel_loop3A_852 : i32 to index
      %parallel_loop3A_856 = arith.index_cast %parallel_loop3A_61 : i32 to index
      %parallel_loop3A_857 = tpu.vector_load %arg7[%parallel_loop3A_853, %parallel_loop3A_854, %parallel_loop3A_855, %parallel_loop3A_856] {strides = array<i32>} : memref<8x4x8x128xf32, #tpu.memory_space<vmem>>, vector<16xf32>,
      tpu.vector_store %arg7[%parallel_loop3A_853, %parallel_loop3A_854, %parallel_loop3A_855, %parallel_loop3A_856], %parallel_loop3A_837 {strides = array<i32>} : memref<8x4x8x128xf32, #tpu.memory_space<vmem>>, vector<16xf32>,
      %parallel_loop3A_858 = arith.constant 4 : i32
      %parallel_loop3A_859 = arith.constant 6 : i32
      %parallel_loop3A_860 = arith.index_cast %parallel_loop3A_858 : i32 to index
      %parallel_loop3A_861 = arith.index_cast %parallel_loop3A_43 : i32 to index
      %parallel_loop3A_862 = arith.index_cast %parallel_loop3A_859 : i32 to index
      %parallel_loop3A_863 = arith.index_cast %parallel_loop3A_61 : i32 to index
      %parallel_loop3A_864 = tpu.vector_load %arg7[%parallel_loop3A_860, %parallel_loop3A_861, %parallel_loop3A_862, %parallel_loop3A_863] {strides = array<i32>} : memref<8x4x8x128xf32, #tpu.memory_space<vmem>>, vector<16xf32>,
      tpu.vector_store %arg7[%parallel_loop3A_860, %parallel_loop3A_861, %parallel_loop3A_862, %parallel_loop3A_863], %parallel_loop3A_838 {strides = array<i32>} : memref<8x4x8x128xf32, #tpu.memory_space<vmem>>, vector<16xf32>,
      %parallel_loop3A_865 = arith.constant 6 : i32
      %parallel_loop3A_866 = arith.constant 6 : i32
      %parallel_loop3A_867 = arith.index_cast %parallel_loop3A_865 : i32 to index
      %parallel_loop3A_868 = arith.index_cast %parallel_loop3A_43 : i32 to index
      %parallel_loop3A_869 = arith.index_cast %parallel_loop3A_866 : i32 to index
      %parallel_loop3A_870 = arith.index_cast %parallel_loop3A_61 : i32 to index
      %parallel_loop3A_871 = tpu.vector_load %arg7[%parallel_loop3A_867, %parallel_loop3A_868, %parallel_loop3A_869, %parallel_loop3A_870] {strides = array<i32>} : memref<8x4x8x128xf32, #tpu.memory_space<vmem>>, vector<16xf32>,
      tpu.vector_store %arg7[%parallel_loop3A_867, %parallel_loop3A_868, %parallel_loop3A_869, %parallel_loop3A_870], %parallel_loop3A_839 {strides = array<i32>} : memref<8x4x8x128xf32, #tpu.memory_space<vmem>>, vector<16xf32>,
      %parallel_loop3A_872 = arith.constant 0 : i32
      %parallel_loop3A_873 = arith.constant 7 : i32
      %parallel_loop3A_874 = arith.index_cast %parallel_loop3A_872 : i32 to index
      %parallel_loop3A_875 = arith.index_cast %parallel_loop3A_43 : i32 to index
      %parallel_loop3A_876 = arith.index_cast %parallel_loop3A_873 : i32 to index
      %parallel_loop3A_877 = arith.index_cast %parallel_loop3A_61 : i32 to index
      %parallel_loop3A_878 = tpu.vector_load %arg6[%parallel_loop3A_874, %parallel_loop3A_875, %parallel_loop3A_876, %parallel_loop3A_877] {strides = array<i32>} : memref<8x4x8x128xf32, #tpu.memory_space<vmem>>, vector<16xf32>,
      %parallel_loop3A_879 = arith.constant 2 : i32
      %parallel_loop3A_880 = arith.constant 7 : i32
      %parallel_loop3A_881 = arith.index_cast %parallel_loop3A_879 : i32 to index
      %parallel_loop3A_882 = arith.index_cast %parallel_loop3A_43 : i32 to index
      %parallel_loop3A_883 = arith.index_cast %parallel_loop3A_880 : i32 to index
      %parallel_loop3A_884 = arith.index_cast %parallel_loop3A_61 : i32 to index
      %parallel_loop3A_885 = tpu.vector_load %arg6[%parallel_loop3A_881, %parallel_loop3A_882, %parallel_loop3A_883, %parallel_loop3A_884] {strides = array<i32>} : memref<8x4x8x128xf32, #tpu.memory_space<vmem>>, vector<16xf32>,
      %parallel_loop3A_886 = arith.constant 4 : i32
      %parallel_loop3A_887 = arith.constant 7 : i32
      %parallel_loop3A_888 = arith.index_cast %parallel_loop3A_886 : i32 to index
      %parallel_loop3A_889 = arith.index_cast %parallel_loop3A_43 : i32 to index
      %parallel_loop3A_890 = arith.index_cast %parallel_loop3A_887 : i32 to index
      %parallel_loop3A_891 = arith.index_cast %parallel_loop3A_61 : i32 to index
      %parallel_loop3A_892 = tpu.vector_load %arg6[%parallel_loop3A_888, %parallel_loop3A_889, %parallel_loop3A_890, %parallel_loop3A_891] {strides = array<i32>} : memref<8x4x8x128xf32, #tpu.memory_space<vmem>>, vector<16xf32>,
      %parallel_loop3A_893 = arith.constant 6 : i32
      %parallel_loop3A_894 = arith.constant 7 : i32
      %parallel_loop3A_895 = arith.index_cast %parallel_loop3A_893 : i32 to index
      %parallel_loop3A_896 = arith.index_cast %parallel_loop3A_43 : i32 to index
      %parallel_loop3A_897 = arith.index_cast %parallel_loop3A_894 : i32 to index
      %parallel_loop3A_898 = arith.index_cast %parallel_loop3A_61 : i32 to index
      %parallel_loop3A_899 = tpu.vector_load %arg6[%parallel_loop3A_895, %parallel_loop3A_896, %parallel_loop3A_897, %parallel_loop3A_898] {strides = array<i32>} : memref<8x4x8x128xf32, #tpu.memory_space<vmem>>, vector<16xf32>,
      %parallel_loop3A_900 = arith.cmpf ogt, %parallel_loop3A_878, %parallel_loop3A_820 : vector<16xf32>
      %parallel_loop3A_901 = arith.cmpf ogt, %parallel_loop3A_885, %parallel_loop3A_821 : vector<16xf32>
      %parallel_loop3A_902 = arith.cmpf ogt, %parallel_loop3A_892, %parallel_loop3A_822 : vector<16xf32>
      %parallel_loop3A_903 = arith.cmpf ogt, %parallel_loop3A_899, %parallel_loop3A_823 : vector<16xf32>
      %parallel_loop3A_904 = arith.cmpf ogt, %parallel_loop3A_878, %parallel_loop3A_800 : vector<16xf32>
      %parallel_loop3A_905 = arith.cmpf ogt, %parallel_loop3A_885, %parallel_loop3A_801 : vector<16xf32>
      %parallel_loop3A_906 = arith.cmpf ogt, %parallel_loop3A_892, %parallel_loop3A_802 : vector<16xf32>
      %parallel_loop3A_907 = arith.cmpf ogt, %parallel_loop3A_899, %parallel_loop3A_803 : vector<16xf32>
      %parallel_loop3A_908 = arith.select %parallel_loop3A_904, %parallel_loop3A_878, %parallel_loop3A_800 : vector<16xi1>, vector<16xf32>
      %parallel_loop3A_909 = arith.select %parallel_loop3A_905, %parallel_loop3A_885, %parallel_loop3A_801 : vector<16xi1>, vector<16xf32>
      %parallel_loop3A_910 = arith.select %parallel_loop3A_906, %parallel_loop3A_892, %parallel_loop3A_802 : vector<16xi1>, vector<16xf32>
      %parallel_loop3A_911 = arith.select %parallel_loop3A_907, %parallel_loop3A_899, %parallel_loop3A_803 : vector<16xi1>, vector<16xf32>
      %parallel_loop3A_912 = arith.select %parallel_loop3A_900, %parallel_loop3A_820, %parallel_loop3A_908 : vector<16xi1>, vector<16xf32>
      %parallel_loop3A_913 = arith.select %parallel_loop3A_901, %parallel_loop3A_821, %parallel_loop3A_909 : vector<16xi1>, vector<16xf32>
      %parallel_loop3A_914 = arith.select %parallel_loop3A_902, %parallel_loop3A_822, %parallel_loop3A_910 : vector<16xi1>, vector<16xf32>
      %parallel_loop3A_915 = arith.select %parallel_loop3A_903, %parallel_loop3A_823, %parallel_loop3A_911 : vector<16xi1>, vector<16xf32>
      %parallel_loop3A_916 = arith.constant 7 : i32
      %parallel_loop3A_917 = vector.broadcast %parallel_loop3A_916 : i32 to vector<16xi32>
      %parallel_loop3A_918 = arith.select %parallel_loop3A_904, %parallel_loop3A_917, %parallel_loop3A_816 : vector<16xi1>, vector<16xi32>
      %parallel_loop3A_919 = arith.constant 23 : i32
      %parallel_loop3A_920 = vector.broadcast %parallel_loop3A_919 : i32 to vector<16xi32>
      %parallel_loop3A_921 = arith.select %parallel_loop3A_905, %parallel_loop3A_920, %parallel_loop3A_817 : vector<16xi1>, vector<16xi32>
      %parallel_loop3A_922 = arith.constant 39 : i32
      %parallel_loop3A_923 = vector.broadcast %parallel_loop3A_922 : i32 to vector<16xi32>
      %parallel_loop3A_924 = arith.select %parallel_loop3A_906, %parallel_loop3A_923, %parallel_loop3A_818 : vector<16xi1>, vector<16xi32>
      %parallel_loop3A_925 = arith.constant 55 : i32
      %parallel_loop3A_926 = vector.broadcast %parallel_loop3A_925 : i32 to vector<16xi32>
      %parallel_loop3A_927 = arith.select %parallel_loop3A_907, %parallel_loop3A_926, %parallel_loop3A_819 : vector<16xi1>, vector<16xi32>
      %parallel_loop3A_928 = arith.select %parallel_loop3A_900, %parallel_loop3A_826, %parallel_loop3A_918 : vector<16xi1>, vector<16xi32>
      %parallel_loop3A_929 = arith.select %parallel_loop3A_901, %parallel_loop3A_829, %parallel_loop3A_921 : vector<16xi1>, vector<16xi32>
      %parallel_loop3A_930 = arith.select %parallel_loop3A_902, %parallel_loop3A_832, %parallel_loop3A_924 : vector<16xi1>, vector<16xi32>
      %parallel_loop3A_931 = arith.select %parallel_loop3A_903, %parallel_loop3A_835, %parallel_loop3A_927 : vector<16xi1>, vector<16xi32>
      %parallel_loop3A_932 = arith.select %parallel_loop3A_900, %parallel_loop3A_878, %parallel_loop3A_820 : vector<16xi1>, vector<16xf32>
      %parallel_loop3A_933 = arith.select %parallel_loop3A_901, %parallel_loop3A_885, %parallel_loop3A_821 : vector<16xi1>, vector<16xf32>
      %parallel_loop3A_934 = arith.select %parallel_loop3A_902, %parallel_loop3A_892, %parallel_loop3A_822 : vector<16xi1>, vector<16xf32>
      %parallel_loop3A_935 = arith.select %parallel_loop3A_903, %parallel_loop3A_899, %parallel_loop3A_823 : vector<16xi1>, vector<16xf32>
      %parallel_loop3A_936 = arith.constant 7 : i32
      %parallel_loop3A_937 = vector.broadcast %parallel_loop3A_936 : i32 to vector<16xi32>
      %parallel_loop3A_938 = arith.select %parallel_loop3A_900, %parallel_loop3A_937, %parallel_loop3A_826 : vector<16xi1>, vector<16xi32>
      %parallel_loop3A_939 = arith.constant 23 : i32
      %parallel_loop3A_940 = vector.broadcast %parallel_loop3A_939 : i32 to vector<16xi32>
      %parallel_loop3A_941 = arith.select %parallel_loop3A_901, %parallel_loop3A_940, %parallel_loop3A_829 : vector<16xi1>, vector<16xi32>
      %parallel_loop3A_942 = arith.constant 39 : i32
      %parallel_loop3A_943 = vector.broadcast %parallel_loop3A_942 : i32 to vector<16xi32>
      %parallel_loop3A_944 = arith.select %parallel_loop3A_902, %parallel_loop3A_943, %parallel_loop3A_832 : vector<16xi1>, vector<16xi32>
      %parallel_loop3A_945 = arith.constant 55 : i32
      %parallel_loop3A_946 = vector.broadcast %parallel_loop3A_945 : i32 to vector<16xi32>
      %parallel_loop3A_947 = arith.select %parallel_loop3A_903, %parallel_loop3A_946, %parallel_loop3A_835 : vector<16xi1>, vector<16xi32>
      %parallel_loop3A_948 = math.exp %parallel_loop3A_878 : vector<16xf32>
      %parallel_loop3A_949 = math.exp %parallel_loop3A_885 : vector<16xf32>
      %parallel_loop3A_950 = math.exp %parallel_loop3A_892 : vector<16xf32>
      %parallel_loop3A_951 = math.exp %parallel_loop3A_899 : vector<16xf32>
      %parallel_loop3A_952 = arith.addf %parallel_loop3A_840, %parallel_loop3A_948 : vector<16xf32>
      %parallel_loop3A_953 = arith.addf %parallel_loop3A_841, %parallel_loop3A_949 : vector<16xf32>
      %parallel_loop3A_954 = arith.addf %parallel_loop3A_842, %parallel_loop3A_950 : vector<16xf32>
      %parallel_loop3A_955 = arith.addf %parallel_loop3A_843, %parallel_loop3A_951 : vector<16xf32>
      %parallel_loop3A_956 = arith.constant 0 : i32
      %parallel_loop3A_957 = arith.constant 7 : i32
      %parallel_loop3A_958 = arith.index_cast %parallel_loop3A_956 : i32 to index
      %parallel_loop3A_959 = arith.index_cast %parallel_loop3A_43 : i32 to index
      %parallel_loop3A_960 = arith.index_cast %parallel_loop3A_957 : i32 to index
      %parallel_loop3A_961 = arith.index_cast %parallel_loop3A_61 : i32 to index
      %parallel_loop3A_962 = tpu.vector_load %arg7[%parallel_loop3A_958, %parallel_loop3A_959, %parallel_loop3A_960, %parallel_loop3A_961] {strides = array<i32>} : memref<8x4x8x128xf32, #tpu.memory_space<vmem>>, vector<16xf32>,
      tpu.vector_store %arg7[%parallel_loop3A_958, %parallel_loop3A_959, %parallel_loop3A_960, %parallel_loop3A_961], %parallel_loop3A_948 {strides = array<i32>} : memref<8x4x8x128xf32, #tpu.memory_space<vmem>>, vector<16xf32>,
      %parallel_loop3A_963 = arith.constant 2 : i32
      %parallel_loop3A_964 = arith.constant 7 : i32
      %parallel_loop3A_965 = arith.index_cast %parallel_loop3A_963 : i32 to index
      %parallel_loop3A_966 = arith.index_cast %parallel_loop3A_43 : i32 to index
      %parallel_loop3A_967 = arith.index_cast %parallel_loop3A_964 : i32 to index
      %parallel_loop3A_968 = arith.index_cast %parallel_loop3A_61 : i32 to index
      %parallel_loop3A_969 = tpu.vector_load %arg7[%parallel_loop3A_965, %parallel_loop3A_966, %parallel_loop3A_967, %parallel_loop3A_968] {strides = array<i32>} : memref<8x4x8x128xf32, #tpu.memory_space<vmem>>, vector<16xf32>,
      tpu.vector_store %arg7[%parallel_loop3A_965, %parallel_loop3A_966, %parallel_loop3A_967, %parallel_loop3A_968], %parallel_loop3A_949 {strides = array<i32>} : memref<8x4x8x128xf32, #tpu.memory_space<vmem>>, vector<16xf32>,
      %parallel_loop3A_970 = arith.constant 4 : i32
      %parallel_loop3A_971 = arith.constant 7 : i32
      %parallel_loop3A_972 = arith.index_cast %parallel_loop3A_970 : i32 to index
      %parallel_loop3A_973 = arith.index_cast %parallel_loop3A_43 : i32 to index
      %parallel_loop3A_974 = arith.index_cast %parallel_loop3A_971 : i32 to index
      %parallel_loop3A_975 = arith.index_cast %parallel_loop3A_61 : i32 to index
      %parallel_loop3A_976 = tpu.vector_load %arg7[%parallel_loop3A_972, %parallel_loop3A_973, %parallel_loop3A_974, %parallel_loop3A_975] {strides = array<i32>} : memref<8x4x8x128xf32, #tpu.memory_space<vmem>>, vector<16xf32>,
      tpu.vector_store %arg7[%parallel_loop3A_972, %parallel_loop3A_973, %parallel_loop3A_974, %parallel_loop3A_975], %parallel_loop3A_950 {strides = array<i32>} : memref<8x4x8x128xf32, #tpu.memory_space<vmem>>, vector<16xf32>,
      %parallel_loop3A_977 = arith.constant 6 : i32
      %parallel_loop3A_978 = arith.constant 7 : i32
      %parallel_loop3A_979 = arith.index_cast %parallel_loop3A_977 : i32 to index
      %parallel_loop3A_980 = arith.index_cast %parallel_loop3A_43 : i32 to index
      %parallel_loop3A_981 = arith.index_cast %parallel_loop3A_978 : i32 to index
      %parallel_loop3A_982 = arith.index_cast %parallel_loop3A_61 : i32 to index
      %parallel_loop3A_983 = tpu.vector_load %arg7[%parallel_loop3A_979, %parallel_loop3A_980, %parallel_loop3A_981, %parallel_loop3A_982] {strides = array<i32>} : memref<8x4x8x128xf32, #tpu.memory_space<vmem>>, vector<16xf32>,
      tpu.vector_store %arg7[%parallel_loop3A_979, %parallel_loop3A_980, %parallel_loop3A_981, %parallel_loop3A_982], %parallel_loop3A_951 {strides = array<i32>} : memref<8x4x8x128xf32, #tpu.memory_space<vmem>>, vector<16xf32>,
      %parallel_loop3A_984 = arith.constant 1 : i32
      %parallel_loop3A_985 = arith.constant 0 : i32
      %parallel_loop3A_986 = arith.index_cast %parallel_loop3A_984 : i32 to index
      %parallel_loop3A_987 = arith.index_cast %parallel_loop3A_43 : i32 to index
      %parallel_loop3A_988 = arith.index_cast %parallel_loop3A_985 : i32 to index
      %parallel_loop3A_989 = arith.index_cast %parallel_loop3A_61 : i32 to index
      %parallel_loop3A_990 = tpu.vector_load %arg6[%parallel_loop3A_986, %parallel_loop3A_987, %parallel_loop3A_988, %parallel_loop3A_989] {strides = array<i32>} : memref<8x4x8x128xf32, #tpu.memory_space<vmem>>, vector<16xf32>,
      %parallel_loop3A_991 = arith.constant 3 : i32
      %parallel_loop3A_992 = arith.constant 0 : i32
      %parallel_loop3A_993 = arith.index_cast %parallel_loop3A_991 : i32 to index
      %parallel_loop3A_994 = arith.index_cast %parallel_loop3A_43 : i32 to index
      %parallel_loop3A_995 = arith.index_cast %parallel_loop3A_992 : i32 to index
      %parallel_loop3A_996 = arith.index_cast %parallel_loop3A_61 : i32 to index
      %parallel_loop3A_997 = tpu.vector_load %arg6[%parallel_loop3A_993, %parallel_loop3A_994, %parallel_loop3A_995, %parallel_loop3A_996] {strides = array<i32>} : memref<8x4x8x128xf32, #tpu.memory_space<vmem>>, vector<16xf32>,
      %parallel_loop3A_998 = arith.constant 5 : i32
      %parallel_loop3A_999 = arith.constant 0 : i32
      %parallel_loop3A_1000 = arith.index_cast %parallel_loop3A_998 : i32 to index
      %parallel_loop3A_1001 = arith.index_cast %parallel_loop3A_43 : i32 to index
      %parallel_loop3A_1002 = arith.index_cast %parallel_loop3A_999 : i32 to index
      %parallel_loop3A_1003 = arith.index_cast %parallel_loop3A_61 : i32 to index
      %parallel_loop3A_1004 = tpu.vector_load %arg6[%parallel_loop3A_1000, %parallel_loop3A_1001, %parallel_loop3A_1002, %parallel_loop3A_1003] {strides = array<i32>} : memref<8x4x8x128xf32, #tpu.memory_space<vmem>>, vector<16xf32>,
      %parallel_loop3A_1005 = arith.constant 7 : i32
      %parallel_loop3A_1006 = arith.constant 0 : i32
      %parallel_loop3A_1007 = arith.index_cast %parallel_loop3A_1005 : i32 to index
      %parallel_loop3A_1008 = arith.index_cast %parallel_loop3A_43 : i32 to index
      %parallel_loop3A_1009 = arith.index_cast %parallel_loop3A_1006 : i32 to index
      %parallel_loop3A_1010 = arith.index_cast %parallel_loop3A_61 : i32 to index
      %parallel_loop3A_1011 = tpu.vector_load %arg6[%parallel_loop3A_1007, %parallel_loop3A_1008, %parallel_loop3A_1009, %parallel_loop3A_1010] {strides = array<i32>} : memref<8x4x8x128xf32, #tpu.memory_space<vmem>>, vector<16xf32>,
      %parallel_loop3A_1012 = arith.cmpf ogt, %parallel_loop3A_990, %parallel_loop3A_932 : vector<16xf32>
      %parallel_loop3A_1013 = arith.cmpf ogt, %parallel_loop3A_997, %parallel_loop3A_933 : vector<16xf32>
      %parallel_loop3A_1014 = arith.cmpf ogt, %parallel_loop3A_1004, %parallel_loop3A_934 : vector<16xf32>
      %parallel_loop3A_1015 = arith.cmpf ogt, %parallel_loop3A_1011, %parallel_loop3A_935 : vector<16xf32>
      %parallel_loop3A_1016 = arith.cmpf ogt, %parallel_loop3A_990, %parallel_loop3A_912 : vector<16xf32>
      %parallel_loop3A_1017 = arith.cmpf ogt, %parallel_loop3A_997, %parallel_loop3A_913 : vector<16xf32>
      %parallel_loop3A_1018 = arith.cmpf ogt, %parallel_loop3A_1004, %parallel_loop3A_914 : vector<16xf32>
      %parallel_loop3A_1019 = arith.cmpf ogt, %parallel_loop3A_1011, %parallel_loop3A_915 : vector<16xf32>
      %parallel_loop3A_1020 = arith.select %parallel_loop3A_1016, %parallel_loop3A_990, %parallel_loop3A_912 : vector<16xi1>, vector<16xf32>
      %parallel_loop3A_1021 = arith.select %parallel_loop3A_1017, %parallel_loop3A_997, %parallel_loop3A_913 : vector<16xi1>, vector<16xf32>
      %parallel_loop3A_1022 = arith.select %parallel_loop3A_1018, %parallel_loop3A_1004, %parallel_loop3A_914 : vector<16xi1>, vector<16xf32>
      %parallel_loop3A_1023 = arith.select %parallel_loop3A_1019, %parallel_loop3A_1011, %parallel_loop3A_915 : vector<16xi1>, vector<16xf32>
      %parallel_loop3A_1024 = arith.select %parallel_loop3A_1012, %parallel_loop3A_932, %parallel_loop3A_1020 : vector<16xi1>, vector<16xf32>
      %parallel_loop3A_1025 = arith.select %parallel_loop3A_1013, %parallel_loop3A_933, %parallel_loop3A_1021 : vector<16xi1>, vector<16xf32>
      %parallel_loop3A_1026 = arith.select %parallel_loop3A_1014, %parallel_loop3A_934, %parallel_loop3A_1022 : vector<16xi1>, vector<16xf32>
      %parallel_loop3A_1027 = arith.select %parallel_loop3A_1015, %parallel_loop3A_935, %parallel_loop3A_1023 : vector<16xi1>, vector<16xf32>
      %parallel_loop3A_1028 = arith.constant 8 : i32
      %parallel_loop3A_1029 = vector.broadcast %parallel_loop3A_1028 : i32 to vector<16xi32>
      %parallel_loop3A_1030 = arith.select %parallel_loop3A_1016, %parallel_loop3A_1029, %parallel_loop3A_928 : vector<16xi1>, vector<16xi32>
      %parallel_loop3A_1031 = arith.constant 24 : i32
      %parallel_loop3A_1032 = vector.broadcast %parallel_loop3A_1031 : i32 to vector<16xi32>
      %parallel_loop3A_1033 = arith.select %parallel_loop3A_1017, %parallel_loop3A_1032, %parallel_loop3A_929 : vector<16xi1>, vector<16xi32>
      %parallel_loop3A_1034 = arith.constant 40 : i32
      %parallel_loop3A_1035 = vector.broadcast %parallel_loop3A_1034 : i32 to vector<16xi32>
      %parallel_loop3A_1036 = arith.select %parallel_loop3A_1018, %parallel_loop3A_1035, %parallel_loop3A_930 : vector<16xi1>, vector<16xi32>
      %parallel_loop3A_1037 = arith.constant 56 : i32
      %parallel_loop3A_1038 = vector.broadcast %parallel_loop3A_1037 : i32 to vector<16xi32>
      %parallel_loop3A_1039 = arith.select %parallel_loop3A_1019, %parallel_loop3A_1038, %parallel_loop3A_931 : vector<16xi1>, vector<16xi32>
      %parallel_loop3A_1040 = arith.select %parallel_loop3A_1012, %parallel_loop3A_938, %parallel_loop3A_1030 : vector<16xi1>, vector<16xi32>
      %parallel_loop3A_1041 = arith.select %parallel_loop3A_1013, %parallel_loop3A_941, %parallel_loop3A_1033 : vector<16xi1>, vector<16xi32>
      %parallel_loop3A_1042 = arith.select %parallel_loop3A_1014, %parallel_loop3A_944, %parallel_loop3A_1036 : vector<16xi1>, vector<16xi32>
      %parallel_loop3A_1043 = arith.select %parallel_loop3A_1015, %parallel_loop3A_947, %parallel_loop3A_1039 : vector<16xi1>, vector<16xi32>
      %parallel_loop3A_1044 = arith.select %parallel_loop3A_1012, %parallel_loop3A_990, %parallel_loop3A_932 : vector<16xi1>, vector<16xf32>
      %parallel_loop3A_1045 = arith.select %parallel_loop3A_1013, %parallel_loop3A_997, %parallel_loop3A_933 : vector<16xi1>, vector<16xf32>
      %parallel_loop3A_1046 = arith.select %parallel_loop3A_1014, %parallel_loop3A_1004, %parallel_loop3A_934 : vector<16xi1>, vector<16xf32>
      %parallel_loop3A_1047 = arith.select %parallel_loop3A_1015, %parallel_loop3A_1011, %parallel_loop3A_935 : vector<16xi1>, vector<16xf32>
      %parallel_loop3A_1048 = arith.constant 8 : i32
      %parallel_loop3A_1049 = vector.broadcast %parallel_loop3A_1048 : i32 to vector<16xi32>
      %parallel_loop3A_1050 = arith.select %parallel_loop3A_1012, %parallel_loop3A_1049, %parallel_loop3A_938 : vector<16xi1>, vector<16xi32>
      %parallel_loop3A_1051 = arith.constant 24 : i32
      %parallel_loop3A_1052 = vector.broadcast %parallel_loop3A_1051 : i32 to vector<16xi32>
      %parallel_loop3A_1053 = arith.select %parallel_loop3A_1013, %parallel_loop3A_1052, %parallel_loop3A_941 : vector<16xi1>, vector<16xi32>
      %parallel_loop3A_1054 = arith.constant 40 : i32
      %parallel_loop3A_1055 = vector.broadcast %parallel_loop3A_1054 : i32 to vector<16xi32>
      %parallel_loop3A_1056 = arith.select %parallel_loop3A_1014, %parallel_loop3A_1055, %parallel_loop3A_944 : vector<16xi1>, vector<16xi32>
      %parallel_loop3A_1057 = arith.constant 56 : i32
      %parallel_loop3A_1058 = vector.broadcast %parallel_loop3A_1057 : i32 to vector<16xi32>
      %parallel_loop3A_1059 = arith.select %parallel_loop3A_1015, %parallel_loop3A_1058, %parallel_loop3A_947 : vector<16xi1>, vector<16xi32>
      %parallel_loop3A_1060 = math.exp %parallel_loop3A_990 : vector<16xf32>
      %parallel_loop3A_1061 = math.exp %parallel_loop3A_997 : vector<16xf32>
      %parallel_loop3A_1062 = math.exp %parallel_loop3A_1004 : vector<16xf32>
      %parallel_loop3A_1063 = math.exp %parallel_loop3A_1011 : vector<16xf32>
      %parallel_loop3A_1064 = arith.addf %parallel_loop3A_952, %parallel_loop3A_1060 : vector<16xf32>
      %parallel_loop3A_1065 = arith.addf %parallel_loop3A_953, %parallel_loop3A_1061 : vector<16xf32>
      %parallel_loop3A_1066 = arith.addf %parallel_loop3A_954, %parallel_loop3A_1062 : vector<16xf32>
      %parallel_loop3A_1067 = arith.addf %parallel_loop3A_955, %parallel_loop3A_1063 : vector<16xf32>
      %parallel_loop3A_1068 = arith.constant 1 : i32
      %parallel_loop3A_1069 = arith.constant 0 : i32
      %parallel_loop3A_1070 = arith.index_cast %parallel_loop3A_1068 : i32 to index
      %parallel_loop3A_1071 = arith.index_cast %parallel_loop3A_43 : i32 to index
      %parallel_loop3A_1072 = arith.index_cast %parallel_loop3A_1069 : i32 to index
      %parallel_loop3A_1073 = arith.index_cast %parallel_loop3A_61 : i32 to index
      %parallel_loop3A_1074 = tpu.vector_load %arg7[%parallel_loop3A_1070, %parallel_loop3A_1071, %parallel_loop3A_1072, %parallel_loop3A_1073] {strides = array<i32>} : memref<8x4x8x128xf32, #tpu.memory_space<vmem>>, vector<16xf32>,
      tpu.vector_store %arg7[%parallel_loop3A_1070, %parallel_loop3A_1071, %parallel_loop3A_1072, %parallel_loop3A_1073], %parallel_loop3A_1060 {strides = array<i32>} : memref<8x4x8x128xf32, #tpu.memory_space<vmem>>, vector<16xf32>,
      %parallel_loop3A_1075 = arith.constant 3 : i32
      %parallel_loop3A_1076 = arith.constant 0 : i32
      %parallel_loop3A_1077 = arith.index_cast %parallel_loop3A_1075 : i32 to index
      %parallel_loop3A_1078 = arith.index_cast %parallel_loop3A_43 : i32 to index
      %parallel_loop3A_1079 = arith.index_cast %parallel_loop3A_1076 : i32 to index
      %parallel_loop3A_1080 = arith.index_cast %parallel_loop3A_61 : i32 to index
      %parallel_loop3A_1081 = tpu.vector_load %arg7[%parallel_loop3A_1077, %parallel_loop3A_1078, %parallel_loop3A_1079, %parallel_loop3A_1080] {strides = array<i32>} : memref<8x4x8x128xf32, #tpu.memory_space<vmem>>, vector<16xf32>,
      tpu.vector_store %arg7[%parallel_loop3A_1077, %parallel_loop3A_1078, %parallel_loop3A_1079, %parallel_loop3A_1080], %parallel_loop3A_1061 {strides = array<i32>} : memref<8x4x8x128xf32, #tpu.memory_space<vmem>>, vector<16xf32>,
      %parallel_loop3A_1082 = arith.constant 5 : i32
      %parallel_loop3A_1083 = arith.constant 0 : i32
      %parallel_loop3A_1084 = arith.index_cast %parallel_loop3A_1082 : i32 to index
      %parallel_loop3A_1085 = arith.index_cast %parallel_loop3A_43 : i32 to index
      %parallel_loop3A_1086 = arith.index_cast %parallel_loop3A_1083 : i32 to index
      %parallel_loop3A_1087 = arith.index_cast %parallel_loop3A_61 : i32 to index
      %parallel_loop3A_1088 = tpu.vector_load %arg7[%parallel_loop3A_1084, %parallel_loop3A_1085, %parallel_loop3A_1086, %parallel_loop3A_1087] {strides = array<i32>} : memref<8x4x8x128xf32, #tpu.memory_space<vmem>>, vector<16xf32>,
      tpu.vector_store %arg7[%parallel_loop3A_1084, %parallel_loop3A_1085, %parallel_loop3A_1086, %parallel_loop3A_1087], %parallel_loop3A_1062 {strides = array<i32>} : memref<8x4x8x128xf32, #tpu.memory_space<vmem>>, vector<16xf32>,
      %parallel_loop3A_1089 = arith.constant 7 : i32
      %parallel_loop3A_1090 = arith.constant 0 : i32
      %parallel_loop3A_1091 = arith.index_cast %parallel_loop3A_1089 : i32 to index
      %parallel_loop3A_1092 = arith.index_cast %parallel_loop3A_43 : i32 to index
      %parallel_loop3A_1093 = arith.index_cast %parallel_loop3A_1090 : i32 to index
      %parallel_loop3A_1094 = arith.index_cast %parallel_loop3A_61 : i32 to index
      %parallel_loop3A_1095 = tpu.vector_load %arg7[%parallel_loop3A_1091, %parallel_loop3A_1092, %parallel_loop3A_1093, %parallel_loop3A_1094] {strides = array<i32>} : memref<8x4x8x128xf32, #tpu.memory_space<vmem>>, vector<16xf32>,
      tpu.vector_store %arg7[%parallel_loop3A_1091, %parallel_loop3A_1092, %parallel_loop3A_1093, %parallel_loop3A_1094], %parallel_loop3A_1063 {strides = array<i32>} : memref<8x4x8x128xf32, #tpu.memory_space<vmem>>, vector<16xf32>,
      %parallel_loop3A_1096 = arith.constant 1 : i32
      %parallel_loop3A_1097 = arith.constant 1 : i32
      %parallel_loop3A_1098 = arith.index_cast %parallel_loop3A_1096 : i32 to index
      %parallel_loop3A_1099 = arith.index_cast %parallel_loop3A_43 : i32 to index
      %parallel_loop3A_1100 = arith.index_cast %parallel_loop3A_1097 : i32 to index
      %parallel_loop3A_1101 = arith.index_cast %parallel_loop3A_61 : i32 to index
      %parallel_loop3A_1102 = tpu.vector_load %arg6[%parallel_loop3A_1098, %parallel_loop3A_1099, %parallel_loop3A_1100, %parallel_loop3A_1101] {strides = array<i32>} : memref<8x4x8x128xf32, #tpu.memory_space<vmem>>, vector<16xf32>,
      %parallel_loop3A_1103 = arith.constant 3 : i32
      %parallel_loop3A_1104 = arith.constant 1 : i32
      %parallel_loop3A_1105 = arith.index_cast %parallel_loop3A_1103 : i32 to index
      %parallel_loop3A_1106 = arith.index_cast %parallel_loop3A_43 : i32 to index
      %parallel_loop3A_1107 = arith.index_cast %parallel_loop3A_1104 : i32 to index
      %parallel_loop3A_1108 = arith.index_cast %parallel_loop3A_61 : i32 to index
      %parallel_loop3A_1109 = tpu.vector_load %arg6[%parallel_loop3A_1105, %parallel_loop3A_1106, %parallel_loop3A_1107, %parallel_loop3A_1108] {strides = array<i32>} : memref<8x4x8x128xf32, #tpu.memory_space<vmem>>, vector<16xf32>,
      %parallel_loop3A_1110 = arith.constant 5 : i32
      %parallel_loop3A_1111 = arith.constant 1 : i32
      %parallel_loop3A_1112 = arith.index_cast %parallel_loop3A_1110 : i32 to index
      %parallel_loop3A_1113 = arith.index_cast %parallel_loop3A_43 : i32 to index
      %parallel_loop3A_1114 = arith.index_cast %parallel_loop3A_1111 : i32 to index
      %parallel_loop3A_1115 = arith.index_cast %parallel_loop3A_61 : i32 to index
      %parallel_loop3A_1116 = tpu.vector_load %arg6[%parallel_loop3A_1112, %parallel_loop3A_1113, %parallel_loop3A_1114, %parallel_loop3A_1115] {strides = array<i32>} : memref<8x4x8x128xf32, #tpu.memory_space<vmem>>, vector<16xf32>,
      %parallel_loop3A_1117 = arith.constant 7 : i32
      %parallel_loop3A_1118 = arith.constant 1 : i32
      %parallel_loop3A_1119 = arith.index_cast %parallel_loop3A_1117 : i32 to index
      %parallel_loop3A_1120 = arith.index_cast %parallel_loop3A_43 : i32 to index
      %parallel_loop3A_1121 = arith.index_cast %parallel_loop3A_1118 : i32 to index
      %parallel_loop3A_1122 = arith.index_cast %parallel_loop3A_61 : i32 to index
      %parallel_loop3A_1123 = tpu.vector_load %arg6[%parallel_loop3A_1119, %parallel_loop3A_1120, %parallel_loop3A_1121, %parallel_loop3A_1122] {strides = array<i32>} : memref<8x4x8x128xf32, #tpu.memory_space<vmem>>, vector<16xf32>,
      %parallel_loop3A_1124 = arith.cmpf ogt, %parallel_loop3A_1102, %parallel_loop3A_1044 : vector<16xf32>
      %parallel_loop3A_1125 = arith.cmpf ogt, %parallel_loop3A_1109, %parallel_loop3A_1045 : vector<16xf32>
      %parallel_loop3A_1126 = arith.cmpf ogt, %parallel_loop3A_1116, %parallel_loop3A_1046 : vector<16xf32>
      %parallel_loop3A_1127 = arith.cmpf ogt, %parallel_loop3A_1123, %parallel_loop3A_1047 : vector<16xf32>
      %parallel_loop3A_1128 = arith.cmpf ogt, %parallel_loop3A_1102, %parallel_loop3A_1024 : vector<16xf32>
      %parallel_loop3A_1129 = arith.cmpf ogt, %parallel_loop3A_1109, %parallel_loop3A_1025 : vector<16xf32>
      %parallel_loop3A_1130 = arith.cmpf ogt, %parallel_loop3A_1116, %parallel_loop3A_1026 : vector<16xf32>
      %parallel_loop3A_1131 = arith.cmpf ogt, %parallel_loop3A_1123, %parallel_loop3A_1027 : vector<16xf32>
      %parallel_loop3A_1132 = arith.select %parallel_loop3A_1128, %parallel_loop3A_1102, %parallel_loop3A_1024 : vector<16xi1>, vector<16xf32>
      %parallel_loop3A_1133 = arith.select %parallel_loop3A_1129, %parallel_loop3A_1109, %parallel_loop3A_1025 : vector<16xi1>, vector<16xf32>
      %parallel_loop3A_1134 = arith.select %parallel_loop3A_1130, %parallel_loop3A_1116, %parallel_loop3A_1026 : vector<16xi1>, vector<16xf32>
      %parallel_loop3A_1135 = arith.select %parallel_loop3A_1131, %parallel_loop3A_1123, %parallel_loop3A_1027 : vector<16xi1>, vector<16xf32>
      %parallel_loop3A_1136 = arith.select %parallel_loop3A_1124, %parallel_loop3A_1044, %parallel_loop3A_1132 : vector<16xi1>, vector<16xf32>
      %parallel_loop3A_1137 = arith.select %parallel_loop3A_1125, %parallel_loop3A_1045, %parallel_loop3A_1133 : vector<16xi1>, vector<16xf32>
      %parallel_loop3A_1138 = arith.select %parallel_loop3A_1126, %parallel_loop3A_1046, %parallel_loop3A_1134 : vector<16xi1>, vector<16xf32>
      %parallel_loop3A_1139 = arith.select %parallel_loop3A_1127, %parallel_loop3A_1047, %parallel_loop3A_1135 : vector<16xi1>, vector<16xf32>
      %parallel_loop3A_1140 = arith.constant 9 : i32
      %parallel_loop3A_1141 = vector.broadcast %parallel_loop3A_1140 : i32 to vector<16xi32>
      %parallel_loop3A_1142 = arith.select %parallel_loop3A_1128, %parallel_loop3A_1141, %parallel_loop3A_1040 : vector<16xi1>, vector<16xi32>
      %parallel_loop3A_1143 = arith.constant 25 : i32
      %parallel_loop3A_1144 = vector.broadcast %parallel_loop3A_1143 : i32 to vector<16xi32>
      %parallel_loop3A_1145 = arith.select %parallel_loop3A_1129, %parallel_loop3A_1144, %parallel_loop3A_1041 : vector<16xi1>, vector<16xi32>
      %parallel_loop3A_1146 = arith.constant 41 : i32
      %parallel_loop3A_1147 = vector.broadcast %parallel_loop3A_1146 : i32 to vector<16xi32>
      %parallel_loop3A_1148 = arith.select %parallel_loop3A_1130, %parallel_loop3A_1147, %parallel_loop3A_1042 : vector<16xi1>, vector<16xi32>
      %parallel_loop3A_1149 = arith.constant 57 : i32
      %parallel_loop3A_1150 = vector.broadcast %parallel_loop3A_1149 : i32 to vector<16xi32>
      %parallel_loop3A_1151 = arith.select %parallel_loop3A_1131, %parallel_loop3A_1150, %parallel_loop3A_1043 : vector<16xi1>, vector<16xi32>
      %parallel_loop3A_1152 = arith.select %parallel_loop3A_1124, %parallel_loop3A_1050, %parallel_loop3A_1142 : vector<16xi1>, vector<16xi32>
      %parallel_loop3A_1153 = arith.select %parallel_loop3A_1125, %parallel_loop3A_1053, %parallel_loop3A_1145 : vector<16xi1>, vector<16xi32>
      %parallel_loop3A_1154 = arith.select %parallel_loop3A_1126, %parallel_loop3A_1056, %parallel_loop3A_1148 : vector<16xi1>, vector<16xi32>
      %parallel_loop3A_1155 = arith.select %parallel_loop3A_1127, %parallel_loop3A_1059, %parallel_loop3A_1151 : vector<16xi1>, vector<16xi32>
      %parallel_loop3A_1156 = arith.select %parallel_loop3A_1124, %parallel_loop3A_1102, %parallel_loop3A_1044 : vector<16xi1>, vector<16xf32>
      %parallel_loop3A_1157 = arith.select %parallel_loop3A_1125, %parallel_loop3A_1109, %parallel_loop3A_1045 : vector<16xi1>, vector<16xf32>
      %parallel_loop3A_1158 = arith.select %parallel_loop3A_1126, %parallel_loop3A_1116, %parallel_loop3A_1046 : vector<16xi1>, vector<16xf32>
      %parallel_loop3A_1159 = arith.select %parallel_loop3A_1127, %parallel_loop3A_1123, %parallel_loop3A_1047 : vector<16xi1>, vector<16xf32>
      %parallel_loop3A_1160 = arith.constant 9 : i32
      %parallel_loop3A_1161 = vector.broadcast %parallel_loop3A_1160 : i32 to vector<16xi32>
      %parallel_loop3A_1162 = arith.select %parallel_loop3A_1124, %parallel_loop3A_1161, %parallel_loop3A_1050 : vector<16xi1>, vector<16xi32>
      %parallel_loop3A_1163 = arith.constant 25 : i32
      %parallel_loop3A_1164 = vector.broadcast %parallel_loop3A_1163 : i32 to vector<16xi32>
      %parallel_loop3A_1165 = arith.select %parallel_loop3A_1125, %parallel_loop3A_1164, %parallel_loop3A_1053 : vector<16xi1>, vector<16xi32>
      %parallel_loop3A_1166 = arith.constant 41 : i32
      %parallel_loop3A_1167 = vector.broadcast %parallel_loop3A_1166 : i32 to vector<16xi32>
      %parallel_loop3A_1168 = arith.select %parallel_loop3A_1126, %parallel_loop3A_1167, %parallel_loop3A_1056 : vector<16xi1>, vector<16xi32>
      %parallel_loop3A_1169 = arith.constant 57 : i32
      %parallel_loop3A_1170 = vector.broadcast %parallel_loop3A_1169 : i32 to vector<16xi32>
      %parallel_loop3A_1171 = arith.select %parallel_loop3A_1127, %parallel_loop3A_1170, %parallel_loop3A_1059 : vector<16xi1>, vector<16xi32>
      %parallel_loop3A_1172 = math.exp %parallel_loop3A_1102 : vector<16xf32>
      %parallel_loop3A_1173 = math.exp %parallel_loop3A_1109 : vector<16xf32>
      %parallel_loop3A_1174 = math.exp %parallel_loop3A_1116 : vector<16xf32>
      %parallel_loop3A_1175 = math.exp %parallel_loop3A_1123 : vector<16xf32>
      %parallel_loop3A_1176 = arith.addf %parallel_loop3A_1064, %parallel_loop3A_1172 : vector<16xf32>
      %parallel_loop3A_1177 = arith.addf %parallel_loop3A_1065, %parallel_loop3A_1173 : vector<16xf32>
      %parallel_loop3A_1178 = arith.addf %parallel_loop3A_1066, %parallel_loop3A_1174 : vector<16xf32>
      %parallel_loop3A_1179 = arith.addf %parallel_loop3A_1067, %parallel_loop3A_1175 : vector<16xf32>
      %parallel_loop3A_1180 = arith.constant 1 : i32
      %parallel_loop3A_1181 = arith.constant 1 : i32
      %parallel_loop3A_1182 = arith.index_cast %parallel_loop3A_1180 : i32 to index
      %parallel_loop3A_1183 = arith.index_cast %parallel_loop3A_43 : i32 to index
      %parallel_loop3A_1184 = arith.index_cast %parallel_loop3A_1181 : i32 to index
      %parallel_loop3A_1185 = arith.index_cast %parallel_loop3A_61 : i32 to index
      %parallel_loop3A_1186 = tpu.vector_load %arg7[%parallel_loop3A_1182, %parallel_loop3A_1183, %parallel_loop3A_1184, %parallel_loop3A_1185] {strides = array<i32>} : memref<8x4x8x128xf32, #tpu.memory_space<vmem>>, vector<16xf32>,
      tpu.vector_store %arg7[%parallel_loop3A_1182, %parallel_loop3A_1183, %parallel_loop3A_1184, %parallel_loop3A_1185], %parallel_loop3A_1172 {strides = array<i32>} : memref<8x4x8x128xf32, #tpu.memory_space<vmem>>, vector<16xf32>,
      %parallel_loop3A_1187 = arith.constant 3 : i32
      %parallel_loop3A_1188 = arith.constant 1 : i32
      %parallel_loop3A_1189 = arith.index_cast %parallel_loop3A_1187 : i32 to index
      %parallel_loop3A_1190 = arith.index_cast %parallel_loop3A_43 : i32 to index
      %parallel_loop3A_1191 = arith.index_cast %parallel_loop3A_1188 : i32 to index
      %parallel_loop3A_1192 = arith.index_cast %parallel_loop3A_61 : i32 to index
      %parallel_loop3A_1193 = tpu.vector_load %arg7[%parallel_loop3A_1189, %parallel_loop3A_1190, %parallel_loop3A_1191, %parallel_loop3A_1192] {strides = array<i32>} : memref<8x4x8x128xf32, #tpu.memory_space<vmem>>, vector<16xf32>,
      tpu.vector_store %arg7[%parallel_loop3A_1189, %parallel_loop3A_1190, %parallel_loop3A_1191, %parallel_loop3A_1192], %parallel_loop3A_1173 {strides = array<i32>} : memref<8x4x8x128xf32, #tpu.memory_space<vmem>>, vector<16xf32>,
      %parallel_loop3A_1194 = arith.constant 5 : i32
      %parallel_loop3A_1195 = arith.constant 1 : i32
      %parallel_loop3A_1196 = arith.index_cast %parallel_loop3A_1194 : i32 to index
      %parallel_loop3A_1197 = arith.index_cast %parallel_loop3A_43 : i32 to index
      %parallel_loop3A_1198 = arith.index_cast %parallel_loop3A_1195 : i32 to index
      %parallel_loop3A_1199 = arith.index_cast %parallel_loop3A_61 : i32 to index
      %parallel_loop3A_1200 = tpu.vector_load %arg7[%parallel_loop3A_1196, %parallel_loop3A_1197, %parallel_loop3A_1198, %parallel_loop3A_1199] {strides = array<i32>} : memref<8x4x8x128xf32, #tpu.memory_space<vmem>>, vector<16xf32>,
      tpu.vector_store %arg7[%parallel_loop3A_1196, %parallel_loop3A_1197, %parallel_loop3A_1198, %parallel_loop3A_1199], %parallel_loop3A_1174 {strides = array<i32>} : memref<8x4x8x128xf32, #tpu.memory_space<vmem>>, vector<16xf32>,
      %parallel_loop3A_1201 = arith.constant 7 : i32
      %parallel_loop3A_1202 = arith.constant 1 : i32
      %parallel_loop3A_1203 = arith.index_cast %parallel_loop3A_1201 : i32 to index
      %parallel_loop3A_1204 = arith.index_cast %parallel_loop3A_43 : i32 to index
      %parallel_loop3A_1205 = arith.index_cast %parallel_loop3A_1202 : i32 to index
      %parallel_loop3A_1206 = arith.index_cast %parallel_loop3A_61 : i32 to index
      %parallel_loop3A_1207 = tpu.vector_load %arg7[%parallel_loop3A_1203, %parallel_loop3A_1204, %parallel_loop3A_1205, %parallel_loop3A_1206] {strides = array<i32>} : memref<8x4x8x128xf32, #tpu.memory_space<vmem>>, vector<16xf32>,
      tpu.vector_store %arg7[%parallel_loop3A_1203, %parallel_loop3A_1204, %parallel_loop3A_1205, %parallel_loop3A_1206], %parallel_loop3A_1175 {strides = array<i32>} : memref<8x4x8x128xf32, #tpu.memory_space<vmem>>, vector<16xf32>,
      %parallel_loop3A_1208 = arith.constant 1 : i32
      %parallel_loop3A_1209 = arith.constant 2 : i32
      %parallel_loop3A_1210 = arith.index_cast %parallel_loop3A_1208 : i32 to index
      %parallel_loop3A_1211 = arith.index_cast %parallel_loop3A_43 : i32 to index
      %parallel_loop3A_1212 = arith.index_cast %parallel_loop3A_1209 : i32 to index
      %parallel_loop3A_1213 = arith.index_cast %parallel_loop3A_61 : i32 to index
      %parallel_loop3A_1214 = tpu.vector_load %arg6[%parallel_loop3A_1210, %parallel_loop3A_1211, %parallel_loop3A_1212, %parallel_loop3A_1213] {strides = array<i32>} : memref<8x4x8x128xf32, #tpu.memory_space<vmem>>, vector<16xf32>,
      %parallel_loop3A_1215 = arith.constant 3 : i32
      %parallel_loop3A_1216 = arith.constant 2 : i32
      %parallel_loop3A_1217 = arith.index_cast %parallel_loop3A_1215 : i32 to index
      %parallel_loop3A_1218 = arith.index_cast %parallel_loop3A_43 : i32 to index
      %parallel_loop3A_1219 = arith.index_cast %parallel_loop3A_1216 : i32 to index
      %parallel_loop3A_1220 = arith.index_cast %parallel_loop3A_61 : i32 to index
      %parallel_loop3A_1221 = tpu.vector_load %arg6[%parallel_loop3A_1217, %parallel_loop3A_1218, %parallel_loop3A_1219, %parallel_loop3A_1220] {strides = array<i32>} : memref<8x4x8x128xf32, #tpu.memory_space<vmem>>, vector<16xf32>,
      %parallel_loop3A_1222 = arith.constant 5 : i32
      %parallel_loop3A_1223 = arith.constant 2 : i32
      %parallel_loop3A_1224 = arith.index_cast %parallel_loop3A_1222 : i32 to index
      %parallel_loop3A_1225 = arith.index_cast %parallel_loop3A_43 : i32 to index
      %parallel_loop3A_1226 = arith.index_cast %parallel_loop3A_1223 : i32 to index
      %parallel_loop3A_1227 = arith.index_cast %parallel_loop3A_61 : i32 to index
      %parallel_loop3A_1228 = tpu.vector_load %arg6[%parallel_loop3A_1224, %parallel_loop3A_1225, %parallel_loop3A_1226, %parallel_loop3A_1227] {strides = array<i32>} : memref<8x4x8x128xf32, #tpu.memory_space<vmem>>, vector<16xf32>,
      %parallel_loop3A_1229 = arith.constant 7 : i32
      %parallel_loop3A_1230 = arith.constant 2 : i32
      %parallel_loop3A_1231 = arith.index_cast %parallel_loop3A_1229 : i32 to index
      %parallel_loop3A_1232 = arith.index_cast %parallel_loop3A_43 : i32 to index
      %parallel_loop3A_1233 = arith.index_cast %parallel_loop3A_1230 : i32 to index
      %parallel_loop3A_1234 = arith.index_cast %parallel_loop3A_61 : i32 to index
      %parallel_loop3A_1235 = tpu.vector_load %arg6[%parallel_loop3A_1231, %parallel_loop3A_1232, %parallel_loop3A_1233, %parallel_loop3A_1234] {strides = array<i32>} : memref<8x4x8x128xf32, #tpu.memory_space<vmem>>, vector<16xf32>,
      %parallel_loop3A_1236 = arith.cmpf ogt, %parallel_loop3A_1214, %parallel_loop3A_1156 : vector<16xf32>
      %parallel_loop3A_1237 = arith.cmpf ogt, %parallel_loop3A_1221, %parallel_loop3A_1157 : vector<16xf32>
      %parallel_loop3A_1238 = arith.cmpf ogt, %parallel_loop3A_1228, %parallel_loop3A_1158 : vector<16xf32>
      %parallel_loop3A_1239 = arith.cmpf ogt, %parallel_loop3A_1235, %parallel_loop3A_1159 : vector<16xf32>
      %parallel_loop3A_1240 = arith.cmpf ogt, %parallel_loop3A_1214, %parallel_loop3A_1136 : vector<16xf32>
      %parallel_loop3A_1241 = arith.cmpf ogt, %parallel_loop3A_1221, %parallel_loop3A_1137 : vector<16xf32>
      %parallel_loop3A_1242 = arith.cmpf ogt, %parallel_loop3A_1228, %parallel_loop3A_1138 : vector<16xf32>
      %parallel_loop3A_1243 = arith.cmpf ogt, %parallel_loop3A_1235, %parallel_loop3A_1139 : vector<16xf32>
      %parallel_loop3A_1244 = arith.select %parallel_loop3A_1240, %parallel_loop3A_1214, %parallel_loop3A_1136 : vector<16xi1>, vector<16xf32>
      %parallel_loop3A_1245 = arith.select %parallel_loop3A_1241, %parallel_loop3A_1221, %parallel_loop3A_1137 : vector<16xi1>, vector<16xf32>
      %parallel_loop3A_1246 = arith.select %parallel_loop3A_1242, %parallel_loop3A_1228, %parallel_loop3A_1138 : vector<16xi1>, vector<16xf32>
      %parallel_loop3A_1247 = arith.select %parallel_loop3A_1243, %parallel_loop3A_1235, %parallel_loop3A_1139 : vector<16xi1>, vector<16xf32>
      %parallel_loop3A_1248 = arith.select %parallel_loop3A_1236, %parallel_loop3A_1156, %parallel_loop3A_1244 : vector<16xi1>, vector<16xf32>
      %parallel_loop3A_1249 = arith.select %parallel_loop3A_1237, %parallel_loop3A_1157, %parallel_loop3A_1245 : vector<16xi1>, vector<16xf32>
      %parallel_loop3A_1250 = arith.select %parallel_loop3A_1238, %parallel_loop3A_1158, %parallel_loop3A_1246 : vector<16xi1>, vector<16xf32>
      %parallel_loop3A_1251 = arith.select %parallel_loop3A_1239, %parallel_loop3A_1159, %parallel_loop3A_1247 : vector<16xi1>, vector<16xf32>
      %parallel_loop3A_1252 = arith.constant 10 : i32
      %parallel_loop3A_1253 = vector.broadcast %parallel_loop3A_1252 : i32 to vector<16xi32>
      %parallel_loop3A_1254 = arith.select %parallel_loop3A_1240, %parallel_loop3A_1253, %parallel_loop3A_1152 : vector<16xi1>, vector<16xi32>
      %parallel_loop3A_1255 = arith.constant 26 : i32
      %parallel_loop3A_1256 = vector.broadcast %parallel_loop3A_1255 : i32 to vector<16xi32>
      %parallel_loop3A_1257 = arith.select %parallel_loop3A_1241, %parallel_loop3A_1256, %parallel_loop3A_1153 : vector<16xi1>, vector<16xi32>
      %parallel_loop3A_1258 = arith.constant 42 : i32
      %parallel_loop3A_1259 = vector.broadcast %parallel_loop3A_1258 : i32 to vector<16xi32>
      %parallel_loop3A_1260 = arith.select %parallel_loop3A_1242, %parallel_loop3A_1259, %parallel_loop3A_1154 : vector<16xi1>, vector<16xi32>
      %parallel_loop3A_1261 = arith.constant 58 : i32
      %parallel_loop3A_1262 = vector.broadcast %parallel_loop3A_1261 : i32 to vector<16xi32>
      %parallel_loop3A_1263 = arith.select %parallel_loop3A_1243, %parallel_loop3A_1262, %parallel_loop3A_1155 : vector<16xi1>, vector<16xi32>
      %parallel_loop3A_1264 = arith.select %parallel_loop3A_1236, %parallel_loop3A_1162, %parallel_loop3A_1254 : vector<16xi1>, vector<16xi32>
      %parallel_loop3A_1265 = arith.select %parallel_loop3A_1237, %parallel_loop3A_1165, %parallel_loop3A_1257 : vector<16xi1>, vector<16xi32>
      %parallel_loop3A_1266 = arith.select %parallel_loop3A_1238, %parallel_loop3A_1168, %parallel_loop3A_1260 : vector<16xi1>, vector<16xi32>
      %parallel_loop3A_1267 = arith.select %parallel_loop3A_1239, %parallel_loop3A_1171, %parallel_loop3A_1263 : vector<16xi1>, vector<16xi32>
      %parallel_loop3A_1268 = arith.select %parallel_loop3A_1236, %parallel_loop3A_1214, %parallel_loop3A_1156 : vector<16xi1>, vector<16xf32>
      %parallel_loop3A_1269 = arith.select %parallel_loop3A_1237, %parallel_loop3A_1221, %parallel_loop3A_1157 : vector<16xi1>, vector<16xf32>
      %parallel_loop3A_1270 = arith.select %parallel_loop3A_1238, %parallel_loop3A_1228, %parallel_loop3A_1158 : vector<16xi1>, vector<16xf32>
      %parallel_loop3A_1271 = arith.select %parallel_loop3A_1239, %parallel_loop3A_1235, %parallel_loop3A_1159 : vector<16xi1>, vector<16xf32>
      %parallel_loop3A_1272 = arith.constant 10 : i32
      %parallel_loop3A_1273 = vector.broadcast %parallel_loop3A_1272 : i32 to vector<16xi32>
      %parallel_loop3A_1274 = arith.select %parallel_loop3A_1236, %parallel_loop3A_1273, %parallel_loop3A_1162 : vector<16xi1>, vector<16xi32>
      %parallel_loop3A_1275 = arith.constant 26 : i32
      %parallel_loop3A_1276 = vector.broadcast %parallel_loop3A_1275 : i32 to vector<16xi32>
      %parallel_loop3A_1277 = arith.select %parallel_loop3A_1237, %parallel_loop3A_1276, %parallel_loop3A_1165 : vector<16xi1>, vector<16xi32>
      %parallel_loop3A_1278 = arith.constant 42 : i32
      %parallel_loop3A_1279 = vector.broadcast %parallel_loop3A_1278 : i32 to vector<16xi32>
      %parallel_loop3A_1280 = arith.select %parallel_loop3A_1238, %parallel_loop3A_1279, %parallel_loop3A_1168 : vector<16xi1>, vector<16xi32>
      %parallel_loop3A_1281 = arith.constant 58 : i32
      %parallel_loop3A_1282 = vector.broadcast %parallel_loop3A_1281 : i32 to vector<16xi32>
      %parallel_loop3A_1283 = arith.select %parallel_loop3A_1239, %parallel_loop3A_1282, %parallel_loop3A_1171 : vector<16xi1>, vector<16xi32>
      %parallel_loop3A_1284 = math.exp %parallel_loop3A_1214 : vector<16xf32>
      %parallel_loop3A_1285 = math.exp %parallel_loop3A_1221 : vector<16xf32>
      %parallel_loop3A_1286 = math.exp %parallel_loop3A_1228 : vector<16xf32>
      %parallel_loop3A_1287 = math.exp %parallel_loop3A_1235 : vector<16xf32>
      %parallel_loop3A_1288 = arith.addf %parallel_loop3A_1176, %parallel_loop3A_1284 : vector<16xf32>
      %parallel_loop3A_1289 = arith.addf %parallel_loop3A_1177, %parallel_loop3A_1285 : vector<16xf32>
      %parallel_loop3A_1290 = arith.addf %parallel_loop3A_1178, %parallel_loop3A_1286 : vector<16xf32>
      %parallel_loop3A_1291 = arith.addf %parallel_loop3A_1179, %parallel_loop3A_1287 : vector<16xf32>
      %parallel_loop3A_1292 = arith.constant 1 : i32
      %parallel_loop3A_1293 = arith.constant 2 : i32
      %parallel_loop3A_1294 = arith.index_cast %parallel_loop3A_1292 : i32 to index
      %parallel_loop3A_1295 = arith.index_cast %parallel_loop3A_43 : i32 to index
      %parallel_loop3A_1296 = arith.index_cast %parallel_loop3A_1293 : i32 to index
      %parallel_loop3A_1297 = arith.index_cast %parallel_loop3A_61 : i32 to index
      %parallel_loop3A_1298 = tpu.vector_load %arg7[%parallel_loop3A_1294, %parallel_loop3A_1295, %parallel_loop3A_1296, %parallel_loop3A_1297] {strides = array<i32>} : memref<8x4x8x128xf32, #tpu.memory_space<vmem>>, vector<16xf32>,
      tpu.vector_store %arg7[%parallel_loop3A_1294, %parallel_loop3A_1295, %parallel_loop3A_1296, %parallel_loop3A_1297], %parallel_loop3A_1284 {strides = array<i32>} : memref<8x4x8x128xf32, #tpu.memory_space<vmem>>, vector<16xf32>,
      %parallel_loop3A_1299 = arith.constant 3 : i32
      %parallel_loop3A_1300 = arith.constant 2 : i32
      %parallel_loop3A_1301 = arith.index_cast %parallel_loop3A_1299 : i32 to index
      %parallel_loop3A_1302 = arith.index_cast %parallel_loop3A_43 : i32 to index
      %parallel_loop3A_1303 = arith.index_cast %parallel_loop3A_1300 : i32 to index
      %parallel_loop3A_1304 = arith.index_cast %parallel_loop3A_61 : i32 to index
      %parallel_loop3A_1305 = tpu.vector_load %arg7[%parallel_loop3A_1301, %parallel_loop3A_1302, %parallel_loop3A_1303, %parallel_loop3A_1304] {strides = array<i32>} : memref<8x4x8x128xf32, #tpu.memory_space<vmem>>, vector<16xf32>,
      tpu.vector_store %arg7[%parallel_loop3A_1301, %parallel_loop3A_1302, %parallel_loop3A_1303, %parallel_loop3A_1304], %parallel_loop3A_1285 {strides = array<i32>} : memref<8x4x8x128xf32, #tpu.memory_space<vmem>>, vector<16xf32>,
      %parallel_loop3A_1306 = arith.constant 5 : i32
      %parallel_loop3A_1307 = arith.constant 2 : i32
      %parallel_loop3A_1308 = arith.index_cast %parallel_loop3A_1306 : i32 to index
      %parallel_loop3A_1309 = arith.index_cast %parallel_loop3A_43 : i32 to index
      %parallel_loop3A_1310 = arith.index_cast %parallel_loop3A_1307 : i32 to index
      %parallel_loop3A_1311 = arith.index_cast %parallel_loop3A_61 : i32 to index
      %parallel_loop3A_1312 = tpu.vector_load %arg7[%parallel_loop3A_1308, %parallel_loop3A_1309, %parallel_loop3A_1310, %parallel_loop3A_1311] {strides = array<i32>} : memref<8x4x8x128xf32, #tpu.memory_space<vmem>>, vector<16xf32>,
      tpu.vector_store %arg7[%parallel_loop3A_1308, %parallel_loop3A_1309, %parallel_loop3A_1310, %parallel_loop3A_1311], %parallel_loop3A_1286 {strides = array<i32>} : memref<8x4x8x128xf32, #tpu.memory_space<vmem>>, vector<16xf32>,
      %parallel_loop3A_1313 = arith.constant 7 : i32
      %parallel_loop3A_1314 = arith.constant 2 : i32
      %parallel_loop3A_1315 = arith.index_cast %parallel_loop3A_1313 : i32 to index
      %parallel_loop3A_1316 = arith.index_cast %parallel_loop3A_43 : i32 to index
      %parallel_loop3A_1317 = arith.index_cast %parallel_loop3A_1314 : i32 to index
      %parallel_loop3A_1318 = arith.index_cast %parallel_loop3A_61 : i32 to index
      %parallel_loop3A_1319 = tpu.vector_load %arg7[%parallel_loop3A_1315, %parallel_loop3A_1316, %parallel_loop3A_1317, %parallel_loop3A_1318] {strides = array<i32>} : memref<8x4x8x128xf32, #tpu.memory_space<vmem>>, vector<16xf32>,
      tpu.vector_store %arg7[%parallel_loop3A_1315, %parallel_loop3A_1316, %parallel_loop3A_1317, %parallel_loop3A_1318], %parallel_loop3A_1287 {strides = array<i32>} : memref<8x4x8x128xf32, #tpu.memory_space<vmem>>, vector<16xf32>,
      %parallel_loop3A_1320 = arith.constant 1 : i32
      %parallel_loop3A_1321 = arith.constant 3 : i32
      %parallel_loop3A_1322 = arith.index_cast %parallel_loop3A_1320 : i32 to index
      %parallel_loop3A_1323 = arith.index_cast %parallel_loop3A_43 : i32 to index
      %parallel_loop3A_1324 = arith.index_cast %parallel_loop3A_1321 : i32 to index
      %parallel_loop3A_1325 = arith.index_cast %parallel_loop3A_61 : i32 to index
      %parallel_loop3A_1326 = tpu.vector_load %arg6[%parallel_loop3A_1322, %parallel_loop3A_1323, %parallel_loop3A_1324, %parallel_loop3A_1325] {strides = array<i32>} : memref<8x4x8x128xf32, #tpu.memory_space<vmem>>, vector<16xf32>,
      %parallel_loop3A_1327 = arith.constant 3 : i32
      %parallel_loop3A_1328 = arith.constant 3 : i32
      %parallel_loop3A_1329 = arith.index_cast %parallel_loop3A_1327 : i32 to index
      %parallel_loop3A_1330 = arith.index_cast %parallel_loop3A_43 : i32 to index
      %parallel_loop3A_1331 = arith.index_cast %parallel_loop3A_1328 : i32 to index
      %parallel_loop3A_1332 = arith.index_cast %parallel_loop3A_61 : i32 to index
      %parallel_loop3A_1333 = tpu.vector_load %arg6[%parallel_loop3A_1329, %parallel_loop3A_1330, %parallel_loop3A_1331, %parallel_loop3A_1332] {strides = array<i32>} : memref<8x4x8x128xf32, #tpu.memory_space<vmem>>, vector<16xf32>,
      %parallel_loop3A_1334 = arith.constant 5 : i32
      %parallel_loop3A_1335 = arith.constant 3 : i32
      %parallel_loop3A_1336 = arith.index_cast %parallel_loop3A_1334 : i32 to index
      %parallel_loop3A_1337 = arith.index_cast %parallel_loop3A_43 : i32 to index
      %parallel_loop3A_1338 = arith.index_cast %parallel_loop3A_1335 : i32 to index
      %parallel_loop3A_1339 = arith.index_cast %parallel_loop3A_61 : i32 to index
      %parallel_loop3A_1340 = tpu.vector_load %arg6[%parallel_loop3A_1336, %parallel_loop3A_1337, %parallel_loop3A_1338, %parallel_loop3A_1339] {strides = array<i32>} : memref<8x4x8x128xf32, #tpu.memory_space<vmem>>, vector<16xf32>,
      %parallel_loop3A_1341 = arith.constant 7 : i32
      %parallel_loop3A_1342 = arith.constant 3 : i32
      %parallel_loop3A_1343 = arith.index_cast %parallel_loop3A_1341 : i32 to index
      %parallel_loop3A_1344 = arith.index_cast %parallel_loop3A_43 : i32 to index
      %parallel_loop3A_1345 = arith.index_cast %parallel_loop3A_1342 : i32 to index
      %parallel_loop3A_1346 = arith.index_cast %parallel_loop3A_61 : i32 to index
      %parallel_loop3A_1347 = tpu.vector_load %arg6[%parallel_loop3A_1343, %parallel_loop3A_1344, %parallel_loop3A_1345, %parallel_loop3A_1346] {strides = array<i32>} : memref<8x4x8x128xf32, #tpu.memory_space<vmem>>, vector<16xf32>,
      %parallel_loop3A_1348 = arith.cmpf ogt, %parallel_loop3A_1326, %parallel_loop3A_1268 : vector<16xf32>
      %parallel_loop3A_1349 = arith.cmpf ogt, %parallel_loop3A_1333, %parallel_loop3A_1269 : vector<16xf32>
      %parallel_loop3A_1350 = arith.cmpf ogt, %parallel_loop3A_1340, %parallel_loop3A_1270 : vector<16xf32>
      %parallel_loop3A_1351 = arith.cmpf ogt, %parallel_loop3A_1347, %parallel_loop3A_1271 : vector<16xf32>
      %parallel_loop3A_1352 = arith.cmpf ogt, %parallel_loop3A_1326, %parallel_loop3A_1248 : vector<16xf32>
      %parallel_loop3A_1353 = arith.cmpf ogt, %parallel_loop3A_1333, %parallel_loop3A_1249 : vector<16xf32>
      %parallel_loop3A_1354 = arith.cmpf ogt, %parallel_loop3A_1340, %parallel_loop3A_1250 : vector<16xf32>
      %parallel_loop3A_1355 = arith.cmpf ogt, %parallel_loop3A_1347, %parallel_loop3A_1251 : vector<16xf32>
      %parallel_loop3A_1356 = arith.select %parallel_loop3A_1352, %parallel_loop3A_1326, %parallel_loop3A_1248 : vector<16xi1>, vector<16xf32>
      %parallel_loop3A_1357 = arith.select %parallel_loop3A_1353, %parallel_loop3A_1333, %parallel_loop3A_1249 : vector<16xi1>, vector<16xf32>
      %parallel_loop3A_1358 = arith.select %parallel_loop3A_1354, %parallel_loop3A_1340, %parallel_loop3A_1250 : vector<16xi1>, vector<16xf32>
      %parallel_loop3A_1359 = arith.select %parallel_loop3A_1355, %parallel_loop3A_1347, %parallel_loop3A_1251 : vector<16xi1>, vector<16xf32>
      %parallel_loop3A_1360 = arith.select %parallel_loop3A_1348, %parallel_loop3A_1268, %parallel_loop3A_1356 : vector<16xi1>, vector<16xf32>
      %parallel_loop3A_1361 = arith.select %parallel_loop3A_1349, %parallel_loop3A_1269, %parallel_loop3A_1357 : vector<16xi1>, vector<16xf32>
      %parallel_loop3A_1362 = arith.select %parallel_loop3A_1350, %parallel_loop3A_1270, %parallel_loop3A_1358 : vector<16xi1>, vector<16xf32>
      %parallel_loop3A_1363 = arith.select %parallel_loop3A_1351, %parallel_loop3A_1271, %parallel_loop3A_1359 : vector<16xi1>, vector<16xf32>
      %parallel_loop3A_1364 = arith.constant 11 : i32
      %parallel_loop3A_1365 = vector.broadcast %parallel_loop3A_1364 : i32 to vector<16xi32>
      %parallel_loop3A_1366 = arith.select %parallel_loop3A_1352, %parallel_loop3A_1365, %parallel_loop3A_1264 : vector<16xi1>, vector<16xi32>
      %parallel_loop3A_1367 = arith.constant 27 : i32
      %parallel_loop3A_1368 = vector.broadcast %parallel_loop3A_1367 : i32 to vector<16xi32>
      %parallel_loop3A_1369 = arith.select %parallel_loop3A_1353, %parallel_loop3A_1368, %parallel_loop3A_1265 : vector<16xi1>, vector<16xi32>
      %parallel_loop3A_1370 = arith.constant 43 : i32
      %parallel_loop3A_1371 = vector.broadcast %parallel_loop3A_1370 : i32 to vector<16xi32>
      %parallel_loop3A_1372 = arith.select %parallel_loop3A_1354, %parallel_loop3A_1371, %parallel_loop3A_1266 : vector<16xi1>, vector<16xi32>
      %parallel_loop3A_1373 = arith.constant 59 : i32
      %parallel_loop3A_1374 = vector.broadcast %parallel_loop3A_1373 : i32 to vector<16xi32>
      %parallel_loop3A_1375 = arith.select %parallel_loop3A_1355, %parallel_loop3A_1374, %parallel_loop3A_1267 : vector<16xi1>, vector<16xi32>
      %parallel_loop3A_1376 = arith.select %parallel_loop3A_1348, %parallel_loop3A_1274, %parallel_loop3A_1366 : vector<16xi1>, vector<16xi32>
      %parallel_loop3A_1377 = arith.select %parallel_loop3A_1349, %parallel_loop3A_1277, %parallel_loop3A_1369 : vector<16xi1>, vector<16xi32>
      %parallel_loop3A_1378 = arith.select %parallel_loop3A_1350, %parallel_loop3A_1280, %parallel_loop3A_1372 : vector<16xi1>, vector<16xi32>
      %parallel_loop3A_1379 = arith.select %parallel_loop3A_1351, %parallel_loop3A_1283, %parallel_loop3A_1375 : vector<16xi1>, vector<16xi32>
      %parallel_loop3A_1380 = arith.select %parallel_loop3A_1348, %parallel_loop3A_1326, %parallel_loop3A_1268 : vector<16xi1>, vector<16xf32>
      %parallel_loop3A_1381 = arith.select %parallel_loop3A_1349, %parallel_loop3A_1333, %parallel_loop3A_1269 : vector<16xi1>, vector<16xf32>
      %parallel_loop3A_1382 = arith.select %parallel_loop3A_1350, %parallel_loop3A_1340, %parallel_loop3A_1270 : vector<16xi1>, vector<16xf32>
      %parallel_loop3A_1383 = arith.select %parallel_loop3A_1351, %parallel_loop3A_1347, %parallel_loop3A_1271 : vector<16xi1>, vector<16xf32>
      %parallel_loop3A_1384 = arith.constant 11 : i32
      %parallel_loop3A_1385 = vector.broadcast %parallel_loop3A_1384 : i32 to vector<16xi32>
      %parallel_loop3A_1386 = arith.select %parallel_loop3A_1348, %parallel_loop3A_1385, %parallel_loop3A_1274 : vector<16xi1>, vector<16xi32>
      %parallel_loop3A_1387 = arith.constant 27 : i32
      %parallel_loop3A_1388 = vector.broadcast %parallel_loop3A_1387 : i32 to vector<16xi32>
      %parallel_loop3A_1389 = arith.select %parallel_loop3A_1349, %parallel_loop3A_1388, %parallel_loop3A_1277 : vector<16xi1>, vector<16xi32>
      %parallel_loop3A_1390 = arith.constant 43 : i32
      %parallel_loop3A_1391 = vector.broadcast %parallel_loop3A_1390 : i32 to vector<16xi32>
      %parallel_loop3A_1392 = arith.select %parallel_loop3A_1350, %parallel_loop3A_1391, %parallel_loop3A_1280 : vector<16xi1>, vector<16xi32>
      %parallel_loop3A_1393 = arith.constant 59 : i32
      %parallel_loop3A_1394 = vector.broadcast %parallel_loop3A_1393 : i32 to vector<16xi32>
      %parallel_loop3A_1395 = arith.select %parallel_loop3A_1351, %parallel_loop3A_1394, %parallel_loop3A_1283 : vector<16xi1>, vector<16xi32>
      %parallel_loop3A_1396 = math.exp %parallel_loop3A_1326 : vector<16xf32>
      %parallel_loop3A_1397 = math.exp %parallel_loop3A_1333 : vector<16xf32>
      %parallel_loop3A_1398 = math.exp %parallel_loop3A_1340 : vector<16xf32>
      %parallel_loop3A_1399 = math.exp %parallel_loop3A_1347 : vector<16xf32>
      %parallel_loop3A_1400 = arith.addf %parallel_loop3A_1288, %parallel_loop3A_1396 : vector<16xf32>
      %parallel_loop3A_1401 = arith.addf %parallel_loop3A_1289, %parallel_loop3A_1397 : vector<16xf32>
      %parallel_loop3A_1402 = arith.addf %parallel_loop3A_1290, %parallel_loop3A_1398 : vector<16xf32>
      %parallel_loop3A_1403 = arith.addf %parallel_loop3A_1291, %parallel_loop3A_1399 : vector<16xf32>
      %parallel_loop3A_1404 = arith.constant 1 : i32
      %parallel_loop3A_1405 = arith.constant 3 : i32
      %parallel_loop3A_1406 = arith.index_cast %parallel_loop3A_1404 : i32 to index
      %parallel_loop3A_1407 = arith.index_cast %parallel_loop3A_43 : i32 to index
      %parallel_loop3A_1408 = arith.index_cast %parallel_loop3A_1405 : i32 to index
      %parallel_loop3A_1409 = arith.index_cast %parallel_loop3A_61 : i32 to index
      %parallel_loop3A_1410 = tpu.vector_load %arg7[%parallel_loop3A_1406, %parallel_loop3A_1407, %parallel_loop3A_1408, %parallel_loop3A_1409] {strides = array<i32>} : memref<8x4x8x128xf32, #tpu.memory_space<vmem>>, vector<16xf32>,
      tpu.vector_store %arg7[%parallel_loop3A_1406, %parallel_loop3A_1407, %parallel_loop3A_1408, %parallel_loop3A_1409], %parallel_loop3A_1396 {strides = array<i32>} : memref<8x4x8x128xf32, #tpu.memory_space<vmem>>, vector<16xf32>,
      %parallel_loop3A_1411 = arith.constant 3 : i32
      %parallel_loop3A_1412 = arith.constant 3 : i32
      %parallel_loop3A_1413 = arith.index_cast %parallel_loop3A_1411 : i32 to index
      %parallel_loop3A_1414 = arith.index_cast %parallel_loop3A_43 : i32 to index
      %parallel_loop3A_1415 = arith.index_cast %parallel_loop3A_1412 : i32 to index
      %parallel_loop3A_1416 = arith.index_cast %parallel_loop3A_61 : i32 to index
      %parallel_loop3A_1417 = tpu.vector_load %arg7[%parallel_loop3A_1413, %parallel_loop3A_1414, %parallel_loop3A_1415, %parallel_loop3A_1416] {strides = array<i32>} : memref<8x4x8x128xf32, #tpu.memory_space<vmem>>, vector<16xf32>,
      tpu.vector_store %arg7[%parallel_loop3A_1413, %parallel_loop3A_1414, %parallel_loop3A_1415, %parallel_loop3A_1416], %parallel_loop3A_1397 {strides = array<i32>} : memref<8x4x8x128xf32, #tpu.memory_space<vmem>>, vector<16xf32>,
      %parallel_loop3A_1418 = arith.constant 5 : i32
      %parallel_loop3A_1419 = arith.constant 3 : i32
      %parallel_loop3A_1420 = arith.index_cast %parallel_loop3A_1418 : i32 to index
      %parallel_loop3A_1421 = arith.index_cast %parallel_loop3A_43 : i32 to index
      %parallel_loop3A_1422 = arith.index_cast %parallel_loop3A_1419 : i32 to index
      %parallel_loop3A_1423 = arith.index_cast %parallel_loop3A_61 : i32 to index
      %parallel_loop3A_1424 = tpu.vector_load %arg7[%parallel_loop3A_1420, %parallel_loop3A_1421, %parallel_loop3A_1422, %parallel_loop3A_1423] {strides = array<i32>} : memref<8x4x8x128xf32, #tpu.memory_space<vmem>>, vector<16xf32>,
      tpu.vector_store %arg7[%parallel_loop3A_1420, %parallel_loop3A_1421, %parallel_loop3A_1422, %parallel_loop3A_1423], %parallel_loop3A_1398 {strides = array<i32>} : memref<8x4x8x128xf32, #tpu.memory_space<vmem>>, vector<16xf32>,
      %parallel_loop3A_1425 = arith.constant 7 : i32
      %parallel_loop3A_1426 = arith.constant 3 : i32
      %parallel_loop3A_1427 = arith.index_cast %parallel_loop3A_1425 : i32 to index
      %parallel_loop3A_1428 = arith.index_cast %parallel_loop3A_43 : i32 to index
      %parallel_loop3A_1429 = arith.index_cast %parallel_loop3A_1426 : i32 to index
      %parallel_loop3A_1430 = arith.index_cast %parallel_loop3A_61 : i32 to index
      %parallel_loop3A_1431 = tpu.vector_load %arg7[%parallel_loop3A_1427, %parallel_loop3A_1428, %parallel_loop3A_1429, %parallel_loop3A_1430] {strides = array<i32>} : memref<8x4x8x128xf32, #tpu.memory_space<vmem>>, vector<16xf32>,
      tpu.vector_store %arg7[%parallel_loop3A_1427, %parallel_loop3A_1428, %parallel_loop3A_1429, %parallel_loop3A_1430], %parallel_loop3A_1399 {strides = array<i32>} : memref<8x4x8x128xf32, #tpu.memory_space<vmem>>, vector<16xf32>,
      %parallel_loop3A_1432 = arith.constant 1 : i32
      %parallel_loop3A_1433 = arith.constant 4 : i32
      %parallel_loop3A_1434 = arith.index_cast %parallel_loop3A_1432 : i32 to index
      %parallel_loop3A_1435 = arith.index_cast %parallel_loop3A_43 : i32 to index
      %parallel_loop3A_1436 = arith.index_cast %parallel_loop3A_1433 : i32 to index
      %parallel_loop3A_1437 = arith.index_cast %parallel_loop3A_61 : i32 to index
      %parallel_loop3A_1438 = tpu.vector_load %arg6[%parallel_loop3A_1434, %parallel_loop3A_1435, %parallel_loop3A_1436, %parallel_loop3A_1437] {strides = array<i32>} : memref<8x4x8x128xf32, #tpu.memory_space<vmem>>, vector<16xf32>,
      %parallel_loop3A_1439 = arith.constant 3 : i32
      %parallel_loop3A_1440 = arith.constant 4 : i32
      %parallel_loop3A_1441 = arith.index_cast %parallel_loop3A_1439 : i32 to index
      %parallel_loop3A_1442 = arith.index_cast %parallel_loop3A_43 : i32 to index
      %parallel_loop3A_1443 = arith.index_cast %parallel_loop3A_1440 : i32 to index
      %parallel_loop3A_1444 = arith.index_cast %parallel_loop3A_61 : i32 to index
      %parallel_loop3A_1445 = tpu.vector_load %arg6[%parallel_loop3A_1441, %parallel_loop3A_1442, %parallel_loop3A_1443, %parallel_loop3A_1444] {strides = array<i32>} : memref<8x4x8x128xf32, #tpu.memory_space<vmem>>, vector<16xf32>,
      %parallel_loop3A_1446 = arith.constant 5 : i32
      %parallel_loop3A_1447 = arith.constant 4 : i32
      %parallel_loop3A_1448 = arith.index_cast %parallel_loop3A_1446 : i32 to index
      %parallel_loop3A_1449 = arith.index_cast %parallel_loop3A_43 : i32 to index
      %parallel_loop3A_1450 = arith.index_cast %parallel_loop3A_1447 : i32 to index
      %parallel_loop3A_1451 = arith.index_cast %parallel_loop3A_61 : i32 to index
      %parallel_loop3A_1452 = tpu.vector_load %arg6[%parallel_loop3A_1448, %parallel_loop3A_1449, %parallel_loop3A_1450, %parallel_loop3A_1451] {strides = array<i32>} : memref<8x4x8x128xf32, #tpu.memory_space<vmem>>, vector<16xf32>,
      %parallel_loop3A_1453 = arith.constant 7 : i32
      %parallel_loop3A_1454 = arith.constant 4 : i32
      %parallel_loop3A_1455 = arith.index_cast %parallel_loop3A_1453 : i32 to index
      %parallel_loop3A_1456 = arith.index_cast %parallel_loop3A_43 : i32 to index
      %parallel_loop3A_1457 = arith.index_cast %parallel_loop3A_1454 : i32 to index
      %parallel_loop3A_1458 = arith.index_cast %parallel_loop3A_61 : i32 to index
      %parallel_loop3A_1459 = tpu.vector_load %arg6[%parallel_loop3A_1455, %parallel_loop3A_1456, %parallel_loop3A_1457, %parallel_loop3A_1458] {strides = array<i32>} : memref<8x4x8x128xf32, #tpu.memory_space<vmem>>, vector<16xf32>,
      %parallel_loop3A_1460 = arith.cmpf ogt, %parallel_loop3A_1438, %parallel_loop3A_1380 : vector<16xf32>
      %parallel_loop3A_1461 = arith.cmpf ogt, %parallel_loop3A_1445, %parallel_loop3A_1381 : vector<16xf32>
      %parallel_loop3A_1462 = arith.cmpf ogt, %parallel_loop3A_1452, %parallel_loop3A_1382 : vector<16xf32>
      %parallel_loop3A_1463 = arith.cmpf ogt, %parallel_loop3A_1459, %parallel_loop3A_1383 : vector<16xf32>
      %parallel_loop3A_1464 = arith.cmpf ogt, %parallel_loop3A_1438, %parallel_loop3A_1360 : vector<16xf32>
      %parallel_loop3A_1465 = arith.cmpf ogt, %parallel_loop3A_1445, %parallel_loop3A_1361 : vector<16xf32>
      %parallel_loop3A_1466 = arith.cmpf ogt, %parallel_loop3A_1452, %parallel_loop3A_1362 : vector<16xf32>
      %parallel_loop3A_1467 = arith.cmpf ogt, %parallel_loop3A_1459, %parallel_loop3A_1363 : vector<16xf32>
      %parallel_loop3A_1468 = arith.select %parallel_loop3A_1464, %parallel_loop3A_1438, %parallel_loop3A_1360 : vector<16xi1>, vector<16xf32>
      %parallel_loop3A_1469 = arith.select %parallel_loop3A_1465, %parallel_loop3A_1445, %parallel_loop3A_1361 : vector<16xi1>, vector<16xf32>
      %parallel_loop3A_1470 = arith.select %parallel_loop3A_1466, %parallel_loop3A_1452, %parallel_loop3A_1362 : vector<16xi1>, vector<16xf32>
      %parallel_loop3A_1471 = arith.select %parallel_loop3A_1467, %parallel_loop3A_1459, %parallel_loop3A_1363 : vector<16xi1>, vector<16xf32>
      %parallel_loop3A_1472 = arith.select %parallel_loop3A_1460, %parallel_loop3A_1380, %parallel_loop3A_1468 : vector<16xi1>, vector<16xf32>
      %parallel_loop3A_1473 = arith.select %parallel_loop3A_1461, %parallel_loop3A_1381, %parallel_loop3A_1469 : vector<16xi1>, vector<16xf32>
      %parallel_loop3A_1474 = arith.select %parallel_loop3A_1462, %parallel_loop3A_1382, %parallel_loop3A_1470 : vector<16xi1>, vector<16xf32>
      %parallel_loop3A_1475 = arith.select %parallel_loop3A_1463, %parallel_loop3A_1383, %parallel_loop3A_1471 : vector<16xi1>, vector<16xf32>
      %parallel_loop3A_1476 = arith.constant 12 : i32
      %parallel_loop3A_1477 = vector.broadcast %parallel_loop3A_1476 : i32 to vector<16xi32>
      %parallel_loop3A_1478 = arith.select %parallel_loop3A_1464, %parallel_loop3A_1477, %parallel_loop3A_1376 : vector<16xi1>, vector<16xi32>
      %parallel_loop3A_1479 = arith.constant 28 : i32
      %parallel_loop3A_1480 = vector.broadcast %parallel_loop3A_1479 : i32 to vector<16xi32>
      %parallel_loop3A_1481 = arith.select %parallel_loop3A_1465, %parallel_loop3A_1480, %parallel_loop3A_1377 : vector<16xi1>, vector<16xi32>
      %parallel_loop3A_1482 = arith.constant 44 : i32
      %parallel_loop3A_1483 = vector.broadcast %parallel_loop3A_1482 : i32 to vector<16xi32>
      %parallel_loop3A_1484 = arith.select %parallel_loop3A_1466, %parallel_loop3A_1483, %parallel_loop3A_1378 : vector<16xi1>, vector<16xi32>
      %parallel_loop3A_1485 = arith.constant 60 : i32
      %parallel_loop3A_1486 = vector.broadcast %parallel_loop3A_1485 : i32 to vector<16xi32>
      %parallel_loop3A_1487 = arith.select %parallel_loop3A_1467, %parallel_loop3A_1486, %parallel_loop3A_1379 : vector<16xi1>, vector<16xi32>
      %parallel_loop3A_1488 = arith.select %parallel_loop3A_1460, %parallel_loop3A_1386, %parallel_loop3A_1478 : vector<16xi1>, vector<16xi32>
      %parallel_loop3A_1489 = arith.select %parallel_loop3A_1461, %parallel_loop3A_1389, %parallel_loop3A_1481 : vector<16xi1>, vector<16xi32>
      %parallel_loop3A_1490 = arith.select %parallel_loop3A_1462, %parallel_loop3A_1392, %parallel_loop3A_1484 : vector<16xi1>, vector<16xi32>
      %parallel_loop3A_1491 = arith.select %parallel_loop3A_1463, %parallel_loop3A_1395, %parallel_loop3A_1487 : vector<16xi1>, vector<16xi32>
      %parallel_loop3A_1492 = arith.select %parallel_loop3A_1460, %parallel_loop3A_1438, %parallel_loop3A_1380 : vector<16xi1>, vector<16xf32>
      %parallel_loop3A_1493 = arith.select %parallel_loop3A_1461, %parallel_loop3A_1445, %parallel_loop3A_1381 : vector<16xi1>, vector<16xf32>
      %parallel_loop3A_1494 = arith.select %parallel_loop3A_1462, %parallel_loop3A_1452, %parallel_loop3A_1382 : vector<16xi1>, vector<16xf32>
      %parallel_loop3A_1495 = arith.select %parallel_loop3A_1463, %parallel_loop3A_1459, %parallel_loop3A_1383 : vector<16xi1>, vector<16xf32>
      %parallel_loop3A_1496 = arith.constant 12 : i32
      %parallel_loop3A_1497 = vector.broadcast %parallel_loop3A_1496 : i32 to vector<16xi32>
      %parallel_loop3A_1498 = arith.select %parallel_loop3A_1460, %parallel_loop3A_1497, %parallel_loop3A_1386 : vector<16xi1>, vector<16xi32>
      %parallel_loop3A_1499 = arith.constant 28 : i32
      %parallel_loop3A_1500 = vector.broadcast %parallel_loop3A_1499 : i32 to vector<16xi32>
      %parallel_loop3A_1501 = arith.select %parallel_loop3A_1461, %parallel_loop3A_1500, %parallel_loop3A_1389 : vector<16xi1>, vector<16xi32>
      %parallel_loop3A_1502 = arith.constant 44 : i32
      %parallel_loop3A_1503 = vector.broadcast %parallel_loop3A_1502 : i32 to vector<16xi32>
      %parallel_loop3A_1504 = arith.select %parallel_loop3A_1462, %parallel_loop3A_1503, %parallel_loop3A_1392 : vector<16xi1>, vector<16xi32>
      %parallel_loop3A_1505 = arith.constant 60 : i32
      %parallel_loop3A_1506 = vector.broadcast %parallel_loop3A_1505 : i32 to vector<16xi32>
      %parallel_loop3A_1507 = arith.select %parallel_loop3A_1463, %parallel_loop3A_1506, %parallel_loop3A_1395 : vector<16xi1>, vector<16xi32>
      %parallel_loop3A_1508 = math.exp %parallel_loop3A_1438 : vector<16xf32>
      %parallel_loop3A_1509 = math.exp %parallel_loop3A_1445 : vector<16xf32>
      %parallel_loop3A_1510 = math.exp %parallel_loop3A_1452 : vector<16xf32>
      %parallel_loop3A_1511 = math.exp %parallel_loop3A_1459 : vector<16xf32>
      %parallel_loop3A_1512 = arith.addf %parallel_loop3A_1400, %parallel_loop3A_1508 : vector<16xf32>
      %parallel_loop3A_1513 = arith.addf %parallel_loop3A_1401, %parallel_loop3A_1509 : vector<16xf32>
      %parallel_loop3A_1514 = arith.addf %parallel_loop3A_1402, %parallel_loop3A_1510 : vector<16xf32>
      %parallel_loop3A_1515 = arith.addf %parallel_loop3A_1403, %parallel_loop3A_1511 : vector<16xf32>
      %parallel_loop3A_1516 = arith.constant 1 : i32
      %parallel_loop3A_1517 = arith.constant 4 : i32
      %parallel_loop3A_1518 = arith.index_cast %parallel_loop3A_1516 : i32 to index
      %parallel_loop3A_1519 = arith.index_cast %parallel_loop3A_43 : i32 to index
      %parallel_loop3A_1520 = arith.index_cast %parallel_loop3A_1517 : i32 to index
      %parallel_loop3A_1521 = arith.index_cast %parallel_loop3A_61 : i32 to index
      %parallel_loop3A_1522 = tpu.vector_load %arg7[%parallel_loop3A_1518, %parallel_loop3A_1519, %parallel_loop3A_1520, %parallel_loop3A_1521] {strides = array<i32>} : memref<8x4x8x128xf32, #tpu.memory_space<vmem>>, vector<16xf32>,
      tpu.vector_store %arg7[%parallel_loop3A_1518, %parallel_loop3A_1519, %parallel_loop3A_1520, %parallel_loop3A_1521], %parallel_loop3A_1508 {strides = array<i32>} : memref<8x4x8x128xf32, #tpu.memory_space<vmem>>, vector<16xf32>,
      %parallel_loop3A_1523 = arith.constant 3 : i32
      %parallel_loop3A_1524 = arith.constant 4 : i32
      %parallel_loop3A_1525 = arith.index_cast %parallel_loop3A_1523 : i32 to index
      %parallel_loop3A_1526 = arith.index_cast %parallel_loop3A_43 : i32 to index
      %parallel_loop3A_1527 = arith.index_cast %parallel_loop3A_1524 : i32 to index
      %parallel_loop3A_1528 = arith.index_cast %parallel_loop3A_61 : i32 to index
      %parallel_loop3A_1529 = tpu.vector_load %arg7[%parallel_loop3A_1525, %parallel_loop3A_1526, %parallel_loop3A_1527, %parallel_loop3A_1528] {strides = array<i32>} : memref<8x4x8x128xf32, #tpu.memory_space<vmem>>, vector<16xf32>,
      tpu.vector_store %arg7[%parallel_loop3A_1525, %parallel_loop3A_1526, %parallel_loop3A_1527, %parallel_loop3A_1528], %parallel_loop3A_1509 {strides = array<i32>} : memref<8x4x8x128xf32, #tpu.memory_space<vmem>>, vector<16xf32>,
      %parallel_loop3A_1530 = arith.constant 5 : i32
      %parallel_loop3A_1531 = arith.constant 4 : i32
      %parallel_loop3A_1532 = arith.index_cast %parallel_loop3A_1530 : i32 to index
      %parallel_loop3A_1533 = arith.index_cast %parallel_loop3A_43 : i32 to index
      %parallel_loop3A_1534 = arith.index_cast %parallel_loop3A_1531 : i32 to index
      %parallel_loop3A_1535 = arith.index_cast %parallel_loop3A_61 : i32 to index
      %parallel_loop3A_1536 = tpu.vector_load %arg7[%parallel_loop3A_1532, %parallel_loop3A_1533, %parallel_loop3A_1534, %parallel_loop3A_1535] {strides = array<i32>} : memref<8x4x8x128xf32, #tpu.memory_space<vmem>>, vector<16xf32>,
      tpu.vector_store %arg7[%parallel_loop3A_1532, %parallel_loop3A_1533, %parallel_loop3A_1534, %parallel_loop3A_1535], %parallel_loop3A_1510 {strides = array<i32>} : memref<8x4x8x128xf32, #tpu.memory_space<vmem>>, vector<16xf32>,
      %parallel_loop3A_1537 = arith.constant 7 : i32
      %parallel_loop3A_1538 = arith.constant 4 : i32
      %parallel_loop3A_1539 = arith.index_cast %parallel_loop3A_1537 : i32 to index
      %parallel_loop3A_1540 = arith.index_cast %parallel_loop3A_43 : i32 to index
      %parallel_loop3A_1541 = arith.index_cast %parallel_loop3A_1538 : i32 to index
      %parallel_loop3A_1542 = arith.index_cast %parallel_loop3A_61 : i32 to index
      %parallel_loop3A_1543 = tpu.vector_load %arg7[%parallel_loop3A_1539, %parallel_loop3A_1540, %parallel_loop3A_1541, %parallel_loop3A_1542] {strides = array<i32>} : memref<8x4x8x128xf32, #tpu.memory_space<vmem>>, vector<16xf32>,
      tpu.vector_store %arg7[%parallel_loop3A_1539, %parallel_loop3A_1540, %parallel_loop3A_1541, %parallel_loop3A_1542], %parallel_loop3A_1511 {strides = array<i32>} : memref<8x4x8x128xf32, #tpu.memory_space<vmem>>, vector<16xf32>,
      %parallel_loop3A_1544 = arith.constant 1 : i32
      %parallel_loop3A_1545 = arith.constant 5 : i32
      %parallel_loop3A_1546 = arith.index_cast %parallel_loop3A_1544 : i32 to index
      %parallel_loop3A_1547 = arith.index_cast %parallel_loop3A_43 : i32 to index
      %parallel_loop3A_1548 = arith.index_cast %parallel_loop3A_1545 : i32 to index
      %parallel_loop3A_1549 = arith.index_cast %parallel_loop3A_61 : i32 to index
      %parallel_loop3A_1550 = tpu.vector_load %arg6[%parallel_loop3A_1546, %parallel_loop3A_1547, %parallel_loop3A_1548, %parallel_loop3A_1549] {strides = array<i32>} : memref<8x4x8x128xf32, #tpu.memory_space<vmem>>, vector<16xf32>,
      %parallel_loop3A_1551 = arith.constant 3 : i32
      %parallel_loop3A_1552 = arith.constant 5 : i32
      %parallel_loop3A_1553 = arith.index_cast %parallel_loop3A_1551 : i32 to index
      %parallel_loop3A_1554 = arith.index_cast %parallel_loop3A_43 : i32 to index
      %parallel_loop3A_1555 = arith.index_cast %parallel_loop3A_1552 : i32 to index
      %parallel_loop3A_1556 = arith.index_cast %parallel_loop3A_61 : i32 to index
      %parallel_loop3A_1557 = tpu.vector_load %arg6[%parallel_loop3A_1553, %parallel_loop3A_1554, %parallel_loop3A_1555, %parallel_loop3A_1556] {strides = array<i32>} : memref<8x4x8x128xf32, #tpu.memory_space<vmem>>, vector<16xf32>,
      %parallel_loop3A_1558 = arith.constant 5 : i32
      %parallel_loop3A_1559 = arith.constant 5 : i32
      %parallel_loop3A_1560 = arith.index_cast %parallel_loop3A_1558 : i32 to index
      %parallel_loop3A_1561 = arith.index_cast %parallel_loop3A_43 : i32 to index
      %parallel_loop3A_1562 = arith.index_cast %parallel_loop3A_1559 : i32 to index
      %parallel_loop3A_1563 = arith.index_cast %parallel_loop3A_61 : i32 to index
      %parallel_loop3A_1564 = tpu.vector_load %arg6[%parallel_loop3A_1560, %parallel_loop3A_1561, %parallel_loop3A_1562, %parallel_loop3A_1563] {strides = array<i32>} : memref<8x4x8x128xf32, #tpu.memory_space<vmem>>, vector<16xf32>,
      %parallel_loop3A_1565 = arith.constant 7 : i32
      %parallel_loop3A_1566 = arith.constant 5 : i32
      %parallel_loop3A_1567 = arith.index_cast %parallel_loop3A_1565 : i32 to index
      %parallel_loop3A_1568 = arith.index_cast %parallel_loop3A_43 : i32 to index
      %parallel_loop3A_1569 = arith.index_cast %parallel_loop3A_1566 : i32 to index
      %parallel_loop3A_1570 = arith.index_cast %parallel_loop3A_61 : i32 to index
      %parallel_loop3A_1571 = tpu.vector_load %arg6[%parallel_loop3A_1567, %parallel_loop3A_1568, %parallel_loop3A_1569, %parallel_loop3A_1570] {strides = array<i32>} : memref<8x4x8x128xf32, #tpu.memory_space<vmem>>, vector<16xf32>,
      %parallel_loop3A_1572 = arith.cmpf ogt, %parallel_loop3A_1550, %parallel_loop3A_1492 : vector<16xf32>
      %parallel_loop3A_1573 = arith.cmpf ogt, %parallel_loop3A_1557, %parallel_loop3A_1493 : vector<16xf32>
      %parallel_loop3A_1574 = arith.cmpf ogt, %parallel_loop3A_1564, %parallel_loop3A_1494 : vector<16xf32>
      %parallel_loop3A_1575 = arith.cmpf ogt, %parallel_loop3A_1571, %parallel_loop3A_1495 : vector<16xf32>
      %parallel_loop3A_1576 = arith.cmpf ogt, %parallel_loop3A_1550, %parallel_loop3A_1472 : vector<16xf32>
      %parallel_loop3A_1577 = arith.cmpf ogt, %parallel_loop3A_1557, %parallel_loop3A_1473 : vector<16xf32>
      %parallel_loop3A_1578 = arith.cmpf ogt, %parallel_loop3A_1564, %parallel_loop3A_1474 : vector<16xf32>
      %parallel_loop3A_1579 = arith.cmpf ogt, %parallel_loop3A_1571, %parallel_loop3A_1475 : vector<16xf32>
      %parallel_loop3A_1580 = arith.select %parallel_loop3A_1576, %parallel_loop3A_1550, %parallel_loop3A_1472 : vector<16xi1>, vector<16xf32>
      %parallel_loop3A_1581 = arith.select %parallel_loop3A_1577, %parallel_loop3A_1557, %parallel_loop3A_1473 : vector<16xi1>, vector<16xf32>
      %parallel_loop3A_1582 = arith.select %parallel_loop3A_1578, %parallel_loop3A_1564, %parallel_loop3A_1474 : vector<16xi1>, vector<16xf32>
      %parallel_loop3A_1583 = arith.select %parallel_loop3A_1579, %parallel_loop3A_1571, %parallel_loop3A_1475 : vector<16xi1>, vector<16xf32>
      %parallel_loop3A_1584 = arith.select %parallel_loop3A_1572, %parallel_loop3A_1492, %parallel_loop3A_1580 : vector<16xi1>, vector<16xf32>
      %parallel_loop3A_1585 = arith.select %parallel_loop3A_1573, %parallel_loop3A_1493, %parallel_loop3A_1581 : vector<16xi1>, vector<16xf32>
      %parallel_loop3A_1586 = arith.select %parallel_loop3A_1574, %parallel_loop3A_1494, %parallel_loop3A_1582 : vector<16xi1>, vector<16xf32>
      %parallel_loop3A_1587 = arith.select %parallel_loop3A_1575, %parallel_loop3A_1495, %parallel_loop3A_1583 : vector<16xi1>, vector<16xf32>
      %parallel_loop3A_1588 = arith.constant 13 : i32
      %parallel_loop3A_1589 = vector.broadcast %parallel_loop3A_1588 : i32 to vector<16xi32>
      %parallel_loop3A_1590 = arith.select %parallel_loop3A_1576, %parallel_loop3A_1589, %parallel_loop3A_1488 : vector<16xi1>, vector<16xi32>
      %parallel_loop3A_1591 = arith.constant 29 : i32
      %parallel_loop3A_1592 = vector.broadcast %parallel_loop3A_1591 : i32 to vector<16xi32>
      %parallel_loop3A_1593 = arith.select %parallel_loop3A_1577, %parallel_loop3A_1592, %parallel_loop3A_1489 : vector<16xi1>, vector<16xi32>
      %parallel_loop3A_1594 = arith.constant 45 : i32
      %parallel_loop3A_1595 = vector.broadcast %parallel_loop3A_1594 : i32 to vector<16xi32>
      %parallel_loop3A_1596 = arith.select %parallel_loop3A_1578, %parallel_loop3A_1595, %parallel_loop3A_1490 : vector<16xi1>, vector<16xi32>
      %parallel_loop3A_1597 = arith.constant 61 : i32
      %parallel_loop3A_1598 = vector.broadcast %parallel_loop3A_1597 : i32 to vector<16xi32>
      %parallel_loop3A_1599 = arith.select %parallel_loop3A_1579, %parallel_loop3A_1598, %parallel_loop3A_1491 : vector<16xi1>, vector<16xi32>
      %parallel_loop3A_1600 = arith.select %parallel_loop3A_1572, %parallel_loop3A_1498, %parallel_loop3A_1590 : vector<16xi1>, vector<16xi32>
      %parallel_loop3A_1601 = arith.select %parallel_loop3A_1573, %parallel_loop3A_1501, %parallel_loop3A_1593 : vector<16xi1>, vector<16xi32>
      %parallel_loop3A_1602 = arith.select %parallel_loop3A_1574, %parallel_loop3A_1504, %parallel_loop3A_1596 : vector<16xi1>, vector<16xi32>
      %parallel_loop3A_1603 = arith.select %parallel_loop3A_1575, %parallel_loop3A_1507, %parallel_loop3A_1599 : vector<16xi1>, vector<16xi32>
      %parallel_loop3A_1604 = arith.select %parallel_loop3A_1572, %parallel_loop3A_1550, %parallel_loop3A_1492 : vector<16xi1>, vector<16xf32>
      %parallel_loop3A_1605 = arith.select %parallel_loop3A_1573, %parallel_loop3A_1557, %parallel_loop3A_1493 : vector<16xi1>, vector<16xf32>
      %parallel_loop3A_1606 = arith.select %parallel_loop3A_1574, %parallel_loop3A_1564, %parallel_loop3A_1494 : vector<16xi1>, vector<16xf32>
      %parallel_loop3A_1607 = arith.select %parallel_loop3A_1575, %parallel_loop3A_1571, %parallel_loop3A_1495 : vector<16xi1>, vector<16xf32>
      %parallel_loop3A_1608 = arith.constant 13 : i32
      %parallel_loop3A_1609 = vector.broadcast %parallel_loop3A_1608 : i32 to vector<16xi32>
      %parallel_loop3A_1610 = arith.select %parallel_loop3A_1572, %parallel_loop3A_1609, %parallel_loop3A_1498 : vector<16xi1>, vector<16xi32>
      %parallel_loop3A_1611 = arith.constant 29 : i32
      %parallel_loop3A_1612 = vector.broadcast %parallel_loop3A_1611 : i32 to vector<16xi32>
      %parallel_loop3A_1613 = arith.select %parallel_loop3A_1573, %parallel_loop3A_1612, %parallel_loop3A_1501 : vector<16xi1>, vector<16xi32>
      %parallel_loop3A_1614 = arith.constant 45 : i32
      %parallel_loop3A_1615 = vector.broadcast %parallel_loop3A_1614 : i32 to vector<16xi32>
      %parallel_loop3A_1616 = arith.select %parallel_loop3A_1574, %parallel_loop3A_1615, %parallel_loop3A_1504 : vector<16xi1>, vector<16xi32>
      %parallel_loop3A_1617 = arith.constant 61 : i32
      %parallel_loop3A_1618 = vector.broadcast %parallel_loop3A_1617 : i32 to vector<16xi32>
      %parallel_loop3A_1619 = arith.select %parallel_loop3A_1575, %parallel_loop3A_1618, %parallel_loop3A_1507 : vector<16xi1>, vector<16xi32>
      %parallel_loop3A_1620 = math.exp %parallel_loop3A_1550 : vector<16xf32>
      %parallel_loop3A_1621 = math.exp %parallel_loop3A_1557 : vector<16xf32>
      %parallel_loop3A_1622 = math.exp %parallel_loop3A_1564 : vector<16xf32>
      %parallel_loop3A_1623 = math.exp %parallel_loop3A_1571 : vector<16xf32>
      %parallel_loop3A_1624 = arith.addf %parallel_loop3A_1512, %parallel_loop3A_1620 : vector<16xf32>
      %parallel_loop3A_1625 = arith.addf %parallel_loop3A_1513, %parallel_loop3A_1621 : vector<16xf32>
      %parallel_loop3A_1626 = arith.addf %parallel_loop3A_1514, %parallel_loop3A_1622 : vector<16xf32>
      %parallel_loop3A_1627 = arith.addf %parallel_loop3A_1515, %parallel_loop3A_1623 : vector<16xf32>
      %parallel_loop3A_1628 = arith.constant 1 : i32
      %parallel_loop3A_1629 = arith.constant 5 : i32
      %parallel_loop3A_1630 = arith.index_cast %parallel_loop3A_1628 : i32 to index
      %parallel_loop3A_1631 = arith.index_cast %parallel_loop3A_43 : i32 to index
      %parallel_loop3A_1632 = arith.index_cast %parallel_loop3A_1629 : i32 to index
      %parallel_loop3A_1633 = arith.index_cast %parallel_loop3A_61 : i32 to index
      %parallel_loop3A_1634 = tpu.vector_load %arg7[%parallel_loop3A_1630, %parallel_loop3A_1631, %parallel_loop3A_1632, %parallel_loop3A_1633] {strides = array<i32>} : memref<8x4x8x128xf32, #tpu.memory_space<vmem>>, vector<16xf32>,
      tpu.vector_store %arg7[%parallel_loop3A_1630, %parallel_loop3A_1631, %parallel_loop3A_1632, %parallel_loop3A_1633], %parallel_loop3A_1620 {strides = array<i32>} : memref<8x4x8x128xf32, #tpu.memory_space<vmem>>, vector<16xf32>,
      %parallel_loop3A_1635 = arith.constant 3 : i32
      %parallel_loop3A_1636 = arith.constant 5 : i32
      %parallel_loop3A_1637 = arith.index_cast %parallel_loop3A_1635 : i32 to index
      %parallel_loop3A_1638 = arith.index_cast %parallel_loop3A_43 : i32 to index
      %parallel_loop3A_1639 = arith.index_cast %parallel_loop3A_1636 : i32 to index
      %parallel_loop3A_1640 = arith.index_cast %parallel_loop3A_61 : i32 to index
      %parallel_loop3A_1641 = tpu.vector_load %arg7[%parallel_loop3A_1637, %parallel_loop3A_1638, %parallel_loop3A_1639, %parallel_loop3A_1640] {strides = array<i32>} : memref<8x4x8x128xf32, #tpu.memory_space<vmem>>, vector<16xf32>,
      tpu.vector_store %arg7[%parallel_loop3A_1637, %parallel_loop3A_1638, %parallel_loop3A_1639, %parallel_loop3A_1640], %parallel_loop3A_1621 {strides = array<i32>} : memref<8x4x8x128xf32, #tpu.memory_space<vmem>>, vector<16xf32>,
      %parallel_loop3A_1642 = arith.constant 5 : i32
      %parallel_loop3A_1643 = arith.constant 5 : i32
      %parallel_loop3A_1644 = arith.index_cast %parallel_loop3A_1642 : i32 to index
      %parallel_loop3A_1645 = arith.index_cast %parallel_loop3A_43 : i32 to index
      %parallel_loop3A_1646 = arith.index_cast %parallel_loop3A_1643 : i32 to index
      %parallel_loop3A_1647 = arith.index_cast %parallel_loop3A_61 : i32 to index
      %parallel_loop3A_1648 = tpu.vector_load %arg7[%parallel_loop3A_1644, %parallel_loop3A_1645, %parallel_loop3A_1646, %parallel_loop3A_1647] {strides = array<i32>} : memref<8x4x8x128xf32, #tpu.memory_space<vmem>>, vector<16xf32>,
      tpu.vector_store %arg7[%parallel_loop3A_1644, %parallel_loop3A_1645, %parallel_loop3A_1646, %parallel_loop3A_1647], %parallel_loop3A_1622 {strides = array<i32>} : memref<8x4x8x128xf32, #tpu.memory_space<vmem>>, vector<16xf32>,
      %parallel_loop3A_1649 = arith.constant 7 : i32
      %parallel_loop3A_1650 = arith.constant 5 : i32
      %parallel_loop3A_1651 = arith.index_cast %parallel_loop3A_1649 : i32 to index
      %parallel_loop3A_1652 = arith.index_cast %parallel_loop3A_43 : i32 to index
      %parallel_loop3A_1653 = arith.index_cast %parallel_loop3A_1650 : i32 to index
      %parallel_loop3A_1654 = arith.index_cast %parallel_loop3A_61 : i32 to index
      %parallel_loop3A_1655 = tpu.vector_load %arg7[%parallel_loop3A_1651, %parallel_loop3A_1652, %parallel_loop3A_1653, %parallel_loop3A_1654] {strides = array<i32>} : memref<8x4x8x128xf32, #tpu.memory_space<vmem>>, vector<16xf32>,
      tpu.vector_store %arg7[%parallel_loop3A_1651, %parallel_loop3A_1652, %parallel_loop3A_1653, %parallel_loop3A_1654], %parallel_loop3A_1623 {strides = array<i32>} : memref<8x4x8x128xf32, #tpu.memory_space<vmem>>, vector<16xf32>,
      %parallel_loop3A_1656 = arith.constant 1 : i32
      %parallel_loop3A_1657 = arith.constant 6 : i32
      %parallel_loop3A_1658 = arith.index_cast %parallel_loop3A_1656 : i32 to index
      %parallel_loop3A_1659 = arith.index_cast %parallel_loop3A_43 : i32 to index
      %parallel_loop3A_1660 = arith.index_cast %parallel_loop3A_1657 : i32 to index
      %parallel_loop3A_1661 = arith.index_cast %parallel_loop3A_61 : i32 to index
      %parallel_loop3A_1662 = tpu.vector_load %arg6[%parallel_loop3A_1658, %parallel_loop3A_1659, %parallel_loop3A_1660, %parallel_loop3A_1661] {strides = array<i32>} : memref<8x4x8x128xf32, #tpu.memory_space<vmem>>, vector<16xf32>,
      %parallel_loop3A_1663 = arith.constant 3 : i32
      %parallel_loop3A_1664 = arith.constant 6 : i32
      %parallel_loop3A_1665 = arith.index_cast %parallel_loop3A_1663 : i32 to index
      %parallel_loop3A_1666 = arith.index_cast %parallel_loop3A_43 : i32 to index
      %parallel_loop3A_1667 = arith.index_cast %parallel_loop3A_1664 : i32 to index
      %parallel_loop3A_1668 = arith.index_cast %parallel_loop3A_61 : i32 to index
      %parallel_loop3A_1669 = tpu.vector_load %arg6[%parallel_loop3A_1665, %parallel_loop3A_1666, %parallel_loop3A_1667, %parallel_loop3A_1668] {strides = array<i32>} : memref<8x4x8x128xf32, #tpu.memory_space<vmem>>, vector<16xf32>,
      %parallel_loop3A_1670 = arith.constant 5 : i32
      %parallel_loop3A_1671 = arith.constant 6 : i32
      %parallel_loop3A_1672 = arith.index_cast %parallel_loop3A_1670 : i32 to index
      %parallel_loop3A_1673 = arith.index_cast %parallel_loop3A_43 : i32 to index
      %parallel_loop3A_1674 = arith.index_cast %parallel_loop3A_1671 : i32 to index
      %parallel_loop3A_1675 = arith.index_cast %parallel_loop3A_61 : i32 to index
      %parallel_loop3A_1676 = tpu.vector_load %arg6[%parallel_loop3A_1672, %parallel_loop3A_1673, %parallel_loop3A_1674, %parallel_loop3A_1675] {strides = array<i32>} : memref<8x4x8x128xf32, #tpu.memory_space<vmem>>, vector<16xf32>,
      %parallel_loop3A_1677 = arith.constant 7 : i32
      %parallel_loop3A_1678 = arith.constant 6 : i32
      %parallel_loop3A_1679 = arith.index_cast %parallel_loop3A_1677 : i32 to index
      %parallel_loop3A_1680 = arith.index_cast %parallel_loop3A_43 : i32 to index
      %parallel_loop3A_1681 = arith.index_cast %parallel_loop3A_1678 : i32 to index
      %parallel_loop3A_1682 = arith.index_cast %parallel_loop3A_61 : i32 to index
      %parallel_loop3A_1683 = tpu.vector_load %arg6[%parallel_loop3A_1679, %parallel_loop3A_1680, %parallel_loop3A_1681, %parallel_loop3A_1682] {strides = array<i32>} : memref<8x4x8x128xf32, #tpu.memory_space<vmem>>, vector<16xf32>,
      %parallel_loop3A_1684 = arith.cmpf ogt, %parallel_loop3A_1662, %parallel_loop3A_1604 : vector<16xf32>
      %parallel_loop3A_1685 = arith.cmpf ogt, %parallel_loop3A_1669, %parallel_loop3A_1605 : vector<16xf32>
      %parallel_loop3A_1686 = arith.cmpf ogt, %parallel_loop3A_1676, %parallel_loop3A_1606 : vector<16xf32>
      %parallel_loop3A_1687 = arith.cmpf ogt, %parallel_loop3A_1683, %parallel_loop3A_1607 : vector<16xf32>
      %parallel_loop3A_1688 = arith.cmpf ogt, %parallel_loop3A_1662, %parallel_loop3A_1584 : vector<16xf32>
      %parallel_loop3A_1689 = arith.cmpf ogt, %parallel_loop3A_1669, %parallel_loop3A_1585 : vector<16xf32>
      %parallel_loop3A_1690 = arith.cmpf ogt, %parallel_loop3A_1676, %parallel_loop3A_1586 : vector<16xf32>
      %parallel_loop3A_1691 = arith.cmpf ogt, %parallel_loop3A_1683, %parallel_loop3A_1587 : vector<16xf32>
      %parallel_loop3A_1692 = arith.select %parallel_loop3A_1688, %parallel_loop3A_1662, %parallel_loop3A_1584 : vector<16xi1>, vector<16xf32>
      %parallel_loop3A_1693 = arith.select %parallel_loop3A_1689, %parallel_loop3A_1669, %parallel_loop3A_1585 : vector<16xi1>, vector<16xf32>
      %parallel_loop3A_1694 = arith.select %parallel_loop3A_1690, %parallel_loop3A_1676, %parallel_loop3A_1586 : vector<16xi1>, vector<16xf32>
      %parallel_loop3A_1695 = arith.select %parallel_loop3A_1691, %parallel_loop3A_1683, %parallel_loop3A_1587 : vector<16xi1>, vector<16xf32>
      %parallel_loop3A_1696 = arith.select %parallel_loop3A_1684, %parallel_loop3A_1604, %parallel_loop3A_1692 : vector<16xi1>, vector<16xf32>
      %parallel_loop3A_1697 = arith.select %parallel_loop3A_1685, %parallel_loop3A_1605, %parallel_loop3A_1693 : vector<16xi1>, vector<16xf32>
      %parallel_loop3A_1698 = arith.select %parallel_loop3A_1686, %parallel_loop3A_1606, %parallel_loop3A_1694 : vector<16xi1>, vector<16xf32>
      %parallel_loop3A_1699 = arith.select %parallel_loop3A_1687, %parallel_loop3A_1607, %parallel_loop3A_1695 : vector<16xi1>, vector<16xf32>
      %parallel_loop3A_1700 = arith.constant 14 : i32
      %parallel_loop3A_1701 = vector.broadcast %parallel_loop3A_1700 : i32 to vector<16xi32>
      %parallel_loop3A_1702 = arith.select %parallel_loop3A_1688, %parallel_loop3A_1701, %parallel_loop3A_1600 : vector<16xi1>, vector<16xi32>
      %parallel_loop3A_1703 = arith.constant 30 : i32
      %parallel_loop3A_1704 = vector.broadcast %parallel_loop3A_1703 : i32 to vector<16xi32>
      %parallel_loop3A_1705 = arith.select %parallel_loop3A_1689, %parallel_loop3A_1704, %parallel_loop3A_1601 : vector<16xi1>, vector<16xi32>
      %parallel_loop3A_1706 = arith.constant 46 : i32
      %parallel_loop3A_1707 = vector.broadcast %parallel_loop3A_1706 : i32 to vector<16xi32>
      %parallel_loop3A_1708 = arith.select %parallel_loop3A_1690, %parallel_loop3A_1707, %parallel_loop3A_1602 : vector<16xi1>, vector<16xi32>
      %parallel_loop3A_1709 = arith.constant 62 : i32
      %parallel_loop3A_1710 = vector.broadcast %parallel_loop3A_1709 : i32 to vector<16xi32>
      %parallel_loop3A_1711 = arith.select %parallel_loop3A_1691, %parallel_loop3A_1710, %parallel_loop3A_1603 : vector<16xi1>, vector<16xi32>
      %parallel_loop3A_1712 = arith.select %parallel_loop3A_1684, %parallel_loop3A_1610, %parallel_loop3A_1702 : vector<16xi1>, vector<16xi32>
      %parallel_loop3A_1713 = arith.select %parallel_loop3A_1685, %parallel_loop3A_1613, %parallel_loop3A_1705 : vector<16xi1>, vector<16xi32>
      %parallel_loop3A_1714 = arith.select %parallel_loop3A_1686, %parallel_loop3A_1616, %parallel_loop3A_1708 : vector<16xi1>, vector<16xi32>
      %parallel_loop3A_1715 = arith.select %parallel_loop3A_1687, %parallel_loop3A_1619, %parallel_loop3A_1711 : vector<16xi1>, vector<16xi32>
      %parallel_loop3A_1716 = arith.select %parallel_loop3A_1684, %parallel_loop3A_1662, %parallel_loop3A_1604 : vector<16xi1>, vector<16xf32>
      %parallel_loop3A_1717 = arith.select %parallel_loop3A_1685, %parallel_loop3A_1669, %parallel_loop3A_1605 : vector<16xi1>, vector<16xf32>
      %parallel_loop3A_1718 = arith.select %parallel_loop3A_1686, %parallel_loop3A_1676, %parallel_loop3A_1606 : vector<16xi1>, vector<16xf32>
      %parallel_loop3A_1719 = arith.select %parallel_loop3A_1687, %parallel_loop3A_1683, %parallel_loop3A_1607 : vector<16xi1>, vector<16xf32>
      %parallel_loop3A_1720 = arith.constant 14 : i32
      %parallel_loop3A_1721 = vector.broadcast %parallel_loop3A_1720 : i32 to vector<16xi32>
      %parallel_loop3A_1722 = arith.select %parallel_loop3A_1684, %parallel_loop3A_1721, %parallel_loop3A_1610 : vector<16xi1>, vector<16xi32>
      %parallel_loop3A_1723 = arith.constant 30 : i32
      %parallel_loop3A_1724 = vector.broadcast %parallel_loop3A_1723 : i32 to vector<16xi32>
      %parallel_loop3A_1725 = arith.select %parallel_loop3A_1685, %parallel_loop3A_1724, %parallel_loop3A_1613 : vector<16xi1>, vector<16xi32>
      %parallel_loop3A_1726 = arith.constant 46 : i32
      %parallel_loop3A_1727 = vector.broadcast %parallel_loop3A_1726 : i32 to vector<16xi32>
      %parallel_loop3A_1728 = arith.select %parallel_loop3A_1686, %parallel_loop3A_1727, %parallel_loop3A_1616 : vector<16xi1>, vector<16xi32>
      %parallel_loop3A_1729 = arith.constant 62 : i32
      %parallel_loop3A_1730 = vector.broadcast %parallel_loop3A_1729 : i32 to vector<16xi32>
      %parallel_loop3A_1731 = arith.select %parallel_loop3A_1687, %parallel_loop3A_1730, %parallel_loop3A_1619 : vector<16xi1>, vector<16xi32>
      %parallel_loop3A_1732 = math.exp %parallel_loop3A_1662 : vector<16xf32>
      %parallel_loop3A_1733 = math.exp %parallel_loop3A_1669 : vector<16xf32>
      %parallel_loop3A_1734 = math.exp %parallel_loop3A_1676 : vector<16xf32>
      %parallel_loop3A_1735 = math.exp %parallel_loop3A_1683 : vector<16xf32>
      %parallel_loop3A_1736 = arith.addf %parallel_loop3A_1624, %parallel_loop3A_1732 : vector<16xf32>
      %parallel_loop3A_1737 = arith.addf %parallel_loop3A_1625, %parallel_loop3A_1733 : vector<16xf32>
      %parallel_loop3A_1738 = arith.addf %parallel_loop3A_1626, %parallel_loop3A_1734 : vector<16xf32>
      %parallel_loop3A_1739 = arith.addf %parallel_loop3A_1627, %parallel_loop3A_1735 : vector<16xf32>
      %parallel_loop3A_1740 = arith.constant 1 : i32
      %parallel_loop3A_1741 = arith.constant 6 : i32
      %parallel_loop3A_1742 = arith.index_cast %parallel_loop3A_1740 : i32 to index
      %parallel_loop3A_1743 = arith.index_cast %parallel_loop3A_43 : i32 to index
      %parallel_loop3A_1744 = arith.index_cast %parallel_loop3A_1741 : i32 to index
      %parallel_loop3A_1745 = arith.index_cast %parallel_loop3A_61 : i32 to index
      %parallel_loop3A_1746 = tpu.vector_load %arg7[%parallel_loop3A_1742, %parallel_loop3A_1743, %parallel_loop3A_1744, %parallel_loop3A_1745] {strides = array<i32>} : memref<8x4x8x128xf32, #tpu.memory_space<vmem>>, vector<16xf32>,
      tpu.vector_store %arg7[%parallel_loop3A_1742, %parallel_loop3A_1743, %parallel_loop3A_1744, %parallel_loop3A_1745], %parallel_loop3A_1732 {strides = array<i32>} : memref<8x4x8x128xf32, #tpu.memory_space<vmem>>, vector<16xf32>,
      %parallel_loop3A_1747 = arith.constant 3 : i32
      %parallel_loop3A_1748 = arith.constant 6 : i32
      %parallel_loop3A_1749 = arith.index_cast %parallel_loop3A_1747 : i32 to index
      %parallel_loop3A_1750 = arith.index_cast %parallel_loop3A_43 : i32 to index
      %parallel_loop3A_1751 = arith.index_cast %parallel_loop3A_1748 : i32 to index
      %parallel_loop3A_1752 = arith.index_cast %parallel_loop3A_61 : i32 to index
      %parallel_loop3A_1753 = tpu.vector_load %arg7[%parallel_loop3A_1749, %parallel_loop3A_1750, %parallel_loop3A_1751, %parallel_loop3A_1752] {strides = array<i32>} : memref<8x4x8x128xf32, #tpu.memory_space<vmem>>, vector<16xf32>,
      tpu.vector_store %arg7[%parallel_loop3A_1749, %parallel_loop3A_1750, %parallel_loop3A_1751, %parallel_loop3A_1752], %parallel_loop3A_1733 {strides = array<i32>} : memref<8x4x8x128xf32, #tpu.memory_space<vmem>>, vector<16xf32>,
      %parallel_loop3A_1754 = arith.constant 5 : i32
      %parallel_loop3A_1755 = arith.constant 6 : i32
      %parallel_loop3A_1756 = arith.index_cast %parallel_loop3A_1754 : i32 to index
      %parallel_loop3A_1757 = arith.index_cast %parallel_loop3A_43 : i32 to index
      %parallel_loop3A_1758 = arith.index_cast %parallel_loop3A_1755 : i32 to index
      %parallel_loop3A_1759 = arith.index_cast %parallel_loop3A_61 : i32 to index
      %parallel_loop3A_1760 = tpu.vector_load %arg7[%parallel_loop3A_1756, %parallel_loop3A_1757, %parallel_loop3A_1758, %parallel_loop3A_1759] {strides = array<i32>} : memref<8x4x8x128xf32, #tpu.memory_space<vmem>>, vector<16xf32>,
      tpu.vector_store %arg7[%parallel_loop3A_1756, %parallel_loop3A_1757, %parallel_loop3A_1758, %parallel_loop3A_1759], %parallel_loop3A_1734 {strides = array<i32>} : memref<8x4x8x128xf32, #tpu.memory_space<vmem>>, vector<16xf32>,
      %parallel_loop3A_1761 = arith.constant 7 : i32
      %parallel_loop3A_1762 = arith.constant 6 : i32
      %parallel_loop3A_1763 = arith.index_cast %parallel_loop3A_1761 : i32 to index
      %parallel_loop3A_1764 = arith.index_cast %parallel_loop3A_43 : i32 to index
      %parallel_loop3A_1765 = arith.index_cast %parallel_loop3A_1762 : i32 to index
      %parallel_loop3A_1766 = arith.index_cast %parallel_loop3A_61 : i32 to index
      %parallel_loop3A_1767 = tpu.vector_load %arg7[%parallel_loop3A_1763, %parallel_loop3A_1764, %parallel_loop3A_1765, %parallel_loop3A_1766] {strides = array<i32>} : memref<8x4x8x128xf32, #tpu.memory_space<vmem>>, vector<16xf32>,
      tpu.vector_store %arg7[%parallel_loop3A_1763, %parallel_loop3A_1764, %parallel_loop3A_1765, %parallel_loop3A_1766], %parallel_loop3A_1735 {strides = array<i32>} : memref<8x4x8x128xf32, #tpu.memory_space<vmem>>, vector<16xf32>,
      %parallel_loop3A_1768 = arith.constant 1 : i32
      %parallel_loop3A_1769 = arith.constant 7 : i32
      %parallel_loop3A_1770 = arith.index_cast %parallel_loop3A_1768 : i32 to index
      %parallel_loop3A_1771 = arith.index_cast %parallel_loop3A_43 : i32 to index
      %parallel_loop3A_1772 = arith.index_cast %parallel_loop3A_1769 : i32 to index
      %parallel_loop3A_1773 = arith.index_cast %parallel_loop3A_61 : i32 to index
      %parallel_loop3A_1774 = tpu.vector_load %arg6[%parallel_loop3A_1770, %parallel_loop3A_1771, %parallel_loop3A_1772, %parallel_loop3A_1773] {strides = array<i32>} : memref<8x4x8x128xf32, #tpu.memory_space<vmem>>, vector<16xf32>,
      %parallel_loop3A_1775 = arith.constant 3 : i32
      %parallel_loop3A_1776 = arith.constant 7 : i32
      %parallel_loop3A_1777 = arith.index_cast %parallel_loop3A_1775 : i32 to index
      %parallel_loop3A_1778 = arith.index_cast %parallel_loop3A_43 : i32 to index
      %parallel_loop3A_1779 = arith.index_cast %parallel_loop3A_1776 : i32 to index
      %parallel_loop3A_1780 = arith.index_cast %parallel_loop3A_61 : i32 to index
      %parallel_loop3A_1781 = tpu.vector_load %arg6[%parallel_loop3A_1777, %parallel_loop3A_1778, %parallel_loop3A_1779, %parallel_loop3A_1780] {strides = array<i32>} : memref<8x4x8x128xf32, #tpu.memory_space<vmem>>, vector<16xf32>,
      %parallel_loop3A_1782 = arith.constant 5 : i32
      %parallel_loop3A_1783 = arith.constant 7 : i32
      %parallel_loop3A_1784 = arith.index_cast %parallel_loop3A_1782 : i32 to index
      %parallel_loop3A_1785 = arith.index_cast %parallel_loop3A_43 : i32 to index
      %parallel_loop3A_1786 = arith.index_cast %parallel_loop3A_1783 : i32 to index
      %parallel_loop3A_1787 = arith.index_cast %parallel_loop3A_61 : i32 to index
      %parallel_loop3A_1788 = tpu.vector_load %arg6[%parallel_loop3A_1784, %parallel_loop3A_1785, %parallel_loop3A_1786, %parallel_loop3A_1787] {strides = array<i32>} : memref<8x4x8x128xf32, #tpu.memory_space<vmem>>, vector<16xf32>,
      %parallel_loop3A_1789 = arith.constant 7 : i32
      %parallel_loop3A_1790 = arith.constant 7 : i32
      %parallel_loop3A_1791 = arith.index_cast %parallel_loop3A_1789 : i32 to index
      %parallel_loop3A_1792 = arith.index_cast %parallel_loop3A_43 : i32 to index
      %parallel_loop3A_1793 = arith.index_cast %parallel_loop3A_1790 : i32 to index
      %parallel_loop3A_1794 = arith.index_cast %parallel_loop3A_61 : i32 to index
      %parallel_loop3A_1795 = tpu.vector_load %arg6[%parallel_loop3A_1791, %parallel_loop3A_1792, %parallel_loop3A_1793, %parallel_loop3A_1794] {strides = array<i32>} : memref<8x4x8x128xf32, #tpu.memory_space<vmem>>, vector<16xf32>,
      %parallel_loop3A_1796 = arith.cmpf ogt, %parallel_loop3A_1774, %parallel_loop3A_1716 : vector<16xf32>
      %parallel_loop3A_1797 = arith.cmpf ogt, %parallel_loop3A_1781, %parallel_loop3A_1717 : vector<16xf32>
      %parallel_loop3A_1798 = arith.cmpf ogt, %parallel_loop3A_1788, %parallel_loop3A_1718 : vector<16xf32>
      %parallel_loop3A_1799 = arith.cmpf ogt, %parallel_loop3A_1795, %parallel_loop3A_1719 : vector<16xf32>
      %parallel_loop3A_1800 = arith.cmpf ogt, %parallel_loop3A_1774, %parallel_loop3A_1696 : vector<16xf32>
      %parallel_loop3A_1801 = arith.cmpf ogt, %parallel_loop3A_1781, %parallel_loop3A_1697 : vector<16xf32>
      %parallel_loop3A_1802 = arith.cmpf ogt, %parallel_loop3A_1788, %parallel_loop3A_1698 : vector<16xf32>
      %parallel_loop3A_1803 = arith.cmpf ogt, %parallel_loop3A_1795, %parallel_loop3A_1699 : vector<16xf32>
      %parallel_loop3A_1804 = arith.select %parallel_loop3A_1800, %parallel_loop3A_1774, %parallel_loop3A_1696 : vector<16xi1>, vector<16xf32>
      %parallel_loop3A_1805 = arith.select %parallel_loop3A_1801, %parallel_loop3A_1781, %parallel_loop3A_1697 : vector<16xi1>, vector<16xf32>
      %parallel_loop3A_1806 = arith.select %parallel_loop3A_1802, %parallel_loop3A_1788, %parallel_loop3A_1698 : vector<16xi1>, vector<16xf32>
      %parallel_loop3A_1807 = arith.select %parallel_loop3A_1803, %parallel_loop3A_1795, %parallel_loop3A_1699 : vector<16xi1>, vector<16xf32>
      %parallel_loop3A_1808 = arith.select %parallel_loop3A_1796, %parallel_loop3A_1716, %parallel_loop3A_1804 : vector<16xi1>, vector<16xf32>
      %parallel_loop3A_1809 = arith.select %parallel_loop3A_1797, %parallel_loop3A_1717, %parallel_loop3A_1805 : vector<16xi1>, vector<16xf32>
      %parallel_loop3A_1810 = arith.select %parallel_loop3A_1798, %parallel_loop3A_1718, %parallel_loop3A_1806 : vector<16xi1>, vector<16xf32>
      %parallel_loop3A_1811 = arith.select %parallel_loop3A_1799, %parallel_loop3A_1719, %parallel_loop3A_1807 : vector<16xi1>, vector<16xf32>
      %parallel_loop3A_1812 = arith.constant 15 : i32
      %parallel_loop3A_1813 = vector.broadcast %parallel_loop3A_1812 : i32 to vector<16xi32>
      %parallel_loop3A_1814 = arith.select %parallel_loop3A_1800, %parallel_loop3A_1813, %parallel_loop3A_1712 : vector<16xi1>, vector<16xi32>
      %parallel_loop3A_1815 = arith.constant 31 : i32
      %parallel_loop3A_1816 = vector.broadcast %parallel_loop3A_1815 : i32 to vector<16xi32>
      %parallel_loop3A_1817 = arith.select %parallel_loop3A_1801, %parallel_loop3A_1816, %parallel_loop3A_1713 : vector<16xi1>, vector<16xi32>
      %parallel_loop3A_1818 = arith.constant 47 : i32
      %parallel_loop3A_1819 = vector.broadcast %parallel_loop3A_1818 : i32 to vector<16xi32>
      %parallel_loop3A_1820 = arith.select %parallel_loop3A_1802, %parallel_loop3A_1819, %parallel_loop3A_1714 : vector<16xi1>, vector<16xi32>
      %parallel_loop3A_1821 = arith.constant 63 : i32
      %parallel_loop3A_1822 = vector.broadcast %parallel_loop3A_1821 : i32 to vector<16xi32>
      %parallel_loop3A_1823 = arith.select %parallel_loop3A_1803, %parallel_loop3A_1822, %parallel_loop3A_1715 : vector<16xi1>, vector<16xi32>
      %parallel_loop3A_1824 = arith.select %parallel_loop3A_1796, %parallel_loop3A_1722, %parallel_loop3A_1814 : vector<16xi1>, vector<16xi32>
      %parallel_loop3A_1825 = arith.select %parallel_loop3A_1797, %parallel_loop3A_1725, %parallel_loop3A_1817 : vector<16xi1>, vector<16xi32>
      %parallel_loop3A_1826 = arith.select %parallel_loop3A_1798, %parallel_loop3A_1728, %parallel_loop3A_1820 : vector<16xi1>, vector<16xi32>
      %parallel_loop3A_1827 = arith.select %parallel_loop3A_1799, %parallel_loop3A_1731, %parallel_loop3A_1823 : vector<16xi1>, vector<16xi32>
      %parallel_loop3A_1828 = arith.select %parallel_loop3A_1796, %parallel_loop3A_1774, %parallel_loop3A_1716 : vector<16xi1>, vector<16xf32>
      %parallel_loop3A_1829 = arith.select %parallel_loop3A_1797, %parallel_loop3A_1781, %parallel_loop3A_1717 : vector<16xi1>, vector<16xf32>
      %parallel_loop3A_1830 = arith.select %parallel_loop3A_1798, %parallel_loop3A_1788, %parallel_loop3A_1718 : vector<16xi1>, vector<16xf32>
      %parallel_loop3A_1831 = arith.select %parallel_loop3A_1799, %parallel_loop3A_1795, %parallel_loop3A_1719 : vector<16xi1>, vector<16xf32>
      %parallel_loop3A_1832 = arith.constant 15 : i32
      %parallel_loop3A_1833 = vector.broadcast %parallel_loop3A_1832 : i32 to vector<16xi32>
      %parallel_loop3A_1834 = arith.select %parallel_loop3A_1796, %parallel_loop3A_1833, %parallel_loop3A_1722 : vector<16xi1>, vector<16xi32>
      %parallel_loop3A_1835 = arith.constant 31 : i32
      %parallel_loop3A_1836 = vector.broadcast %parallel_loop3A_1835 : i32 to vector<16xi32>
      %parallel_loop3A_1837 = arith.select %parallel_loop3A_1797, %parallel_loop3A_1836, %parallel_loop3A_1725 : vector<16xi1>, vector<16xi32>
      %parallel_loop3A_1838 = arith.constant 47 : i32
      %parallel_loop3A_1839 = vector.broadcast %parallel_loop3A_1838 : i32 to vector<16xi32>
      %parallel_loop3A_1840 = arith.select %parallel_loop3A_1798, %parallel_loop3A_1839, %parallel_loop3A_1728 : vector<16xi1>, vector<16xi32>
      %parallel_loop3A_1841 = arith.constant 63 : i32
      %parallel_loop3A_1842 = vector.broadcast %parallel_loop3A_1841 : i32 to vector<16xi32>
      %parallel_loop3A_1843 = arith.select %parallel_loop3A_1799, %parallel_loop3A_1842, %parallel_loop3A_1731 : vector<16xi1>, vector<16xi32>
      %parallel_loop3A_1844 = math.exp %parallel_loop3A_1774 : vector<16xf32>
      %parallel_loop3A_1845 = math.exp %parallel_loop3A_1781 : vector<16xf32>
      %parallel_loop3A_1846 = math.exp %parallel_loop3A_1788 : vector<16xf32>
      %parallel_loop3A_1847 = math.exp %parallel_loop3A_1795 : vector<16xf32>
      %parallel_loop3A_1848 = arith.addf %parallel_loop3A_1736, %parallel_loop3A_1844 : vector<16xf32>
      %parallel_loop3A_1849 = arith.addf %parallel_loop3A_1737, %parallel_loop3A_1845 : vector<16xf32>
      %parallel_loop3A_1850 = arith.addf %parallel_loop3A_1738, %parallel_loop3A_1846 : vector<16xf32>
      %parallel_loop3A_1851 = arith.addf %parallel_loop3A_1739, %parallel_loop3A_1847 : vector<16xf32>
      %parallel_loop3A_1852 = arith.constant 1 : i32
      %parallel_loop3A_1853 = arith.constant 7 : i32
      %parallel_loop3A_1854 = arith.index_cast %parallel_loop3A_1852 : i32 to index
      %parallel_loop3A_1855 = arith.index_cast %parallel_loop3A_43 : i32 to index
      %parallel_loop3A_1856 = arith.index_cast %parallel_loop3A_1853 : i32 to index
      %parallel_loop3A_1857 = arith.index_cast %parallel_loop3A_61 : i32 to index
      %parallel_loop3A_1858 = tpu.vector_load %arg7[%parallel_loop3A_1854, %parallel_loop3A_1855, %parallel_loop3A_1856, %parallel_loop3A_1857] {strides = array<i32>} : memref<8x4x8x128xf32, #tpu.memory_space<vmem>>, vector<16xf32>,
      tpu.vector_store %arg7[%parallel_loop3A_1854, %parallel_loop3A_1855, %parallel_loop3A_1856, %parallel_loop3A_1857], %parallel_loop3A_1844 {strides = array<i32>} : memref<8x4x8x128xf32, #tpu.memory_space<vmem>>, vector<16xf32>,
      %parallel_loop3A_1859 = arith.constant 3 : i32
      %parallel_loop3A_1860 = arith.constant 7 : i32
      %parallel_loop3A_1861 = arith.index_cast %parallel_loop3A_1859 : i32 to index
      %parallel_loop3A_1862 = arith.index_cast %parallel_loop3A_43 : i32 to index
      %parallel_loop3A_1863 = arith.index_cast %parallel_loop3A_1860 : i32 to index
      %parallel_loop3A_1864 = arith.index_cast %parallel_loop3A_61 : i32 to index
      %parallel_loop3A_1865 = tpu.vector_load %arg7[%parallel_loop3A_1861, %parallel_loop3A_1862, %parallel_loop3A_1863, %parallel_loop3A_1864] {strides = array<i32>} : memref<8x4x8x128xf32, #tpu.memory_space<vmem>>, vector<16xf32>,
      tpu.vector_store %arg7[%parallel_loop3A_1861, %parallel_loop3A_1862, %parallel_loop3A_1863, %parallel_loop3A_1864], %parallel_loop3A_1845 {strides = array<i32>} : memref<8x4x8x128xf32, #tpu.memory_space<vmem>>, vector<16xf32>,
      %parallel_loop3A_1866 = arith.constant 5 : i32
      %parallel_loop3A_1867 = arith.constant 7 : i32
      %parallel_loop3A_1868 = arith.index_cast %parallel_loop3A_1866 : i32 to index
      %parallel_loop3A_1869 = arith.index_cast %parallel_loop3A_43 : i32 to index
      %parallel_loop3A_1870 = arith.index_cast %parallel_loop3A_1867 : i32 to index
      %parallel_loop3A_1871 = arith.index_cast %parallel_loop3A_61 : i32 to index
      %parallel_loop3A_1872 = tpu.vector_load %arg7[%parallel_loop3A_1868, %parallel_loop3A_1869, %parallel_loop3A_1870, %parallel_loop3A_1871] {strides = array<i32>} : memref<8x4x8x128xf32, #tpu.memory_space<vmem>>, vector<16xf32>,
      tpu.vector_store %arg7[%parallel_loop3A_1868, %parallel_loop3A_1869, %parallel_loop3A_1870, %parallel_loop3A_1871], %parallel_loop3A_1846 {strides = array<i32>} : memref<8x4x8x128xf32, #tpu.memory_space<vmem>>, vector<16xf32>,
      %parallel_loop3A_1873 = arith.constant 7 : i32
      %parallel_loop3A_1874 = arith.constant 7 : i32
      %parallel_loop3A_1875 = arith.index_cast %parallel_loop3A_1873 : i32 to index
      %parallel_loop3A_1876 = arith.index_cast %parallel_loop3A_43 : i32 to index
      %parallel_loop3A_1877 = arith.index_cast %parallel_loop3A_1874 : i32 to index
      %parallel_loop3A_1878 = arith.index_cast %parallel_loop3A_61 : i32 to index
      %parallel_loop3A_1879 = tpu.vector_load %arg7[%parallel_loop3A_1875, %parallel_loop3A_1876, %parallel_loop3A_1877, %parallel_loop3A_1878] {strides = array<i32>} : memref<8x4x8x128xf32, #tpu.memory_space<vmem>>, vector<16xf32>,
      tpu.vector_store %arg7[%parallel_loop3A_1875, %parallel_loop3A_1876, %parallel_loop3A_1877, %parallel_loop3A_1878], %parallel_loop3A_1847 {strides = array<i32>} : memref<8x4x8x128xf32, #tpu.memory_space<vmem>>, vector<16xf32>,
      %parallel_loop3A_1880 = arith.cmpf ogt, %parallel_loop3A_1829, %parallel_loop3A_1828 : vector<16xf32>
      %parallel_loop3A_1881 = arith.select %parallel_loop3A_1880, %parallel_loop3A_1829, %parallel_loop3A_1828 : vector<16xi1>, vector<16xf32>
      %parallel_loop3A_1882 = arith.select %parallel_loop3A_1880, %parallel_loop3A_1837, %parallel_loop3A_1834 : vector<16xi1>, vector<16xi32>
      %parallel_loop3A_1883 = arith.select %parallel_loop3A_1880, %parallel_loop3A_1828, %parallel_loop3A_1808 : vector<16xi1>, vector<16xf32>
      %parallel_loop3A_1884 = arith.select %parallel_loop3A_1880, %parallel_loop3A_1834, %parallel_loop3A_1824 : vector<16xi1>, vector<16xi32>
      %parallel_loop3A_1885 = arith.select %parallel_loop3A_1880, %parallel_loop3A_1809, %parallel_loop3A_1829 : vector<16xi1>, vector<16xf32>
      %parallel_loop3A_1886 = arith.select %parallel_loop3A_1880, %parallel_loop3A_1825, %parallel_loop3A_1837 : vector<16xi1>, vector<16xi32>
      %parallel_loop3A_1887 = arith.cmpf ogt, %parallel_loop3A_1885, %parallel_loop3A_1883 : vector<16xf32>
      %parallel_loop3A_1888 = arith.select %parallel_loop3A_1887, %parallel_loop3A_1885, %parallel_loop3A_1883 : vector<16xi1>, vector<16xf32>
      %parallel_loop3A_1889 = arith.select %parallel_loop3A_1887, %parallel_loop3A_1886, %parallel_loop3A_1884 : vector<16xi1>, vector<16xi32>
      %parallel_loop3A_1890 = arith.cmpf ogt, %parallel_loop3A_1831, %parallel_loop3A_1830 : vector<16xf32>
      %parallel_loop3A_1891 = arith.select %parallel_loop3A_1890, %parallel_loop3A_1831, %parallel_loop3A_1830 : vector<16xi1>, vector<16xf32>
      %parallel_loop3A_1892 = arith.select %parallel_loop3A_1890, %parallel_loop3A_1843, %parallel_loop3A_1840 : vector<16xi1>, vector<16xi32>
      %parallel_loop3A_1893 = arith.select %parallel_loop3A_1890, %parallel_loop3A_1830, %parallel_loop3A_1810 : vector<16xi1>, vector<16xf32>
      %parallel_loop3A_1894 = arith.select %parallel_loop3A_1890, %parallel_loop3A_1840, %parallel_loop3A_1826 : vector<16xi1>, vector<16xi32>
      %parallel_loop3A_1895 = arith.select %parallel_loop3A_1890, %parallel_loop3A_1811, %parallel_loop3A_1831 : vector<16xi1>, vector<16xf32>
      %parallel_loop3A_1896 = arith.select %parallel_loop3A_1890, %parallel_loop3A_1827, %parallel_loop3A_1843 : vector<16xi1>, vector<16xi32>
      %parallel_loop3A_1897 = arith.cmpf ogt, %parallel_loop3A_1895, %parallel_loop3A_1893 : vector<16xf32>
      %parallel_loop3A_1898 = arith.select %parallel_loop3A_1897, %parallel_loop3A_1895, %parallel_loop3A_1893 : vector<16xi1>, vector<16xf32>
      %parallel_loop3A_1899 = arith.select %parallel_loop3A_1897, %parallel_loop3A_1896, %parallel_loop3A_1894 : vector<16xi1>, vector<16xi32>
      %parallel_loop3A_1900 = arith.cmpf ogt, %parallel_loop3A_1891, %parallel_loop3A_1881 : vector<16xf32>
      %parallel_loop3A_1901 = arith.select %parallel_loop3A_1900, %parallel_loop3A_1891, %parallel_loop3A_1881 : vector<16xi1>, vector<16xf32>
      %parallel_loop3A_1902 = arith.select %parallel_loop3A_1900, %parallel_loop3A_1892, %parallel_loop3A_1882 : vector<16xi1>, vector<16xi32>
      %parallel_loop3A_1903 = arith.select %parallel_loop3A_1900, %parallel_loop3A_1881, %parallel_loop3A_1888 : vector<16xi1>, vector<16xf32>
      %parallel_loop3A_1904 = arith.select %parallel_loop3A_1900, %parallel_loop3A_1882, %parallel_loop3A_1889 : vector<16xi1>, vector<16xi32>
      %parallel_loop3A_1905 = arith.select %parallel_loop3A_1900, %parallel_loop3A_1898, %parallel_loop3A_1891 : vector<16xi1>, vector<16xf32>
      %parallel_loop3A_1906 = arith.select %parallel_loop3A_1900, %parallel_loop3A_1899, %parallel_loop3A_1892 : vector<16xi1>, vector<16xi32>
      %parallel_loop3A_1907 = arith.cmpf ogt, %parallel_loop3A_1905, %parallel_loop3A_1903 : vector<16xf32>
      %parallel_loop3A_1908 = arith.select %parallel_loop3A_1907, %parallel_loop3A_1905, %parallel_loop3A_1903 : vector<16xi1>, vector<16xf32>
      %parallel_loop3A_1909 = arith.select %parallel_loop3A_1907, %parallel_loop3A_1906, %parallel_loop3A_1904 : vector<16xi1>, vector<16xi32>
      %parallel_loop3A_1910 = arith.addf %parallel_loop3A_1848, %parallel_loop3A_1849 : vector<16xf32>
      %parallel_loop3A_1911 = arith.addf %parallel_loop3A_1850, %parallel_loop3A_1851 : vector<16xf32>
      %parallel_loop3A_1912 = arith.addf %parallel_loop3A_1910, %parallel_loop3A_1911 : vector<16xf32>
      %parallel_loop3A_1913 = arith.constant 1.000000e+00 : f32
      %parallel_loop3A_1914 = vector.broadcast %parallel_loop3A_1913 : f32 to vector<16xf32>
      %parallel_loop3A_1915 = arith.divf %parallel_loop3A_1914, %parallel_loop3A_1912 : vector<16xf32>
      %parallel_loop3A_1916 = arith.subf %parallel_loop3A_1908, %parallel_loop3A_1901 : vector<16xf32>
      %parallel_loop3A_1917 = arith.constant 1.44269502 : f32
      %parallel_loop3A_1918 = vector.broadcast %parallel_loop3A_1917 : f32 to vector<16xf32>
      %parallel_loop3A_1919 = arith.mulf %parallel_loop3A_1916, %parallel_loop3A_1918 : vector<16xf32>
      %parallel_loop3A_1920 = arith.constant 0x4B400000 : f32
      %parallel_loop3A_1921 = vector.broadcast %parallel_loop3A_1920 : f32 to vector<16xf32>
      %parallel_loop3A_1922 = arith.addf %parallel_loop3A_1919, %parallel_loop3A_1921 : vector<16xf32>
      %parallel_loop3A_1923 = arith.constant 0x4B400000 : f32
      %parallel_loop3A_1924 = vector.broadcast %parallel_loop3A_1923 : f32 to vector<16xf32>
      %parallel_loop3A_1925 = arith.subf %parallel_loop3A_1922, %parallel_loop3A_1924 : vector<16xf32>
      %parallel_loop3A_1926 = arith.subf %parallel_loop3A_1919, %parallel_loop3A_1925 : vector<16xf32>
      %parallel_loop3A_1927 = vector.bitcast %parallel_loop3A_1922 : vector<16xf32> to vector<16xi32>
      %parallel_loop3A_1928 = arith.constant 1262485377 : i32
      %parallel_loop3A_1929 = vector.broadcast %parallel_loop3A_1928 : i32 to vector<16xi32>
      %parallel_loop3A_1930 = arith.subi %parallel_loop3A_1927, %parallel_loop3A_1929 : vector<16xi32>
      %parallel_loop3A_1931 = arith.constant 23 : i32
      %parallel_loop3A_1932 = vector.broadcast %parallel_loop3A_1931 : i32 to vector<16xi32>
      %parallel_loop3A_1933 = arith.shli %parallel_loop3A_1930, %parallel_loop3A_1932 : vector<16xi32>
      %parallel_loop3A_1934 = vector.bitcast %parallel_loop3A_1933 : vector<16xi32> to vector<16xf32>
      %parallel_loop3A_1935 = arith.constant 0.00957432948 : f32
      %parallel_loop3A_1936 = vector.broadcast %parallel_loop3A_1935 : f32 to vector<16xf32>
      %parallel_loop3A_1937 = arith.mulf %parallel_loop3A_1936, %parallel_loop3A_1926 : vector<16xf32>
      %parallel_loop3A_1938 = arith.constant 0.0559296757 : f32
      %parallel_loop3A_1939 = vector.broadcast %parallel_loop3A_1938 : f32 to vector<16xf32>
      %parallel_loop3A_1940 = arith.addf %parallel_loop3A_1937, %parallel_loop3A_1939 : vector<16xf32>
      %parallel_loop3A_1941 = arith.mulf %parallel_loop3A_1940, %parallel_loop3A_1926 : vector<16xf32>
      %parallel_loop3A_1942 = arith.constant 0.240247235 : f32
      %parallel_loop3A_1943 = vector.broadcast %parallel_loop3A_1942 : f32 to vector<16xf32>
      %parallel_loop3A_1944 = arith.addf %parallel_loop3A_1941, %parallel_loop3A_1943 : vector<16xf32>
      %parallel_loop3A_1945 = arith.mulf %parallel_loop3A_1944, %parallel_loop3A_1926 : vector<16xf32>
      %parallel_loop3A_1946 = arith.constant 0.693119823 : f32
      %parallel_loop3A_1947 = vector.broadcast %parallel_loop3A_1946 : f32 to vector<16xf32>
      %parallel_loop3A_1948 = arith.addf %parallel_loop3A_1945, %parallel_loop3A_1947 : vector<16xf32>
      %parallel_loop3A_1949 = arith.mulf %parallel_loop3A_1948, %parallel_loop3A_1926 : vector<16xf32>
      %parallel_loop3A_1950 = arith.constant 0.999999225 : f32
      %parallel_loop3A_1951 = vector.broadcast %parallel_loop3A_1950 : f32 to vector<16xf32>
      %parallel_loop3A_1952 = arith.addf %parallel_loop3A_1949, %parallel_loop3A_1951 : vector<16xf32>
      %parallel_loop3A_1953 = arith.mulf %parallel_loop3A_1934, %parallel_loop3A_1952 : vector<16xf32>
      %parallel_loop3A_1954 = arith.constant 1.000000e+00 : f32
      %parallel_loop3A_1955 = vector.broadcast %parallel_loop3A_1954 : f32 to vector<16xf32>
      %parallel_loop3A_1956 = arith.addf %parallel_loop3A_1955, %parallel_loop3A_1953 : vector<16xf32>
      %parallel_loop3A_1957 = arith.constant 1.000000e+00 : f32
      %parallel_loop3A_1958 = vector.broadcast %parallel_loop3A_1957 : f32 to vector<16xf32>
      %parallel_loop3A_1959 = arith.divf %parallel_loop3A_1958, %parallel_loop3A_1956 : vector<16xf32>
      %parallel_loop3A_1960 = arith.constant 0 : i32
      %parallel_loop3A_1961 = arith.index_cast %parallel_loop3A_43 : i32 to index
      %parallel_loop3A_1962 = arith.index_cast %parallel_loop3A_1960 : i32 to index
      %parallel_loop3A_1963 = arith.index_cast %parallel_loop3A_61 : i32 to index
      %parallel_loop3A_1964 = tpu.vector_load %arg8[%parallel_loop3A_1961, %parallel_loop3A_1962, %parallel_loop3A_1963] {strides = array<i32>} : memref<4x2x128xf32, #tpu.memory_space<vmem>>, vector<16xf32>,
      tpu.vector_store %arg8[%parallel_loop3A_1961, %parallel_loop3A_1962, %parallel_loop3A_1963], %parallel_loop3A_1959 {strides = array<i32>} : memref<4x2x128xf32, #tpu.memory_space<vmem>>, vector<16xf32>,
      %parallel_loop3A_1965 = arith.mulf %parallel_loop3A_1953, %parallel_loop3A_1959 : vector<16xf32>
      %parallel_loop3A_1966 = arith.constant 1 : i32
      %parallel_loop3A_1967 = arith.index_cast %parallel_loop3A_43 : i32 to index
      %parallel_loop3A_1968 = arith.index_cast %parallel_loop3A_1966 : i32 to index
      %parallel_loop3A_1969 = arith.index_cast %parallel_loop3A_61 : i32 to index
      %parallel_loop3A_1970 = tpu.vector_load %arg8[%parallel_loop3A_1967, %parallel_loop3A_1968, %parallel_loop3A_1969] {strides = array<i32>} : memref<4x2x128xf32, #tpu.memory_space<vmem>>, vector<16xf32>,
      tpu.vector_store %arg8[%parallel_loop3A_1967, %parallel_loop3A_1968, %parallel_loop3A_1969], %parallel_loop3A_1965 {strides = array<i32>} : memref<4x2x128xf32, #tpu.memory_space<vmem>>, vector<16xf32>,
      %parallel_loop3A_1971 = arith.constant 0 : i32
      %parallel_loop3A_1972 = arith.index_cast %parallel_loop3A_43 : i32 to index
      %parallel_loop3A_1973 = arith.index_cast %parallel_loop3A_1971 : i32 to index
      %parallel_loop3A_1974 = arith.index_cast %parallel_loop3A_61 : i32 to index
      %parallel_loop3A_1975 = tpu.vector_load %arg9[%parallel_loop3A_1972, %parallel_loop3A_1973, %parallel_loop3A_1974] {strides = array<i32>} : memref<4x2x128xi32, #tpu.memory_space<vmem>>, vector<16xi32>,
      tpu.vector_store %arg9[%parallel_loop3A_1972, %parallel_loop3A_1973, %parallel_loop3A_1974], %parallel_loop3A_1902 {strides = array<i32>} : memref<4x2x128xi32, #tpu.memory_space<vmem>>, vector<16xi32>,
      %parallel_loop3A_1976 = arith.constant 1 : i32
      %parallel_loop3A_1977 = arith.index_cast %parallel_loop3A_43 : i32 to index
      %parallel_loop3A_1978 = arith.index_cast %parallel_loop3A_1976 : i32 to index
      %parallel_loop3A_1979 = arith.index_cast %parallel_loop3A_61 : i32 to index
      %parallel_loop3A_1980 = tpu.vector_load %arg9[%parallel_loop3A_1977, %parallel_loop3A_1978, %parallel_loop3A_1979] {strides = array<i32>} : memref<4x2x128xi32, #tpu.memory_space<vmem>>, vector<16xi32>,
      tpu.vector_store %arg9[%parallel_loop3A_1977, %parallel_loop3A_1978, %parallel_loop3A_1979], %parallel_loop3A_1909 {strides = array<i32>} : memref<4x2x128xi32, #tpu.memory_space<vmem>>, vector<16xi32>,
      %parallel_loop3A_1981 = arith.constant 0 : i32
      %parallel_loop3A_1982 = arith.constant 0 : i32
      %parallel_loop3A_1983 = arith.index_cast %parallel_loop3A_1981 : i32 to index
      %parallel_loop3A_1984 = arith.index_cast %parallel_loop3A_43 : i32 to index
      %parallel_loop3A_1985 = arith.index_cast %parallel_loop3A_1982 : i32 to index
      %parallel_loop3A_1986 = arith.index_cast %parallel_loop3A_61 : i32 to index
      %parallel_loop3A_1987 = tpu.vector_load %arg7[%parallel_loop3A_1983, %parallel_loop3A_1984, %parallel_loop3A_1985, %parallel_loop3A_1986] {strides = array<i32>} : memref<8x4x8x128xf32, #tpu.memory_space<vmem>>, vector<16xf32>,
      %parallel_loop3A_1988 = arith.constant 0 : i32
      %parallel_loop3A_1989 = arith.constant 1 : i32
      %parallel_loop3A_1990 = arith.index_cast %parallel_loop3A_1988 : i32 to index
      %parallel_loop3A_1991 = arith.index_cast %parallel_loop3A_43 : i32 to index
      %parallel_loop3A_1992 = arith.index_cast %parallel_loop3A_1989 : i32 to index
      %parallel_loop3A_1993 = arith.index_cast %parallel_loop3A_61 : i32 to index
      %parallel_loop3A_1994 = tpu.vector_load %arg7[%parallel_loop3A_1990, %parallel_loop3A_1991, %parallel_loop3A_1992, %parallel_loop3A_1993] {strides = array<i32>} : memref<8x4x8x128xf32, #tpu.memory_space<vmem>>, vector<16xf32>,
      %parallel_loop3A_1995 = arith.constant 0 : i32
      %parallel_loop3A_1996 = arith.constant 2 : i32
      %parallel_loop3A_1997 = arith.index_cast %parallel_loop3A_1995 : i32 to index
      %parallel_loop3A_1998 = arith.index_cast %parallel_loop3A_43 : i32 to index
      %parallel_loop3A_1999 = arith.index_cast %parallel_loop3A_1996 : i32 to index
      %parallel_loop3A_2000 = arith.index_cast %parallel_loop3A_61 : i32 to index
      %parallel_loop3A_2001 = tpu.vector_load %arg7[%parallel_loop3A_1997, %parallel_loop3A_1998, %parallel_loop3A_1999, %parallel_loop3A_2000] {strides = array<i32>} : memref<8x4x8x128xf32, #tpu.memory_space<vmem>>, vector<16xf32>,
      %parallel_loop3A_2002 = arith.constant 0 : i32
      %parallel_loop3A_2003 = arith.constant 3 : i32
      %parallel_loop3A_2004 = arith.index_cast %parallel_loop3A_2002 : i32 to index
      %parallel_loop3A_2005 = arith.index_cast %parallel_loop3A_43 : i32 to index
      %parallel_loop3A_2006 = arith.index_cast %parallel_loop3A_2003 : i32 to index
      %parallel_loop3A_2007 = arith.index_cast %parallel_loop3A_61 : i32 to index
      %parallel_loop3A_2008 = tpu.vector_load %arg7[%parallel_loop3A_2004, %parallel_loop3A_2005, %parallel_loop3A_2006, %parallel_loop3A_2007] {strides = array<i32>} : memref<8x4x8x128xf32, #tpu.memory_space<vmem>>, vector<16xf32>,
      %parallel_loop3A_2009 = arith.constant 0 : i32
      %parallel_loop3A_2010 = arith.constant 4 : i32
      %parallel_loop3A_2011 = arith.index_cast %parallel_loop3A_2009 : i32 to index
      %parallel_loop3A_2012 = arith.index_cast %parallel_loop3A_43 : i32 to index
      %parallel_loop3A_2013 = arith.index_cast %parallel_loop3A_2010 : i32 to index
      %parallel_loop3A_2014 = arith.index_cast %parallel_loop3A_61 : i32 to index
      %parallel_loop3A_2015 = tpu.vector_load %arg7[%parallel_loop3A_2011, %parallel_loop3A_2012, %parallel_loop3A_2013, %parallel_loop3A_2014] {strides = array<i32>} : memref<8x4x8x128xf32, #tpu.memory_space<vmem>>, vector<16xf32>,
      %parallel_loop3A_2016 = arith.constant 0 : i32
      %parallel_loop3A_2017 = arith.constant 5 : i32
      %parallel_loop3A_2018 = arith.index_cast %parallel_loop3A_2016 : i32 to index
      %parallel_loop3A_2019 = arith.index_cast %parallel_loop3A_43 : i32 to index
      %parallel_loop3A_2020 = arith.index_cast %parallel_loop3A_2017 : i32 to index
      %parallel_loop3A_2021 = arith.index_cast %parallel_loop3A_61 : i32 to index
      %parallel_loop3A_2022 = tpu.vector_load %arg7[%parallel_loop3A_2018, %parallel_loop3A_2019, %parallel_loop3A_2020, %parallel_loop3A_2021] {strides = array<i32>} : memref<8x4x8x128xf32, #tpu.memory_space<vmem>>, vector<16xf32>,
      %parallel_loop3A_2023 = arith.constant 0 : i32
      %parallel_loop3A_2024 = arith.constant 6 : i32
      %parallel_loop3A_2025 = arith.index_cast %parallel_loop3A_2023 : i32 to index
      %parallel_loop3A_2026 = arith.index_cast %parallel_loop3A_43 : i32 to index
      %parallel_loop3A_2027 = arith.index_cast %parallel_loop3A_2024 : i32 to index
      %parallel_loop3A_2028 = arith.index_cast %parallel_loop3A_61 : i32 to index
      %parallel_loop3A_2029 = tpu.vector_load %arg7[%parallel_loop3A_2025, %parallel_loop3A_2026, %parallel_loop3A_2027, %parallel_loop3A_2028] {strides = array<i32>} : memref<8x4x8x128xf32, #tpu.memory_space<vmem>>, vector<16xf32>,
      %parallel_loop3A_2030 = arith.constant 0 : i32
      %parallel_loop3A_2031 = arith.constant 7 : i32
      %parallel_loop3A_2032 = arith.index_cast %parallel_loop3A_2030 : i32 to index
      %parallel_loop3A_2033 = arith.index_cast %parallel_loop3A_43 : i32 to index
      %parallel_loop3A_2034 = arith.index_cast %parallel_loop3A_2031 : i32 to index
      %parallel_loop3A_2035 = arith.index_cast %parallel_loop3A_61 : i32 to index
      %parallel_loop3A_2036 = tpu.vector_load %arg7[%parallel_loop3A_2032, %parallel_loop3A_2033, %parallel_loop3A_2034, %parallel_loop3A_2035] {strides = array<i32>} : memref<8x4x8x128xf32, #tpu.memory_space<vmem>>, vector<16xf32>,
      %parallel_loop3A_2037 = arith.mulf %parallel_loop3A_1987, %parallel_loop3A_1915 : vector<16xf32>
      %parallel_loop3A_2038 = arith.mulf %parallel_loop3A_1994, %parallel_loop3A_1915 : vector<16xf32>
      %parallel_loop3A_2039 = arith.mulf %parallel_loop3A_2001, %parallel_loop3A_1915 : vector<16xf32>
      %parallel_loop3A_2040 = arith.mulf %parallel_loop3A_2008, %parallel_loop3A_1915 : vector<16xf32>
      %parallel_loop3A_2041 = arith.mulf %parallel_loop3A_2015, %parallel_loop3A_1915 : vector<16xf32>
      %parallel_loop3A_2042 = arith.mulf %parallel_loop3A_2022, %parallel_loop3A_1915 : vector<16xf32>
      %parallel_loop3A_2043 = arith.mulf %parallel_loop3A_2029, %parallel_loop3A_1915 : vector<16xf32>
      %parallel_loop3A_2044 = arith.mulf %parallel_loop3A_2036, %parallel_loop3A_1915 : vector<16xf32>
      %parallel_loop3A_2045 = arith.constant 0 : i32
      %parallel_loop3A_2046 = arith.constant 0 : i32
      %parallel_loop3A_2047 = arith.index_cast %parallel_loop3A_2045 : i32 to index
      %parallel_loop3A_2048 = arith.index_cast %parallel_loop3A_43 : i32 to index
      %parallel_loop3A_2049 = arith.index_cast %parallel_loop3A_2046 : i32 to index
      %parallel_loop3A_2050 = arith.index_cast %parallel_loop3A_61 : i32 to index
      %parallel_loop3A_2051 = tpu.vector_load %arg7[%parallel_loop3A_2047, %parallel_loop3A_2048, %parallel_loop3A_2049, %parallel_loop3A_2050] {strides = array<i32>} : memref<8x4x8x128xf32, #tpu.memory_space<vmem>>, vector<16xf32>,
      tpu.vector_store %arg7[%parallel_loop3A_2047, %parallel_loop3A_2048, %parallel_loop3A_2049, %parallel_loop3A_2050], %parallel_loop3A_2037 {strides = array<i32>} : memref<8x4x8x128xf32, #tpu.memory_space<vmem>>, vector<16xf32>,
      %parallel_loop3A_2052 = arith.constant 0 : i32
      %parallel_loop3A_2053 = arith.constant 1 : i32
      %parallel_loop3A_2054 = arith.index_cast %parallel_loop3A_2052 : i32 to index
      %parallel_loop3A_2055 = arith.index_cast %parallel_loop3A_43 : i32 to index
      %parallel_loop3A_2056 = arith.index_cast %parallel_loop3A_2053 : i32 to index
      %parallel_loop3A_2057 = arith.index_cast %parallel_loop3A_61 : i32 to index
      %parallel_loop3A_2058 = tpu.vector_load %arg7[%parallel_loop3A_2054, %parallel_loop3A_2055, %parallel_loop3A_2056, %parallel_loop3A_2057] {strides = array<i32>} : memref<8x4x8x128xf32, #tpu.memory_space<vmem>>, vector<16xf32>,
      tpu.vector_store %arg7[%parallel_loop3A_2054, %parallel_loop3A_2055, %parallel_loop3A_2056, %parallel_loop3A_2057], %parallel_loop3A_2038 {strides = array<i32>} : memref<8x4x8x128xf32, #tpu.memory_space<vmem>>, vector<16xf32>,
      %parallel_loop3A_2059 = arith.constant 0 : i32
      %parallel_loop3A_2060 = arith.constant 2 : i32
      %parallel_loop3A_2061 = arith.index_cast %parallel_loop3A_2059 : i32 to index
      %parallel_loop3A_2062 = arith.index_cast %parallel_loop3A_43 : i32 to index
      %parallel_loop3A_2063 = arith.index_cast %parallel_loop3A_2060 : i32 to index
      %parallel_loop3A_2064 = arith.index_cast %parallel_loop3A_61 : i32 to index
      %parallel_loop3A_2065 = tpu.vector_load %arg7[%parallel_loop3A_2061, %parallel_loop3A_2062, %parallel_loop3A_2063, %parallel_loop3A_2064] {strides = array<i32>} : memref<8x4x8x128xf32, #tpu.memory_space<vmem>>, vector<16xf32>,
      tpu.vector_store %arg7[%parallel_loop3A_2061, %parallel_loop3A_2062, %parallel_loop3A_2063, %parallel_loop3A_2064], %parallel_loop3A_2039 {strides = array<i32>} : memref<8x4x8x128xf32, #tpu.memory_space<vmem>>, vector<16xf32>,
      %parallel_loop3A_2066 = arith.constant 0 : i32
      %parallel_loop3A_2067 = arith.constant 3 : i32
      %parallel_loop3A_2068 = arith.index_cast %parallel_loop3A_2066 : i32 to index
      %parallel_loop3A_2069 = arith.index_cast %parallel_loop3A_43 : i32 to index
      %parallel_loop3A_2070 = arith.index_cast %parallel_loop3A_2067 : i32 to index
      %parallel_loop3A_2071 = arith.index_cast %parallel_loop3A_61 : i32 to index
      %parallel_loop3A_2072 = tpu.vector_load %arg7[%parallel_loop3A_2068, %parallel_loop3A_2069, %parallel_loop3A_2070, %parallel_loop3A_2071] {strides = array<i32>} : memref<8x4x8x128xf32, #tpu.memory_space<vmem>>, vector<16xf32>,
      tpu.vector_store %arg7[%parallel_loop3A_2068, %parallel_loop3A_2069, %parallel_loop3A_2070, %parallel_loop3A_2071], %parallel_loop3A_2040 {strides = array<i32>} : memref<8x4x8x128xf32, #tpu.memory_space<vmem>>, vector<16xf32>,
      %parallel_loop3A_2073 = arith.constant 0 : i32
      %parallel_loop3A_2074 = arith.constant 4 : i32
      %parallel_loop3A_2075 = arith.index_cast %parallel_loop3A_2073 : i32 to index
      %parallel_loop3A_2076 = arith.index_cast %parallel_loop3A_43 : i32 to index
      %parallel_loop3A_2077 = arith.index_cast %parallel_loop3A_2074 : i32 to index
      %parallel_loop3A_2078 = arith.index_cast %parallel_loop3A_61 : i32 to index
      %parallel_loop3A_2079 = tpu.vector_load %arg7[%parallel_loop3A_2075, %parallel_loop3A_2076, %parallel_loop3A_2077, %parallel_loop3A_2078] {strides = array<i32>} : memref<8x4x8x128xf32, #tpu.memory_space<vmem>>, vector<16xf32>,
      tpu.vector_store %arg7[%parallel_loop3A_2075, %parallel_loop3A_2076, %parallel_loop3A_2077, %parallel_loop3A_2078], %parallel_loop3A_2041 {strides = array<i32>} : memref<8x4x8x128xf32, #tpu.memory_space<vmem>>, vector<16xf32>,
      %parallel_loop3A_2080 = arith.constant 0 : i32
      %parallel_loop3A_2081 = arith.constant 5 : i32
      %parallel_loop3A_2082 = arith.index_cast %parallel_loop3A_2080 : i32 to index
      %parallel_loop3A_2083 = arith.index_cast %parallel_loop3A_43 : i32 to index
      %parallel_loop3A_2084 = arith.index_cast %parallel_loop3A_2081 : i32 to index
      %parallel_loop3A_2085 = arith.index_cast %parallel_loop3A_61 : i32 to index
      %parallel_loop3A_2086 = tpu.vector_load %arg7[%parallel_loop3A_2082, %parallel_loop3A_2083, %parallel_loop3A_2084, %parallel_loop3A_2085] {strides = array<i32>} : memref<8x4x8x128xf32, #tpu.memory_space<vmem>>, vector<16xf32>,
      tpu.vector_store %arg7[%parallel_loop3A_2082, %parallel_loop3A_2083, %parallel_loop3A_2084, %parallel_loop3A_2085], %parallel_loop3A_2042 {strides = array<i32>} : memref<8x4x8x128xf32, #tpu.memory_space<vmem>>, vector<16xf32>,
      %parallel_loop3A_2087 = arith.constant 0 : i32
      %parallel_loop3A_2088 = arith.constant 6 : i32
      %parallel_loop3A_2089 = arith.index_cast %parallel_loop3A_2087 : i32 to index
      %parallel_loop3A_2090 = arith.index_cast %parallel_loop3A_43 : i32 to index
      %parallel_loop3A_2091 = arith.index_cast %parallel_loop3A_2088 : i32 to index
      %parallel_loop3A_2092 = arith.index_cast %parallel_loop3A_61 : i32 to index
      %parallel_loop3A_2093 = tpu.vector_load %arg7[%parallel_loop3A_2089, %parallel_loop3A_2090, %parallel_loop3A_2091, %parallel_loop3A_2092] {strides = array<i32>} : memref<8x4x8x128xf32, #tpu.memory_space<vmem>>, vector<16xf32>,
      tpu.vector_store %arg7[%parallel_loop3A_2089, %parallel_loop3A_2090, %parallel_loop3A_2091, %parallel_loop3A_2092], %parallel_loop3A_2043 {strides = array<i32>} : memref<8x4x8x128xf32, #tpu.memory_space<vmem>>, vector<16xf32>,
      %parallel_loop3A_2094 = arith.constant 0 : i32
      %parallel_loop3A_2095 = arith.constant 7 : i32
      %parallel_loop3A_2096 = arith.index_cast %parallel_loop3A_2094 : i32 to index
      %parallel_loop3A_2097 = arith.index_cast %parallel_loop3A_43 : i32 to index
      %parallel_loop3A_2098 = arith.index_cast %parallel_loop3A_2095 : i32 to index
      %parallel_loop3A_2099 = arith.index_cast %parallel_loop3A_61 : i32 to index
      %parallel_loop3A_2100 = tpu.vector_load %arg7[%parallel_loop3A_2096, %parallel_loop3A_2097, %parallel_loop3A_2098, %parallel_loop3A_2099] {strides = array<i32>} : memref<8x4x8x128xf32, #tpu.memory_space<vmem>>, vector<16xf32>,
      tpu.vector_store %arg7[%parallel_loop3A_2096, %parallel_loop3A_2097, %parallel_loop3A_2098, %parallel_loop3A_2099], %parallel_loop3A_2044 {strides = array<i32>} : memref<8x4x8x128xf32, #tpu.memory_space<vmem>>, vector<16xf32>,
      %parallel_loop3A_2101 = arith.constant 1 : i32
      %parallel_loop3A_2102 = arith.constant 0 : i32
      %parallel_loop3A_2103 = arith.index_cast %parallel_loop3A_2101 : i32 to index
      %parallel_loop3A_2104 = arith.index_cast %parallel_loop3A_43 : i32 to index
      %parallel_loop3A_2105 = arith.index_cast %parallel_loop3A_2102 : i32 to index
      %parallel_loop3A_2106 = arith.index_cast %parallel_loop3A_61 : i32 to index
      %parallel_loop3A_2107 = tpu.vector_load %arg7[%parallel_loop3A_2103, %parallel_loop3A_2104, %parallel_loop3A_2105, %parallel_loop3A_2106] {strides = array<i32>} : memref<8x4x8x128xf32, #tpu.memory_space<vmem>>, vector<16xf32>,
      %parallel_loop3A_2108 = arith.constant 1 : i32
      %parallel_loop3A_2109 = arith.constant 1 : i32
      %parallel_loop3A_2110 = arith.index_cast %parallel_loop3A_2108 : i32 to index
      %parallel_loop3A_2111 = arith.index_cast %parallel_loop3A_43 : i32 to index
      %parallel_loop3A_2112 = arith.index_cast %parallel_loop3A_2109 : i32 to index
      %parallel_loop3A_2113 = arith.index_cast %parallel_loop3A_61 : i32 to index
      %parallel_loop3A_2114 = tpu.vector_load %arg7[%parallel_loop3A_2110, %parallel_loop3A_2111, %parallel_loop3A_2112, %parallel_loop3A_2113] {strides = array<i32>} : memref<8x4x8x128xf32, #tpu.memory_space<vmem>>, vector<16xf32>,
      %parallel_loop3A_2115 = arith.constant 1 : i32
      %parallel_loop3A_2116 = arith.constant 2 : i32
      %parallel_loop3A_2117 = arith.index_cast %parallel_loop3A_2115 : i32 to index
      %parallel_loop3A_2118 = arith.index_cast %parallel_loop3A_43 : i32 to index
      %parallel_loop3A_2119 = arith.index_cast %parallel_loop3A_2116 : i32 to index
      %parallel_loop3A_2120 = arith.index_cast %parallel_loop3A_61 : i32 to index
      %parallel_loop3A_2121 = tpu.vector_load %arg7[%parallel_loop3A_2117, %parallel_loop3A_2118, %parallel_loop3A_2119, %parallel_loop3A_2120] {strides = array<i32>} : memref<8x4x8x128xf32, #tpu.memory_space<vmem>>, vector<16xf32>,
      %parallel_loop3A_2122 = arith.constant 1 : i32
      %parallel_loop3A_2123 = arith.constant 3 : i32
      %parallel_loop3A_2124 = arith.index_cast %parallel_loop3A_2122 : i32 to index
      %parallel_loop3A_2125 = arith.index_cast %parallel_loop3A_43 : i32 to index
      %parallel_loop3A_2126 = arith.index_cast %parallel_loop3A_2123 : i32 to index
      %parallel_loop3A_2127 = arith.index_cast %parallel_loop3A_61 : i32 to index
      %parallel_loop3A_2128 = tpu.vector_load %arg7[%parallel_loop3A_2124, %parallel_loop3A_2125, %parallel_loop3A_2126, %parallel_loop3A_2127] {strides = array<i32>} : memref<8x4x8x128xf32, #tpu.memory_space<vmem>>, vector<16xf32>,
      %parallel_loop3A_2129 = arith.constant 1 : i32
      %parallel_loop3A_2130 = arith.constant 4 : i32
      %parallel_loop3A_2131 = arith.index_cast %parallel_loop3A_2129 : i32 to index
      %parallel_loop3A_2132 = arith.index_cast %parallel_loop3A_43 : i32 to index
      %parallel_loop3A_2133 = arith.index_cast %parallel_loop3A_2130 : i32 to index
      %parallel_loop3A_2134 = arith.index_cast %parallel_loop3A_61 : i32 to index
      %parallel_loop3A_2135 = tpu.vector_load %arg7[%parallel_loop3A_2131, %parallel_loop3A_2132, %parallel_loop3A_2133, %parallel_loop3A_2134] {strides = array<i32>} : memref<8x4x8x128xf32, #tpu.memory_space<vmem>>, vector<16xf32>,
      %parallel_loop3A_2136 = arith.constant 1 : i32
      %parallel_loop3A_2137 = arith.constant 5 : i32
      %parallel_loop3A_2138 = arith.index_cast %parallel_loop3A_2136 : i32 to index
      %parallel_loop3A_2139 = arith.index_cast %parallel_loop3A_43 : i32 to index
      %parallel_loop3A_2140 = arith.index_cast %parallel_loop3A_2137 : i32 to index
      %parallel_loop3A_2141 = arith.index_cast %parallel_loop3A_61 : i32 to index
      %parallel_loop3A_2142 = tpu.vector_load %arg7[%parallel_loop3A_2138, %parallel_loop3A_2139, %parallel_loop3A_2140, %parallel_loop3A_2141] {strides = array<i32>} : memref<8x4x8x128xf32, #tpu.memory_space<vmem>>, vector<16xf32>,
      %parallel_loop3A_2143 = arith.constant 1 : i32
      %parallel_loop3A_2144 = arith.constant 6 : i32
      %parallel_loop3A_2145 = arith.index_cast %parallel_loop3A_2143 : i32 to index
      %parallel_loop3A_2146 = arith.index_cast %parallel_loop3A_43 : i32 to index
      %parallel_loop3A_2147 = arith.index_cast %parallel_loop3A_2144 : i32 to index
      %parallel_loop3A_2148 = arith.index_cast %parallel_loop3A_61 : i32 to index
      %parallel_loop3A_2149 = tpu.vector_load %arg7[%parallel_loop3A_2145, %parallel_loop3A_2146, %parallel_loop3A_2147, %parallel_loop3A_2148] {strides = array<i32>} : memref<8x4x8x128xf32, #tpu.memory_space<vmem>>, vector<16xf32>,
      %parallel_loop3A_2150 = arith.constant 1 : i32
      %parallel_loop3A_2151 = arith.constant 7 : i32
      %parallel_loop3A_2152 = arith.index_cast %parallel_loop3A_2150 : i32 to index
      %parallel_loop3A_2153 = arith.index_cast %parallel_loop3A_43 : i32 to index
      %parallel_loop3A_2154 = arith.index_cast %parallel_loop3A_2151 : i32 to index
      %parallel_loop3A_2155 = arith.index_cast %parallel_loop3A_61 : i32 to index
      %parallel_loop3A_2156 = tpu.vector_load %arg7[%parallel_loop3A_2152, %parallel_loop3A_2153, %parallel_loop3A_2154, %parallel_loop3A_2155] {strides = array<i32>} : memref<8x4x8x128xf32, #tpu.memory_space<vmem>>, vector<16xf32>,
      %parallel_loop3A_2157 = arith.mulf %parallel_loop3A_2107, %parallel_loop3A_1915 : vector<16xf32>
      %parallel_loop3A_2158 = arith.mulf %parallel_loop3A_2114, %parallel_loop3A_1915 : vector<16xf32>
      %parallel_loop3A_2159 = arith.mulf %parallel_loop3A_2121, %parallel_loop3A_1915 : vector<16xf32>
      %parallel_loop3A_2160 = arith.mulf %parallel_loop3A_2128, %parallel_loop3A_1915 : vector<16xf32>
      %parallel_loop3A_2161 = arith.mulf %parallel_loop3A_2135, %parallel_loop3A_1915 : vector<16xf32>
      %parallel_loop3A_2162 = arith.mulf %parallel_loop3A_2142, %parallel_loop3A_1915 : vector<16xf32>
      %parallel_loop3A_2163 = arith.mulf %parallel_loop3A_2149, %parallel_loop3A_1915 : vector<16xf32>
      %parallel_loop3A_2164 = arith.mulf %parallel_loop3A_2156, %parallel_loop3A_1915 : vector<16xf32>
      %parallel_loop3A_2165 = arith.constant 1 : i32
      %parallel_loop3A_2166 = arith.constant 0 : i32
      %parallel_loop3A_2167 = arith.index_cast %parallel_loop3A_2165 : i32 to index
      %parallel_loop3A_2168 = arith.index_cast %parallel_loop3A_43 : i32 to index
      %parallel_loop3A_2169 = arith.index_cast %parallel_loop3A_2166 : i32 to index
      %parallel_loop3A_2170 = arith.index_cast %parallel_loop3A_61 : i32 to index
      %parallel_loop3A_2171 = tpu.vector_load %arg7[%parallel_loop3A_2167, %parallel_loop3A_2168, %parallel_loop3A_2169, %parallel_loop3A_2170] {strides = array<i32>} : memref<8x4x8x128xf32, #tpu.memory_space<vmem>>, vector<16xf32>,
      tpu.vector_store %arg7[%parallel_loop3A_2167, %parallel_loop3A_2168, %parallel_loop3A_2169, %parallel_loop3A_2170], %parallel_loop3A_2157 {strides = array<i32>} : memref<8x4x8x128xf32, #tpu.memory_space<vmem>>, vector<16xf32>,
      %parallel_loop3A_2172 = arith.constant 1 : i32
      %parallel_loop3A_2173 = arith.constant 1 : i32
      %parallel_loop3A_2174 = arith.index_cast %parallel_loop3A_2172 : i32 to index
      %parallel_loop3A_2175 = arith.index_cast %parallel_loop3A_43 : i32 to index
      %parallel_loop3A_2176 = arith.index_cast %parallel_loop3A_2173 : i32 to index
      %parallel_loop3A_2177 = arith.index_cast %parallel_loop3A_61 : i32 to index
      %parallel_loop3A_2178 = tpu.vector_load %arg7[%parallel_loop3A_2174, %parallel_loop3A_2175, %parallel_loop3A_2176, %parallel_loop3A_2177] {strides = array<i32>} : memref<8x4x8x128xf32, #tpu.memory_space<vmem>>, vector<16xf32>,
      tpu.vector_store %arg7[%parallel_loop3A_2174, %parallel_loop3A_2175, %parallel_loop3A_2176, %parallel_loop3A_2177], %parallel_loop3A_2158 {strides = array<i32>} : memref<8x4x8x128xf32, #tpu.memory_space<vmem>>, vector<16xf32>,
      %parallel_loop3A_2179 = arith.constant 1 : i32
      %parallel_loop3A_2180 = arith.constant 2 : i32
      %parallel_loop3A_2181 = arith.index_cast %parallel_loop3A_2179 : i32 to index
      %parallel_loop3A_2182 = arith.index_cast %parallel_loop3A_43 : i32 to index
      %parallel_loop3A_2183 = arith.index_cast %parallel_loop3A_2180 : i32 to index
      %parallel_loop3A_2184 = arith.index_cast %parallel_loop3A_61 : i32 to index
      %parallel_loop3A_2185 = tpu.vector_load %arg7[%parallel_loop3A_2181, %parallel_loop3A_2182, %parallel_loop3A_2183, %parallel_loop3A_2184] {strides = array<i32>} : memref<8x4x8x128xf32, #tpu.memory_space<vmem>>, vector<16xf32>,
      tpu.vector_store %arg7[%parallel_loop3A_2181, %parallel_loop3A_2182, %parallel_loop3A_2183, %parallel_loop3A_2184], %parallel_loop3A_2159 {strides = array<i32>} : memref<8x4x8x128xf32, #tpu.memory_space<vmem>>, vector<16xf32>,
      %parallel_loop3A_2186 = arith.constant 1 : i32
      %parallel_loop3A_2187 = arith.constant 3 : i32
      %parallel_loop3A_2188 = arith.index_cast %parallel_loop3A_2186 : i32 to index
      %parallel_loop3A_2189 = arith.index_cast %parallel_loop3A_43 : i32 to index
      %parallel_loop3A_2190 = arith.index_cast %parallel_loop3A_2187 : i32 to index
      %parallel_loop3A_2191 = arith.index_cast %parallel_loop3A_61 : i32 to index
      %parallel_loop3A_2192 = tpu.vector_load %arg7[%parallel_loop3A_2188, %parallel_loop3A_2189, %parallel_loop3A_2190, %parallel_loop3A_2191] {strides = array<i32>} : memref<8x4x8x128xf32, #tpu.memory_space<vmem>>, vector<16xf32>,
      tpu.vector_store %arg7[%parallel_loop3A_2188, %parallel_loop3A_2189, %parallel_loop3A_2190, %parallel_loop3A_2191], %parallel_loop3A_2160 {strides = array<i32>} : memref<8x4x8x128xf32, #tpu.memory_space<vmem>>, vector<16xf32>,
      %parallel_loop3A_2193 = arith.constant 1 : i32
      %parallel_loop3A_2194 = arith.constant 4 : i32
      %parallel_loop3A_2195 = arith.index_cast %parallel_loop3A_2193 : i32 to index
      %parallel_loop3A_2196 = arith.index_cast %parallel_loop3A_43 : i32 to index
      %parallel_loop3A_2197 = arith.index_cast %parallel_loop3A_2194 : i32 to index
      %parallel_loop3A_2198 = arith.index_cast %parallel_loop3A_61 : i32 to index
      %parallel_loop3A_2199 = tpu.vector_load %arg7[%parallel_loop3A_2195, %parallel_loop3A_2196, %parallel_loop3A_2197, %parallel_loop3A_2198] {strides = array<i32>} : memref<8x4x8x128xf32, #tpu.memory_space<vmem>>, vector<16xf32>,
      tpu.vector_store %arg7[%parallel_loop3A_2195, %parallel_loop3A_2196, %parallel_loop3A_2197, %parallel_loop3A_2198], %parallel_loop3A_2161 {strides = array<i32>} : memref<8x4x8x128xf32, #tpu.memory_space<vmem>>, vector<16xf32>,
      %parallel_loop3A_2200 = arith.constant 1 : i32
      %parallel_loop3A_2201 = arith.constant 5 : i32
      %parallel_loop3A_2202 = arith.index_cast %parallel_loop3A_2200 : i32 to index
      %parallel_loop3A_2203 = arith.index_cast %parallel_loop3A_43 : i32 to index
      %parallel_loop3A_2204 = arith.index_cast %parallel_loop3A_2201 : i32 to index
      %parallel_loop3A_2205 = arith.index_cast %parallel_loop3A_61 : i32 to index
      %parallel_loop3A_2206 = tpu.vector_load %arg7[%parallel_loop3A_2202, %parallel_loop3A_2203, %parallel_loop3A_2204, %parallel_loop3A_2205] {strides = array<i32>} : memref<8x4x8x128xf32, #tpu.memory_space<vmem>>, vector<16xf32>,
      tpu.vector_store %arg7[%parallel_loop3A_2202, %parallel_loop3A_2203, %parallel_loop3A_2204, %parallel_loop3A_2205], %parallel_loop3A_2162 {strides = array<i32>} : memref<8x4x8x128xf32, #tpu.memory_space<vmem>>, vector<16xf32>,
      %parallel_loop3A_2207 = arith.constant 1 : i32
      %parallel_loop3A_2208 = arith.constant 6 : i32
      %parallel_loop3A_2209 = arith.index_cast %parallel_loop3A_2207 : i32 to index
      %parallel_loop3A_2210 = arith.index_cast %parallel_loop3A_43 : i32 to index
      %parallel_loop3A_2211 = arith.index_cast %parallel_loop3A_2208 : i32 to index
      %parallel_loop3A_2212 = arith.index_cast %parallel_loop3A_61 : i32 to index
      %parallel_loop3A_2213 = tpu.vector_load %arg7[%parallel_loop3A_2209, %parallel_loop3A_2210, %parallel_loop3A_2211, %parallel_loop3A_2212] {strides = array<i32>} : memref<8x4x8x128xf32, #tpu.memory_space<vmem>>, vector<16xf32>,
      tpu.vector_store %arg7[%parallel_loop3A_2209, %parallel_loop3A_2210, %parallel_loop3A_2211, %parallel_loop3A_2212], %parallel_loop3A_2163 {strides = array<i32>} : memref<8x4x8x128xf32, #tpu.memory_space<vmem>>, vector<16xf32>,
      %parallel_loop3A_2214 = arith.constant 1 : i32
      %parallel_loop3A_2215 = arith.constant 7 : i32
      %parallel_loop3A_2216 = arith.index_cast %parallel_loop3A_2214 : i32 to index
      %parallel_loop3A_2217 = arith.index_cast %parallel_loop3A_43 : i32 to index
      %parallel_loop3A_2218 = arith.index_cast %parallel_loop3A_2215 : i32 to index
      %parallel_loop3A_2219 = arith.index_cast %parallel_loop3A_61 : i32 to index
      %parallel_loop3A_2220 = tpu.vector_load %arg7[%parallel_loop3A_2216, %parallel_loop3A_2217, %parallel_loop3A_2218, %parallel_loop3A_2219] {strides = array<i32>} : memref<8x4x8x128xf32, #tpu.memory_space<vmem>>, vector<16xf32>,
      tpu.vector_store %arg7[%parallel_loop3A_2216, %parallel_loop3A_2217, %parallel_loop3A_2218, %parallel_loop3A_2219], %parallel_loop3A_2164 {strides = array<i32>} : memref<8x4x8x128xf32, #tpu.memory_space<vmem>>, vector<16xf32>,
      %parallel_loop3A_2221 = arith.constant 2 : i32
      %parallel_loop3A_2222 = arith.constant 0 : i32
      %parallel_loop3A_2223 = arith.index_cast %parallel_loop3A_2221 : i32 to index
      %parallel_loop3A_2224 = arith.index_cast %parallel_loop3A_43 : i32 to index
      %parallel_loop3A_2225 = arith.index_cast %parallel_loop3A_2222 : i32 to index
      %parallel_loop3A_2226 = arith.index_cast %parallel_loop3A_61 : i32 to index
      %parallel_loop3A_2227 = tpu.vector_load %arg7[%parallel_loop3A_2223, %parallel_loop3A_2224, %parallel_loop3A_2225, %parallel_loop3A_2226] {strides = array<i32>} : memref<8x4x8x128xf32, #tpu.memory_space<vmem>>, vector<16xf32>,
      %parallel_loop3A_2228 = arith.constant 2 : i32
      %parallel_loop3A_2229 = arith.constant 1 : i32
      %parallel_loop3A_2230 = arith.index_cast %parallel_loop3A_2228 : i32 to index
      %parallel_loop3A_2231 = arith.index_cast %parallel_loop3A_43 : i32 to index
      %parallel_loop3A_2232 = arith.index_cast %parallel_loop3A_2229 : i32 to index
      %parallel_loop3A_2233 = arith.index_cast %parallel_loop3A_61 : i32 to index
      %parallel_loop3A_2234 = tpu.vector_load %arg7[%parallel_loop3A_2230, %parallel_loop3A_2231, %parallel_loop3A_2232, %parallel_loop3A_2233] {strides = array<i32>} : memref<8x4x8x128xf32, #tpu.memory_space<vmem>>, vector<16xf32>,
      %parallel_loop3A_2235 = arith.constant 2 : i32
      %parallel_loop3A_2236 = arith.constant 2 : i32
      %parallel_loop3A_2237 = arith.index_cast %parallel_loop3A_2235 : i32 to index
      %parallel_loop3A_2238 = arith.index_cast %parallel_loop3A_43 : i32 to index
      %parallel_loop3A_2239 = arith.index_cast %parallel_loop3A_2236 : i32 to index
      %parallel_loop3A_2240 = arith.index_cast %parallel_loop3A_61 : i32 to index
      %parallel_loop3A_2241 = tpu.vector_load %arg7[%parallel_loop3A_2237, %parallel_loop3A_2238, %parallel_loop3A_2239, %parallel_loop3A_2240] {strides = array<i32>} : memref<8x4x8x128xf32, #tpu.memory_space<vmem>>, vector<16xf32>,
      %parallel_loop3A_2242 = arith.constant 2 : i32
      %parallel_loop3A_2243 = arith.constant 3 : i32
      %parallel_loop3A_2244 = arith.index_cast %parallel_loop3A_2242 : i32 to index
      %parallel_loop3A_2245 = arith.index_cast %parallel_loop3A_43 : i32 to index
      %parallel_loop3A_2246 = arith.index_cast %parallel_loop3A_2243 : i32 to index
      %parallel_loop3A_2247 = arith.index_cast %parallel_loop3A_61 : i32 to index
      %parallel_loop3A_2248 = tpu.vector_load %arg7[%parallel_loop3A_2244, %parallel_loop3A_2245, %parallel_loop3A_2246, %parallel_loop3A_2247] {strides = array<i32>} : memref<8x4x8x128xf32, #tpu.memory_space<vmem>>, vector<16xf32>,
      %parallel_loop3A_2249 = arith.constant 2 : i32
      %parallel_loop3A_2250 = arith.constant 4 : i32
      %parallel_loop3A_2251 = arith.index_cast %parallel_loop3A_2249 : i32 to index
      %parallel_loop3A_2252 = arith.index_cast %parallel_loop3A_43 : i32 to index
      %parallel_loop3A_2253 = arith.index_cast %parallel_loop3A_2250 : i32 to index
      %parallel_loop3A_2254 = arith.index_cast %parallel_loop3A_61 : i32 to index
      %parallel_loop3A_2255 = tpu.vector_load %arg7[%parallel_loop3A_2251, %parallel_loop3A_2252, %parallel_loop3A_2253, %parallel_loop3A_2254] {strides = array<i32>} : memref<8x4x8x128xf32, #tpu.memory_space<vmem>>, vector<16xf32>,
      %parallel_loop3A_2256 = arith.constant 2 : i32
      %parallel_loop3A_2257 = arith.constant 5 : i32
      %parallel_loop3A_2258 = arith.index_cast %parallel_loop3A_2256 : i32 to index
      %parallel_loop3A_2259 = arith.index_cast %parallel_loop3A_43 : i32 to index
      %parallel_loop3A_2260 = arith.index_cast %parallel_loop3A_2257 : i32 to index
      %parallel_loop3A_2261 = arith.index_cast %parallel_loop3A_61 : i32 to index
      %parallel_loop3A_2262 = tpu.vector_load %arg7[%parallel_loop3A_2258, %parallel_loop3A_2259, %parallel_loop3A_2260, %parallel_loop3A_2261] {strides = array<i32>} : memref<8x4x8x128xf32, #tpu.memory_space<vmem>>, vector<16xf32>,
      %parallel_loop3A_2263 = arith.constant 2 : i32
      %parallel_loop3A_2264 = arith.constant 6 : i32
      %parallel_loop3A_2265 = arith.index_cast %parallel_loop3A_2263 : i32 to index
      %parallel_loop3A_2266 = arith.index_cast %parallel_loop3A_43 : i32 to index
      %parallel_loop3A_2267 = arith.index_cast %parallel_loop3A_2264 : i32 to index
      %parallel_loop3A_2268 = arith.index_cast %parallel_loop3A_61 : i32 to index
      %parallel_loop3A_2269 = tpu.vector_load %arg7[%parallel_loop3A_2265, %parallel_loop3A_2266, %parallel_loop3A_2267, %parallel_loop3A_2268] {strides = array<i32>} : memref<8x4x8x128xf32, #tpu.memory_space<vmem>>, vector<16xf32>,
      %parallel_loop3A_2270 = arith.constant 2 : i32
      %parallel_loop3A_2271 = arith.constant 7 : i32
      %parallel_loop3A_2272 = arith.index_cast %parallel_loop3A_2270 : i32 to index
      %parallel_loop3A_2273 = arith.index_cast %parallel_loop3A_43 : i32 to index
      %parallel_loop3A_2274 = arith.index_cast %parallel_loop3A_2271 : i32 to index
      %parallel_loop3A_2275 = arith.index_cast %parallel_loop3A_61 : i32 to index
      %parallel_loop3A_2276 = tpu.vector_load %arg7[%parallel_loop3A_2272, %parallel_loop3A_2273, %parallel_loop3A_2274, %parallel_loop3A_2275] {strides = array<i32>} : memref<8x4x8x128xf32, #tpu.memory_space<vmem>>, vector<16xf32>,
      %parallel_loop3A_2277 = arith.mulf %parallel_loop3A_2227, %parallel_loop3A_1915 : vector<16xf32>
      %parallel_loop3A_2278 = arith.mulf %parallel_loop3A_2234, %parallel_loop3A_1915 : vector<16xf32>
      %parallel_loop3A_2279 = arith.mulf %parallel_loop3A_2241, %parallel_loop3A_1915 : vector<16xf32>
      %parallel_loop3A_2280 = arith.mulf %parallel_loop3A_2248, %parallel_loop3A_1915 : vector<16xf32>
      %parallel_loop3A_2281 = arith.mulf %parallel_loop3A_2255, %parallel_loop3A_1915 : vector<16xf32>
      %parallel_loop3A_2282 = arith.mulf %parallel_loop3A_2262, %parallel_loop3A_1915 : vector<16xf32>
      %parallel_loop3A_2283 = arith.mulf %parallel_loop3A_2269, %parallel_loop3A_1915 : vector<16xf32>
      %parallel_loop3A_2284 = arith.mulf %parallel_loop3A_2276, %parallel_loop3A_1915 : vector<16xf32>
      %parallel_loop3A_2285 = arith.constant 2 : i32
      %parallel_loop3A_2286 = arith.constant 0 : i32
      %parallel_loop3A_2287 = arith.index_cast %parallel_loop3A_2285 : i32 to index
      %parallel_loop3A_2288 = arith.index_cast %parallel_loop3A_43 : i32 to index
      %parallel_loop3A_2289 = arith.index_cast %parallel_loop3A_2286 : i32 to index
      %parallel_loop3A_2290 = arith.index_cast %parallel_loop3A_61 : i32 to index
      %parallel_loop3A_2291 = tpu.vector_load %arg7[%parallel_loop3A_2287, %parallel_loop3A_2288, %parallel_loop3A_2289, %parallel_loop3A_2290] {strides = array<i32>} : memref<8x4x8x128xf32, #tpu.memory_space<vmem>>, vector<16xf32>,
      tpu.vector_store %arg7[%parallel_loop3A_2287, %parallel_loop3A_2288, %parallel_loop3A_2289, %parallel_loop3A_2290], %parallel_loop3A_2277 {strides = array<i32>} : memref<8x4x8x128xf32, #tpu.memory_space<vmem>>, vector<16xf32>,
      %parallel_loop3A_2292 = arith.constant 2 : i32
      %parallel_loop3A_2293 = arith.constant 1 : i32
      %parallel_loop3A_2294 = arith.index_cast %parallel_loop3A_2292 : i32 to index
      %parallel_loop3A_2295 = arith.index_cast %parallel_loop3A_43 : i32 to index
      %parallel_loop3A_2296 = arith.index_cast %parallel_loop3A_2293 : i32 to index
      %parallel_loop3A_2297 = arith.index_cast %parallel_loop3A_61 : i32 to index
      %parallel_loop3A_2298 = tpu.vector_load %arg7[%parallel_loop3A_2294, %parallel_loop3A_2295, %parallel_loop3A_2296, %parallel_loop3A_2297] {strides = array<i32>} : memref<8x4x8x128xf32, #tpu.memory_space<vmem>>, vector<16xf32>,
      tpu.vector_store %arg7[%parallel_loop3A_2294, %parallel_loop3A_2295, %parallel_loop3A_2296, %parallel_loop3A_2297], %parallel_loop3A_2278 {strides = array<i32>} : memref<8x4x8x128xf32, #tpu.memory_space<vmem>>, vector<16xf32>,
      %parallel_loop3A_2299 = arith.constant 2 : i32
      %parallel_loop3A_2300 = arith.constant 2 : i32
      %parallel_loop3A_2301 = arith.index_cast %parallel_loop3A_2299 : i32 to index
      %parallel_loop3A_2302 = arith.index_cast %parallel_loop3A_43 : i32 to index
      %parallel_loop3A_2303 = arith.index_cast %parallel_loop3A_2300 : i32 to index
      %parallel_loop3A_2304 = arith.index_cast %parallel_loop3A_61 : i32 to index
      %parallel_loop3A_2305 = tpu.vector_load %arg7[%parallel_loop3A_2301, %parallel_loop3A_2302, %parallel_loop3A_2303, %parallel_loop3A_2304] {strides = array<i32>} : memref<8x4x8x128xf32, #tpu.memory_space<vmem>>, vector<16xf32>,
      tpu.vector_store %arg7[%parallel_loop3A_2301, %parallel_loop3A_2302, %parallel_loop3A_2303, %parallel_loop3A_2304], %parallel_loop3A_2279 {strides = array<i32>} : memref<8x4x8x128xf32, #tpu.memory_space<vmem>>, vector<16xf32>,
      %parallel_loop3A_2306 = arith.constant 2 : i32
      %parallel_loop3A_2307 = arith.constant 3 : i32
      %parallel_loop3A_2308 = arith.index_cast %parallel_loop3A_2306 : i32 to index
      %parallel_loop3A_2309 = arith.index_cast %parallel_loop3A_43 : i32 to index
      %parallel_loop3A_2310 = arith.index_cast %parallel_loop3A_2307 : i32 to index
      %parallel_loop3A_2311 = arith.index_cast %parallel_loop3A_61 : i32 to index
      %parallel_loop3A_2312 = tpu.vector_load %arg7[%parallel_loop3A_2308, %parallel_loop3A_2309, %parallel_loop3A_2310, %parallel_loop3A_2311] {strides = array<i32>} : memref<8x4x8x128xf32, #tpu.memory_space<vmem>>, vector<16xf32>,
      tpu.vector_store %arg7[%parallel_loop3A_2308, %parallel_loop3A_2309, %parallel_loop3A_2310, %parallel_loop3A_2311], %parallel_loop3A_2280 {strides = array<i32>} : memref<8x4x8x128xf32, #tpu.memory_space<vmem>>, vector<16xf32>,
      %parallel_loop3A_2313 = arith.constant 2 : i32
      %parallel_loop3A_2314 = arith.constant 4 : i32
      %parallel_loop3A_2315 = arith.index_cast %parallel_loop3A_2313 : i32 to index
      %parallel_loop3A_2316 = arith.index_cast %parallel_loop3A_43 : i32 to index
      %parallel_loop3A_2317 = arith.index_cast %parallel_loop3A_2314 : i32 to index
      %parallel_loop3A_2318 = arith.index_cast %parallel_loop3A_61 : i32 to index
      %parallel_loop3A_2319 = tpu.vector_load %arg7[%parallel_loop3A_2315, %parallel_loop3A_2316, %parallel_loop3A_2317, %parallel_loop3A_2318] {strides = array<i32>} : memref<8x4x8x128xf32, #tpu.memory_space<vmem>>, vector<16xf32>,
      tpu.vector_store %arg7[%parallel_loop3A_2315, %parallel_loop3A_2316, %parallel_loop3A_2317, %parallel_loop3A_2318], %parallel_loop3A_2281 {strides = array<i32>} : memref<8x4x8x128xf32, #tpu.memory_space<vmem>>, vector<16xf32>,
      %parallel_loop3A_2320 = arith.constant 2 : i32
      %parallel_loop3A_2321 = arith.constant 5 : i32
      %parallel_loop3A_2322 = arith.index_cast %parallel_loop3A_2320 : i32 to index
      %parallel_loop3A_2323 = arith.index_cast %parallel_loop3A_43 : i32 to index
      %parallel_loop3A_2324 = arith.index_cast %parallel_loop3A_2321 : i32 to index
      %parallel_loop3A_2325 = arith.index_cast %parallel_loop3A_61 : i32 to index
      %parallel_loop3A_2326 = tpu.vector_load %arg7[%parallel_loop3A_2322, %parallel_loop3A_2323, %parallel_loop3A_2324, %parallel_loop3A_2325] {strides = array<i32>} : memref<8x4x8x128xf32, #tpu.memory_space<vmem>>, vector<16xf32>,
      tpu.vector_store %arg7[%parallel_loop3A_2322, %parallel_loop3A_2323, %parallel_loop3A_2324, %parallel_loop3A_2325], %parallel_loop3A_2282 {strides = array<i32>} : memref<8x4x8x128xf32, #tpu.memory_space<vmem>>, vector<16xf32>,
      %parallel_loop3A_2327 = arith.constant 2 : i32
      %parallel_loop3A_2328 = arith.constant 6 : i32
      %parallel_loop3A_2329 = arith.index_cast %parallel_loop3A_2327 : i32 to index
      %parallel_loop3A_2330 = arith.index_cast %parallel_loop3A_43 : i32 to index
      %parallel_loop3A_2331 = arith.index_cast %parallel_loop3A_2328 : i32 to index
      %parallel_loop3A_2332 = arith.index_cast %parallel_loop3A_61 : i32 to index
      %parallel_loop3A_2333 = tpu.vector_load %arg7[%parallel_loop3A_2329, %parallel_loop3A_2330, %parallel_loop3A_2331, %parallel_loop3A_2332] {strides = array<i32>} : memref<8x4x8x128xf32, #tpu.memory_space<vmem>>, vector<16xf32>,
      tpu.vector_store %arg7[%parallel_loop3A_2329, %parallel_loop3A_2330, %parallel_loop3A_2331, %parallel_loop3A_2332], %parallel_loop3A_2283 {strides = array<i32>} : memref<8x4x8x128xf32, #tpu.memory_space<vmem>>, vector<16xf32>,
      %parallel_loop3A_2334 = arith.constant 2 : i32
      %parallel_loop3A_2335 = arith.constant 7 : i32
      %parallel_loop3A_2336 = arith.index_cast %parallel_loop3A_2334 : i32 to index
      %parallel_loop3A_2337 = arith.index_cast %parallel_loop3A_43 : i32 to index
      %parallel_loop3A_2338 = arith.index_cast %parallel_loop3A_2335 : i32 to index
      %parallel_loop3A_2339 = arith.index_cast %parallel_loop3A_61 : i32 to index
      %parallel_loop3A_2340 = tpu.vector_load %arg7[%parallel_loop3A_2336, %parallel_loop3A_2337, %parallel_loop3A_2338, %parallel_loop3A_2339] {strides = array<i32>} : memref<8x4x8x128xf32, #tpu.memory_space<vmem>>, vector<16xf32>,
      tpu.vector_store %arg7[%parallel_loop3A_2336, %parallel_loop3A_2337, %parallel_loop3A_2338, %parallel_loop3A_2339], %parallel_loop3A_2284 {strides = array<i32>} : memref<8x4x8x128xf32, #tpu.memory_space<vmem>>, vector<16xf32>,
      %parallel_loop3A_2341 = arith.constant 3 : i32
      %parallel_loop3A_2342 = arith.constant 0 : i32
      %parallel_loop3A_2343 = arith.index_cast %parallel_loop3A_2341 : i32 to index
      %parallel_loop3A_2344 = arith.index_cast %parallel_loop3A_43 : i32 to index
      %parallel_loop3A_2345 = arith.index_cast %parallel_loop3A_2342 : i32 to index
      %parallel_loop3A_2346 = arith.index_cast %parallel_loop3A_61 : i32 to index
      %parallel_loop3A_2347 = tpu.vector_load %arg7[%parallel_loop3A_2343, %parallel_loop3A_2344, %parallel_loop3A_2345, %parallel_loop3A_2346] {strides = array<i32>} : memref<8x4x8x128xf32, #tpu.memory_space<vmem>>, vector<16xf32>,
      %parallel_loop3A_2348 = arith.constant 3 : i32
      %parallel_loop3A_2349 = arith.constant 1 : i32
      %parallel_loop3A_2350 = arith.index_cast %parallel_loop3A_2348 : i32 to index
      %parallel_loop3A_2351 = arith.index_cast %parallel_loop3A_43 : i32 to index
      %parallel_loop3A_2352 = arith.index_cast %parallel_loop3A_2349 : i32 to index
      %parallel_loop3A_2353 = arith.index_cast %parallel_loop3A_61 : i32 to index
      %parallel_loop3A_2354 = tpu.vector_load %arg7[%parallel_loop3A_2350, %parallel_loop3A_2351, %parallel_loop3A_2352, %parallel_loop3A_2353] {strides = array<i32>} : memref<8x4x8x128xf32, #tpu.memory_space<vmem>>, vector<16xf32>,
      %parallel_loop3A_2355 = arith.constant 3 : i32
      %parallel_loop3A_2356 = arith.constant 2 : i32
      %parallel_loop3A_2357 = arith.index_cast %parallel_loop3A_2355 : i32 to index
      %parallel_loop3A_2358 = arith.index_cast %parallel_loop3A_43 : i32 to index
      %parallel_loop3A_2359 = arith.index_cast %parallel_loop3A_2356 : i32 to index
      %parallel_loop3A_2360 = arith.index_cast %parallel_loop3A_61 : i32 to index
      %parallel_loop3A_2361 = tpu.vector_load %arg7[%parallel_loop3A_2357, %parallel_loop3A_2358, %parallel_loop3A_2359, %parallel_loop3A_2360] {strides = array<i32>} : memref<8x4x8x128xf32, #tpu.memory_space<vmem>>, vector<16xf32>,
      %parallel_loop3A_2362 = arith.constant 3 : i32
      %parallel_loop3A_2363 = arith.constant 3 : i32
      %parallel_loop3A_2364 = arith.index_cast %parallel_loop3A_2362 : i32 to index
      %parallel_loop3A_2365 = arith.index_cast %parallel_loop3A_43 : i32 to index
      %parallel_loop3A_2366 = arith.index_cast %parallel_loop3A_2363 : i32 to index
      %parallel_loop3A_2367 = arith.index_cast %parallel_loop3A_61 : i32 to index
      %parallel_loop3A_2368 = tpu.vector_load %arg7[%parallel_loop3A_2364, %parallel_loop3A_2365, %parallel_loop3A_2366, %parallel_loop3A_2367] {strides = array<i32>} : memref<8x4x8x128xf32, #tpu.memory_space<vmem>>, vector<16xf32>,
      %parallel_loop3A_2369 = arith.constant 3 : i32
      %parallel_loop3A_2370 = arith.constant 4 : i32
      %parallel_loop3A_2371 = arith.index_cast %parallel_loop3A_2369 : i32 to index
      %parallel_loop3A_2372 = arith.index_cast %parallel_loop3A_43 : i32 to index
      %parallel_loop3A_2373 = arith.index_cast %parallel_loop3A_2370 : i32 to index
      %parallel_loop3A_2374 = arith.index_cast %parallel_loop3A_61 : i32 to index
      %parallel_loop3A_2375 = tpu.vector_load %arg7[%parallel_loop3A_2371, %parallel_loop3A_2372, %parallel_loop3A_2373, %parallel_loop3A_2374] {strides = array<i32>} : memref<8x4x8x128xf32, #tpu.memory_space<vmem>>, vector<16xf32>,
      %parallel_loop3A_2376 = arith.constant 3 : i32
      %parallel_loop3A_2377 = arith.constant 5 : i32
      %parallel_loop3A_2378 = arith.index_cast %parallel_loop3A_2376 : i32 to index
      %parallel_loop3A_2379 = arith.index_cast %parallel_loop3A_43 : i32 to index
      %parallel_loop3A_2380 = arith.index_cast %parallel_loop3A_2377 : i32 to index
      %parallel_loop3A_2381 = arith.index_cast %parallel_loop3A_61 : i32 to index
      %parallel_loop3A_2382 = tpu.vector_load %arg7[%parallel_loop3A_2378, %parallel_loop3A_2379, %parallel_loop3A_2380, %parallel_loop3A_2381] {strides = array<i32>} : memref<8x4x8x128xf32, #tpu.memory_space<vmem>>, vector<16xf32>,
      %parallel_loop3A_2383 = arith.constant 3 : i32
      %parallel_loop3A_2384 = arith.constant 6 : i32
      %parallel_loop3A_2385 = arith.index_cast %parallel_loop3A_2383 : i32 to index
      %parallel_loop3A_2386 = arith.index_cast %parallel_loop3A_43 : i32 to index
      %parallel_loop3A_2387 = arith.index_cast %parallel_loop3A_2384 : i32 to index
      %parallel_loop3A_2388 = arith.index_cast %parallel_loop3A_61 : i32 to index
      %parallel_loop3A_2389 = tpu.vector_load %arg7[%parallel_loop3A_2385, %parallel_loop3A_2386, %parallel_loop3A_2387, %parallel_loop3A_2388] {strides = array<i32>} : memref<8x4x8x128xf32, #tpu.memory_space<vmem>>, vector<16xf32>,
      %parallel_loop3A_2390 = arith.constant 3 : i32
      %parallel_loop3A_2391 = arith.constant 7 : i32
      %parallel_loop3A_2392 = arith.index_cast %parallel_loop3A_2390 : i32 to index
      %parallel_loop3A_2393 = arith.index_cast %parallel_loop3A_43 : i32 to index
      %parallel_loop3A_2394 = arith.index_cast %parallel_loop3A_2391 : i32 to index
      %parallel_loop3A_2395 = arith.index_cast %parallel_loop3A_61 : i32 to index
      %parallel_loop3A_2396 = tpu.vector_load %arg7[%parallel_loop3A_2392, %parallel_loop3A_2393, %parallel_loop3A_2394, %parallel_loop3A_2395] {strides = array<i32>} : memref<8x4x8x128xf32, #tpu.memory_space<vmem>>, vector<16xf32>,
      %parallel_loop3A_2397 = arith.mulf %parallel_loop3A_2347, %parallel_loop3A_1915 : vector<16xf32>
      %parallel_loop3A_2398 = arith.mulf %parallel_loop3A_2354, %parallel_loop3A_1915 : vector<16xf32>
      %parallel_loop3A_2399 = arith.mulf %parallel_loop3A_2361, %parallel_loop3A_1915 : vector<16xf32>
      %parallel_loop3A_2400 = arith.mulf %parallel_loop3A_2368, %parallel_loop3A_1915 : vector<16xf32>
      %parallel_loop3A_2401 = arith.mulf %parallel_loop3A_2375, %parallel_loop3A_1915 : vector<16xf32>
      %parallel_loop3A_2402 = arith.mulf %parallel_loop3A_2382, %parallel_loop3A_1915 : vector<16xf32>
      %parallel_loop3A_2403 = arith.mulf %parallel_loop3A_2389, %parallel_loop3A_1915 : vector<16xf32>
      %parallel_loop3A_2404 = arith.mulf %parallel_loop3A_2396, %parallel_loop3A_1915 : vector<16xf32>
      %parallel_loop3A_2405 = arith.constant 3 : i32
      %parallel_loop3A_2406 = arith.constant 0 : i32
      %parallel_loop3A_2407 = arith.index_cast %parallel_loop3A_2405 : i32 to index
      %parallel_loop3A_2408 = arith.index_cast %parallel_loop3A_43 : i32 to index
      %parallel_loop3A_2409 = arith.index_cast %parallel_loop3A_2406 : i32 to index
      %parallel_loop3A_2410 = arith.index_cast %parallel_loop3A_61 : i32 to index
      %parallel_loop3A_2411 = tpu.vector_load %arg7[%parallel_loop3A_2407, %parallel_loop3A_2408, %parallel_loop3A_2409, %parallel_loop3A_2410] {strides = array<i32>} : memref<8x4x8x128xf32, #tpu.memory_space<vmem>>, vector<16xf32>,
      tpu.vector_store %arg7[%parallel_loop3A_2407, %parallel_loop3A_2408, %parallel_loop3A_2409, %parallel_loop3A_2410], %parallel_loop3A_2397 {strides = array<i32>} : memref<8x4x8x128xf32, #tpu.memory_space<vmem>>, vector<16xf32>,
      %parallel_loop3A_2412 = arith.constant 3 : i32
      %parallel_loop3A_2413 = arith.constant 1 : i32
      %parallel_loop3A_2414 = arith.index_cast %parallel_loop3A_2412 : i32 to index
      %parallel_loop3A_2415 = arith.index_cast %parallel_loop3A_43 : i32 to index
      %parallel_loop3A_2416 = arith.index_cast %parallel_loop3A_2413 : i32 to index
      %parallel_loop3A_2417 = arith.index_cast %parallel_loop3A_61 : i32 to index
      %parallel_loop3A_2418 = tpu.vector_load %arg7[%parallel_loop3A_2414, %parallel_loop3A_2415, %parallel_loop3A_2416, %parallel_loop3A_2417] {strides = array<i32>} : memref<8x4x8x128xf32, #tpu.memory_space<vmem>>, vector<16xf32>,
      tpu.vector_store %arg7[%parallel_loop3A_2414, %parallel_loop3A_2415, %parallel_loop3A_2416, %parallel_loop3A_2417], %parallel_loop3A_2398 {strides = array<i32>} : memref<8x4x8x128xf32, #tpu.memory_space<vmem>>, vector<16xf32>,
      %parallel_loop3A_2419 = arith.constant 3 : i32
      %parallel_loop3A_2420 = arith.constant 2 : i32
      %parallel_loop3A_2421 = arith.index_cast %parallel_loop3A_2419 : i32 to index
      %parallel_loop3A_2422 = arith.index_cast %parallel_loop3A_43 : i32 to index
      %parallel_loop3A_2423 = arith.index_cast %parallel_loop3A_2420 : i32 to index
      %parallel_loop3A_2424 = arith.index_cast %parallel_loop3A_61 : i32 to index
      %parallel_loop3A_2425 = tpu.vector_load %arg7[%parallel_loop3A_2421, %parallel_loop3A_2422, %parallel_loop3A_2423, %parallel_loop3A_2424] {strides = array<i32>} : memref<8x4x8x128xf32, #tpu.memory_space<vmem>>, vector<16xf32>,
      tpu.vector_store %arg7[%parallel_loop3A_2421, %parallel_loop3A_2422, %parallel_loop3A_2423, %parallel_loop3A_2424], %parallel_loop3A_2399 {strides = array<i32>} : memref<8x4x8x128xf32, #tpu.memory_space<vmem>>, vector<16xf32>,
      %parallel_loop3A_2426 = arith.constant 3 : i32
      %parallel_loop3A_2427 = arith.constant 3 : i32
      %parallel_loop3A_2428 = arith.index_cast %parallel_loop3A_2426 : i32 to index
      %parallel_loop3A_2429 = arith.index_cast %parallel_loop3A_43 : i32 to index
      %parallel_loop3A_2430 = arith.index_cast %parallel_loop3A_2427 : i32 to index
      %parallel_loop3A_2431 = arith.index_cast %parallel_loop3A_61 : i32 to index
      %parallel_loop3A_2432 = tpu.vector_load %arg7[%parallel_loop3A_2428, %parallel_loop3A_2429, %parallel_loop3A_2430, %parallel_loop3A_2431] {strides = array<i32>} : memref<8x4x8x128xf32, #tpu.memory_space<vmem>>, vector<16xf32>,
      tpu.vector_store %arg7[%parallel_loop3A_2428, %parallel_loop3A_2429, %parallel_loop3A_2430, %parallel_loop3A_2431], %parallel_loop3A_2400 {strides = array<i32>} : memref<8x4x8x128xf32, #tpu.memory_space<vmem>>, vector<16xf32>,
      %parallel_loop3A_2433 = arith.constant 3 : i32
      %parallel_loop3A_2434 = arith.constant 4 : i32
      %parallel_loop3A_2435 = arith.index_cast %parallel_loop3A_2433 : i32 to index
      %parallel_loop3A_2436 = arith.index_cast %parallel_loop3A_43 : i32 to index
      %parallel_loop3A_2437 = arith.index_cast %parallel_loop3A_2434 : i32 to index
      %parallel_loop3A_2438 = arith.index_cast %parallel_loop3A_61 : i32 to index
      %parallel_loop3A_2439 = tpu.vector_load %arg7[%parallel_loop3A_2435, %parallel_loop3A_2436, %parallel_loop3A_2437, %parallel_loop3A_2438] {strides = array<i32>} : memref<8x4x8x128xf32, #tpu.memory_space<vmem>>, vector<16xf32>,
      tpu.vector_store %arg7[%parallel_loop3A_2435, %parallel_loop3A_2436, %parallel_loop3A_2437, %parallel_loop3A_2438], %parallel_loop3A_2401 {strides = array<i32>} : memref<8x4x8x128xf32, #tpu.memory_space<vmem>>, vector<16xf32>,
      %parallel_loop3A_2440 = arith.constant 3 : i32
      %parallel_loop3A_2441 = arith.constant 5 : i32
      %parallel_loop3A_2442 = arith.index_cast %parallel_loop3A_2440 : i32 to index
      %parallel_loop3A_2443 = arith.index_cast %parallel_loop3A_43 : i32 to index
      %parallel_loop3A_2444 = arith.index_cast %parallel_loop3A_2441 : i32 to index
      %parallel_loop3A_2445 = arith.index_cast %parallel_loop3A_61 : i32 to index
      %parallel_loop3A_2446 = tpu.vector_load %arg7[%parallel_loop3A_2442, %parallel_loop3A_2443, %parallel_loop3A_2444, %parallel_loop3A_2445] {strides = array<i32>} : memref<8x4x8x128xf32, #tpu.memory_space<vmem>>, vector<16xf32>,
      tpu.vector_store %arg7[%parallel_loop3A_2442, %parallel_loop3A_2443, %parallel_loop3A_2444, %parallel_loop3A_2445], %parallel_loop3A_2402 {strides = array<i32>} : memref<8x4x8x128xf32, #tpu.memory_space<vmem>>, vector<16xf32>,
      %parallel_loop3A_2447 = arith.constant 3 : i32
      %parallel_loop3A_2448 = arith.constant 6 : i32
      %parallel_loop3A_2449 = arith.index_cast %parallel_loop3A_2447 : i32 to index
      %parallel_loop3A_2450 = arith.index_cast %parallel_loop3A_43 : i32 to index
      %parallel_loop3A_2451 = arith.index_cast %parallel_loop3A_2448 : i32 to index
      %parallel_loop3A_2452 = arith.index_cast %parallel_loop3A_61 : i32 to index
      %parallel_loop3A_2453 = tpu.vector_load %arg7[%parallel_loop3A_2449, %parallel_loop3A_2450, %parallel_loop3A_2451, %parallel_loop3A_2452] {strides = array<i32>} : memref<8x4x8x128xf32, #tpu.memory_space<vmem>>, vector<16xf32>,
      tpu.vector_store %arg7[%parallel_loop3A_2449, %parallel_loop3A_2450, %parallel_loop3A_2451, %parallel_loop3A_2452], %parallel_loop3A_2403 {strides = array<i32>} : memref<8x4x8x128xf32, #tpu.memory_space<vmem>>, vector<16xf32>,
      %parallel_loop3A_2454 = arith.constant 3 : i32
      %parallel_loop3A_2455 = arith.constant 7 : i32
      %parallel_loop3A_2456 = arith.index_cast %parallel_loop3A_2454 : i32 to index
      %parallel_loop3A_2457 = arith.index_cast %parallel_loop3A_43 : i32 to index
      %parallel_loop3A_2458 = arith.index_cast %parallel_loop3A_2455 : i32 to index
      %parallel_loop3A_2459 = arith.index_cast %parallel_loop3A_61 : i32 to index
      %parallel_loop3A_2460 = tpu.vector_load %arg7[%parallel_loop3A_2456, %parallel_loop3A_2457, %parallel_loop3A_2458, %parallel_loop3A_2459] {strides = array<i32>} : memref<8x4x8x128xf32, #tpu.memory_space<vmem>>, vector<16xf32>,
      tpu.vector_store %arg7[%parallel_loop3A_2456, %parallel_loop3A_2457, %parallel_loop3A_2458, %parallel_loop3A_2459], %parallel_loop3A_2404 {strides = array<i32>} : memref<8x4x8x128xf32, #tpu.memory_space<vmem>>, vector<16xf32>,
      %parallel_loop3A_2461 = arith.constant 4 : i32
      %parallel_loop3A_2462 = arith.constant 0 : i32
      %parallel_loop3A_2463 = arith.index_cast %parallel_loop3A_2461 : i32 to index
      %parallel_loop3A_2464 = arith.index_cast %parallel_loop3A_43 : i32 to index
      %parallel_loop3A_2465 = arith.index_cast %parallel_loop3A_2462 : i32 to index
      %parallel_loop3A_2466 = arith.index_cast %parallel_loop3A_61 : i32 to index
      %parallel_loop3A_2467 = tpu.vector_load %arg7[%parallel_loop3A_2463, %parallel_loop3A_2464, %parallel_loop3A_2465, %parallel_loop3A_2466] {strides = array<i32>} : memref<8x4x8x128xf32, #tpu.memory_space<vmem>>, vector<16xf32>,
      %parallel_loop3A_2468 = arith.constant 4 : i32
      %parallel_loop3A_2469 = arith.constant 1 : i32
      %parallel_loop3A_2470 = arith.index_cast %parallel_loop3A_2468 : i32 to index
      %parallel_loop3A_2471 = arith.index_cast %parallel_loop3A_43 : i32 to index
      %parallel_loop3A_2472 = arith.index_cast %parallel_loop3A_2469 : i32 to index
      %parallel_loop3A_2473 = arith.index_cast %parallel_loop3A_61 : i32 to index
      %parallel_loop3A_2474 = tpu.vector_load %arg7[%parallel_loop3A_2470, %parallel_loop3A_2471, %parallel_loop3A_2472, %parallel_loop3A_2473] {strides = array<i32>} : memref<8x4x8x128xf32, #tpu.memory_space<vmem>>, vector<16xf32>,
      %parallel_loop3A_2475 = arith.constant 4 : i32
      %parallel_loop3A_2476 = arith.constant 2 : i32
      %parallel_loop3A_2477 = arith.index_cast %parallel_loop3A_2475 : i32 to index
      %parallel_loop3A_2478 = arith.index_cast %parallel_loop3A_43 : i32 to index
      %parallel_loop3A_2479 = arith.index_cast %parallel_loop3A_2476 : i32 to index
      %parallel_loop3A_2480 = arith.index_cast %parallel_loop3A_61 : i32 to index
      %parallel_loop3A_2481 = tpu.vector_load %arg7[%parallel_loop3A_2477, %parallel_loop3A_2478, %parallel_loop3A_2479, %parallel_loop3A_2480] {strides = array<i32>} : memref<8x4x8x128xf32, #tpu.memory_space<vmem>>, vector<16xf32>,
      %parallel_loop3A_2482 = arith.constant 4 : i32
      %parallel_loop3A_2483 = arith.constant 3 : i32
      %parallel_loop3A_2484 = arith.index_cast %parallel_loop3A_2482 : i32 to index
      %parallel_loop3A_2485 = arith.index_cast %parallel_loop3A_43 : i32 to index
      %parallel_loop3A_2486 = arith.index_cast %parallel_loop3A_2483 : i32 to index
      %parallel_loop3A_2487 = arith.index_cast %parallel_loop3A_61 : i32 to index
      %parallel_loop3A_2488 = tpu.vector_load %arg7[%parallel_loop3A_2484, %parallel_loop3A_2485, %parallel_loop3A_2486, %parallel_loop3A_2487] {strides = array<i32>} : memref<8x4x8x128xf32, #tpu.memory_space<vmem>>, vector<16xf32>,
      %parallel_loop3A_2489 = arith.constant 4 : i32
      %parallel_loop3A_2490 = arith.constant 4 : i32
      %parallel_loop3A_2491 = arith.index_cast %parallel_loop3A_2489 : i32 to index
      %parallel_loop3A_2492 = arith.index_cast %parallel_loop3A_43 : i32 to index
      %parallel_loop3A_2493 = arith.index_cast %parallel_loop3A_2490 : i32 to index
      %parallel_loop3A_2494 = arith.index_cast %parallel_loop3A_61 : i32 to index
      %parallel_loop3A_2495 = tpu.vector_load %arg7[%parallel_loop3A_2491, %parallel_loop3A_2492, %parallel_loop3A_2493, %parallel_loop3A_2494] {strides = array<i32>} : memref<8x4x8x128xf32, #tpu.memory_space<vmem>>, vector<16xf32>,
      %parallel_loop3A_2496 = arith.constant 4 : i32
      %parallel_loop3A_2497 = arith.constant 5 : i32
      %parallel_loop3A_2498 = arith.index_cast %parallel_loop3A_2496 : i32 to index
      %parallel_loop3A_2499 = arith.index_cast %parallel_loop3A_43 : i32 to index
      %parallel_loop3A_2500 = arith.index_cast %parallel_loop3A_2497 : i32 to index
      %parallel_loop3A_2501 = arith.index_cast %parallel_loop3A_61 : i32 to index
      %parallel_loop3A_2502 = tpu.vector_load %arg7[%parallel_loop3A_2498, %parallel_loop3A_2499, %parallel_loop3A_2500, %parallel_loop3A_2501] {strides = array<i32>} : memref<8x4x8x128xf32, #tpu.memory_space<vmem>>, vector<16xf32>,
      %parallel_loop3A_2503 = arith.constant 4 : i32
      %parallel_loop3A_2504 = arith.constant 6 : i32
      %parallel_loop3A_2505 = arith.index_cast %parallel_loop3A_2503 : i32 to index
      %parallel_loop3A_2506 = arith.index_cast %parallel_loop3A_43 : i32 to index
      %parallel_loop3A_2507 = arith.index_cast %parallel_loop3A_2504 : i32 to index
      %parallel_loop3A_2508 = arith.index_cast %parallel_loop3A_61 : i32 to index
      %parallel_loop3A_2509 = tpu.vector_load %arg7[%parallel_loop3A_2505, %parallel_loop3A_2506, %parallel_loop3A_2507, %parallel_loop3A_2508] {strides = array<i32>} : memref<8x4x8x128xf32, #tpu.memory_space<vmem>>, vector<16xf32>,
      %parallel_loop3A_2510 = arith.constant 4 : i32
      %parallel_loop3A_2511 = arith.constant 7 : i32
      %parallel_loop3A_2512 = arith.index_cast %parallel_loop3A_2510 : i32 to index
      %parallel_loop3A_2513 = arith.index_cast %parallel_loop3A_43 : i32 to index
      %parallel_loop3A_2514 = arith.index_cast %parallel_loop3A_2511 : i32 to index
      %parallel_loop3A_2515 = arith.index_cast %parallel_loop3A_61 : i32 to index
      %parallel_loop3A_2516 = tpu.vector_load %arg7[%parallel_loop3A_2512, %parallel_loop3A_2513, %parallel_loop3A_2514, %parallel_loop3A_2515] {strides = array<i32>} : memref<8x4x8x128xf32, #tpu.memory_space<vmem>>, vector<16xf32>,
      %parallel_loop3A_2517 = arith.mulf %parallel_loop3A_2467, %parallel_loop3A_1915 : vector<16xf32>
      %parallel_loop3A_2518 = arith.mulf %parallel_loop3A_2474, %parallel_loop3A_1915 : vector<16xf32>
      %parallel_loop3A_2519 = arith.mulf %parallel_loop3A_2481, %parallel_loop3A_1915 : vector<16xf32>
      %parallel_loop3A_2520 = arith.mulf %parallel_loop3A_2488, %parallel_loop3A_1915 : vector<16xf32>
      %parallel_loop3A_2521 = arith.mulf %parallel_loop3A_2495, %parallel_loop3A_1915 : vector<16xf32>
      %parallel_loop3A_2522 = arith.mulf %parallel_loop3A_2502, %parallel_loop3A_1915 : vector<16xf32>
      %parallel_loop3A_2523 = arith.mulf %parallel_loop3A_2509, %parallel_loop3A_1915 : vector<16xf32>
      %parallel_loop3A_2524 = arith.mulf %parallel_loop3A_2516, %parallel_loop3A_1915 : vector<16xf32>
      %parallel_loop3A_2525 = arith.constant 4 : i32
      %parallel_loop3A_2526 = arith.constant 0 : i32
      %parallel_loop3A_2527 = arith.index_cast %parallel_loop3A_2525 : i32 to index
      %parallel_loop3A_2528 = arith.index_cast %parallel_loop3A_43 : i32 to index
      %parallel_loop3A_2529 = arith.index_cast %parallel_loop3A_2526 : i32 to index
      %parallel_loop3A_2530 = arith.index_cast %parallel_loop3A_61 : i32 to index
      %parallel_loop3A_2531 = tpu.vector_load %arg7[%parallel_loop3A_2527, %parallel_loop3A_2528, %parallel_loop3A_2529, %parallel_loop3A_2530] {strides = array<i32>} : memref<8x4x8x128xf32, #tpu.memory_space<vmem>>, vector<16xf32>,
      tpu.vector_store %arg7[%parallel_loop3A_2527, %parallel_loop3A_2528, %parallel_loop3A_2529, %parallel_loop3A_2530], %parallel_loop3A_2517 {strides = array<i32>} : memref<8x4x8x128xf32, #tpu.memory_space<vmem>>, vector<16xf32>,
      %parallel_loop3A_2532 = arith.constant 4 : i32
      %parallel_loop3A_2533 = arith.constant 1 : i32
      %parallel_loop3A_2534 = arith.index_cast %parallel_loop3A_2532 : i32 to index
      %parallel_loop3A_2535 = arith.index_cast %parallel_loop3A_43 : i32 to index
      %parallel_loop3A_2536 = arith.index_cast %parallel_loop3A_2533 : i32 to index
      %parallel_loop3A_2537 = arith.index_cast %parallel_loop3A_61 : i32 to index
      %parallel_loop3A_2538 = tpu.vector_load %arg7[%parallel_loop3A_2534, %parallel_loop3A_2535, %parallel_loop3A_2536, %parallel_loop3A_2537] {strides = array<i32>} : memref<8x4x8x128xf32, #tpu.memory_space<vmem>>, vector<16xf32>,
      tpu.vector_store %arg7[%parallel_loop3A_2534, %parallel_loop3A_2535, %parallel_loop3A_2536, %parallel_loop3A_2537], %parallel_loop3A_2518 {strides = array<i32>} : memref<8x4x8x128xf32, #tpu.memory_space<vmem>>, vector<16xf32>,
      %parallel_loop3A_2539 = arith.constant 4 : i32
      %parallel_loop3A_2540 = arith.constant 2 : i32
      %parallel_loop3A_2541 = arith.index_cast %parallel_loop3A_2539 : i32 to index
      %parallel_loop3A_2542 = arith.index_cast %parallel_loop3A_43 : i32 to index
      %parallel_loop3A_2543 = arith.index_cast %parallel_loop3A_2540 : i32 to index
      %parallel_loop3A_2544 = arith.index_cast %parallel_loop3A_61 : i32 to index
      %parallel_loop3A_2545 = tpu.vector_load %arg7[%parallel_loop3A_2541, %parallel_loop3A_2542, %parallel_loop3A_2543, %parallel_loop3A_2544] {strides = array<i32>} : memref<8x4x8x128xf32, #tpu.memory_space<vmem>>, vector<16xf32>,
      tpu.vector_store %arg7[%parallel_loop3A_2541, %parallel_loop3A_2542, %parallel_loop3A_2543, %parallel_loop3A_2544], %parallel_loop3A_2519 {strides = array<i32>} : memref<8x4x8x128xf32, #tpu.memory_space<vmem>>, vector<16xf32>,
      %parallel_loop3A_2546 = arith.constant 4 : i32
      %parallel_loop3A_2547 = arith.constant 3 : i32
      %parallel_loop3A_2548 = arith.index_cast %parallel_loop3A_2546 : i32 to index
      %parallel_loop3A_2549 = arith.index_cast %parallel_loop3A_43 : i32 to index
      %parallel_loop3A_2550 = arith.index_cast %parallel_loop3A_2547 : i32 to index
      %parallel_loop3A_2551 = arith.index_cast %parallel_loop3A_61 : i32 to index
      %parallel_loop3A_2552 = tpu.vector_load %arg7[%parallel_loop3A_2548, %parallel_loop3A_2549, %parallel_loop3A_2550, %parallel_loop3A_2551] {strides = array<i32>} : memref<8x4x8x128xf32, #tpu.memory_space<vmem>>, vector<16xf32>,
      tpu.vector_store %arg7[%parallel_loop3A_2548, %parallel_loop3A_2549, %parallel_loop3A_2550, %parallel_loop3A_2551], %parallel_loop3A_2520 {strides = array<i32>} : memref<8x4x8x128xf32, #tpu.memory_space<vmem>>, vector<16xf32>,
      %parallel_loop3A_2553 = arith.constant 4 : i32
      %parallel_loop3A_2554 = arith.constant 4 : i32
      %parallel_loop3A_2555 = arith.index_cast %parallel_loop3A_2553 : i32 to index
      %parallel_loop3A_2556 = arith.index_cast %parallel_loop3A_43 : i32 to index
      %parallel_loop3A_2557 = arith.index_cast %parallel_loop3A_2554 : i32 to index
      %parallel_loop3A_2558 = arith.index_cast %parallel_loop3A_61 : i32 to index
      %parallel_loop3A_2559 = tpu.vector_load %arg7[%parallel_loop3A_2555, %parallel_loop3A_2556, %parallel_loop3A_2557, %parallel_loop3A_2558] {strides = array<i32>} : memref<8x4x8x128xf32, #tpu.memory_space<vmem>>, vector<16xf32>,
      tpu.vector_store %arg7[%parallel_loop3A_2555, %parallel_loop3A_2556, %parallel_loop3A_2557, %parallel_loop3A_2558], %parallel_loop3A_2521 {strides = array<i32>} : memref<8x4x8x128xf32, #tpu.memory_space<vmem>>, vector<16xf32>,
      %parallel_loop3A_2560 = arith.constant 4 : i32
      %parallel_loop3A_2561 = arith.constant 5 : i32
      %parallel_loop3A_2562 = arith.index_cast %parallel_loop3A_2560 : i32 to index
      %parallel_loop3A_2563 = arith.index_cast %parallel_loop3A_43 : i32 to index
      %parallel_loop3A_2564 = arith.index_cast %parallel_loop3A_2561 : i32 to index
      %parallel_loop3A_2565 = arith.index_cast %parallel_loop3A_61 : i32 to index
      %parallel_loop3A_2566 = tpu.vector_load %arg7[%parallel_loop3A_2562, %parallel_loop3A_2563, %parallel_loop3A_2564, %parallel_loop3A_2565] {strides = array<i32>} : memref<8x4x8x128xf32, #tpu.memory_space<vmem>>, vector<16xf32>,
      tpu.vector_store %arg7[%parallel_loop3A_2562, %parallel_loop3A_2563, %parallel_loop3A_2564, %parallel_loop3A_2565], %parallel_loop3A_2522 {strides = array<i32>} : memref<8x4x8x128xf32, #tpu.memory_space<vmem>>, vector<16xf32>,
      %parallel_loop3A_2567 = arith.constant 4 : i32
      %parallel_loop3A_2568 = arith.constant 6 : i32
      %parallel_loop3A_2569 = arith.index_cast %parallel_loop3A_2567 : i32 to index
      %parallel_loop3A_2570 = arith.index_cast %parallel_loop3A_43 : i32 to index
      %parallel_loop3A_2571 = arith.index_cast %parallel_loop3A_2568 : i32 to index
      %parallel_loop3A_2572 = arith.index_cast %parallel_loop3A_61 : i32 to index
      %parallel_loop3A_2573 = tpu.vector_load %arg7[%parallel_loop3A_2569, %parallel_loop3A_2570, %parallel_loop3A_2571, %parallel_loop3A_2572] {strides = array<i32>} : memref<8x4x8x128xf32, #tpu.memory_space<vmem>>, vector<16xf32>,
      tpu.vector_store %arg7[%parallel_loop3A_2569, %parallel_loop3A_2570, %parallel_loop3A_2571, %parallel_loop3A_2572], %parallel_loop3A_2523 {strides = array<i32>} : memref<8x4x8x128xf32, #tpu.memory_space<vmem>>, vector<16xf32>,
      %parallel_loop3A_2574 = arith.constant 4 : i32
      %parallel_loop3A_2575 = arith.constant 7 : i32
      %parallel_loop3A_2576 = arith.index_cast %parallel_loop3A_2574 : i32 to index
      %parallel_loop3A_2577 = arith.index_cast %parallel_loop3A_43 : i32 to index
      %parallel_loop3A_2578 = arith.index_cast %parallel_loop3A_2575 : i32 to index
      %parallel_loop3A_2579 = arith.index_cast %parallel_loop3A_61 : i32 to index
      %parallel_loop3A_2580 = tpu.vector_load %arg7[%parallel_loop3A_2576, %parallel_loop3A_2577, %parallel_loop3A_2578, %parallel_loop3A_2579] {strides = array<i32>} : memref<8x4x8x128xf32, #tpu.memory_space<vmem>>, vector<16xf32>,
      tpu.vector_store %arg7[%parallel_loop3A_2576, %parallel_loop3A_2577, %parallel_loop3A_2578, %parallel_loop3A_2579], %parallel_loop3A_2524 {strides = array<i32>} : memref<8x4x8x128xf32, #tpu.memory_space<vmem>>, vector<16xf32>,
      %parallel_loop3A_2581 = arith.constant 5 : i32
      %parallel_loop3A_2582 = arith.constant 0 : i32
      %parallel_loop3A_2583 = arith.index_cast %parallel_loop3A_2581 : i32 to index
      %parallel_loop3A_2584 = arith.index_cast %parallel_loop3A_43 : i32 to index
      %parallel_loop3A_2585 = arith.index_cast %parallel_loop3A_2582 : i32 to index
      %parallel_loop3A_2586 = arith.index_cast %parallel_loop3A_61 : i32 to index
      %parallel_loop3A_2587 = tpu.vector_load %arg7[%parallel_loop3A_2583, %parallel_loop3A_2584, %parallel_loop3A_2585, %parallel_loop3A_2586] {strides = array<i32>} : memref<8x4x8x128xf32, #tpu.memory_space<vmem>>, vector<16xf32>,
      %parallel_loop3A_2588 = arith.constant 5 : i32
      %parallel_loop3A_2589 = arith.constant 1 : i32
      %parallel_loop3A_2590 = arith.index_cast %parallel_loop3A_2588 : i32 to index
      %parallel_loop3A_2591 = arith.index_cast %parallel_loop3A_43 : i32 to index
      %parallel_loop3A_2592 = arith.index_cast %parallel_loop3A_2589 : i32 to index
      %parallel_loop3A_2593 = arith.index_cast %parallel_loop3A_61 : i32 to index
      %parallel_loop3A_2594 = tpu.vector_load %arg7[%parallel_loop3A_2590, %parallel_loop3A_2591, %parallel_loop3A_2592, %parallel_loop3A_2593] {strides = array<i32>} : memref<8x4x8x128xf32, #tpu.memory_space<vmem>>, vector<16xf32>,
      %parallel_loop3A_2595 = arith.constant 5 : i32
      %parallel_loop3A_2596 = arith.constant 2 : i32
      %parallel_loop3A_2597 = arith.index_cast %parallel_loop3A_2595 : i32 to index
      %parallel_loop3A_2598 = arith.index_cast %parallel_loop3A_43 : i32 to index
      %parallel_loop3A_2599 = arith.index_cast %parallel_loop3A_2596 : i32 to index
      %parallel_loop3A_2600 = arith.index_cast %parallel_loop3A_61 : i32 to index
      %parallel_loop3A_2601 = tpu.vector_load %arg7[%parallel_loop3A_2597, %parallel_loop3A_2598, %parallel_loop3A_2599, %parallel_loop3A_2600] {strides = array<i32>} : memref<8x4x8x128xf32, #tpu.memory_space<vmem>>, vector<16xf32>,
      %parallel_loop3A_2602 = arith.constant 5 : i32
      %parallel_loop3A_2603 = arith.constant 3 : i32
      %parallel_loop3A_2604 = arith.index_cast %parallel_loop3A_2602 : i32 to index
      %parallel_loop3A_2605 = arith.index_cast %parallel_loop3A_43 : i32 to index
      %parallel_loop3A_2606 = arith.index_cast %parallel_loop3A_2603 : i32 to index
      %parallel_loop3A_2607 = arith.index_cast %parallel_loop3A_61 : i32 to index
      %parallel_loop3A_2608 = tpu.vector_load %arg7[%parallel_loop3A_2604, %parallel_loop3A_2605, %parallel_loop3A_2606, %parallel_loop3A_2607] {strides = array<i32>} : memref<8x4x8x128xf32, #tpu.memory_space<vmem>>, vector<16xf32>,
      %parallel_loop3A_2609 = arith.constant 5 : i32
      %parallel_loop3A_2610 = arith.constant 4 : i32
      %parallel_loop3A_2611 = arith.index_cast %parallel_loop3A_2609 : i32 to index
      %parallel_loop3A_2612 = arith.index_cast %parallel_loop3A_43 : i32 to index
      %parallel_loop3A_2613 = arith.index_cast %parallel_loop3A_2610 : i32 to index
      %parallel_loop3A_2614 = arith.index_cast %parallel_loop3A_61 : i32 to index
      %parallel_loop3A_2615 = tpu.vector_load %arg7[%parallel_loop3A_2611, %parallel_loop3A_2612, %parallel_loop3A_2613, %parallel_loop3A_2614] {strides = array<i32>} : memref<8x4x8x128xf32, #tpu.memory_space<vmem>>, vector<16xf32>,
      %parallel_loop3A_2616 = arith.constant 5 : i32
      %parallel_loop3A_2617 = arith.constant 5 : i32
      %parallel_loop3A_2618 = arith.index_cast %parallel_loop3A_2616 : i32 to index
      %parallel_loop3A_2619 = arith.index_cast %parallel_loop3A_43 : i32 to index
      %parallel_loop3A_2620 = arith.index_cast %parallel_loop3A_2617 : i32 to index
      %parallel_loop3A_2621 = arith.index_cast %parallel_loop3A_61 : i32 to index
      %parallel_loop3A_2622 = tpu.vector_load %arg7[%parallel_loop3A_2618, %parallel_loop3A_2619, %parallel_loop3A_2620, %parallel_loop3A_2621] {strides = array<i32>} : memref<8x4x8x128xf32, #tpu.memory_space<vmem>>, vector<16xf32>,
      %parallel_loop3A_2623 = arith.constant 5 : i32
      %parallel_loop3A_2624 = arith.constant 6 : i32
      %parallel_loop3A_2625 = arith.index_cast %parallel_loop3A_2623 : i32 to index
      %parallel_loop3A_2626 = arith.index_cast %parallel_loop3A_43 : i32 to index
      %parallel_loop3A_2627 = arith.index_cast %parallel_loop3A_2624 : i32 to index
      %parallel_loop3A_2628 = arith.index_cast %parallel_loop3A_61 : i32 to index
      %parallel_loop3A_2629 = tpu.vector_load %arg7[%parallel_loop3A_2625, %parallel_loop3A_2626, %parallel_loop3A_2627, %parallel_loop3A_2628] {strides = array<i32>} : memref<8x4x8x128xf32, #tpu.memory_space<vmem>>, vector<16xf32>,
      %parallel_loop3A_2630 = arith.constant 5 : i32
      %parallel_loop3A_2631 = arith.constant 7 : i32
      %parallel_loop3A_2632 = arith.index_cast %parallel_loop3A_2630 : i32 to index
      %parallel_loop3A_2633 = arith.index_cast %parallel_loop3A_43 : i32 to index
      %parallel_loop3A_2634 = arith.index_cast %parallel_loop3A_2631 : i32 to index
      %parallel_loop3A_2635 = arith.index_cast %parallel_loop3A_61 : i32 to index
      %parallel_loop3A_2636 = tpu.vector_load %arg7[%parallel_loop3A_2632, %parallel_loop3A_2633, %parallel_loop3A_2634, %parallel_loop3A_2635] {strides = array<i32>} : memref<8x4x8x128xf32, #tpu.memory_space<vmem>>, vector<16xf32>,
      %parallel_loop3A_2637 = arith.mulf %parallel_loop3A_2587, %parallel_loop3A_1915 : vector<16xf32>
      %parallel_loop3A_2638 = arith.mulf %parallel_loop3A_2594, %parallel_loop3A_1915 : vector<16xf32>
      %parallel_loop3A_2639 = arith.mulf %parallel_loop3A_2601, %parallel_loop3A_1915 : vector<16xf32>
      %parallel_loop3A_2640 = arith.mulf %parallel_loop3A_2608, %parallel_loop3A_1915 : vector<16xf32>
      %parallel_loop3A_2641 = arith.mulf %parallel_loop3A_2615, %parallel_loop3A_1915 : vector<16xf32>
      %parallel_loop3A_2642 = arith.mulf %parallel_loop3A_2622, %parallel_loop3A_1915 : vector<16xf32>
      %parallel_loop3A_2643 = arith.mulf %parallel_loop3A_2629, %parallel_loop3A_1915 : vector<16xf32>
      %parallel_loop3A_2644 = arith.mulf %parallel_loop3A_2636, %parallel_loop3A_1915 : vector<16xf32>
      %parallel_loop3A_2645 = arith.constant 5 : i32
      %parallel_loop3A_2646 = arith.constant 0 : i32
      %parallel_loop3A_2647 = arith.index_cast %parallel_loop3A_2645 : i32 to index
      %parallel_loop3A_2648 = arith.index_cast %parallel_loop3A_43 : i32 to index
      %parallel_loop3A_2649 = arith.index_cast %parallel_loop3A_2646 : i32 to index
      %parallel_loop3A_2650 = arith.index_cast %parallel_loop3A_61 : i32 to index
      %parallel_loop3A_2651 = tpu.vector_load %arg7[%parallel_loop3A_2647, %parallel_loop3A_2648, %parallel_loop3A_2649, %parallel_loop3A_2650] {strides = array<i32>} : memref<8x4x8x128xf32, #tpu.memory_space<vmem>>, vector<16xf32>,
      tpu.vector_store %arg7[%parallel_loop3A_2647, %parallel_loop3A_2648, %parallel_loop3A_2649, %parallel_loop3A_2650], %parallel_loop3A_2637 {strides = array<i32>} : memref<8x4x8x128xf32, #tpu.memory_space<vmem>>, vector<16xf32>,
      %parallel_loop3A_2652 = arith.constant 5 : i32
      %parallel_loop3A_2653 = arith.constant 1 : i32
      %parallel_loop3A_2654 = arith.index_cast %parallel_loop3A_2652 : i32 to index
      %parallel_loop3A_2655 = arith.index_cast %parallel_loop3A_43 : i32 to index
      %parallel_loop3A_2656 = arith.index_cast %parallel_loop3A_2653 : i32 to index
      %parallel_loop3A_2657 = arith.index_cast %parallel_loop3A_61 : i32 to index
      %parallel_loop3A_2658 = tpu.vector_load %arg7[%parallel_loop3A_2654, %parallel_loop3A_2655, %parallel_loop3A_2656, %parallel_loop3A_2657] {strides = array<i32>} : memref<8x4x8x128xf32, #tpu.memory_space<vmem>>, vector<16xf32>,
      tpu.vector_store %arg7[%parallel_loop3A_2654, %parallel_loop3A_2655, %parallel_loop3A_2656, %parallel_loop3A_2657], %parallel_loop3A_2638 {strides = array<i32>} : memref<8x4x8x128xf32, #tpu.memory_space<vmem>>, vector<16xf32>,
      %parallel_loop3A_2659 = arith.constant 5 : i32
      %parallel_loop3A_2660 = arith.constant 2 : i32
      %parallel_loop3A_2661 = arith.index_cast %parallel_loop3A_2659 : i32 to index
      %parallel_loop3A_2662 = arith.index_cast %parallel_loop3A_43 : i32 to index
      %parallel_loop3A_2663 = arith.index_cast %parallel_loop3A_2660 : i32 to index
      %parallel_loop3A_2664 = arith.index_cast %parallel_loop3A_61 : i32 to index
      %parallel_loop3A_2665 = tpu.vector_load %arg7[%parallel_loop3A_2661, %parallel_loop3A_2662, %parallel_loop3A_2663, %parallel_loop3A_2664] {strides = array<i32>} : memref<8x4x8x128xf32, #tpu.memory_space<vmem>>, vector<16xf32>,
      tpu.vector_store %arg7[%parallel_loop3A_2661, %parallel_loop3A_2662, %parallel_loop3A_2663, %parallel_loop3A_2664], %parallel_loop3A_2639 {strides = array<i32>} : memref<8x4x8x128xf32, #tpu.memory_space<vmem>>, vector<16xf32>,
      %parallel_loop3A_2666 = arith.constant 5 : i32
      %parallel_loop3A_2667 = arith.constant 3 : i32
      %parallel_loop3A_2668 = arith.index_cast %parallel_loop3A_2666 : i32 to index
      %parallel_loop3A_2669 = arith.index_cast %parallel_loop3A_43 : i32 to index
      %parallel_loop3A_2670 = arith.index_cast %parallel_loop3A_2667 : i32 to index
      %parallel_loop3A_2671 = arith.index_cast %parallel_loop3A_61 : i32 to index
      %parallel_loop3A_2672 = tpu.vector_load %arg7[%parallel_loop3A_2668, %parallel_loop3A_2669, %parallel_loop3A_2670, %parallel_loop3A_2671] {strides = array<i32>} : memref<8x4x8x128xf32, #tpu.memory_space<vmem>>, vector<16xf32>,
      tpu.vector_store %arg7[%parallel_loop3A_2668, %parallel_loop3A_2669, %parallel_loop3A_2670, %parallel_loop3A_2671], %parallel_loop3A_2640 {strides = array<i32>} : memref<8x4x8x128xf32, #tpu.memory_space<vmem>>, vector<16xf32>,
      %parallel_loop3A_2673 = arith.constant 5 : i32
      %parallel_loop3A_2674 = arith.constant 4 : i32
      %parallel_loop3A_2675 = arith.index_cast %parallel_loop3A_2673 : i32 to index
      %parallel_loop3A_2676 = arith.index_cast %parallel_loop3A_43 : i32 to index
      %parallel_loop3A_2677 = arith.index_cast %parallel_loop3A_2674 : i32 to index
      %parallel_loop3A_2678 = arith.index_cast %parallel_loop3A_61 : i32 to index
      %parallel_loop3A_2679 = tpu.vector_load %arg7[%parallel_loop3A_2675, %parallel_loop3A_2676, %parallel_loop3A_2677, %parallel_loop3A_2678] {strides = array<i32>} : memref<8x4x8x128xf32, #tpu.memory_space<vmem>>, vector<16xf32>,
      tpu.vector_store %arg7[%parallel_loop3A_2675, %parallel_loop3A_2676, %parallel_loop3A_2677, %parallel_loop3A_2678], %parallel_loop3A_2641 {strides = array<i32>} : memref<8x4x8x128xf32, #tpu.memory_space<vmem>>, vector<16xf32>,
      %parallel_loop3A_2680 = arith.constant 5 : i32
      %parallel_loop3A_2681 = arith.constant 5 : i32
      %parallel_loop3A_2682 = arith.index_cast %parallel_loop3A_2680 : i32 to index
      %parallel_loop3A_2683 = arith.index_cast %parallel_loop3A_43 : i32 to index
      %parallel_loop3A_2684 = arith.index_cast %parallel_loop3A_2681 : i32 to index
      %parallel_loop3A_2685 = arith.index_cast %parallel_loop3A_61 : i32 to index
      %parallel_loop3A_2686 = tpu.vector_load %arg7[%parallel_loop3A_2682, %parallel_loop3A_2683, %parallel_loop3A_2684, %parallel_loop3A_2685] {strides = array<i32>} : memref<8x4x8x128xf32, #tpu.memory_space<vmem>>, vector<16xf32>,
      tpu.vector_store %arg7[%parallel_loop3A_2682, %parallel_loop3A_2683, %parallel_loop3A_2684, %parallel_loop3A_2685], %parallel_loop3A_2642 {strides = array<i32>} : memref<8x4x8x128xf32, #tpu.memory_space<vmem>>, vector<16xf32>,
      %parallel_loop3A_2687 = arith.constant 5 : i32
      %parallel_loop3A_2688 = arith.constant 6 : i32
      %parallel_loop3A_2689 = arith.index_cast %parallel_loop3A_2687 : i32 to index
      %parallel_loop3A_2690 = arith.index_cast %parallel_loop3A_43 : i32 to index
      %parallel_loop3A_2691 = arith.index_cast %parallel_loop3A_2688 : i32 to index
      %parallel_loop3A_2692 = arith.index_cast %parallel_loop3A_61 : i32 to index
      %parallel_loop3A_2693 = tpu.vector_load %arg7[%parallel_loop3A_2689, %parallel_loop3A_2690, %parallel_loop3A_2691, %parallel_loop3A_2692] {strides = array<i32>} : memref<8x4x8x128xf32, #tpu.memory_space<vmem>>, vector<16xf32>,
      tpu.vector_store %arg7[%parallel_loop3A_2689, %parallel_loop3A_2690, %parallel_loop3A_2691, %parallel_loop3A_2692], %parallel_loop3A_2643 {strides = array<i32>} : memref<8x4x8x128xf32, #tpu.memory_space<vmem>>, vector<16xf32>,
      %parallel_loop3A_2694 = arith.constant 5 : i32
      %parallel_loop3A_2695 = arith.constant 7 : i32
      %parallel_loop3A_2696 = arith.index_cast %parallel_loop3A_2694 : i32 to index
      %parallel_loop3A_2697 = arith.index_cast %parallel_loop3A_43 : i32 to index
      %parallel_loop3A_2698 = arith.index_cast %parallel_loop3A_2695 : i32 to index
      %parallel_loop3A_2699 = arith.index_cast %parallel_loop3A_61 : i32 to index
      %parallel_loop3A_2700 = tpu.vector_load %arg7[%parallel_loop3A_2696, %parallel_loop3A_2697, %parallel_loop3A_2698, %parallel_loop3A_2699] {strides = array<i32>} : memref<8x4x8x128xf32, #tpu.memory_space<vmem>>, vector<16xf32>,
      tpu.vector_store %arg7[%parallel_loop3A_2696, %parallel_loop3A_2697, %parallel_loop3A_2698, %parallel_loop3A_2699], %parallel_loop3A_2644 {strides = array<i32>} : memref<8x4x8x128xf32, #tpu.memory_space<vmem>>, vector<16xf32>,
      %parallel_loop3A_2701 = arith.constant 6 : i32
      %parallel_loop3A_2702 = arith.constant 0 : i32
      %parallel_loop3A_2703 = arith.index_cast %parallel_loop3A_2701 : i32 to index
      %parallel_loop3A_2704 = arith.index_cast %parallel_loop3A_43 : i32 to index
      %parallel_loop3A_2705 = arith.index_cast %parallel_loop3A_2702 : i32 to index
      %parallel_loop3A_2706 = arith.index_cast %parallel_loop3A_61 : i32 to index
      %parallel_loop3A_2707 = tpu.vector_load %arg7[%parallel_loop3A_2703, %parallel_loop3A_2704, %parallel_loop3A_2705, %parallel_loop3A_2706] {strides = array<i32>} : memref<8x4x8x128xf32, #tpu.memory_space<vmem>>, vector<16xf32>,
      %parallel_loop3A_2708 = arith.constant 6 : i32
      %parallel_loop3A_2709 = arith.constant 1 : i32
      %parallel_loop3A_2710 = arith.index_cast %parallel_loop3A_2708 : i32 to index
      %parallel_loop3A_2711 = arith.index_cast %parallel_loop3A_43 : i32 to index
      %parallel_loop3A_2712 = arith.index_cast %parallel_loop3A_2709 : i32 to index
      %parallel_loop3A_2713 = arith.index_cast %parallel_loop3A_61 : i32 to index
      %parallel_loop3A_2714 = tpu.vector_load %arg7[%parallel_loop3A_2710, %parallel_loop3A_2711, %parallel_loop3A_2712, %parallel_loop3A_2713] {strides = array<i32>} : memref<8x4x8x128xf32, #tpu.memory_space<vmem>>, vector<16xf32>,
      %parallel_loop3A_2715 = arith.constant 6 : i32
      %parallel_loop3A_2716 = arith.constant 2 : i32
      %parallel_loop3A_2717 = arith.index_cast %parallel_loop3A_2715 : i32 to index
      %parallel_loop3A_2718 = arith.index_cast %parallel_loop3A_43 : i32 to index
      %parallel_loop3A_2719 = arith.index_cast %parallel_loop3A_2716 : i32 to index
      %parallel_loop3A_2720 = arith.index_cast %parallel_loop3A_61 : i32 to index
      %parallel_loop3A_2721 = tpu.vector_load %arg7[%parallel_loop3A_2717, %parallel_loop3A_2718, %parallel_loop3A_2719, %parallel_loop3A_2720] {strides = array<i32>} : memref<8x4x8x128xf32, #tpu.memory_space<vmem>>, vector<16xf32>,
      %parallel_loop3A_2722 = arith.constant 6 : i32
      %parallel_loop3A_2723 = arith.constant 3 : i32
      %parallel_loop3A_2724 = arith.index_cast %parallel_loop3A_2722 : i32 to index
      %parallel_loop3A_2725 = arith.index_cast %parallel_loop3A_43 : i32 to index
      %parallel_loop3A_2726 = arith.index_cast %parallel_loop3A_2723 : i32 to index
      %parallel_loop3A_2727 = arith.index_cast %parallel_loop3A_61 : i32 to index
      %parallel_loop3A_2728 = tpu.vector_load %arg7[%parallel_loop3A_2724, %parallel_loop3A_2725, %parallel_loop3A_2726, %parallel_loop3A_2727] {strides = array<i32>} : memref<8x4x8x128xf32, #tpu.memory_space<vmem>>, vector<16xf32>,
      %parallel_loop3A_2729 = arith.constant 6 : i32
      %parallel_loop3A_2730 = arith.constant 4 : i32
      %parallel_loop3A_2731 = arith.index_cast %parallel_loop3A_2729 : i32 to index
      %parallel_loop3A_2732 = arith.index_cast %parallel_loop3A_43 : i32 to index
      %parallel_loop3A_2733 = arith.index_cast %parallel_loop3A_2730 : i32 to index
      %parallel_loop3A_2734 = arith.index_cast %parallel_loop3A_61 : i32 to index
      %parallel_loop3A_2735 = tpu.vector_load %arg7[%parallel_loop3A_2731, %parallel_loop3A_2732, %parallel_loop3A_2733, %parallel_loop3A_2734] {strides = array<i32>} : memref<8x4x8x128xf32, #tpu.memory_space<vmem>>, vector<16xf32>,
      %parallel_loop3A_2736 = arith.constant 6 : i32
      %parallel_loop3A_2737 = arith.constant 5 : i32
      %parallel_loop3A_2738 = arith.index_cast %parallel_loop3A_2736 : i32 to index
      %parallel_loop3A_2739 = arith.index_cast %parallel_loop3A_43 : i32 to index
      %parallel_loop3A_2740 = arith.index_cast %parallel_loop3A_2737 : i32 to index
      %parallel_loop3A_2741 = arith.index_cast %parallel_loop3A_61 : i32 to index
      %parallel_loop3A_2742 = tpu.vector_load %arg7[%parallel_loop3A_2738, %parallel_loop3A_2739, %parallel_loop3A_2740, %parallel_loop3A_2741] {strides = array<i32>} : memref<8x4x8x128xf32, #tpu.memory_space<vmem>>, vector<16xf32>,
      %parallel_loop3A_2743 = arith.constant 6 : i32
      %parallel_loop3A_2744 = arith.constant 6 : i32
      %parallel_loop3A_2745 = arith.index_cast %parallel_loop3A_2743 : i32 to index
      %parallel_loop3A_2746 = arith.index_cast %parallel_loop3A_43 : i32 to index
      %parallel_loop3A_2747 = arith.index_cast %parallel_loop3A_2744 : i32 to index
      %parallel_loop3A_2748 = arith.index_cast %parallel_loop3A_61 : i32 to index
      %parallel_loop3A_2749 = tpu.vector_load %arg7[%parallel_loop3A_2745, %parallel_loop3A_2746, %parallel_loop3A_2747, %parallel_loop3A_2748] {strides = array<i32>} : memref<8x4x8x128xf32, #tpu.memory_space<vmem>>, vector<16xf32>,
      %parallel_loop3A_2750 = arith.constant 6 : i32
      %parallel_loop3A_2751 = arith.constant 7 : i32
      %parallel_loop3A_2752 = arith.index_cast %parallel_loop3A_2750 : i32 to index
      %parallel_loop3A_2753 = arith.index_cast %parallel_loop3A_43 : i32 to index
      %parallel_loop3A_2754 = arith.index_cast %parallel_loop3A_2751 : i32 to index
      %parallel_loop3A_2755 = arith.index_cast %parallel_loop3A_61 : i32 to index
      %parallel_loop3A_2756 = tpu.vector_load %arg7[%parallel_loop3A_2752, %parallel_loop3A_2753, %parallel_loop3A_2754, %parallel_loop3A_2755] {strides = array<i32>} : memref<8x4x8x128xf32, #tpu.memory_space<vmem>>, vector<16xf32>,
      %parallel_loop3A_2757 = arith.mulf %parallel_loop3A_2707, %parallel_loop3A_1915 : vector<16xf32>
      %parallel_loop3A_2758 = arith.mulf %parallel_loop3A_2714, %parallel_loop3A_1915 : vector<16xf32>
      %parallel_loop3A_2759 = arith.mulf %parallel_loop3A_2721, %parallel_loop3A_1915 : vector<16xf32>
      %parallel_loop3A_2760 = arith.mulf %parallel_loop3A_2728, %parallel_loop3A_1915 : vector<16xf32>
      %parallel_loop3A_2761 = arith.mulf %parallel_loop3A_2735, %parallel_loop3A_1915 : vector<16xf32>
      %parallel_loop3A_2762 = arith.mulf %parallel_loop3A_2742, %parallel_loop3A_1915 : vector<16xf32>
      %parallel_loop3A_2763 = arith.mulf %parallel_loop3A_2749, %parallel_loop3A_1915 : vector<16xf32>
      %parallel_loop3A_2764 = arith.mulf %parallel_loop3A_2756, %parallel_loop3A_1915 : vector<16xf32>
      %parallel_loop3A_2765 = arith.constant 6 : i32
      %parallel_loop3A_2766 = arith.constant 0 : i32
      %parallel_loop3A_2767 = arith.index_cast %parallel_loop3A_2765 : i32 to index
      %parallel_loop3A_2768 = arith.index_cast %parallel_loop3A_43 : i32 to index
      %parallel_loop3A_2769 = arith.index_cast %parallel_loop3A_2766 : i32 to index
      %parallel_loop3A_2770 = arith.index_cast %parallel_loop3A_61 : i32 to index
      %parallel_loop3A_2771 = tpu.vector_load %arg7[%parallel_loop3A_2767, %parallel_loop3A_2768, %parallel_loop3A_2769, %parallel_loop3A_2770] {strides = array<i32>} : memref<8x4x8x128xf32, #tpu.memory_space<vmem>>, vector<16xf32>,
      tpu.vector_store %arg7[%parallel_loop3A_2767, %parallel_loop3A_2768, %parallel_loop3A_2769, %parallel_loop3A_2770], %parallel_loop3A_2757 {strides = array<i32>} : memref<8x4x8x128xf32, #tpu.memory_space<vmem>>, vector<16xf32>,
      %parallel_loop3A_2772 = arith.constant 6 : i32
      %parallel_loop3A_2773 = arith.constant 1 : i32
      %parallel_loop3A_2774 = arith.index_cast %parallel_loop3A_2772 : i32 to index
      %parallel_loop3A_2775 = arith.index_cast %parallel_loop3A_43 : i32 to index
      %parallel_loop3A_2776 = arith.index_cast %parallel_loop3A_2773 : i32 to index
      %parallel_loop3A_2777 = arith.index_cast %parallel_loop3A_61 : i32 to index
      %parallel_loop3A_2778 = tpu.vector_load %arg7[%parallel_loop3A_2774, %parallel_loop3A_2775, %parallel_loop3A_2776, %parallel_loop3A_2777] {strides = array<i32>} : memref<8x4x8x128xf32, #tpu.memory_space<vmem>>, vector<16xf32>,
      tpu.vector_store %arg7[%parallel_loop3A_2774, %parallel_loop3A_2775, %parallel_loop3A_2776, %parallel_loop3A_2777], %parallel_loop3A_2758 {strides = array<i32>} : memref<8x4x8x128xf32, #tpu.memory_space<vmem>>, vector<16xf32>,
      %parallel_loop3A_2779 = arith.constant 6 : i32
      %parallel_loop3A_2780 = arith.constant 2 : i32
      %parallel_loop3A_2781 = arith.index_cast %parallel_loop3A_2779 : i32 to index
      %parallel_loop3A_2782 = arith.index_cast %parallel_loop3A_43 : i32 to index
      %parallel_loop3A_2783 = arith.index_cast %parallel_loop3A_2780 : i32 to index
      %parallel_loop3A_2784 = arith.index_cast %parallel_loop3A_61 : i32 to index
      %parallel_loop3A_2785 = tpu.vector_load %arg7[%parallel_loop3A_2781, %parallel_loop3A_2782, %parallel_loop3A_2783, %parallel_loop3A_2784] {strides = array<i32>} : memref<8x4x8x128xf32, #tpu.memory_space<vmem>>, vector<16xf32>,
      tpu.vector_store %arg7[%parallel_loop3A_2781, %parallel_loop3A_2782, %parallel_loop3A_2783, %parallel_loop3A_2784], %parallel_loop3A_2759 {strides = array<i32>} : memref<8x4x8x128xf32, #tpu.memory_space<vmem>>, vector<16xf32>,
      %parallel_loop3A_2786 = arith.constant 6 : i32
      %parallel_loop3A_2787 = arith.constant 3 : i32
      %parallel_loop3A_2788 = arith.index_cast %parallel_loop3A_2786 : i32 to index
      %parallel_loop3A_2789 = arith.index_cast %parallel_loop3A_43 : i32 to index
      %parallel_loop3A_2790 = arith.index_cast %parallel_loop3A_2787 : i32 to index
      %parallel_loop3A_2791 = arith.index_cast %parallel_loop3A_61 : i32 to index
      %parallel_loop3A_2792 = tpu.vector_load %arg7[%parallel_loop3A_2788, %parallel_loop3A_2789, %parallel_loop3A_2790, %parallel_loop3A_2791] {strides = array<i32>} : memref<8x4x8x128xf32, #tpu.memory_space<vmem>>, vector<16xf32>,
      tpu.vector_store %arg7[%parallel_loop3A_2788, %parallel_loop3A_2789, %parallel_loop3A_2790, %parallel_loop3A_2791], %parallel_loop3A_2760 {strides = array<i32>} : memref<8x4x8x128xf32, #tpu.memory_space<vmem>>, vector<16xf32>,
      %parallel_loop3A_2793 = arith.constant 6 : i32
      %parallel_loop3A_2794 = arith.constant 4 : i32
      %parallel_loop3A_2795 = arith.index_cast %parallel_loop3A_2793 : i32 to index
      %parallel_loop3A_2796 = arith.index_cast %parallel_loop3A_43 : i32 to index
      %parallel_loop3A_2797 = arith.index_cast %parallel_loop3A_2794 : i32 to index
      %parallel_loop3A_2798 = arith.index_cast %parallel_loop3A_61 : i32 to index
      %parallel_loop3A_2799 = tpu.vector_load %arg7[%parallel_loop3A_2795, %parallel_loop3A_2796, %parallel_loop3A_2797, %parallel_loop3A_2798] {strides = array<i32>} : memref<8x4x8x128xf32, #tpu.memory_space<vmem>>, vector<16xf32>,
      tpu.vector_store %arg7[%parallel_loop3A_2795, %parallel_loop3A_2796, %parallel_loop3A_2797, %parallel_loop3A_2798], %parallel_loop3A_2761 {strides = array<i32>} : memref<8x4x8x128xf32, #tpu.memory_space<vmem>>, vector<16xf32>,
      %parallel_loop3A_2800 = arith.constant 6 : i32
      %parallel_loop3A_2801 = arith.constant 5 : i32
      %parallel_loop3A_2802 = arith.index_cast %parallel_loop3A_2800 : i32 to index
      %parallel_loop3A_2803 = arith.index_cast %parallel_loop3A_43 : i32 to index
      %parallel_loop3A_2804 = arith.index_cast %parallel_loop3A_2801 : i32 to index
      %parallel_loop3A_2805 = arith.index_cast %parallel_loop3A_61 : i32 to index
      %parallel_loop3A_2806 = tpu.vector_load %arg7[%parallel_loop3A_2802, %parallel_loop3A_2803, %parallel_loop3A_2804, %parallel_loop3A_2805] {strides = array<i32>} : memref<8x4x8x128xf32, #tpu.memory_space<vmem>>, vector<16xf32>,
      tpu.vector_store %arg7[%parallel_loop3A_2802, %parallel_loop3A_2803, %parallel_loop3A_2804, %parallel_loop3A_2805], %parallel_loop3A_2762 {strides = array<i32>} : memref<8x4x8x128xf32, #tpu.memory_space<vmem>>, vector<16xf32>,
      %parallel_loop3A_2807 = arith.constant 6 : i32
      %parallel_loop3A_2808 = arith.constant 6 : i32
      %parallel_loop3A_2809 = arith.index_cast %parallel_loop3A_2807 : i32 to index
      %parallel_loop3A_2810 = arith.index_cast %parallel_loop3A_43 : i32 to index
      %parallel_loop3A_2811 = arith.index_cast %parallel_loop3A_2808 : i32 to index
      %parallel_loop3A_2812 = arith.index_cast %parallel_loop3A_61 : i32 to index
      %parallel_loop3A_2813 = tpu.vector_load %arg7[%parallel_loop3A_2809, %parallel_loop3A_2810, %parallel_loop3A_2811, %parallel_loop3A_2812] {strides = array<i32>} : memref<8x4x8x128xf32, #tpu.memory_space<vmem>>, vector<16xf32>,
      tpu.vector_store %arg7[%parallel_loop3A_2809, %parallel_loop3A_2810, %parallel_loop3A_2811, %parallel_loop3A_2812], %parallel_loop3A_2763 {strides = array<i32>} : memref<8x4x8x128xf32, #tpu.memory_space<vmem>>, vector<16xf32>,
      %parallel_loop3A_2814 = arith.constant 6 : i32
      %parallel_loop3A_2815 = arith.constant 7 : i32
      %parallel_loop3A_2816 = arith.index_cast %parallel_loop3A_2814 : i32 to index
      %parallel_loop3A_2817 = arith.index_cast %parallel_loop3A_43 : i32 to index
      %parallel_loop3A_2818 = arith.index_cast %parallel_loop3A_2815 : i32 to index
      %parallel_loop3A_2819 = arith.index_cast %parallel_loop3A_61 : i32 to index
      %parallel_loop3A_2820 = tpu.vector_load %arg7[%parallel_loop3A_2816, %parallel_loop3A_2817, %parallel_loop3A_2818, %parallel_loop3A_2819] {strides = array<i32>} : memref<8x4x8x128xf32, #tpu.memory_space<vmem>>, vector<16xf32>,
      tpu.vector_store %arg7[%parallel_loop3A_2816, %parallel_loop3A_2817, %parallel_loop3A_2818, %parallel_loop3A_2819], %parallel_loop3A_2764 {strides = array<i32>} : memref<8x4x8x128xf32, #tpu.memory_space<vmem>>, vector<16xf32>,
      %parallel_loop3A_2821 = arith.constant 7 : i32
      %parallel_loop3A_2822 = arith.constant 0 : i32
      %parallel_loop3A_2823 = arith.index_cast %parallel_loop3A_2821 : i32 to index
      %parallel_loop3A_2824 = arith.index_cast %parallel_loop3A_43 : i32 to index
      %parallel_loop3A_2825 = arith.index_cast %parallel_loop3A_2822 : i32 to index
      %parallel_loop3A_2826 = arith.index_cast %parallel_loop3A_61 : i32 to index
      %parallel_loop3A_2827 = tpu.vector_load %arg7[%parallel_loop3A_2823, %parallel_loop3A_2824, %parallel_loop3A_2825, %parallel_loop3A_2826] {strides = array<i32>} : memref<8x4x8x128xf32, #tpu.memory_space<vmem>>, vector<16xf32>,
      %parallel_loop3A_2828 = arith.constant 7 : i32
      %parallel_loop3A_2829 = arith.constant 1 : i32
      %parallel_loop3A_2830 = arith.index_cast %parallel_loop3A_2828 : i32 to index
      %parallel_loop3A_2831 = arith.index_cast %parallel_loop3A_43 : i32 to index
      %parallel_loop3A_2832 = arith.index_cast %parallel_loop3A_2829 : i32 to index
      %parallel_loop3A_2833 = arith.index_cast %parallel_loop3A_61 : i32 to index
      %parallel_loop3A_2834 = tpu.vector_load %arg7[%parallel_loop3A_2830, %parallel_loop3A_2831, %parallel_loop3A_2832, %parallel_loop3A_2833] {strides = array<i32>} : memref<8x4x8x128xf32, #tpu.memory_space<vmem>>, vector<16xf32>,
      %parallel_loop3A_2835 = arith.constant 7 : i32
      %parallel_loop3A_2836 = arith.constant 2 : i32
      %parallel_loop3A_2837 = arith.index_cast %parallel_loop3A_2835 : i32 to index
      %parallel_loop3A_2838 = arith.index_cast %parallel_loop3A_43 : i32 to index
      %parallel_loop3A_2839 = arith.index_cast %parallel_loop3A_2836 : i32 to index
      %parallel_loop3A_2840 = arith.index_cast %parallel_loop3A_61 : i32 to index
      %parallel_loop3A_2841 = tpu.vector_load %arg7[%parallel_loop3A_2837, %parallel_loop3A_2838, %parallel_loop3A_2839, %parallel_loop3A_2840] {strides = array<i32>} : memref<8x4x8x128xf32, #tpu.memory_space<vmem>>, vector<16xf32>,
      %parallel_loop3A_2842 = arith.constant 7 : i32
      %parallel_loop3A_2843 = arith.constant 3 : i32
      %parallel_loop3A_2844 = arith.index_cast %parallel_loop3A_2842 : i32 to index
      %parallel_loop3A_2845 = arith.index_cast %parallel_loop3A_43 : i32 to index
      %parallel_loop3A_2846 = arith.index_cast %parallel_loop3A_2843 : i32 to index
      %parallel_loop3A_2847 = arith.index_cast %parallel_loop3A_61 : i32 to index
      %parallel_loop3A_2848 = tpu.vector_load %arg7[%parallel_loop3A_2844, %parallel_loop3A_2845, %parallel_loop3A_2846, %parallel_loop3A_2847] {strides = array<i32>} : memref<8x4x8x128xf32, #tpu.memory_space<vmem>>, vector<16xf32>,
      %parallel_loop3A_2849 = arith.constant 7 : i32
      %parallel_loop3A_2850 = arith.constant 4 : i32
      %parallel_loop3A_2851 = arith.index_cast %parallel_loop3A_2849 : i32 to index
      %parallel_loop3A_2852 = arith.index_cast %parallel_loop3A_43 : i32 to index
      %parallel_loop3A_2853 = arith.index_cast %parallel_loop3A_2850 : i32 to index
      %parallel_loop3A_2854 = arith.index_cast %parallel_loop3A_61 : i32 to index
      %parallel_loop3A_2855 = tpu.vector_load %arg7[%parallel_loop3A_2851, %parallel_loop3A_2852, %parallel_loop3A_2853, %parallel_loop3A_2854] {strides = array<i32>} : memref<8x4x8x128xf32, #tpu.memory_space<vmem>>, vector<16xf32>,
      %parallel_loop3A_2856 = arith.constant 7 : i32
      %parallel_loop3A_2857 = arith.constant 5 : i32
      %parallel_loop3A_2858 = arith.index_cast %parallel_loop3A_2856 : i32 to index
      %parallel_loop3A_2859 = arith.index_cast %parallel_loop3A_43 : i32 to index
      %parallel_loop3A_2860 = arith.index_cast %parallel_loop3A_2857 : i32 to index
      %parallel_loop3A_2861 = arith.index_cast %parallel_loop3A_61 : i32 to index
      %parallel_loop3A_2862 = tpu.vector_load %arg7[%parallel_loop3A_2858, %parallel_loop3A_2859, %parallel_loop3A_2860, %parallel_loop3A_2861] {strides = array<i32>} : memref<8x4x8x128xf32, #tpu.memory_space<vmem>>, vector<16xf32>,
      %parallel_loop3A_2863 = arith.constant 7 : i32
      %parallel_loop3A_2864 = arith.constant 6 : i32
      %parallel_loop3A_2865 = arith.index_cast %parallel_loop3A_2863 : i32 to index
      %parallel_loop3A_2866 = arith.index_cast %parallel_loop3A_43 : i32 to index
      %parallel_loop3A_2867 = arith.index_cast %parallel_loop3A_2864 : i32 to index
      %parallel_loop3A_2868 = arith.index_cast %parallel_loop3A_61 : i32 to index
      %parallel_loop3A_2869 = tpu.vector_load %arg7[%parallel_loop3A_2865, %parallel_loop3A_2866, %parallel_loop3A_2867, %parallel_loop3A_2868] {strides = array<i32>} : memref<8x4x8x128xf32, #tpu.memory_space<vmem>>, vector<16xf32>,
      %parallel_loop3A_2870 = arith.constant 7 : i32
      %parallel_loop3A_2871 = arith.constant 7 : i32
      %parallel_loop3A_2872 = arith.index_cast %parallel_loop3A_2870 : i32 to index
      %parallel_loop3A_2873 = arith.index_cast %parallel_loop3A_43 : i32 to index
      %parallel_loop3A_2874 = arith.index_cast %parallel_loop3A_2871 : i32 to index
      %parallel_loop3A_2875 = arith.index_cast %parallel_loop3A_61 : i32 to index
      %parallel_loop3A_2876 = tpu.vector_load %arg7[%parallel_loop3A_2872, %parallel_loop3A_2873, %parallel_loop3A_2874, %parallel_loop3A_2875] {strides = array<i32>} : memref<8x4x8x128xf32, #tpu.memory_space<vmem>>, vector<16xf32>,
      %parallel_loop3A_2877 = arith.mulf %parallel_loop3A_2827, %parallel_loop3A_1915 : vector<16xf32>
      %parallel_loop3A_2878 = arith.mulf %parallel_loop3A_2834, %parallel_loop3A_1915 : vector<16xf32>
      %parallel_loop3A_2879 = arith.mulf %parallel_loop3A_2841, %parallel_loop3A_1915 : vector<16xf32>
      %parallel_loop3A_2880 = arith.mulf %parallel_loop3A_2848, %parallel_loop3A_1915 : vector<16xf32>
      %parallel_loop3A_2881 = arith.mulf %parallel_loop3A_2855, %parallel_loop3A_1915 : vector<16xf32>
      %parallel_loop3A_2882 = arith.mulf %parallel_loop3A_2862, %parallel_loop3A_1915 : vector<16xf32>
      %parallel_loop3A_2883 = arith.mulf %parallel_loop3A_2869, %parallel_loop3A_1915 : vector<16xf32>
      %parallel_loop3A_2884 = arith.mulf %parallel_loop3A_2876, %parallel_loop3A_1915 : vector<16xf32>
      %parallel_loop3A_2885 = arith.constant 7 : i32
      %parallel_loop3A_2886 = arith.constant 0 : i32
      %parallel_loop3A_2887 = arith.index_cast %parallel_loop3A_2885 : i32 to index
      %parallel_loop3A_2888 = arith.index_cast %parallel_loop3A_43 : i32 to index
      %parallel_loop3A_2889 = arith.index_cast %parallel_loop3A_2886 : i32 to index
      %parallel_loop3A_2890 = arith.index_cast %parallel_loop3A_61 : i32 to index
      %parallel_loop3A_2891 = tpu.vector_load %arg7[%parallel_loop3A_2887, %parallel_loop3A_2888, %parallel_loop3A_2889, %parallel_loop3A_2890] {strides = array<i32>} : memref<8x4x8x128xf32, #tpu.memory_space<vmem>>, vector<16xf32>,
      tpu.vector_store %arg7[%parallel_loop3A_2887, %parallel_loop3A_2888, %parallel_loop3A_2889, %parallel_loop3A_2890], %parallel_loop3A_2877 {strides = array<i32>} : memref<8x4x8x128xf32, #tpu.memory_space<vmem>>, vector<16xf32>,
      %parallel_loop3A_2892 = arith.constant 7 : i32
      %parallel_loop3A_2893 = arith.constant 1 : i32
      %parallel_loop3A_2894 = arith.index_cast %parallel_loop3A_2892 : i32 to index
      %parallel_loop3A_2895 = arith.index_cast %parallel_loop3A_43 : i32 to index
      %parallel_loop3A_2896 = arith.index_cast %parallel_loop3A_2893 : i32 to index
      %parallel_loop3A_2897 = arith.index_cast %parallel_loop3A_61 : i32 to index
      %parallel_loop3A_2898 = tpu.vector_load %arg7[%parallel_loop3A_2894, %parallel_loop3A_2895, %parallel_loop3A_2896, %parallel_loop3A_2897] {strides = array<i32>} : memref<8x4x8x128xf32, #tpu.memory_space<vmem>>, vector<16xf32>,
      tpu.vector_store %arg7[%parallel_loop3A_2894, %parallel_loop3A_2895, %parallel_loop3A_2896, %parallel_loop3A_2897], %parallel_loop3A_2878 {strides = array<i32>} : memref<8x4x8x128xf32, #tpu.memory_space<vmem>>, vector<16xf32>,
      %parallel_loop3A_2899 = arith.constant 7 : i32
      %parallel_loop3A_2900 = arith.constant 2 : i32
      %parallel_loop3A_2901 = arith.index_cast %parallel_loop3A_2899 : i32 to index
      %parallel_loop3A_2902 = arith.index_cast %parallel_loop3A_43 : i32 to index
      %parallel_loop3A_2903 = arith.index_cast %parallel_loop3A_2900 : i32 to index
      %parallel_loop3A_2904 = arith.index_cast %parallel_loop3A_61 : i32 to index
      %parallel_loop3A_2905 = tpu.vector_load %arg7[%parallel_loop3A_2901, %parallel_loop3A_2902, %parallel_loop3A_2903, %parallel_loop3A_2904] {strides = array<i32>} : memref<8x4x8x128xf32, #tpu.memory_space<vmem>>, vector<16xf32>,
      tpu.vector_store %arg7[%parallel_loop3A_2901, %parallel_loop3A_2902, %parallel_loop3A_2903, %parallel_loop3A_2904], %parallel_loop3A_2879 {strides = array<i32>} : memref<8x4x8x128xf32, #tpu.memory_space<vmem>>, vector<16xf32>,
      %parallel_loop3A_2906 = arith.constant 7 : i32
      %parallel_loop3A_2907 = arith.constant 3 : i32
      %parallel_loop3A_2908 = arith.index_cast %parallel_loop3A_2906 : i32 to index
      %parallel_loop3A_2909 = arith.index_cast %parallel_loop3A_43 : i32 to index
      %parallel_loop3A_2910 = arith.index_cast %parallel_loop3A_2907 : i32 to index
      %parallel_loop3A_2911 = arith.index_cast %parallel_loop3A_61 : i32 to index
      %parallel_loop3A_2912 = tpu.vector_load %arg7[%parallel_loop3A_2908, %parallel_loop3A_2909, %parallel_loop3A_2910, %parallel_loop3A_2911] {strides = array<i32>} : memref<8x4x8x128xf32, #tpu.memory_space<vmem>>, vector<16xf32>,
      tpu.vector_store %arg7[%parallel_loop3A_2908, %parallel_loop3A_2909, %parallel_loop3A_2910, %parallel_loop3A_2911], %parallel_loop3A_2880 {strides = array<i32>} : memref<8x4x8x128xf32, #tpu.memory_space<vmem>>, vector<16xf32>,
      %parallel_loop3A_2913 = arith.constant 7 : i32
      %parallel_loop3A_2914 = arith.constant 4 : i32
      %parallel_loop3A_2915 = arith.index_cast %parallel_loop3A_2913 : i32 to index
      %parallel_loop3A_2916 = arith.index_cast %parallel_loop3A_43 : i32 to index
      %parallel_loop3A_2917 = arith.index_cast %parallel_loop3A_2914 : i32 to index
      %parallel_loop3A_2918 = arith.index_cast %parallel_loop3A_61 : i32 to index
      %parallel_loop3A_2919 = tpu.vector_load %arg7[%parallel_loop3A_2915, %parallel_loop3A_2916, %parallel_loop3A_2917, %parallel_loop3A_2918] {strides = array<i32>} : memref<8x4x8x128xf32, #tpu.memory_space<vmem>>, vector<16xf32>,
      tpu.vector_store %arg7[%parallel_loop3A_2915, %parallel_loop3A_2916, %parallel_loop3A_2917, %parallel_loop3A_2918], %parallel_loop3A_2881 {strides = array<i32>} : memref<8x4x8x128xf32, #tpu.memory_space<vmem>>, vector<16xf32>,
      %parallel_loop3A_2920 = arith.constant 7 : i32
      %parallel_loop3A_2921 = arith.constant 5 : i32
      %parallel_loop3A_2922 = arith.index_cast %parallel_loop3A_2920 : i32 to index
      %parallel_loop3A_2923 = arith.index_cast %parallel_loop3A_43 : i32 to index
      %parallel_loop3A_2924 = arith.index_cast %parallel_loop3A_2921 : i32 to index
      %parallel_loop3A_2925 = arith.index_cast %parallel_loop3A_61 : i32 to index
      %parallel_loop3A_2926 = tpu.vector_load %arg7[%parallel_loop3A_2922, %parallel_loop3A_2923, %parallel_loop3A_2924, %parallel_loop3A_2925] {strides = array<i32>} : memref<8x4x8x128xf32, #tpu.memory_space<vmem>>, vector<16xf32>,
      tpu.vector_store %arg7[%parallel_loop3A_2922, %parallel_loop3A_2923, %parallel_loop3A_2924, %parallel_loop3A_2925], %parallel_loop3A_2882 {strides = array<i32>} : memref<8x4x8x128xf32, #tpu.memory_space<vmem>>, vector<16xf32>,
      %parallel_loop3A_2927 = arith.constant 7 : i32
      %parallel_loop3A_2928 = arith.constant 6 : i32
      %parallel_loop3A_2929 = arith.index_cast %parallel_loop3A_2927 : i32 to index
      %parallel_loop3A_2930 = arith.index_cast %parallel_loop3A_43 : i32 to index
      %parallel_loop3A_2931 = arith.index_cast %parallel_loop3A_2928 : i32 to index
      %parallel_loop3A_2932 = arith.index_cast %parallel_loop3A_61 : i32 to index
      %parallel_loop3A_2933 = tpu.vector_load %arg7[%parallel_loop3A_2929, %parallel_loop3A_2930, %parallel_loop3A_2931, %parallel_loop3A_2932] {strides = array<i32>} : memref<8x4x8x128xf32, #tpu.memory_space<vmem>>, vector<16xf32>,
      tpu.vector_store %arg7[%parallel_loop3A_2929, %parallel_loop3A_2930, %parallel_loop3A_2931, %parallel_loop3A_2932], %parallel_loop3A_2883 {strides = array<i32>} : memref<8x4x8x128xf32, #tpu.memory_space<vmem>>, vector<16xf32>,
      %parallel_loop3A_2934 = arith.constant 7 : i32
      %parallel_loop3A_2935 = arith.constant 7 : i32
      %parallel_loop3A_2936 = arith.index_cast %parallel_loop3A_2934 : i32 to index
      %parallel_loop3A_2937 = arith.index_cast %parallel_loop3A_43 : i32 to index
      %parallel_loop3A_2938 = arith.index_cast %parallel_loop3A_2935 : i32 to index
      %parallel_loop3A_2939 = arith.index_cast %parallel_loop3A_61 : i32 to index
      %parallel_loop3A_2940 = tpu.vector_load %arg7[%parallel_loop3A_2936, %parallel_loop3A_2937, %parallel_loop3A_2938, %parallel_loop3A_2939] {strides = array<i32>} : memref<8x4x8x128xf32, #tpu.memory_space<vmem>>, vector<16xf32>,
      tpu.vector_store %arg7[%parallel_loop3A_2936, %parallel_loop3A_2937, %parallel_loop3A_2938, %parallel_loop3A_2939], %parallel_loop3A_2884 {strides = array<i32>} : memref<8x4x8x128xf32, #tpu.memory_space<vmem>>, vector<16xf32>,
    } {sc.loop_unroll_factor = 2 : i64, sc.parallel_access}
    %dma_start3A = arith.constant 0 : i32
    %dma_start3A_5 = arith.constant 0 : i32
    %dma_start3A_6 = arith.constant 0 : i32
    %dma_start3A_7 = tpu.memref_slice %arg5[%dma_start3A, %mul3A_2, %dma_start3A_5, %dma_start3A_6] : memref<8x128x8x128xf32, #tpu.memory_space<hbm>> -> memref<8x4x8x128xf32, #tpu.memory_space<hbm>>
    %dma_start3A_8 = arith.constant 0 : i32
    %dma_start3A_9 = arith.constant 0 : i32
    %dma_start3A_10 = arith.constant 0 : i32
    %dma_start3A_11 = tpu.memref_slice %arg5[%dma_start3A_8, %mul3A_2, %dma_start3A_9, %dma_start3A_10] : memref<8x128x8x128xf32, #tpu.memory_space<hbm>> -> memref<8x4x8x128xf32, #tpu.memory_space<hbm>>
    tpu.enqueue_dma source(%arg7 : memref<8x4x8x128xf32, #tpu.memory_space<vmem>>) target(%dma_start3A_11 : memref<8x4x8x128xf32, #tpu.memory_space<hbm>>) target_semaphore(%arg10 : memref<!tpu.dma_semaphore, #tpu.memory_space<semaphore_mem>>)
    "tpu.region"() ({
      %run_scoped3A = tpu.sem_alloc : memref<!tpu.dma_semaphore, #tpu.memory_space<semaphore_mem>>
      %dma_start3A_19 = arith.constant 0 : i32
      %dma_start3A_20 = arith.constant 0 : i32
      %dma_start3A_21 = tpu.memref_slice %arg3[%mul3A_2, %dma_start3A_19, %dma_start3A_20] : memref<128x2x128xf32, #tpu.memory_space<hbm>> -> memref<4x2x128xf32, #tpu.memory_space<hbm>>
      %dma_start3A_22 = arith.constant 0 : i32
      %dma_start3A_23 = arith.constant 0 : i32
      %dma_start3A_24 = tpu.memref_slice %arg3[%mul3A_2, %dma_start3A_22, %dma_start3A_23] : memref<128x2x128xf32, #tpu.memory_space<hbm>> -> memref<4x2x128xf32, #tpu.memory_space<hbm>>
      tpu.enqueue_dma source(%arg8 : memref<4x2x128xf32, #tpu.memory_space<vmem>>) target(%dma_start3A_24 : memref<4x2x128xf32, #tpu.memory_space<hbm>>) target_semaphore(%run_scoped3A : memref<!tpu.dma_semaphore, #tpu.memory_space<semaphore_mem>>)
      %dma_wait3A_25 = arith.constant 0 : i32
      %dma_wait3A_26 = arith.constant 0 : i32
      %dma_wait3A_27 = tpu.memref_slice %arg3[%mul3A_2, %dma_wait3A_25, %dma_wait3A_26] : memref<128x2x128xf32, #tpu.memory_space<hbm>> -> memref<4x2x128xf32, #tpu.memory_space<hbm>>
      %dma_wait3A_28 = arith.constant 0 : i32
      %dma_wait3A_29 = arith.constant 0 : i32
      %dma_wait3A_30 = tpu.memref_slice %arg3[%mul3A_2, %dma_wait3A_28, %dma_wait3A_29] : memref<128x2x128xf32, #tpu.memory_space<hbm>> -> memref<4x2x128xf32, #tpu.memory_space<hbm>>
      tpu.wait_dma2 semaphore(%run_scoped3A : memref<!tpu.dma_semaphore, #tpu.memory_space<semaphore_mem>>) src(%arg8 : memref<4x2x128xf32, #tpu.memory_space<vmem>>) dst(%dma_wait3A_30 : memref<4x2x128xf32, #tpu.memory_space<hbm>>)
      tpu.yield
    }) : () -> ()
    "tpu.region"() ({
      %run_scoped3A = tpu.sem_alloc : memref<!tpu.dma_semaphore, #tpu.memory_space<semaphore_mem>>
      %dma_start3A_19 = arith.constant 0 : i32
      %dma_start3A_20 = arith.constant 0 : i32
      %dma_start3A_21 = tpu.memref_slice %arg4[%mul3A_2, %dma_start3A_19, %dma_start3A_20] : memref<128x2x128xi32, #tpu.memory_space<hbm>> -> memref<4x2x128xi32, #tpu.memory_space<hbm>>
      %dma_start3A_22 = arith.constant 0 : i32
      %dma_start3A_23 = arith.constant 0 : i32
      %dma_start3A_24 = tpu.memref_slice %arg4[%mul3A_2, %dma_start3A_22, %dma_start3A_23] : memref<128x2x128xi32, #tpu.memory_space<hbm>> -> memref<4x2x128xi32, #tpu.memory_space<hbm>>
      tpu.enqueue_dma source(%arg9 : memref<4x2x128xi32, #tpu.memory_space<vmem>>) target(%dma_start3A_24 : memref<4x2x128xi32, #tpu.memory_space<hbm>>) target_semaphore(%run_scoped3A : memref<!tpu.dma_semaphore, #tpu.memory_space<semaphore_mem>>)
      %dma_wait3A_25 = arith.constant 0 : i32
      %dma_wait3A_26 = arith.constant 0 : i32
      %dma_wait3A_27 = tpu.memref_slice %arg4[%mul3A_2, %dma_wait3A_25, %dma_wait3A_26] : memref<128x2x128xi32, #tpu.memory_space<hbm>> -> memref<4x2x128xi32, #tpu.memory_space<hbm>>
      %dma_wait3A_28 = arith.constant 0 : i32
      %dma_wait3A_29 = arith.constant 0 : i32
      %dma_wait3A_30 = tpu.memref_slice %arg4[%mul3A_2, %dma_wait3A_28, %dma_wait3A_29] : memref<128x2x128xi32, #tpu.memory_space<hbm>> -> memref<4x2x128xi32, #tpu.memory_space<hbm>>
      tpu.wait_dma2 semaphore(%run_scoped3A : memref<!tpu.dma_semaphore, #tpu.memory_space<semaphore_mem>>) src(%arg9 : memref<4x2x128xi32, #tpu.memory_space<vmem>>) dst(%dma_wait3A_30 : memref<4x2x128xi32, #tpu.memory_space<hbm>>)
      tpu.yield
    }) : () -> ()
    %dma_wait3A = arith.constant 0 : i32
    %dma_wait3A_12 = arith.constant 0 : i32
    %dma_wait3A_13 = arith.constant 0 : i32
    %dma_wait3A_14 = tpu.memref_slice %arg5[%dma_wait3A, %mul3A_2, %dma_wait3A_12, %dma_wait3A_13] : memref<8x128x8x128xf32, #tpu.memory_space<hbm>> -> memref<8x4x8x128xf32, #tpu.memory_space<hbm>>
    %dma_wait3A_15 = arith.constant 0 : i32
    %dma_wait3A_16 = arith.constant 0 : i32
    %dma_wait3A_17 = arith.constant 0 : i32
    %dma_wait3A_18 = tpu.memref_slice %arg5[%dma_wait3A_15, %mul3A_2, %dma_wait3A_16, %dma_wait3A_17] : memref<8x128x8x128xf32, #tpu.memory_space<hbm>> -> memref<8x4x8x128xf32, #tpu.memory_space<hbm>>
    tpu.wait_dma2 semaphore(%arg10 : memref<!tpu.dma_semaphore, #tpu.memory_space<semaphore_mem>>) src(%arg7 : memref<8x4x8x128xf32, #tpu.memory_space<vmem>>) dst(%dma_wait3A_18 : memref<8x4x8x128xf32, #tpu.memory_space<hbm>>)
    return
  }
}

</mosaic_0001>

<sc_bundles>
// kernel: kernel.3.cloned.1.call-start
scs
__scs_entry_jumppad:
0x0: {  	(pc) =	sbr.rel $0x88, $3  }
0x1: {  	(tag) =	ssettag $0x0;
	lr =	simm.s32 $0x1  }
0x2: {  	[smem:$0x3FA0] =	sst lr;
	_ =	strace $0xD0000000  }
0x3: {  	_ = 	snop  }
0x4: {  	_ = 	snop  }
0x5: {  	_ = 	snop  }
0x6: {  	_ = 	snop  }
0x7: {  	_ = 	snop  }
__scs_overlays_trampoline_lowered:
0x8: {  	[smem:$0x3FAF] =	sst s0  }
0x9: {  	[smem:$0x3FB0] =	sst s1  }
0xa: {  	[smem:$0x3FB1] =	sst s2  }
0xb: {  	[smem:$0x3FB2] =	sst s3  }
0xc: {  	[smem:$0x3FB3] =	sst s4  }
0xd: {  	[smem:$0x3FB4] =	sst s5  }
0xe: {  	[smem:$0x3FB5] =	sst s6  }
0xf: {  	[smem:$0x3FB6] =	sst s7  }
0x10: {  	[smem:$0x3FB7] =	sst s8  }
0x11: {  	[smem:$0x3FB8] =	sst s9;
	s0 =	simm.s32 @!p0 $0x0  }
0x12: {  	s1 =	sld [smem:$0x3F9E];
	s0 =	simm.s32 @p0 $0x1  }
0x13: {  	[smem:$0x3FB9] =	sst s0;
	s0 =	simm.s32 @!p1 $0x0  }
0x14: {  	s2 =	sld [smem:$0x3F9D];
	s0 =	simm.s32 @p1 $0x1  }
0x15: {  	[smem:$0x3FBA] =	sst s0;
	s0 =	simm.s32 @!p2 $0x0  }
0x16: {  	s3 =	sld [smem:$0x3FDB];
	s0 =	simm.s32 @p2 $0x1  }
0x17: {  	s4 =	simm.s32 $0x1BF5;
	[smem:$0x3FBC] =	sst s0  }
0x18: {  	s0 =	sld [smem:$0x3F9F];
	_ =	swait.ge [sflag:s4], $0x0  }
0x19: {  	s7 =	sld [smem:$0x3FA0]  }
0x1a: {  	s8 =	sadd.s32 $0xFFFFE003, lr  }
0x1b: {  	s9 =	sadd.s32 $0xFFFFFEF7, lr;
	s5 =	simm.s32 $0xFFFFFFFF;
	p2 =	slt.u32 s8, $0xFFFFF086  }
0x1c: {  	p1 =	slt.u32 s9, $0xF7A;
	s5 =	simm.s32 @!p2 $0x0  }
0x1d: {  	s5 =	simm.s32 @p1 $0x1;
	p0 =	seq.s32 s7, s2  }
0x1e: {  	s7 =	smul.u32 @!p0 $0xF7A, s2;
	p2 =	seq.s32 @!p0 s5, $0x0  }
0x1f: {  	s9 =	smul.u32 $0xF7A, s1;
	s8 =	simm.s32 @!p0 $0x1BF5;
	p2 =	por !p2, p0  }
0x20: {  	[sflag:s8] =	ssyncset.s32 @!p0 $0xFFFFF086;
	s6 =	sadd.s32 @!p0 s3, s7;
	s7 =	simm.s32 @!p0 $0x108  }
0x21: {  	s3 =	sadd.s32 s3, s9;
	s6 =	sadd.s32 @!p0 $0x88, s6;
	s7 =	simm.s32 @p2 $0x1082  }
0x22: {  	[simem:s7], [sflag:s8] =	dma.local @!p0 [hbm:s6], $0xF7A  }
0x23: {  	s9 =	sor.u32 $0xD0000000, s2;
	s6 =	simm.s32 $0x108;
	_ =	swait.ge @!p0 [sflag:s8], $0x0  }
0x24: {  	s3 =	sadd.s32 $0x88, s3;
	s6 =	simm.s32 @!p1 $0x1082;
	[sflag:s4] =	ssyncset.s32 $0xFFFFF086  }
0x25: {  	[simem:s6], [sflag:s4] =	dma.local [hbm:s3], $0xF7A  }
0x26: {  	[smem:$0x3FA0] =	sst s1;
	(tag) =	ssettag s2;
	_ =	strace s9  }
0x27: {  	s1 =	sld [smem:$0x3FB0]  }
0x28: {  	s2 =	sld [smem:$0x3FB1]  }
0x29: {  	s4 =	sld [smem:$0x3FB3]  }
0x2a: {  	p0 =	seq.s32 s5, $0x0;
	s5 =	sld [smem:$0x3FB4]  }
0x2b: {  	s6 =	sld [smem:$0x3FB5]  }
0x2c: {  	s7 =	sld [smem:$0x3FB6]  }
0x2d: {  	s3 =	simm.s32 $0x108;
	s8 =	sld [smem:$0x3FB7]  }
0x2e: {  	s3 =	simm.s32 @!p0 $0x1082;
	s9 =	sld [smem:$0x3FB8]  }
0x2f: {  	lr =	sadd.s32 s0, s3;
	s0 =	sld [smem:$0x3FAF]  }
0x30: {  	s3 =	sld [smem:$0x3FB2]  }
0x31: {  	[smem:$0x3FBB] =	sst s10  }
0x32: {  	s10 =	sld [smem:$0x3FB9];
	_ =	sdelay $0x3  }
0x33: {  	p0 =	seq.s32 s10, $0x1;
	s10 =	sld [smem:$0x3FBB];
	_ =	sdelay $0x3  }
0x34: {  	[smem:$0x3FBB] =	sst s10  }
0x35: {  	s10 =	sld [smem:$0x3FBA];
	_ =	sdelay $0x3  }
0x36: {  	p1 =	seq.s32 s10, $0x1;
	s10 =	sld [smem:$0x3FBB];
	_ =	sdelay $0x3  }
0x37: {  	[smem:$0x3FBB] =	sst s10  }
0x38: {  	s10 =	sld [smem:$0x3FBC]  }
0x39: {  	_ = 	snop;
	(pc) =	sbr.ind lr, $3  }
0x3a: {  	_ = 	snop  }
0x3b: {  	_ = 	snop  }
0x3c: {  	p2 =	seq.s32 s10, $0x1;
	s10 =	sld [smem:$0x3FBB]  }
0x3d: {  	_ =	shalt  }
0x3e: {  	_ =	shalt  }
0x3f: {  	_ =	shalt  }
0x40: {  	_ =	shalt  }
0x41: {  	_ =	shalt  }
0x42: {  	_ =	shalt  }
0x43: {  	_ =	shalt  }
0x44: {  	_ =	shalt  }
0x45: {  	_ =	shalt  }
0x46: {  	_ =	shalt  }
0x47: {  	_ =	shalt  }
0x48: {  	_ =	shalt  }
0x49: {  	_ =	shalt  }
0x4a: {  	_ =	shalt  }
0x4b: {  	_ =	shalt  }
0x4c: {  	_ =	shalt  }
0x4d: {  	_ =	shalt  }
0x4e: {  	_ =	shalt  }
0x4f: {  	_ =	shalt  }
0x50: {  	_ =	shalt  }
0x51: {  	_ =	shalt  }
0x52: {  	_ =	shalt  }
0x53: {  	_ =	shalt  }
0x54: {  	_ =	shalt  }
0x55: {  	_ =	shalt  }
0x56: {  	_ =	shalt  }
0x57: {  	_ =	shalt  }
0x58: {  	_ =	shalt  }
0x59: {  	_ =	shalt  }
0x5a: {  	_ =	shalt  }
0x5b: {  	_ =	shalt  }
0x5c: {  	_ =	shalt  }
0x5d: {  	_ =	shalt  }
0x5e: {  	_ =	shalt  }
0x5f: {  	_ =	shalt  }
0x60: {  	_ =	shalt  }
0x61: {  	_ =	shalt  }
0x62: {  	_ =	shalt  }
0x63: {  	_ =	shalt  }
0x64: {  	_ =	shalt  }
0x65: {  	_ =	shalt  }
0x66: {  	_ =	shalt  }
0x67: {  	_ =	shalt  }
0x68: {  	_ =	shalt  }
0x69: {  	_ =	shalt  }
0x6a: {  	_ =	shalt  }
0x6b: {  	_ =	shalt  }
0x6c: {  	_ =	shalt  }
0x6d: {  	_ =	shalt  }
0x6e: {  	_ =	shalt  }
0x6f: {  	_ =	shalt  }
0x70: {  	_ =	shalt  }
0x71: {  	_ =	shalt  }
0x72: {  	_ =	shalt  }
0x73: {  	_ =	shalt  }
0x74: {  	_ =	shalt  }
0x75: {  	_ =	shalt  }
0x76: {  	_ =	shalt  }
0x77: {  	_ =	shalt  }
0x78: {  	_ =	shalt  }
0x79: {  	_ =	shalt  }
0x7a: {  	_ =	shalt  }
0x7b: {  	_ =	shalt  }
0x7c: {  	_ =	shalt  }
0x7d: {  	_ =	shalt  }
0x7e: {  	_ =	shalt  }
0x7f: {  	_ =	shalt  }
0x80: {  	_ =	shalt  }
0x81: {  	_ =	shalt  }
0x82: {  	_ =	shalt  }
0x83: {  	_ =	shalt  }
0x84: {  	_ =	shalt  }
0x85: {  	_ =	shalt  }
0x86: {  	_ =	shalt  }
0x87: {  	_ =	shalt  }
.Lfunc_end0:
.L_simem_size_0:
called_computation_lowered:
.L_overlay_start_0:
0x88: {  	s2 =	sld [smem:$0x3FD9]  }
0x89: {  	s3 =	sld [smem:$0x3FFE];
	_ =	sdelay $0x1  }
0x8a: {  	s1 =	srdreg.scid  }
0x8b: {  	s0 =	sand.u32 $0x1, s1  }
0x8c: {  	s15 =	sshll.u32 s0, $0xA;
	s2 =	sadd.s32 s3, s2  }
0x8d: {  	s2 =	sadd.s32 s2, s15  }
0x8e: {  	[smem:$0x3FC7] =	sst s2  }
0x8f: {  	_ = 	snop  }
0x90: {  	s2 =	sld [smem:$0x3FD0];
	_ =	sdelay $0x2  }
0x91: {  	s4 =	simm.s32 $0xA;
	s5 =	simm.s32 $0x10;
	s16 =	sld [smem:$0x3FC9]  }
0x92: {  	[smem:s5], [sflag:s4] =	dma.local [hbm:s2], $0x1  }
0x93: {  	_ =	swait.eq [sflag:s4], $0x1  }
0x94: {  	s17 =	sld [smem:$0x10];
	[sflag:s4] =	ssyncset.done $0x0  }
0x95: {  	s18 =	sld [smem:$0x11];
	[sflag:s4] =	ssyncadd.s32 $0xFFFFFFFF  }
0x96: {  	s19 =	sld [smem:$0x12];
	(tm) =	ssettm $0x1  }
0x97: {  	s6 =	sld [smem:$0x3FFB];
	_ =	sdelay $0x3  }
0x98: {  	_ =	strace s6  }
0x99: {  	s6 =	sld [smem:$0x3FFC];
	_ =	sdelay $0x3  }
0x9a: {  	_ =	strace s6  }
0x9b: {  	s6 =	sld [smem:$0x3FFD];
	_ =	sdelay $0x3  }
0x9c: {  	_ =	strace s6  }
0x9d: {  	_ =	strace $0x8FFFFFFF  }
0x9e: {  	s20 =	sld [smem:$0x3FDB];
	_ =	sdelay $0x1  }
0x9f: {  	s7 =	simm.s32 $_scs_section_size  }
0xa0: {  	s8 =	simm.s32 $_size__tile_overlayer_lowered;
	s9 =	simm.s32 $_tile_overlayer_lowered  }
0xa1: {  	s23 =	simm.s32 $0x1BFF;
	s22 =	sshll.u32 s9, $0x1;
	s6 =	sadd.s32 s7, s20  }
0xa2: {  	s10 =	simm.s32 $0x0;
	s21 =	sshll.u32 s8, $0x1;
	s8 =	sadd.s32 s22, s6  }
0xa3: {  	[timem:s10], [sflag:s23] =	dma.local [hbm:s8], s21  }
0xa4: {  	_ =	swait.ge [sflag:s23], s21  }
0xa5: {  	s7 =	ssub.s32 $0x0, s21;
	[sflag:s23] =	ssyncset.done $0x0  }
0xa6: {  	[sflag:s23] =	ssyncadd.s32 s7;
	_ =	sdelay $0x1  }
0xa7: {  	s24 =	simm.s32 $0x1B8B  }
0xa8: {  	_ =	swait.ge [sflag:s24], $0x1  }
0xa9: {  	[sflag:s24] =	ssyncset.done $0x0  }
0xaa: {  	s25 =	simm.s32 $0x1B8E;
	[sflag:s24] =	ssyncadd.s32 $0xFFFFFFFF  }
0xab: {  	s26 =	simm.s32 $execute0_lowered;
	[smem:$0x3FD2] =	sst s25  }
0xac: {  	s7 =	sshll.u32 s26, $0x1;
	_ =	strace $0x80000046;
	[dreg:$0x1] =	wrdreg $0xFFFFFFFF  }
0xad: {  	s28 =	simm.s32 $_size_execute0_lowered;
	s6 =	sadd.s32 s6, s7;
	[dreg:$0x0] =	wrdreg $0x0  }
0xae: {  	s7 =	sshll.u32 s28, $0x1;
	[dreg:$0x2] =	wrdreg s6  }
0xaf: {  	[dreg:$0x3] =	wrdreg s7  }
0xb0: {  	[dreg:$0x4] =	wrdreg $0xC0  }
0xb1: {  	_ =	task [dreg:s10], $0x5FFFF  }
0xb2: {  	[dreg:$0x1] =	wrdreg $0xFFFFFFFF  }
0xb3: {  	[dreg:$0x0] =	wrdreg $0x60  }
0xb4: {  	[dreg:$0x2] =	wrdreg s16  }
0xb5: {  	[dreg:$0x3] =	wrdreg s17  }
0xb6: {  	[dreg:$0x4] =	wrdreg s18  }
0xb7: {  	[dreg:$0x5] =	wrdreg s19  }
0xb8: {  	[dreg:$0x6] =	wrdreg $0x9  }
0xb9: {  	_ =	task.clear_ibuf [dreg:s10], $0x7FFFF;
	_ =	strace $0x90000046  }
0xba: {  	s29 =	simm.s32 $0x9;
	_ =	strace $0x80000048  }
0xbb: {  	_ =	swait.ge [sflag:s29], $0x1  }
0xbc: {  	[sflag:s29] =	ssyncadd.s32 $0xFFFFFFFF  }
0xbd: {  	_ =	strace $0x90000048  }
0xbe: {  	_ =	sfence  }
0xbf: {  	s30 =	sld [smem:$0x0];
	_ =	sdelay $0x2  }
0xc0: {  	s31 =	sshll.u32 s1, $0xD;
	s1 =	sshrl.u32 s1, $0x2  }
0xc1: {  	s3 =	sand.u32 $0x4000, s31;
	s1 =	sadd.s32 s1, s30  }
0xc2: {  	s0 =	sor.u32 s3, s0;
	s1 =	sshll.u32 s1, $0x11  }
0xc3: {  	s0 =	sor.u32 s1, s0  }
0xc4: {  	s0 =	sadd.s32 $0x8F2B, s0  }
0xc5: {  	[sflag:s0] =	ssyncadd.remote.s32 $0x1  }
0xc6: {  	_ =	sfence.sel $0xFFFF  }
0xc7: {  	[dreg:$0x0] =	wrdreg $0xFFFFFFFF;
	(pc) =	sbr.abs _section_cstart, $3  }
0xc8: {  	[dreg:$0x1] =	wrdreg $0xFFFFFFFF  }
0xc9: {  	_ =	task.clear_ibuf [dreg:s10], $0x2FFFF;
	_ =	strace $0x9FFFFFFF  }
0xca: {  	(tm) =	ssettm $0x7FFFFFFF  }
0xcb: {  	_ =	shalt  }
tec
execute0_lowered:
.L_overlay_start_1:
0x0: {  	(tag) =	ssettag $0x1  }
0x1: {  	s0 =	rddreg [dreg:$0x0]  }
0x2: {  	s1 =	rddreg [dreg:$0x1]  }
0x3: {  	s3 =	rddreg [dreg:$0x2]  }
0x4: {  	s4 =	rddreg [dreg:$0x3]  }
0x5: {  	s2 =	srdreg.scid;
	s6 =	stileid.u32  }
0x6: {  	s10 =	simm.s32 $0x2;
	s14 =	simm.s32 $0x1;
	s15 =	simm.s32 $0x0  }
0x7: {  	s5 =	sand.u32 $0x1, s2;
	s2 =	simm.s32 $0x0;
	s6 =	sshll.u32 s6, $0x3  }
0x8: {  	s7 =	sshll.u32 s5, $0x2;
	[smem:$0x7FF] =	sst s2;
	s5 =	ssub.s32 $0x2, s5  }
0x9: {  	s6 =	sor.u32 s7, s6;
	_ =	strace $0x80000047;
	s30 =	sshrl.u32 s5, $0x1  }
0xa: {  	s8 =	sshll.u32 s6, $0x7;
	s7 =	ssub.s32 s5, s30;
	s31 =	sshll.u32 s6, $0x5  }
0xb: {  	s0 =	sadd.s32 s0, s8;
	s4 =	sadd.s32 s4, s8;
	s5 =	sadd.s32 s1, s31  }
0xc: {  	s6 =	sadd.s32 s3, s31;
	s7 =	smax.u32 s7, $0x1;
	[dreg:$0x5] =	wrdreg s0  }
0xd: {  	s1 =	simm.s32 $0x1000;
	s3 =	simm.s32 $0x20000;
	[dreg:$0x6] =	wrdreg s4  }
.LBB2_1:
0xe: {  	s0 =	rddreg [dreg:$0x5]  }
0xf: {  	[tilespmem:s2], [sflag:$0x2] =	stream.strided.gather [hbm4b:s0+s1], $0x8000, s3, s1, $0x38;
	[tilespmem:$0x10800] =	vst v63  }
0x10: {  	_ =	swait.ge [sflag:s10], $0x8000  }
0x11: {  	s16 =	simm.s32 $0xFFFFFFFE;
	[sflag:s10] =	ssyncset.done $0x0  }
0x12: {  	s17 =	simm.s32 $0x0;
	s18 =	simm.s32 $0x0;
	[sflag:s10] =	ssyncadd.s32 $0xFFFF8000  }
.LBB2_2:
0x13: {  	s16 =	sadd.s32 $0x2, s16  }
0x14: {  	s0 =	sshrl.u32 s16, $0x3  }
0x15: {  	s11 =	sand.u32 $0x60, s17;
	s29 =	sshll.u32 s0, $0xA  }
0x16: {  	s19 =	sor.u32 s11, s29  }
0x17: {  	v7 =	vld [tilespmem:s19+$0x0];
	s1 =	sor.u32 $0x2000, s19  }
0x18: {  	s3 =	sor.u32 $0x4000, s19;
	v10 =	vld [tilespmem:s1+$0x0]  }
0x19: {  	s4 =	sor.u32 $0x6000, s19;
	v9 =	vld [tilespmem:s3+$0x0]  }
0x1a: {  	v14 =	vld [tilespmem:s4+$0x0];
	_ =	sdelay $0x1  }
0x1b: {  	v0 =	vmul.f32 $1.442695020e+00, v7  }
0x1c: {  	v1 =	vmul.f32 $1.442695020e+00, v10  }
0x1d: {  	v32 =	vmul.f32 $1.442695020e+00, v9;
	(erf) = vpow2.f32 v0  }
0x1e: {  	v33 =	vmul.f32 $1.442695020e+00, v14;
	(erf) = vpow2.f32 v1  }
0x1f: {  	(erf) = vpow2.f32 v32  }
0x20: {  	(erf) = vpow2.f32 v33;
	_ =	sdelay $0x5  }
0x21: {  	v44 =	vpop (erf)  }
0x22: {  	v21 =	vpop (erf);
	[tilespmem:s19+$0x8000] =	vst v44  }
0x23: {  	v26 =	vpop (erf);
	[tilespmem:s19+$0xA000] =	vst v21  }
0x24: {  	v17 =	vpop (erf);
	[tilespmem:s19+$0xC000] =	vst v26  }
0x25: {  	v2 =	vld [tilespmem:s19+$0x80];
	s8 =	sor.u32 $0x2080, s19;
	[tilespmem:s19+$0xE000] =	vst v17  }
0x26: {  	s9 =	sor.u32 $0x4080, s19;
	v5 =	vld [tilespmem:s8+$0x0]  }
0x27: {  	s12 =	sor.u32 $0x6080, s19;
	v3 =	vld [tilespmem:s9+$0x0]  }
0x28: {  	v6 =	vld [tilespmem:s12+$0x0];
	_ =	sdelay $0x1  }
0x29: {  	v4 =	vmul.f32 $1.442695020e+00, v2  }
0x2a: {  	v8 =	vmul.f32 $1.442695020e+00, v5  }
0x2b: {  	(erf) = vpow2.f32 v4;
	v34 =	vmul.f32 $1.442695020e+00, v3  }
0x2c: {  	v35 =	vmul.f32 $1.442695020e+00, v6;
	(erf) = vpow2.f32 v8  }
0x2d: {  	(erf) = vpow2.f32 v34  }
0x2e: {  	(erf) = vpow2.f32 v35;
	_ =	sdelay $0x5  }
0x2f: {  	v15 =	vpop (erf)  }
0x30: {  	[tilespmem:s19+$0x8080] =	vst v15;
	v16 =	vpop (erf)  }
0x31: {  	v31 =	vpop (erf);
	[tilespmem:s19+$0xA080] =	vst v16  }
0x32: {  	v11 =	vpop (erf);
	[tilespmem:s19+$0xC080] =	vst v31  }
0x33: {  	v47 =	vld [tilespmem:s19+$0x100];
	s13 =	sor.u32 $0x2100, s19;
	[tilespmem:s19+$0xE080] =	vst v11  }
0x34: {  	s20 =	sor.u32 $0x4100, s19;
	v4 =	vld [tilespmem:s13+$0x0]  }
0x35: {  	s21 =	sor.u32 $0x6100, s19;
	v46 =	vld [tilespmem:s20+$0x0]  }
0x36: {  	v45 =	vld [tilespmem:s21+$0x0];
	_ =	sdelay $0x1  }
0x37: {  	v12 =	vmul.f32 $1.442695020e+00, v47  }
0x38: {  	v13 =	vmul.f32 $1.442695020e+00, v4  }
0x39: {  	(erf) = vpow2.f32 v12;
	v36 =	vmul.f32 $1.442695020e+00, v46  }
0x3a: {  	v37 =	vmul.f32 $1.442695020e+00, v45;
	(erf) = vpow2.f32 v13  }
0x3b: {  	(erf) = vpow2.f32 v36  }
0x3c: {  	(erf) = vpow2.f32 v37;
	_ =	sdelay $0x5  }
0x3d: {  	v62 =	vpop (erf)  }
0x3e: {  	s22 =	sshll.u32 s18, $0x7;
	[tilespmem:s19+$0x8100] =	vst v62;
	v61 =	vpop (erf)  }
0x3f: {  	s1 =	sand.u32 $0xFFFFFC00, s22;
	v63 =	vpop (erf);
	[tilespmem:s19+$0xA100] =	vst v61  }
0x40: {  	s26 =	sadd.s32 s1, s17;
	v52 =	vpop (erf);
	[tilespmem:s19+$0xC100] =	vst v63  }
0x41: {  	s13 =	sor.u32 $0x180, s26;
	[tilespmem:s19+$0xE100] =	vst v52  }
0x42: {  	s28 =	sor.u32 $0x2180, s26;
	v60 =	vld [tilespmem:s13+$0x0]  }
0x43: {  	s22 =	sor.u32 $0x4180, s26;
	v59 =	vld [tilespmem:s28+$0x0]  }
0x44: {  	s20 =	sor.u32 $0x6180, s26;
	v19 =	vld [tilespmem:s22+$0x0]  }
0x45: {  	v18 =	vld [tilespmem:s20+$0x0];
	_ =	sdelay $0x1  }
0x46: {  	v38 =	vmul.f32 $1.442695020e+00, v60  }
0x47: {  	v20 =	vmul.f32 $1.442695020e+00, v59  }
0x48: {  	v39 =	vmul.f32 $1.442695020e+00, v19;
	(erf) = vpow2.f32 v38  }
0x49: {  	v40 =	vmul.f32 $1.442695020e+00, v18;
	(erf) = vpow2.f32 v20  }
0x4a: {  	(erf) = vpow2.f32 v39  }
0x4b: {  	(erf) = vpow2.f32 v40;
	_ =	sdelay $0x5  }
0x4c: {  	v57 =	vpop (erf)  }
0x4d: {  	v51 =	vpop (erf);
	[tilespmem:s13+$0x8000] =	vst v57  }
0x4e: {  	v20 =	vpop (erf);
	[tilespmem:s28+$0x8000] =	vst v51  }
0x4f: {  	v58 =	vpop (erf);
	[tilespmem:s22+$0x8000] =	vst v20  }
0x50: {  	[tilespmem:s20+$0x8000] =	vst v58  }
0x51: {  	s23 =	sor.u32 $0x2200, s19;
	v55 =	vld [tilespmem:s19+$0x200]  }
0x52: {  	s24 =	sor.u32 $0x4200, s19;
	v56 =	vld [tilespmem:s23+$0x0]  }
0x53: {  	s25 =	sor.u32 $0x6200, s19;
	v50 =	vld [tilespmem:s24+$0x0]  }
0x54: {  	v25 =	vld [tilespmem:s25+$0x0];
	_ =	sdelay $0x1  }
0x55: {  	v41 =	vmul.f32 $1.442695020e+00, v55  }
0x56: {  	v22 =	vmul.f32 $1.442695020e+00, v56  }
0x57: {  	v42 =	vmul.f32 $1.442695020e+00, v50;
	(erf) = vpow2.f32 v41  }
0x58: {  	v43 =	vmul.f32 $1.442695020e+00, v25;
	(erf) = vpow2.f32 v22  }
0x59: {  	(erf) = vpow2.f32 v42  }
0x5a: {  	(erf) = vpow2.f32 v43;
	_ =	sdelay $0x5  }
0x5b: {  	v54 =	vpop (erf)  }
0x5c: {  	v48 =	vpop (erf);
	[tilespmem:s19+$0x8200] =	vst v54  }
0x5d: {  	v53 =	vpop (erf);
	[tilespmem:s19+$0xA200] =	vst v48  }
0x5e: {  	v49 =	vpop (erf);
	[tilespmem:s19+$0xC200] =	vst v53  }
0x5f: {  	s30 =	sor.u32 $0x2280, s19;
	v32 =	vld [tilespmem:s19+$0x280];
	[tilespmem:s19+$0xE200] =	vst v49  }
0x60: {  	s31 =	sor.u32 $0x4280, s19;
	v30 =	vld [tilespmem:s30+$0x0]  }
0x61: {  	s3 =	sor.u32 $0x6280, s19;
	v23 =	vld [tilespmem:s31+$0x0]  }
0x62: {  	v22 =	vld [tilespmem:s3+$0x0];
	_ =	sdelay $0x1  }
0x63: {  	v1 =	vmul.f32 $1.442695020e+00, v32  }
0x64: {  	v24 =	vmul.f32 $1.442695020e+00, v30  }
0x65: {  	(erf) = vpow2.f32 v1;
	v8 =	vmul.f32 $1.442695020e+00, v23  }
0x66: {  	v28 =	vmul.f32 $1.442695020e+00, v22;
	(erf) = vpow2.f32 v24  }
0x67: {  	(erf) = vpow2.f32 v8  }
0x68: {  	(erf) = vpow2.f32 v28;
	_ =	sdelay $0x5  }
0x69: {  	[tilespmem:$0x1FA60] =	vst v49;
	v24 =	vpop (erf)  }
0x6a: {  	[tilespmem:s19+$0x8280] =	vst v24;
	v29 =	vpop (erf)  }
0x6b: {  	v33 =	vpop (erf);
	[tilespmem:s19+$0xA280] =	vst v29  }
0x6c: {  	v34 =	vpop (erf);
	[tilespmem:s19+$0xC280] =	vst v33  }
0x6d: {  	s4 =	sor.u32 $0x2300, s19;
	v49 =	vld [tilespmem:s19+$0x300];
	[tilespmem:s19+$0xE280] =	vst v34  }
0x6e: {  	s8 =	sor.u32 $0x4300, s19;
	[tilespmem:$0x1FA50] =	vst v48;
	v48 =	vld [tilespmem:s4+$0x0]  }
0x6f: {  	s9 =	sor.u32 $0x6300, s19;
	v41 =	vld [tilespmem:s8+$0x0]  }
0x70: {  	v40 =	vld [tilespmem:s9+$0x0];
	_ =	sdelay $0x1  }
0x71: {  	v35 =	vmul.f32 $1.442695020e+00, v49  }
0x72: {  	v27 =	vmul.f32 $1.442695020e+00, v48  }
0x73: {  	(erf) = vpow2.f32 v35;
	v36 =	vmul.f32 $1.442695020e+00, v41  }
0x74: {  	v37 =	vmul.f32 $1.442695020e+00, v40;
	(erf) = vpow2.f32 v27  }
0x75: {  	(erf) = vpow2.f32 v36  }
0x76: {  	(erf) = vpow2.f32 v37;
	_ =	sdelay $0x5  }
0x77: {  	v38 =	vpop (erf)  }
0x78: {  	[tilespmem:s19+$0x8300] =	vst v38;
	v39 =	vpop (erf)  }
0x79: {  	v42 =	vpop (erf);
	[tilespmem:s19+$0xA300] =	vst v39  }
0x7a: {  	v43 =	vpop (erf);
	[tilespmem:s19+$0xC300] =	vst v42  }
0x7b: {  	s8 =	sor.u32 $0x380, s26;
	[tilespmem:s19+$0xE300] =	vst v43  }
0x7c: {  	s30 =	sor.u32 $0x2380, s26;
	[tilespmem:$0x1FB60] =	vst v43;
	v43 =	vld [tilespmem:s8+$0x0]  }
0x7d: {  	s23 =	sor.u32 $0x4380, s26;
	[tilespmem:$0x1FB50] =	vst v42;
	v42 =	vld [tilespmem:s30+$0x0]  }
0x7e: {  	s21 =	sor.u32 $0x6380, s26;
	[tilespmem:$0x1FB30] =	vst v38;
	v38 =	vld [tilespmem:s23+$0x0]  }
0x7f: {  	v37 =	vld [tilespmem:s21+$0x0];
	_ =	sdelay $0x1  }
0x80: {  	v0 =	vmul.f32 $1.442695020e+00, v43  }
0x81: {  	v1 =	vmul.f32 $1.442695020e+00, v42  }
0x82: {  	v8 =	vmul.f32 $1.442695020e+00, v38;
	(erf) = vpow2.f32 v0  }
0x83: {  	[tilespmem:$0x1FA80] =	vst v33;
	v33 =	vmul.f32 $1.442695020e+00, v37;
	(erf) = vpow2.f32 v1  }
0x84: {  	(erf) = vpow2.f32 v8  }
0x85: {  	(erf) = vpow2.f32 v33;
	_ =	sdelay $0x4  }
0x86: {  	[tilespmem:$0x1FB20] =	vst v34  }
0x87: {  	[tilespmem:$0x1FB40] =	vst v39;
	v34 =	vpop (erf)  }
0x88: {  	v35 =	vpop (erf);
	[tilespmem:s8+$0x8000] =	vst v34  }
0x89: {  	v36 =	vpop (erf);
	[tilespmem:s30+$0x8000] =	vst v35  }
0x8a: {  	v39 =	vpop (erf);
	[tilespmem:s23+$0x8000] =	vst v36  }
0x8b: {  	s12 =	sor.u32 $0x1000, s19;
	[tilespmem:s21+$0x8000] =	vst v39  }
0x8c: {  	s3 =	sor.u32 $0x3000, s19;
	[tilespmem:$0x1FBA0] =	vst v39;
	v39 =	vld [tilespmem:s12+$0x0]  }
0x8d: {  	s24 =	sor.u32 $0x5000, s19;
	[tilespmem:$0x1FB90] =	vst v36;
	v36 =	vld [tilespmem:s3+$0x0]  }
0x8e: {  	s25 =	sor.u32 $0x7000, s19;
	[tilespmem:$0x1FB80] =	vst v35;
	v35 =	vld [tilespmem:s24+$0x0]  }
0x8f: {  	v33 =	vld [tilespmem:s25+$0x0];
	_ =	sdelay $0x1  }
0x90: {  	v0 =	vmul.f32 $1.442695020e+00, v39  }
0x91: {  	v1 =	vmul.f32 $1.442695020e+00, v36  }
0x92: {  	v8 =	vmul.f32 $1.442695020e+00, v35;
	(erf) = vpow2.f32 v0  }
0x93: {  	v12 =	vmul.f32 $1.442695020e+00, v33;
	(erf) = vpow2.f32 v1  }
0x94: {  	(erf) = vpow2.f32 v8  }
0x95: {  	(erf) = vpow2.f32 v12;
	_ =	sdelay $0x1  }
0x96: {  	vm0 =	vgt.f32 v7, $-Inf  }
0x97: {  	vm10 =	vlt.f32 v2, $-Inf;
	vm1 =	vgt.f32 v2, $-Inf;
	v7 =	vnsel vm0, $0xFF800000, v7  }
0x98: {  	vm3 =	vmor vm1, vm10;
	vm2 =	vgt.f32 v2, v7;
	v13 =	vimm.s32 $0x0;
	[tilespmem:$0x1FA70] =	vst v29  }
0x99: {  	vm11 =	vlt.f32 v10, $-Inf;
	vm12 =	vgt.f32 v10, $-Inf;
	[tilespmem:$0x1FB70] =	vst v34;
	v0 =	vsel vm2, $0xFFFFFFFF, v13  }
0x9a: {  	vm13 =	vlt.f32 v9, $-Inf;
	vm4 =	vgt.f32 v9, $-Inf;
	vm0 =	vmor vm12, vm11;
	[tilespmem:$0x1FA40] =	vst v0;
	v28 =	vpop (erf)  }
0x9b: {  	vm12 =	vlt.f32 v14, $-Inf;
	vm8 =	vmneg vm2;
	vm14 =	vlt.f32 v5, $-Inf;
	[tilespmem:s19+$0x9000] =	vst v28;
	v29 =	vpop (erf)  }
0x9c: {  	vm15 =	vgt.f32 v5, $-Inf;
	vm5 =	vlt.f32 v3, $-Inf;
	vm6 =	vgt.f32 v3, $-Inf;
	[tilespmem:s19+$0xB000] =	vst v29;
	v34 =	vpop (erf)  }
0x9d: {  	v17 =	vadd.f32 $0.0e+00, v17;
	vm11 =	vmor vm15, vm14;
	vm7 =	vmor vm6, vm5;
	[tilespmem:s19+$0xD000] =	vst v34;
	v8 =	vpop (erf)  }
0x9e: {  	vm14 =	vlt.f32 v6, $-Inf;
	vm15 =	vgt.f32 v6, $-Inf;
	s31 =	sor.u32 $0x1080, s19;
	v13 =	vnsel vm3, $0xFF800000, v2;
	[tilespmem:s19+$0xF000] =	vst v8  }
0x9f: {  	s3 =	sor.u32 $0x3080, s19;
	v2 =	vsel vm8, v7, v2;
	vm2 =	vmor vm4, vm13;
	vm13 =	vgt.f32 v14, $-Inf;
	[tilespmem:$0x1FBF0] =	vst v34;
	v34 =	vld [tilespmem:s31+$0x0]  }
0xa0: {  	s4 =	sor.u32 $0x5080, s19;
	v13 =	vsel vm8, v13, v7;
	v0 =	vnsel vm0, $0xFF800000, v10;
	v7 =	vnsel vm11, $0xFF800000, v5;
	[tilespmem:$0x1FBD0] =	vst v29;
	v29 =	vld [tilespmem:s3+$0x0]  }
0xa1: {  	vm12 =	vmor vm13, vm12;
	vm13 =	vmor vm15, vm14;
	v10 =	vadd.f32 $0.0e+00, v21;
	[tilespmem:$0x1FBC0] =	vst v28;
	v28 =	vld [tilespmem:s4+$0x0]  }
0xa2: {  	s9 =	sor.u32 $0x7080, s19;
	vm4 =	vgt.f32 v47, v2;
	v21 =	vimm.s32 $0x0;
	vm9 =	vgt.f32 v5, v0  }
0xa3: {  	vm10 =	vgt.f32 v47, v13;
	v7 =	vsel vm9, v0, v7;
	v0 =	vsel vm9, v5, v0;
	v27 =	vld [tilespmem:s9+$0x0]  }
0xa4: {  	v13 =	vsel vm10, v47, v13;
	vm14 =	vgt.f32 v4, v7;
	v12 =	vmul.f32 $1.442695020e+00, v34  }
0xa5: {  	vm5 =	vgt.f32 v4, v0;
	v7 =	vsel vm14, v4, v7;
	v1 =	vmul.f32 $1.442695020e+00, v29  }
0xa6: {  	v7 =	vsel vm5, v0, v7;
	[tilespmem:$0x1FC10] =	vst v8;
	v8 =	vmul.f32 $1.442695020e+00, v28;
	(erf) = vpow2.f32 v12  }
0xa7: {  	v12 =	vnsel vm7, $0xFF800000, v3;
	(erf) = vpow2.f32 v1;
	v1 =	vnsel vm2, $0xFF800000, v9  }
0xa8: {  	(erf) = vpow2.f32 v8;
	v8 =	vmul.f32 $1.442695020e+00, v27;
	vm1 =	vgt.f32 v3, v1  }
0xa9: {  	v9 =	vadd.f32 $0.0e+00, v44;
	v44 =	vadd.f32 $0.0e+00, v26;
	v5 =	vsel vm1, v1, v12  }
0xaa: {  	v1 =	vsel vm1, v3, v1;
	v3 =	vnsel vm12, $0xFF800000, v14;
	(erf) = vpow2.f32 v8  }
0xab: {  	v12 =	vadd.f32 v16, v10;
	vm6 =	vgt.f32 v6, v3;
	v8 =	vnsel vm13, $0xFF800000, v6  }
0xac: {  	v10 =	vadd.f32 v11, v17;
	v11 =	vimm.s32 $0x0;
	v26 =	vsel vm6, v3, v8  }
0xad: {  	v3 =	vsel vm6, v6, v3;
	v8 =	vadd.f32 v15, v9;
	v9 =	vadd.f32 v31, v44  }
0xae: {  	v6 =	vsel vm14, $0xFFFFFFFF, v11;
	v11 =	vsel vm4, v2, v13;
	v2 =	vsel vm4, v47, v2  }
0xaf: {  	vm14 =	vmand vm8, vm3;
	v31 =	vsel vm0, $0x10, v21;
	v13 =	vimm.s32 $0x0  }
0xb0: {  	vm0 =	vgt.f32 v46, v5;
	vm8 =	vgt.f32 v46, v1;
	v10 =	vadd.f32 v52, v10;
	[tilespmem:$0x1FA30] =	vst v6;
	v14 =	vpop (erf)  }
0xb1: {  	v52 =	vimm.s32 $0x0;
	v6 =	vsel vm5, v4, v0;
	v21 =	vsel vm11, $0x11, v13;
	[tilespmem:s19+$0x9080] =	vst v14;
	v15 =	vpop (erf)  }
0xb2: {  	v4 =	vsel vm9, $0x11, v31;
	v5 =	vsel vm0, v46, v5;
	vm11 =	vgt.f32 v45, v3;
	[tilespmem:s19+$0xB080] =	vst v15;
	v16 =	vpop (erf)  }
0xb3: {  	v13 =	vsel vm9, v31, v21;
	vm9 =	vgt.f32 v45, v26;
	v5 =	vsel vm8, v1, v5;
	[tilespmem:s19+$0xD080] =	vst v16;
	v17 =	vpop (erf)  }
0xb4: {  	s12 =	sor.u32 $0x1100, s19;
	v1 =	vsel vm8, v46, v1;
	v9 =	vadd.f32 v63, v9;
	vm3 =	vgt.f32 v59, v6;
	[tilespmem:s19+$0xF080] =	vst v17  }
0xb5: {  	s24 =	sor.u32 $0x3100, s19;
	v63 =	vimm.s32 $0x0;
	v10 =	vadd.f32 v58, v10;
	v31 =	vsel vm9, v45, v26;
	v47 =	vld [tilespmem:s12+$0x0]  }
0xb6: {  	s31 =	sor.u32 $0x7100, s19;
	v58 =	vimm.s32 $0x0;
	v21 =	vsel vm11, v3, v31;
	v3 =	vsel vm11, v45, v3;
	v44 =	vld [tilespmem:s24+$0x0]  }
0xb7: {  	v31 =	vadd.f32 v62, v8;
	v8 =	vadd.f32 v61, v12;
	v12 =	vsel vm2, $0x20, v52;
	v46 =	vld [tilespmem:s31+$0x0]  }
0xb8: {  	s25 =	sor.u32 $0x5100, s19;
	vm2 =	vgt.f32 v60, v2;
	v61 =	vimm.s32 $0x0;
	v62 =	vimm.s32 $0x0  }
0xb9: {  	v9 =	vadd.f32 v20, v9;
	vm15 =	vgt.f32 v18, v21;
	v31 =	vadd.f32 v57, v31;
	v45 =	vld [tilespmem:s25+$0x0]  }
0xba: {  	v21 =	vsel vm15, v18, v21;
	v8 =	vadd.f32 v51, v8;
	v26 =	vmul.f32 $1.442695020e+00, v47  }
0xbb: {  	v9 =	vadd.f32 v53, v9;
	v31 =	vadd.f32 v54, v31;
	v0 =	vmul.f32 $1.442695020e+00, v44  }
0xbc: {  	v52 =	vmul.f32 $1.442695020e+00, v46;
	(erf) = vpow2.f32 v26;
	v26 =	vsel vm12, $0x30, v61  }
0xbd: {  	v61 =	vsel vm7, $0x21, v62;
	vm12 =	vgt.f32 v60, v11;
	v62 =	vsel vm13, $0x31, v63  }
0xbe: {  	vm13 =	vgt.f32 v59, v7;
	v63 =	vmul.f32 $1.442695020e+00, v45;
	vm7 =	vgt.f32 v18, v3  }
0xbf: {  	(erf) = vpow2.f32 v0;
	v11 =	vsel vm12, v60, v11;
	v7 =	vsel vm13, v59, v7  }
0xc0: {  	v57 =	vsel vm7, v3, v21;
	v3 =	vsel vm7, v18, v3;
	v11 =	vsel vm2, v2, v11  }
0xc1: {  	v2 =	vsel vm2, v60, v2;
	(erf) = vpow2.f32 v63;
	v7 =	vsel vm3, v6, v7  }
0xc2: {  	v6 =	vsel vm3, v59, v6;
	v63 =	vsel vm1, v12, v61;
	v60 =	vsel vm6, v26, v62  }
0xc3: {  	v12 =	vsel vm1, $0x21, v12;
	v61 =	vimm.s32 $0x0;
	v26 =	vsel vm6, $0x31, v26  }
0xc4: {  	vm6 =	vgt.f32 v19, v1;
	(erf) = vpow2.f32 v52;
	v59 =	vsel vm14, $0x1, v61  }
0xc5: {  	vm14 =	vgt.f32 v19, v5;
	v0 =	vsel vm0, $0x22, v63;
	v63 =	vsel vm9, $0x32, v60  }
0xc6: {  	vm1 =	vgt.f32 v55, v2;
	vm0 =	vgt.f32 v55, v11;
	v52 =	vimm.s32 $0x0  }
0xc7: {  	vm9 =	vgt.f32 v56, v7;
	v60 =	vimm.s32 $0x0;
	v59 =	vsel vm10, $0x2, v59  }
0xc8: {  	v5 =	vsel vm14, v19, v5;
	v20 =	vsel vm9, $0xFFFFFFFF, v58;
	v11 =	vsel vm0, v55, v11  }
0xc9: {  	v7 =	vsel vm9, v56, v7;
	v0 =	vsel vm8, v12, v0;
	v51 =	vsel vm11, v26, v63  }
0xca: {  	v12 =	vsel vm8, $0x22, v12;
	v26 =	vsel vm11, $0x32, v26;
	vm9 =	vgt.f32 v25, v57  }
0xcb: {  	v62 =	vld [tilespmem:$0x1FA30];
	vm11 =	vgt.f32 v25, v3;
	v5 =	vsel vm6, v1, v5;
	v1 =	vsel vm6, v19, v1  }
0xcc: {  	v61 =	vld [tilespmem:$0x1FA40];
	v19 =	vsel vm0, $0xFFFFFFFF, v52;
	vm0 =	vgt.f32 v56, v6;
	v11 =	vsel vm1, v2, v11  }
0xcd: {  	v2 =	vsel vm1, v55, v2;
	v57 =	vsel vm9, v25, v57;
	v0 =	vsel vm14, $0x23, v0  }
0xce: {  	v51 =	vsel vm15, $0x33, v51;
	v7 =	vsel vm0, v6, v7;
	v6 =	vsel vm0, v56, v6  }
0xcf: {  	vm8 =	vgt.f32 v50, v1;
	v57 =	vsel vm11, v3, v57;
	v3 =	vsel vm11, v25, v3  }
0xd0: {  	v0 =	vsel vm6, v12, v0;
	v51 =	vsel vm7, v26, v51;
	vm10 =	vnez.u8 v62  }
0xd1: {  	[tilespmem:$0x1FAA0] =	vst v20;
	v12 =	vsel vm6, $0x23, v12;
	v13 =	vsel vm10, $0x12, v13;
	vm10 =	vnez.u8 v61  }
0xd2: {  	[tilespmem:$0x1FA90] =	vst v19;
	v18 =	vpop (erf);
	v62 =	vsel vm10, $0x1, v60;
	v13 =	vsel vm5, v4, v13;
	v4 =	vsel vm5, $0x12, v4  }
0xd3: {  	vm10 =	vgt.f32 v50, v5;
	vm5 =	vgt.f32 v32, v2;
	[tilespmem:s19+$0x9100] =	vst v18;
	v19 =	vpop (erf);
	v58 =	vsel vm4, v62, v59  }
0xd4: {  	v52 =	vsel vm4, $0x2, v62;
	v5 =	vsel vm10, v50, v5;
	v13 =	vsel vm13, $0x13, v13;
	[tilespmem:s19+$0xB100] =	vst v19;
	v20 =	vpop (erf)  }
0xd5: {  	v61 =	vld [tilespmem:$0x1FA50];
	vm4 =	vgt.f32 v30, v6;
	vm13 =	vgt.f32 v30, v7;
	v59 =	vimm.s32 $0x0;
	[tilespmem:s19+$0xD100] =	vst v20;
	v21 =	vpop (erf)  }
0xd6: {  	s12 =	sor.u32 $0x1180, s26;
	v62 =	vld [tilespmem:$0x1FA60];
	v0 =	vsel vm10, $0x24, v0;
	v5 =	vsel vm8, v1, v5;
	v1 =	vsel vm8, v50, v1;
	[tilespmem:s19+$0xF100] =	vst v21  }
0xd7: {  	s1 =	sor.u32 $0x3180, s26;
	v7 =	vsel vm13, v30, v7;
	v13 =	vsel vm3, v4, v13;
	v4 =	vsel vm3, $0x13, v4;
	v55 =	vld [tilespmem:s12+$0x0]  }
0xd8: {  	s24 =	sor.u32 $0x7180, s26;
	v0 =	vsel vm8, v12, v0;
	v12 =	vsel vm8, $0x24, v12;
	vm15 =	vgt.f32 v23, v5;
	v56 =	vld [tilespmem:s1+$0x0]  }
0xd9: {  	v7 =	vsel vm4, v6, v7;
	vm3 =	vgt.f32 v23, v1;
	v5 =	vsel vm15, v23, v5;
	v50 =	vld [tilespmem:s24+$0x0]  }
0xda: {  	s25 =	sor.u32 $0x5180, s26;
	v6 =	vsel vm4, v30, v6;
	v8 =	vadd.f32 v61, v8;
	v5 =	vsel vm3, v1, v5  }
0xdb: {  	v54 =	vld [tilespmem:s25+$0x0];
	v1 =	vsel vm3, v23, v1;
	v25 =	vadd.f32 v62, v10;
	v62 =	vimm.s32 $0x0  }
0xdc: {  	v30 =	vsel vm15, $0xFFFFFFFF, v62;
	vm15 =	vgt.f32 v22, v57;
	v63 =	vmul.f32 $1.442695020e+00, v55  }
0xdd: {  	vm8 =	vgt.f32 v41, v1;
	[tilespmem:$0x1FAD0] =	vst v30;
	v30 =	vsel vm15, v22, v57;
	v60 =	vmul.f32 $1.442695020e+00, v56  }
0xde: {  	v61 =	vmul.f32 $1.442695020e+00, v50;
	(erf) = vpow2.f32 v63;
	v63 =	vsel vm12, $0x3, v58  }
0xdf: {  	vm12 =	vgt.f32 v32, v11;
	v58 =	vimm.s32 $0x0;
	(erf) = vpow2.f32 v60  }
0xe0: {  	v53 =	vsel vm12, $0xFFFFFFFF, v58;
	v11 =	vsel vm12, v32, v11;
	v60 =	vmul.f32 $1.442695020e+00, v54  }
0xe1: {  	v10 =	vsel vm2, v52, v63;
	v52 =	vsel vm2, $0x3, v52;
	v63 =	vsel vm7, $0x33, v26;
	v58 =	vld [tilespmem:$0x1FA80]  }
0xe2: {  	vm12 =	vgt.f32 v22, v3;
	v11 =	vsel vm5, v2, v11;
	v2 =	vsel vm5, v32, v2;
	v32 =	vld [tilespmem:$0x1FA70]  }
0xe3: {  	[tilespmem:$0x1FAB0] =	vst v53;
	v53 =	vsel vm13, $0xFFFFFFFF, v59;
	v57 =	vsel vm12, v3, v30;
	v3 =	vsel vm12, v22, v3;
	v59 =	vld [tilespmem:$0x1FA90]  }
0xe4: {  	v30 =	vadd.f32 v24, v31;
	vm13 =	vgt.f32 v48, v7;
	(erf) = vpow2.f32 v60;
	v60 =	vld [tilespmem:$0x1FAA0]  }
0xe5: {  	vm2 =	vgt.f32 v49, v2;
	vm14 =	vgt.f32 v49, v11;
	v7 =	vsel vm13, v48, v7  }
0xe6: {  	[tilespmem:$0x1FAC0] =	vst v53;
	v53 =	vsel vm11, $0x34, v63;
	vm10 =	vgt.f32 v40, v57;
	(erf) = vpow2.f32 v61  }
0xe7: {  	v61 =	vsel vm9, $0x34, v51;
	v11 =	vsel vm14, v49, v11;
	v57 =	vsel vm10, v40, v57  }
0xe8: {  	v11 =	vsel vm2, v2, v11;
	v31 =	vadd.f32 v58, v9;
	vm6 =	vnez.u8 v59  }
0xe9: {  	v32 =	vadd.f32 v32, v8;
	v8 =	vsel vm6, $0x4, v10;
	vm7 =	vnez.u8 v60  }
0xea: {  	vm6 =	vgt.f32 v48, v6;
	v10 =	vsel vm11, v63, v61;
	vm11 =	vgt.f32 v41, v5  }
0xeb: {  	v60 =	vimm.s32 $0x0;
	v9 =	vsel vm7, $0x14, v13;
	v13 =	vsel vm2, v49, v2  }
0xec: {  	v58 =	vld [tilespmem:$0x1FAB0];
	v7 =	vsel vm6, v6, v7;
	v6 =	vsel vm6, v48, v6;
	v8 =	vsel vm1, v52, v8  }
0xed: {  	v52 =	vsel vm1, $0x4, v52;
	vm7 =	vgt.f32 v40, v3;
	v5 =	vsel vm11, v41, v5  }
0xee: {  	v59 =	vld [tilespmem:$0x1FAC0];
	v10 =	vsel vm15, $0x35, v10;
	v9 =	vsel vm0, v4, v9;
	v4 =	vsel vm0, $0x14, v4  }
0xef: {  	v5 =	vsel vm8, v1, v5;
	v1 =	vsel vm8, v41, v1;
	v41 =	vsel vm7, v3, v57  }
0xf0: {  	v22 =	vpop (erf);
	v3 =	vsel vm7, v40, v3;
	vm0 =	vgt.f32 v43, v13;
	vm1 =	vgt.f32 v42, v7  }
0xf1: {  	[tilespmem:s12+$0x8000] =	vst v22;
	v23 =	vpop (erf);
	v57 =	vimm.s32 $0x0;
	v10 =	vsel vm12, v53, v10;
	vm9 =	vnez.u8 v58  }
0xf2: {  	[tilespmem:s1+$0x8000] =	vst v23;
	v7 =	vsel vm1, v42, v7;
	v58 =	vsel vm5, $0x5, v52;
	vm15 =	vgt.f32 v38, v5;
	v24 =	vpop (erf)  }
0xf3: {  	v10 =	vsel vm10, $0x36, v10;
	v8 =	vsel vm9, $0x5, v8;
	vm9 =	vnez.u8 v59;
	[tilespmem:s25+$0x8000] =	vst v24;
	v26 =	vpop (erf)  }
0xf4: {  	s4 =	sor.u32 $0x1200, s19;
	v5 =	vsel vm15, v38, v5;
	v59 =	vimm.s32 $0x0;
	v9 =	vsel vm9, $0x15, v9;
	[tilespmem:s24+$0x8000] =	vst v26  }
0xf5: {  	s9 =	sor.u32 $0x3200, s19;
	vm9 =	vgt.f32 v43, v11;
	v8 =	vsel vm5, v52, v8;
	vm5 =	vgt.f32 v37, v3;
	v2 =	vld [tilespmem:s4+$0x0]  }
0xf6: {  	v40 =	vsel vm9, $0xFFFFFFFF, v60;
	v11 =	vsel vm9, v43, v11;
	v9 =	vsel vm4, v4, v9;
	v48 =	vld [tilespmem:s9+$0x0]  }
0xf7: {  	v4 =	vsel vm4, $0x15, v4;
	v8 =	vsel vm14, $0x6, v8;
	vm4 =	vgt.f32 v37, v41  }
0xf8: {  	v60 =	vsel vm5, v37, v3;
	s9 =	sor.u32 $0x5200, s19;
	v11 =	vsel vm0, v13, v11;
	v13 =	vsel vm0, v43, v13  }
0xf9: {  	s31 =	sor.u32 $0x7200, s19;
	[tilespmem:$0x1FAE0] =	vst v40;
	v40 =	vsel vm1, $0xFFFFFFFF, v57;
	vm1 =	vgt.f32 v38, v1;
	v43 =	vsel vm12, $0x35, v53;
	v49 =	vld [tilespmem:s9+$0x0]  }
0xfa: {  	v51 =	vld [tilespmem:s31+$0x0];
	v9 =	vsel vm13, $0x16, v9;
	v41 =	vsel vm4, v37, v41;
	v62 =	vmul.f32 $1.442695020e+00, v2  }
0xfb: {  	v8 =	vsel vm2, v58, v8;
	v5 =	vsel vm1, v1, v5;
	v63 =	vmul.f32 $1.442695020e+00, v48  }
0xfc: {  	v1 =	vsel vm1, v38, v1;
	vm12 =	vgt.f32 v39, v11;
	(erf) = vpow2.f32 v62  }
0xfd: {  	v52 =	vsel vm5, v3, v41;
	v9 =	vsel vm6, v4, v9;
	(erf) = vpow2.f32 v63;
	v63 =	vld [tilespmem:$0x1FAD0]  }
0xfe: {  	[tilespmem:$0x1FAF0] =	vst v40;
	v10 =	vsel vm7, v43, v10;
	v40 =	vsel vm12, $0xFFFFFFFF, v59;
	v61 =	vmul.f32 $1.442695020e+00, v49  }
0xff: {  	v11 =	vsel vm12, v39, v11;
	vm10 =	vgt.f32 v35, v5;
	v62 =	vmul.f32 $1.442695020e+00, v51  }
0x100: {  	vm13 =	vgt.f32 v35, v1;
	v5 =	vsel vm10, v35, v5;
	(erf) = vpow2.f32 v61  }
0x101: {  	v10 =	vsel vm4, $0x37, v10;
	(erf) = vpow2.f32 v62;
	v62 =	vsel vm13, v1, v5  }
0x102: {  	v1 =	vsel vm13, v35, v1;
	v35 =	vsel vm7, $0x36, v43;
	vm9 =	vnez.u8 v63  }
0x103: {  	v10 =	vsel vm5, v35, v10;
	v0 =	vsel vm9, $0x25, v0;
	vm9 =	vgt.f32 v42, v6  }
0x104: {  	v57 =	vsel vm5, $0x37, v35;
	v7 =	vsel vm9, v6, v7;
	v6 =	vsel vm9, v42, v6  }
0x105: {  	v0 =	vsel vm3, v12, v0;
	v12 =	vsel vm3, $0x25, v12;
	vm3 =	vgt.f32 v39, v13  }
0x106: {  	v42 =	vsel vm6, $0x16, v4;
	v11 =	vsel vm3, v13, v11;
	v13 =	vsel vm3, v39, v13  }
0x107: {  	v0 =	vsel vm11, $0x26, v0;
	v39 =	vsel vm2, $0x6, v58;
	vm6 =	vgt.f32 v36, v7  }
0x108: {  	vm12 =	vgt.f32 v36, v6;
	vm11 =	vgt.f32 v33, v52;
	v61 =	vsel vm6, v36, v7  }
0x109: {  	v36 =	vsel vm12, v36, v6;
	v0 =	vsel vm8, v12, v0;
	v12 =	vsel vm8, $0x26, v12  }
0x10a: {  	[tilespmem:$0x1FB00] =	vst v40;
	v38 =	vpop (erf);
	v58 =	vld [tilespmem:$0x1FAE0];
	vm8 =	vgt.f32 v33, v60;
	v52 =	vsel vm11, v33, v52;
	vm2 =	vgt.f32 v34, v13  }
0x10b: {  	[tilespmem:s19+$0x9200] =	vst v38;
	v40 =	vpop (erf);
	v10 =	vsel vm11, $0x38, v10;
	v7 =	vsel vm12, v6, v61;
	v43 =	vsel vm8, v60, v52  }
0x10c: {  	[tilespmem:s19+$0xB200] =	vst v40;
	v41 =	vpop (erf);
	v33 =	vsel vm8, v33, v60;
	v60 =	vld [tilespmem:$0x1FAF0];
	v0 =	vsel vm15, $0x27, v0;
	vm4 =	vgt.f32 v29, v36  }
0x10d: {  	v10 =	vsel vm8, v57, v10;
	[tilespmem:s19+$0xD200] =	vst v41;
	v37 =	vpop (erf);
	vm15 =	vgt.f32 v29, v7;
	v0 =	vsel vm1, v12, v0  }
0x10e: {  	s4 =	sor.u32 $0x1280, s19;
	v12 =	vsel vm1, $0x27, v12;
	vm5 =	vgt.f32 v27, v43;
	[tilespmem:s19+$0xF200] =	vst v37;
	v7 =	vsel vm15, v29, v7  }
0x10f: {  	s9 =	sor.u32 $0x3280, s19;
	v29 =	vsel vm4, v29, v36;
	v0 =	vsel vm10, $0x28, v0;
	v3 =	vld [tilespmem:s4+$0x0];
	vm7 =	vnez.u8 v58  }
0x110: {  	s31 =	sor.u32 $0x5280, s19;
	v10 =	vsel vm5, $0x39, v10;
	v4 =	vld [tilespmem:s9+$0x0];
	v8 =	vsel vm7, $0x7, v8;
	vm7 =	vgt.f32 v34, v11  }
0x111: {  	v5 =	vld [tilespmem:s31+$0x0];
	v7 =	vsel vm4, v36, v7;
	vm14 =	vnez.u8 v60;
	v11 =	vsel vm7, v34, v11  }
0x112: {  	v58 =	vld [tilespmem:$0x1FB00];
	v8 =	vsel vm0, v39, v8;
	v60 =	vimm.s32 $0x0;
	v9 =	vsel vm14, $0x17, v9  }
0x113: {  	v11 =	vsel vm2, v13, v11;
	v13 =	vsel vm2, v34, v13;
	v34 =	vsel vm0, $0x7, v39  }
0x114: {  	v39 =	vsel vm9, $0x17, v42;
	vm0 =	vgt.f32 v28, v1;
	vm14 =	vgt.f32 v28, v62  }
0x115: {  	s4 =	sor.u32 $0x7280, s19;
	v9 =	vsel vm9, v42, v9;
	v62 =	vsel vm14, v28, v62;
	v63 =	vmul.f32 $1.442695020e+00, v3  }
0x116: {  	v6 =	vld [tilespmem:s4+$0x0];
	vm1 =	vgt.f32 v47, v13;
	v59 =	vmul.f32 $1.442695020e+00, v4;
	v61 =	vmul.f32 $1.442695020e+00, v5  }
0x117: {  	v52 =	vsel vm0, v1, v62;
	v1 =	vsel vm0, v28, v1;
	vm9 =	vnez.u8 v58  }
0x118: {  	v9 =	vsel vm6, $0x18, v9;
	vm6 =	vgt.f32 v27, v33;
	v8 =	vsel vm9, $0x8, v8  }
0x119: {  	vm9 =	vgt.f32 v47, v11;
	v9 =	vsel vm12, v39, v9;
	v39 =	vsel vm12, $0x18, v39  }
0x11a: {  	vm12 =	vgt.f32 v44, v7;
	vm11 =	vgt.f32 v45, v52;
	(erf) = vpow2.f32 v63  }
0x11b: {  	v63 =	vmul.f32 $1.442695020e+00, v6;
	v42 =	vsel vm9, $0xFFFFFFFF, v60;
	v11 =	vsel vm9, v47, v11  }
0x11c: {  	v8 =	vsel vm3, v34, v8;
	v34 =	vsel vm3, $0x8, v34;
	vm3 =	vgt.f32 v44, v29  }
0x11d: {  	v62 =	vsel vm12, v44, v7;
	v9 =	vsel vm15, $0x19, v9;
	(erf) = vpow2.f32 v59  }
0x11e: {  	v59 =	vsel vm5, v27, v43;
	v11 =	vsel vm1, v13, v11;
	v13 =	vsel vm1, v47, v13  }
0x11f: {  	v53 =	vsel vm3, v29, v62;
	v44 =	vsel vm3, v44, v29;
	v8 =	vsel vm7, $0x9, v8  }
0x120: {  	v9 =	vsel vm4, v39, v9;
	v39 =	vsel vm4, $0x19, v39;
	v62 =	vimm.s32 $0x0  }
0x121: {  	(erf) = vpow2.f32 v61;
	v35 =	vsel vm6, v33, v59;
	v33 =	vsel vm6, v27, v33  }
0x122: {  	v61 =	vsel vm13, v12, v0;
	v12 =	vsel vm13, $0x28, v12;
	vm15 =	vgt.f32 v55, v11  }
0x123: {  	vm7 =	vgt.f32 v55, v13;
	vm5 =	vgt.f32 v56, v53;
	v8 =	vsel vm2, v34, v8  }
0x124: {  	v34 =	vsel vm2, $0x9, v34;
	v9 =	vsel vm12, $0x1A, v9;
	(erf) = vpow2.f32 v63  }
0x125: {  	v63 =	vsel vm8, $0x38, v57;
	vm8 =	vgt.f32 v45, v1;
	vm13 =	vgt.f32 v46, v35  }
0x126: {  	[tilespmem:$0x1FB10] =	vst v42;
	vm9 =	vgt.f32 v46, v33;
	v57 =	vsel vm11, v45, v52;
	v42 =	vsel vm14, $0x29, v61  }
0x127: {  	v11 =	vsel vm15, v55, v11;
	vm14 =	vgt.f32 v56, v44;
	v43 =	vsel vm5, v56, v53  }
0x128: {  	v9 =	vsel vm3, v39, v9;
	v35 =	vsel vm13, v46, v35;
	v36 =	vsel vm8, v1, v57  }
0x129: {  	v45 =	vsel vm8, v45, v1;
	v11 =	vsel vm7, v13, v11;
	v13 =	vsel vm7, v55, v13  }
0x12a: {  	v43 =	vsel vm14, v44, v43;
	v44 =	vsel vm14, v56, v44;
	v42 =	vsel vm0, v12, v42  }
0x12b: {  	v10 =	vsel vm6, v63, v10;
	v12 =	vsel vm0, $0x29, v12;
	v7 =	vsel vm6, $0x39, v63  }
0x12c: {  	v57 =	vsel vm1, $0xA, v34;
	v35 =	vsel vm9, v33, v35;
	v33 =	vsel vm9, v46, v33;
	v27 =	vpop (erf)  }
0x12d: {  	v61 =	vld [tilespmem:$0x1FB10];
	vm10 =	vgt.f32 v54, v36;
	vm2 =	vgt.f32 v54, v45;
	vm12 =	vgt.f32 v2, v13;
	[tilespmem:s19+$0x9280] =	vst v27;
	v0 =	vpop (erf)  }
0x12e: {  	v56 =	vsel vm11, $0x2A, v42;
	v10 =	vsel vm13, $0x3A, v10;
	v42 =	vsel vm9, $0x3A, v7;
	[tilespmem:s19+$0xB280] =	vst v0;
	v28 =	vpop (erf)  }
0x12f: {  	vm13 =	vgt.f32 v48, v44;
	v36 =	vsel vm10, v54, v36;
	vm0 =	vgt.f32 v50, v35;
	[tilespmem:s19+$0xD280] =	vst v28;
	v1 =	vpop (erf)  }
0x130: {  	s31 =	sor.u32 $0x1300, s19;
	vm4 =	vgt.f32 v50, v33;
	v10 =	vsel vm9, v7, v10;
	v36 =	vsel vm2, v45, v36;
	[tilespmem:s19+$0xF280] =	vst v1  }
0x131: {  	s4 =	sor.u32 $0x3300, s19;
	v45 =	vsel vm2, v54, v45;
	v35 =	vsel vm0, v50, v35;
	v50 =	vsel vm4, v50, v33;
	v46 =	vld [tilespmem:s31+$0x0]  }
0x132: {  	v54 =	vsel vm0, $0x3B, v10;
	v35 =	vsel vm4, v33, v35;
	vm6 =	vnez.u8 v61;
	v29 =	vld [tilespmem:s4+$0x0];
	s31 =	sor.u32 $0x5300, s19  }
0x133: {  	v61 =	vsel vm5, $0x1B, v9;
	v8 =	vsel vm6, $0xA, v8;
	vm6 =	vgt.f32 v2, v11;
	s4 =	sor.u32 $0x7300, s19;
	v47 =	vld [tilespmem:s31+$0x0]  }
0x134: {  	v33 =	vsel vm6, $0xFFFFFFFF, v62;
	v11 =	vsel vm6, v2, v11;
	v8 =	vsel vm1, v34, v8;
	v52 =	vld [tilespmem:s4+$0x0]  }
0x135: {  	v62 =	vimm.s32 $0x0;
	vm6 =	vgt.f32 v48, v43;
	v34 =	vimm.s32 $0x0  }
0x136: {  	v53 =	vsel vm12, v13, v11;
	v13 =	vsel vm12, v2, v13;
	v2 =	vsel vm8, v12, v56  }
0x137: {  	v11 =	vsel vm7, $0xB, v57;
	v56 =	vsel vm6, v48, v43;
	v43 =	vimm.s32 $0x0  }
0x138: {  	v2 =	vsel vm10, $0x2B, v2;
	v58 =	vmul.f32 $1.442695020e+00, v46;
	v59 =	vmul.f32 $1.442695020e+00, v29  }
0x139: {  	vm9 =	vgt.f32 v3, v53;
	v60 =	vmul.f32 $1.442695020e+00, v47;
	v63 =	vmul.f32 $1.442695020e+00, v52  }
0x13a: {  	(erf) = vpow2.f32 v58;
	v58 =	vsel vm3, $0x1A, v39;
	v39 =	vimm.s32 $0x0  }
0x13b: {  	[tilespmem:$0x1FBB0] =	vst v33;
	(erf) = vpow2.f32 v59;
	v59 =	vsel vm8, $0x2A, v12;
	v33 =	vsel vm14, v58, v61  }
0x13c: {  	v7 =	vsel vm14, $0x1B, v58;
	vm14 =	vgt.f32 v49, v45;
	vm8 =	vgt.f32 v51, v35  }
0x13d: {  	(erf) = vpow2.f32 v60;
	v60 =	vsel vm15, $0xB, v8;
	v12 =	vsel vm2, v59, v2  }
0x13e: {  	v2 =	vsel vm2, $0x2B, v59;
	vm15 =	vgt.f32 v51, v50;
	v58 =	vsel vm8, v51, v35  }
0x13f: {  	v59 =	vsel vm13, v44, v56;
	v61 =	vsel vm14, v49, v45;
	vm2 =	vgt.f32 v3, v13  }
0x140: {  	(erf) = vpow2.f32 v63;
	v55 =	vsel vm7, v57, v60;
	v8 =	vsel vm15, $0xFFFFFFFF, v62  }
0x141: {  	v63 =	vimm.s32 $0x0;
	vm7 =	vgt.f32 v49, v36;
	v10 =	vsel vm15, v50, v58  }
0x142: {  	v60 =	vsel vm13, v48, v44;
	v62 =	vsel vm15, v51, v50;
	[tilespmem:$0x1FC30] =	vst v8;
	v8 =	vsel vm6, $0xFFFFFFFF, v63  }
0x143: {  	vm0 =	vgt.f32 v5, v61;
	v44 =	vimm.s32 $0x0;
	[tilespmem:$0x1FBE0] =	vst v8;
	v8 =	vsel vm7, $0xFFFFFFFF, v34  }
0x144: {  	vm10 =	vgt.f32 v4, v59;
	v63 =	vimm.s32 $0x0;
	[tilespmem:$0x1FC00] =	vst v8;
	v8 =	vsel vm8, $0xFFFFFFFF, v39  }
0x145: {  	v48 =	vimm.s32 $0x0;
	vm1 =	vgt.f32 v4, v60;
	[tilespmem:$0x1FC20] =	vst v8;
	v8 =	vsel vm2, $0xFFFFFFFF, v63  }
0x146: {  	v50 =	vimm.s32 $0x0;
	v57 =	vsel vm7, v49, v36;
	[tilespmem:$0x1FC80] =	vst v8;
	v8 =	vsel vm1, $0xFFFFFFFF, v43  }
0x147: {  	v9 =	vsel vm14, v45, v57;
	v45 =	vimm.s32 $0x0;
	[tilespmem:$0x1FC90] =	vst v8;
	v8 =	vsel vm0, $0xFFFFFFFF, v44  }
0x148: {  	v51 =	vsel vm9, v3, v53;
	v58 =	vimm.s32 $0x0;
	[tilespmem:$0x1FCA0] =	vst v8;
	v8 =	vsel vm9, $0xFFFFFFFF, v45  }
0x149: {  	v49 =	vimm.s32 $0x0;
	vm11 =	vgt.f32 v5, v9;
	[tilespmem:$0x1FC40] =	vst v8;
	v8 =	vsel vm10, $0xFFFFFFFF, v48  }
0x14a: {  	vm15 =	vgt.f32 v6, v10;
	v43 =	vsel vm2, v13, v51;
	[tilespmem:$0x1FC50] =	vst v8;
	v8 =	vsel vm11, $0xFFFFFFFF, v49  }
0x14b: {  	v34 =	vsel vm10, v4, v59;
	vm8 =	vgt.f32 v46, v43;
	[tilespmem:$0x1FC60] =	vst v8;
	v8 =	vsel vm15, $0xFFFFFFFF, v50  }
0x14c: {  	v56 =	vsel vm15, v6, v10;
	vm7 =	vgt.f32 v6, v62;
	v36 =	vsel vm8, $0xFFFFFFFF, v58  }
0x14d: {  	v57 =	vimm.s32 $0x0;
	v4 =	vsel vm1, v4, v60;
	v59 =	vimm.s32 $0x0;
	[tilespmem:$0x1FCC0] =	vst v36  }
0x14e: {  	v34 =	vsel vm1, v60, v34;
	v6 =	vsel vm7, v6, v62;
	v53 =	vsel vm11, v5, v9;
	[tilespmem:$0x1FC70] =	vst v8;
	v8 =	vpop (erf)  }
0x14f: {  	v5 =	vsel vm0, v5, v61;
	v63 =	vimm.s32 $0x0;
	v13 =	vsel vm2, v3, v13;
	v9 =	vpop (erf);
	[tilespmem:s19+$0x9300] =	vst v8  }
0x150: {  	v51 =	vimm.s32 $0x0;
	v44 =	vsel vm0, v61, v53;
	v61 =	vimm.s32 $0x0;
	v10 =	vpop (erf);
	[tilespmem:s19+$0xB300] =	vst v9  }
0x151: {  	v53 =	vimm.s32 $0x0;
	v45 =	vsel vm7, v62, v56;
	vm9 =	vgt.f32 v29, v34;
	v3 =	vpop (erf);
	[tilespmem:s19+$0xD300] =	vst v10  }
0x152: {  	s3 =	sor.u32 $0x1380, s26;
	v60 =	vsel vm8, v46, v43;
	v48 =	vsel vm7, $0xFFFFFFFF, v57;
	v36 =	vsel vm9, $0xFFFFFFFF, v59;
	[tilespmem:s19+$0xF300] =	vst v3  }
0x153: {  	s9 =	sor.u32 $0x3380, s26;
	v34 =	vsel vm9, v29, v34;
	vm10 =	vgt.f32 v47, v44;
	vm9 =	vgt.f32 v29, v4;
	v35 =	vld [tilespmem:s3+$0x0]  }
0x154: {  	s31 =	sor.u32 $0x5380, s26;
	v43 =	vsel vm10, $0xFFFFFFFF, v61;
	v62 =	vsel vm10, v47, v44;
	vm11 =	vgt.f32 v52, v45;
	v39 =	vld [tilespmem:s9+$0x0]  }
0x155: {  	s26 =	sor.u32 $0x7380, s26;
	vm10 =	vgt.f32 v47, v5;
	v34 =	vsel vm9, v4, v34;
	vm15 =	vgt.f32 v46, v13;
	v44 =	vld [tilespmem:s31+$0x0]  }
0x156: {  	[tilespmem:$0x1FCD0] =	vst v36;
	v4 =	vsel vm9, v29, v4;
	v36 =	vsel vm15, v13, v60;
	v13 =	vsel vm15, v46, v13;
	v46 =	vld [tilespmem:s26+$0x0]  }
0x157: {  	[tilespmem:$0x1FCB0] =	vst v48;
	v49 =	vimm.s32 $0x0;
	v61 =	vimm.s32 $0x0;
	v48 =	vsel vm11, $0xFFFFFFFF, v63  }
0x158: {  	[tilespmem:$0x1FCE0] =	vst v43;
	v45 =	vsel vm11, v52, v45;
	vm11 =	vgt.f32 v52, v6;
	v43 =	vsel vm10, v5, v62  }
0x159: {  	v5 =	vsel vm10, v47, v5;
	v62 =	vimm.s32 $0x0;
	v45 =	vsel vm11, v6, v45  }
0x15a: {  	v6 =	vsel vm11, v52, v6;
	v52 =	vimm.s32 $0x0;
	vm5 =	vgt.f32 v35, v36  }
0x15b: {  	vm6 =	vgt.f32 v39, v34;
	vm7 =	vgt.f32 v44, v43;
	vm8 =	vgt.f32 v46, v45  }
0x15c: {  	v29 =	vsel vm5, $0xFFFFFFFF, v49;
	v50 =	vsel vm5, v35, v36;
	v36 =	vsel vm6, $0xFFFFFFFF, v51  }
0x15d: {  	v34 =	vsel vm6, v39, v34;
	v56 =	vsel vm7, v44, v43;
	v57 =	vsel vm8, v46, v45  }
0x15e: {  	vm6 =	vgt.f32 v44, v5;
	vm5 =	vgt.f32 v46, v6;
	[tilespmem:$0x1FD10] =	vst v36;
	v36 =	vsel vm7, $0xFFFFFFFF, v52  }
0x15f: {  	[tilespmem:$0x1FD00] =	vst v29;
	vm7 =	vgt.f32 v35, v13;
	v43 =	vsel vm5, v6, v57;
	v6 =	vsel vm5, v46, v6  }
0x160: {  	v47 =	vld [tilespmem:$0x1FB50];
	[tilespmem:$0x1FD20] =	vst v36;
	v36 =	vsel vm8, $0xFFFFFFFF, v53;
	v29 =	vsel vm7, v13, v50;
	vm8 =	vgt.f32 v39, v4  }
0x161: {  	[tilespmem:$0x1FCF0] =	vst v48;
	v48 =	vld [tilespmem:$0x1FB60];
	v13 =	vsel vm7, v35, v13;
	v34 =	vsel vm8, v4, v34;
	v4 =	vsel vm8, v39, v4  }
0x162: {  	v51 =	vld [tilespmem:$0x1FB80];
	[tilespmem:$0x1FD30] =	vst v36;
	v36 =	vsel vm6, v5, v56;
	v5 =	vsel vm6, v44, v5;
	vm2 =	vgt.f32 v4, v13  }
0x163: {  	vm3 =	vgt.f32 v6, v5;
	v58 =	vsel vm2, v4, v13;
	v13 =	vsel vm2, v13, v29;
	v29 =	vld [tilespmem:$0x1FB20]  }
0x164: {  	v49 =	vsel vm4, v42, v54;
	v4 =	vsel vm2, v34, v4;
	v59 =	vsel vm3, v5, v36;
	v34 =	vld [tilespmem:$0x1FB30]  }
0x165: {  	v60 =	vsel vm3, v43, v6;
	v5 =	vsel vm3, v6, v5;
	v36 =	vld [tilespmem:$0x1FB40];
	vm0 =	vgt.f32 v4, v13  }
0x166: {  	v54 =	vld [tilespmem:$0x1FBB0];
	vm1 =	vgt.f32 v60, v59;
	v6 =	vsel vm0, $0xFFFFFFFF, v61;
	v4 =	vsel vm0, v4, v13  }
0x167: {  	v52 =	vld [tilespmem:$0x1FB90];
	v63 =	vsel vm1, v60, v59;
	[tilespmem:$0x1FD40] =	vst v6;
	v6 =	vsel vm1, $0xFFFFFFFF, v62;
	vm1 =	vgt.f32 v5, v58  }
0x168: {  	v45 =	vmul.f32 $1.442695020e+00, v46;
	v50 =	vld [tilespmem:$0x1FB70];
	v43 =	vimm.s32 $0x0;
	v4 =	vsel vm1, v58, v4  }
0x169: {  	v57 =	vld [tilespmem:$0x1FBD0];
	[tilespmem:$0x1FD50] =	vst v6;
	v6 =	vsel vm1, v63, v5;
	v5 =	vsel vm1, v5, v58;
	v13 =	vadd.f32 v29, v25  }
0x16a: {  	v53 =	vld [tilespmem:$0x1FBA0];
	v25 =	vadd.f32 v34, v30;
	v29 =	vadd.f32 v36, v32;
	vm0 =	vgt.f32 v6, v4  }
0x16b: {  	v56 =	vld [tilespmem:$0x1FBC0];
	v36 =	vmul.f32 $1.442695020e+00, v35;
	v30 =	vsel vm0, $0xFFFFFFFF, v43;
	v4 =	vsel vm0, v6, v4  }
0x16c: {  	v58 =	vld [tilespmem:$0x1FBE0];
	v43 =	vmul.f32 $1.442695020e+00, v44;
	[tilespmem:$0x1FD60] =	vst v30;
	v30 =	vadd.f32 v47, v31;
	v6 =	vadd.f32 v48, v13  }
0x16d: {  	v59 =	vld [tilespmem:$0x1FBF0];
	v4 =	vsub.f32 v4, v5;
	v5 =	vsel vm4, $0x3B, v42;
	v25 =	vadd.f32 v50, v25  }
0x16e: {  	v60 =	vld [tilespmem:$0x1FC00];
	v29 =	vadd.f32 v51, v29;
	vm4 =	vnez.u8 v54;
	(erf) = vpow2.f32 v36  }
0x16f: {  	v61 =	vld [tilespmem:$0x1FC10];
	v42 =	vmul.f32 $1.442695020e+00, v39;
	v31 =	vsel vm4, $0xC, v55;
	v30 =	vadd.f32 v52, v30  }
0x170: {  	v62 =	vld [tilespmem:$0x1FC20];
	v6 =	vadd.f32 v53, v6;
	v4 =	vmul.f32 $1.442695020e+00, v4;
	v25 =	vadd.f32 v56, v25  }
0x171: {  	v29 =	vadd.f32 v57, v29;
	vm4 =	vnez.u8 v58;
	v34 =	vsel vm12, v11, v31  }
0x172: {  	v11 =	vsel vm12, $0xC, v11;
	(erf) = vpow2.f32 v42;
	v32 =	vsel vm4, $0x1C, v33  }
0x173: {  	vm4 =	vnez.u8 v60;
	(erf) = vpow2.f32 v43;
	v30 =	vadd.f32 v59, v30  }
0x174: {  	v53 =	vld [tilespmem:$0x1FC30];
	v33 =	vadd.f32 $1.258291200e+07, v4;
	v12 =	vsel vm4, $0x2C, v12;
	v6 =	vadd.f32 v61, v6  }
0x175: {  	v58 =	vld [tilespmem:$0x1FC40];
	v14 =	vadd.f32 v14, v25;
	vm4 =	vnez.u8 v62;
	v15 =	vadd.f32 v15, v29  }
0x176: {  	(erf) = vpow2.f32 v45;
	v48 =	vsel vm13, v7, v32;
	v7 =	vsel vm13, $0x1C, v7  }
0x177: {  	v13 =	vsel vm4, $0x3C, v49;
	v12 =	vsel vm14, v2, v12;
	v63 =	vadd.f32 $-1.258291200e+07, v33  }
0x178: {  	v2 =	vsel vm14, $0x2C, v2;
	v16 =	vadd.f32 v16, v30;
	v6 =	vadd.f32 v17, v6  }
0x179: {  	v14 =	vadd.f32 v18, v14;
	v15 =	vadd.f32 v19, v15;
	v60 =	vshll.u32 v33, $0x17  }
0x17a: {  	v59 =	vld [tilespmem:$0x1FC50];
	vm12 =	vnez.u8 v53;
	vm13 =	vnez.u8 v58;
	v4 =	vsub.f32 v4, v63  }
0x17b: {  	v62 =	vld [tilespmem:$0x1FC60];
	v61 =	vadd.s32 $0x3F800000, v60;
	v16 =	vadd.f32 v20, v16;
	v6 =	vadd.f32 v21, v6  }
0x17c: {  	v14 =	vadd.f32 v22, v14;
	v15 =	vadd.f32 v23, v15;
	v13 =	vsel vm12, v5, v13  }
0x17d: {  	v29 =	vld [tilespmem:$0x1FD30];
	v44 =	vmul.f32 $9.574329480e-03, v4;
	v16 =	vadd.f32 v24, v16;
	v6 =	vadd.f32 v26, v6  }
0x17e: {  	v5 =	vsel vm12, $0x3C, v5;
	v63 =	vld [tilespmem:$0x1FC70];
	v14 =	vadd.f32 v38, v14;
	v15 =	vadd.f32 v40, v15  }
0x17f: {  	vm14 =	vnez.u8 v59;
	v46 =	vadd.f32 $5.592967570e-02, v44;
	v16 =	vadd.f32 v41, v16  }
0x180: {  	vm0 =	vnez.u8 v62;
	v6 =	vadd.f32 v37, v6;
	v14 =	vadd.f32 v27, v14  }
0x181: {  	v0 =	vadd.f32 v0, v15;
	v47 =	vmul.f32 v46, v4;
	v49 =	vadd.f32 v28, v16  }
0x182: {  	v18 =	vld [tilespmem:$0x1FC90];
	v52 =	vpop (erf);
	vm4 =	vnez.u8 v29;
	v1 =	vadd.f32 v1, v6;
	v51 =	vadd.f32 v8, v14  }
0x183: {  	v20 =	vld [tilespmem:$0x1FCA0];
	v54 =	vpop (erf);
	vm12 =	vnez.u8 v63;
	v0 =	vadd.f32 v9, v0;
	v17 =	vadd.f32 $2.402472350e-01, v47  }
0x184: {  	v21 =	vld [tilespmem:$0x1FCB0];
	v56 =	vpop (erf);
	v14 =	vsel vm13, $0xD, v34;
	v10 =	vadd.f32 v10, v49;
	v1 =	vadd.f32 v3, v1  }
0x185: {  	v24 =	vld [tilespmem:$0x1FCE0];
	v57 =	vpop (erf);
	v6 =	vadd.f32 v52, v51;
	v0 =	vadd.f32 v54, v0;
	v50 =	vmul.f32 v17, v4  }
0x186: {  	v23 =	vld [tilespmem:$0x1FCD0];
	v16 =	vsel vm14, $0x1D, v48;
	v10 =	vadd.f32 v56, v10;
	v1 =	vadd.f32 v57, v1  }
0x187: {  	vm14 =	vnez.u8 v18;
	v0 =	vadd.f32 v0, v6;
	v17 =	vld [tilespmem:$0x1FC80];
	v55 =	vadd.f32 $6.931198230e-01, v50  }
0x188: {  	v27 =	vld [tilespmem:$0x1FD10];
	v1 =	vadd.f32 v1, v10;
	v10 =	vsel vm0, $0x2D, v12;
	vm0 =	vnez.u8 v20  }
0x189: {  	v37 =	vld [tilespmem:$0x1FD60];
	v12 =	vsel vm12, $0x3D, v13;
	vm12 =	vnez.u8 v21;
	v10 =	vsel vm0, v2, v10  }
0x18a: {  	v2 =	vsel vm0, $0x2D, v2;
	vm0 =	vnez.u8 v24;
	v4 =	vmul.f32 v55, v4  }
0x18b: {  	v22 =	vld [tilespmem:$0x1FCC0];
	v0 =	vadd.f32 v1, v0;
	v1 =	vsel vm14, v7, v16;
	v7 =	vsel vm14, $0x1D, v7  }
0x18c: {  	v25 =	vld [tilespmem:$0x1FCF0];
	vm14 =	vnez.u8 v23;
	v10 =	vsel vm0, $0x2E, v10;
	vm13 =	vnez.u8 v17  }
0x18d: {  	v36 =	vld [tilespmem:$0x1FD50];
	v1 =	vsel vm14, $0x1E, v1;
	v10 =	vsel vm10, v2, v10;
	v2 =	vsel vm10, $0x2E, v2  }
0x18e: {  	v26 =	vld [tilespmem:$0x1FD00];
	vm14 =	vnez.u8 v27;
	vm10 =	vnez.u8 v37;
	v4 =	vadd.f32 $9.999992250e-01, v4  }
0x18f: {  	v6 =	vsel vm13, v11, v14;
	v11 =	vsel vm13, $0xD, v11;
	(erf) = vrcp.f32 v0  }
0x190: {  	v0 =	vsel vm12, v5, v12;
	v5 =	vsel vm12, $0x3D, v5;
	vm13 =	vnez.u8 v22  }
0x191: {  	v28 =	vld [tilespmem:$0x1FD20];
	vm12 =	vnez.u8 v25;
	v1 =	vsel vm9, v7, v1;
	v4 =	vmul.f32 v61, v4  }
0x192: {  	v35 =	vld [tilespmem:$0x1FD40];
	v7 =	vsel vm9, $0x1E, v7;
	vm9 =	vnez.u8 v36;
	v6 =	vsel vm13, $0xE, v6  }
0x193: {  	v0 =	vsel vm12, $0x3E, v0;
	vm13 =	vnez.u8 v26;
	v19 =	vadd.f32 $1.000000000e+00, v4  }
0x194: {  	v1 =	vsel vm14, $0x1F, v1;
	v6 =	vsel vm15, v11, v6;
	v11 =	vsel vm15, $0xE, v11  }
0x195: {  	v0 =	vsel vm11, v5, v0;
	v5 =	vsel vm11, $0x3E, v5;
	(erf) = vrcp.f32 v19  }
0x196: {  	vm15 =	vnez.u8 v28;
	v30 =	vsel vm8, v7, v1;
	v7 =	vsel vm8, $0x1F, v7  }
0x197: {  	vm8 =	vnez.u8 v35;
	v6 =	vsel vm13, $0xF, v6;
	v10 =	vsel vm15, $0x2F, v10  }
0x198: {  	v0 =	vsel vm4, $0x3F, v0;
	v6 =	vsel vm7, v11, v6;
	v31 =	vsel vm6, v2, v10  }
0x199: {  	v0 =	vsel vm5, v5, v0;
	v11 =	vsel vm7, $0xF, v11;
	v2 =	vsel vm6, $0x2F, v2  }
0x19a: {  	[tilespmem:s3+$0x8000] =	vst v52;
	v5 =	vsel vm5, $0x3F, v5;
	v32 =	vsel vm2, v7, v11;
	v6 =	vsel vm2, v11, v6  }
0x19b: {  	[tilespmem:s9+$0x8000] =	vst v54;
	v7 =	vsel vm2, v30, v7;
	v34 =	vsel vm3, v2, v31;
	v0 =	vsel vm3, v0, v5  }
0x19c: {  	s0 =	sshll.u32 s0, $0x8;
	[tilespmem:s31+$0x8000] =	vst v56;
	v2 =	vsel vm3, v5, v2;
	v6 =	vsel vm8, v7, v6;
	v0 =	vsel vm9, v0, v34  }
0x19d: {  	s4 =	sor.u32 s11, s0;
	[tilespmem:s26+$0x8000] =	vst v57;
	v5 =	vsel vm1, v2, v32;
	v3 =	vsel vm1, v32, v6;
	v0 =	vsel vm1, v0, v2;
	v10 =	vpop (erf)  }
0x19e: {  	[tilespmem:s4+$0x10400] =	vst v5;
	v0 =	vsel vm10, v0, v3;
	v33 =	vpop (erf)  }
0x19f: {  	[tilespmem:s4+$0x10480] =	vst v0;
	v4 =	vmul.f32 v33, v4  }
0x1a0: {  	[tilespmem:s4+$0x10000] =	vst v33  }
0x1a1: {  	[tilespmem:s4+$0x10080] =	vst v4  }
0x1a2: {  	v0 =	vld [tilespmem:s19+$0x8000]  }
0x1a3: {  	v38 =	vld [tilespmem:s19+$0x8080]  }
0x1a4: {  	v39 =	vld [tilespmem:s19+$0x8100]  }
0x1a5: {  	v4 =	vld [tilespmem:s13+$0x8000]  }
0x1a6: {  	v5 =	vld [tilespmem:s19+$0x8200]  }
0x1a7: {  	v40 =	vld [tilespmem:s19+$0x8280];
	v0 =	vmul.f32 v0, v10  }
0x1a8: {  	v41 =	vld [tilespmem:s19+$0x8300];
	v2 =	vmul.f32 v38, v10  }
0x1a9: {  	v8 =	vld [tilespmem:s8+$0x8000];
	v3 =	vmul.f32 v39, v10;
	[tilespmem:s19+$0x8000] =	vst v0  }
0x1aa: {  	v42 =	vmul.f32 v4, v10;
	[tilespmem:s19+$0x8080] =	vst v2  }
0x1ab: {  	v43 =	vmul.f32 v5, v10;
	[tilespmem:s19+$0x8100] =	vst v3  }
0x1ac: {  	v44 =	vmul.f32 v40, v10;
	[tilespmem:s13+$0x8000] =	vst v42  }
0x1ad: {  	v45 =	vmul.f32 v41, v10;
	[tilespmem:s19+$0x8200] =	vst v43  }
0x1ae: {  	s11 =	sor.u32 $0x10, s11;
	v46 =	vmul.f32 v8, v10;
	[tilespmem:s19+$0x8280] =	vst v44  }
0x1af: {  	s29 =	sor.u32 s29, s11;
	[tilespmem:s19+$0x8300] =	vst v45  }
0x1b0: {  	v12 =	vld [tilespmem:s29+$0x0];
	[tilespmem:s8+$0x8000] =	vst v46;
	s8 =	sor.u32 $0x2000, s29  }
0x1b1: {  	s13 =	sor.u32 $0x4000, s29;
	v11 =	vld [tilespmem:s8+$0x0]  }
0x1b2: {  	v9 =	vld [tilespmem:s13+$0x0];
	s8 =	sor.u32 $0x6000, s29  }
0x1b3: {  	v24 =	vld [tilespmem:s8+$0x0];
	_ =	sdelay $0x1  }
0x1b4: {  	v52 =	vmul.f32 $1.442695020e+00, v12  }
0x1b5: {  	v53 =	vmul.f32 $1.442695020e+00, v11  }
0x1b6: {  	(erf) = vpow2.f32 v52;
	v54 =	vmul.f32 $1.442695020e+00, v9  }
0x1b7: {  	v55 =	vmul.f32 $1.442695020e+00, v24;
	(erf) = vpow2.f32 v53  }
0x1b8: {  	(erf) = vpow2.f32 v54  }
0x1b9: {  	(erf) = vpow2.f32 v55;
	_ =	sdelay $0x5  }
0x1ba: {  	v27 =	vpop (erf)  }
0x1bb: {  	[tilespmem:s29+$0x8000] =	vst v27;
	v28 =	vpop (erf)  }
0x1bc: {  	v34 =	vpop (erf);
	[tilespmem:s29+$0xA000] =	vst v28  }
0x1bd: {  	v33 =	vpop (erf);
	[tilespmem:s29+$0xC000] =	vst v34  }
0x1be: {  	v2 =	vld [tilespmem:s29+$0x80];
	s13 =	sor.u32 $0x2080, s29;
	[tilespmem:s29+$0xE000] =	vst v33  }
0x1bf: {  	s8 =	sor.u32 $0x4080, s29;
	v3 =	vld [tilespmem:s13+$0x0]  }
0x1c0: {  	v4 =	vld [tilespmem:s8+$0x0];
	s13 =	sor.u32 $0x6080, s29  }
0x1c1: {  	v7 =	vld [tilespmem:s13+$0x0];
	_ =	sdelay $0x1  }
0x1c2: {  	v56 =	vmul.f32 $1.442695020e+00, v2  }
0x1c3: {  	v57 =	vmul.f32 $1.442695020e+00, v3  }
0x1c4: {  	(erf) = vpow2.f32 v56;
	v58 =	vmul.f32 $1.442695020e+00, v4  }
0x1c5: {  	v59 =	vmul.f32 $1.442695020e+00, v7;
	(erf) = vpow2.f32 v57  }
0x1c6: {  	(erf) = vpow2.f32 v58  }
0x1c7: {  	(erf) = vpow2.f32 v59;
	_ =	sdelay $0x5  }
0x1c8: {  	v29 =	vpop (erf)  }
0x1c9: {  	[tilespmem:s29+$0x8080] =	vst v29;
	v31 =	vpop (erf)  }
0x1ca: {  	v21 =	vpop (erf);
	[tilespmem:s29+$0xA080] =	vst v31  }
0x1cb: {  	v20 =	vpop (erf);
	[tilespmem:s29+$0xC080] =	vst v21  }
0x1cc: {  	v8 =	vld [tilespmem:s29+$0x100];
	s8 =	sor.u32 $0x2100, s29;
	[tilespmem:s29+$0xE080] =	vst v20  }
0x1cd: {  	s13 =	sor.u32 $0x4100, s29;
	v14 =	vld [tilespmem:s8+$0x0]  }
0x1ce: {  	v36 =	vld [tilespmem:s13+$0x0];
	s8 =	sor.u32 $0x6100, s29  }
0x1cf: {  	v15 =	vld [tilespmem:s8+$0x0];
	_ =	sdelay $0x1  }
0x1d0: {  	v60 =	vmul.f32 $1.442695020e+00, v8  }
0x1d1: {  	v61 =	vmul.f32 $1.442695020e+00, v14  }
0x1d2: {  	(erf) = vpow2.f32 v60;
	v62 =	vmul.f32 $1.442695020e+00, v36  }
0x1d3: {  	v63 =	vmul.f32 $1.442695020e+00, v15;
	(erf) = vpow2.f32 v61  }
0x1d4: {  	(erf) = vpow2.f32 v62  }
0x1d5: {  	(erf) = vpow2.f32 v63;
	_ =	sdelay $0x5  }
0x1d6: {  	v37 =	vpop (erf)  }
0x1d7: {  	[tilespmem:s29+$0x8100] =	vst v37;
	v40 =	vpop (erf)  }
0x1d8: {  	v63 =	vpop (erf);
	[tilespmem:s29+$0xA100] =	vst v40  }
0x1d9: {  	v62 =	vpop (erf);
	[tilespmem:s29+$0xC100] =	vst v63  }
0x1da: {  	v22 =	vld [tilespmem:s29+$0x180];
	s13 =	sor.u32 $0x2180, s29;
	[tilespmem:s29+$0xE100] =	vst v62  }
0x1db: {  	s8 =	sor.u32 $0x4180, s29;
	v35 =	vld [tilespmem:s13+$0x0]  }
0x1dc: {  	v57 =	vld [tilespmem:s8+$0x0];
	s13 =	sor.u32 $0x6180, s29  }
0x1dd: {  	v56 =	vld [tilespmem:s13+$0x0];
	_ =	sdelay $0x1  }
0x1de: {  	v0 =	vmul.f32 $1.442695020e+00, v22  }
0x1df: {  	v1 =	vmul.f32 $1.442695020e+00, v35  }
0x1e0: {  	(erf) = vpow2.f32 v0;
	v5 =	vmul.f32 $1.442695020e+00, v57  }
0x1e1: {  	v6 =	vmul.f32 $1.442695020e+00, v56;
	(erf) = vpow2.f32 v1  }
0x1e2: {  	(erf) = vpow2.f32 v5  }
0x1e3: {  	(erf) = vpow2.f32 v6;
	_ =	sdelay $0x5  }
0x1e4: {  	v59 =	vpop (erf)  }
0x1e5: {  	v49 =	vld [tilespmem:s19+$0x9100];
	[tilespmem:s29+$0x8180] =	vst v59;
	v60 =	vpop (erf)  }
0x1e6: {  	v58 =	vpop (erf);
	[tilespmem:s29+$0xA180] =	vst v60  }
0x1e7: {  	v61 =	vpop (erf);
	[tilespmem:s29+$0xC180] =	vst v58  }
0x1e8: {  	v55 =	vld [tilespmem:s29+$0x200];
	s8 =	sor.u32 $0x2200, s29;
	[tilespmem:s29+$0xE180] =	vst v61  }
0x1e9: {  	s13 =	sor.u32 $0x4200, s29;
	v54 =	vld [tilespmem:s8+$0x0]  }
0x1ea: {  	[tilespmem:$0x1FD90] =	vst v49;
	v49 =	vld [tilespmem:s13+$0x0];
	s8 =	sor.u32 $0x6200, s29  }
0x1eb: {  	v16 =	vld [tilespmem:s8+$0x0];
	_ =	sdelay $0x1  }
0x1ec: {  	v13 =	vmul.f32 $1.442695020e+00, v55  }
0x1ed: {  	v23 =	vmul.f32 $1.442695020e+00, v54  }
0x1ee: {  	(erf) = vpow2.f32 v13;
	v25 =	vmul.f32 $1.442695020e+00, v49  }
0x1ef: {  	v47 =	vld [tilespmem:s19+$0x9000];
	v26 =	vmul.f32 $1.442695020e+00, v16;
	(erf) = vpow2.f32 v23  }
0x1f0: {  	v48 =	vld [tilespmem:s19+$0x9080];
	(erf) = vpow2.f32 v25  }
0x1f1: {  	v50 =	vld [tilespmem:s12+$0x8000];
	(erf) = vpow2.f32 v26  }
0x1f2: {  	v51 =	vld [tilespmem:s19+$0x9200];
	_ =	sdelay $0x1  }
0x1f3: {  	[tilespmem:$0x1FD70] =	vst v47  }
0x1f4: {  	[tilespmem:$0x1FD80] =	vst v48  }
0x1f5: {  	[tilespmem:$0x1FDA0] =	vst v50  }
0x1f6: {  	[tilespmem:$0x1FDB0] =	vst v51;
	v53 =	vpop (erf)  }
0x1f7: {  	[tilespmem:s29+$0x8200] =	vst v53;
	v50 =	vpop (erf)  }
0x1f8: {  	v52 =	vpop (erf);
	[tilespmem:s29+$0xA200] =	vst v50  }
0x1f9: {  	v51 =	vpop (erf);
	[tilespmem:s29+$0xC200] =	vst v52  }
0x1fa: {  	s13 =	sor.u32 $0x2280, s29;
	v17 =	vld [tilespmem:s29+$0x280];
	[tilespmem:s29+$0xE200] =	vst v51  }
0x1fb: {  	v47 =	vld [tilespmem:s13+$0x0]  }
0x1fc: {  	s8 =	sor.u32 $0x4280, s29  }
0x1fd: {  	v48 =	vld [tilespmem:s8+$0x0];
	s13 =	sor.u32 $0x6280, s29  }
0x1fe: {  	v42 =	vld [tilespmem:s13+$0x0]  }
0x1ff: {  	v30 =	vmul.f32 $1.442695020e+00, v17  }
0x200: {  	v32 =	vmul.f32 $1.442695020e+00, v47  }
0x201: {  	(erf) = vpow2.f32 v30  }
0x202: {  	v38 =	vmul.f32 $1.442695020e+00, v48;
	(erf) = vpow2.f32 v32  }
0x203: {  	v39 =	vmul.f32 $1.442695020e+00, v42  }
0x204: {  	(erf) = vpow2.f32 v38  }
0x205: {  	(erf) = vpow2.f32 v39;
	_ =	sdelay $0x4  }
0x206: {  	v46 =	vpop (erf)  }
0x207: {  	[tilespmem:s29+$0x8280] =	vst v46;
	v41 =	vpop (erf)  }
0x208: {  	[tilespmem:$0x1FDE0] =	vst v41  }
0x209: {  	v44 =	vpop (erf);
	[tilespmem:s29+$0xA280] =	vst v41  }
0x20a: {  	v5 =	vpop (erf);
	[tilespmem:s29+$0xC280] =	vst v44  }
0x20b: {  	s8 =	sor.u32 $0x2300, s29;
	v41 =	vld [tilespmem:s29+$0x300];
	[tilespmem:s29+$0xE280] =	vst v5  }
0x20c: {  	v39 =	vld [tilespmem:s8+$0x0]  }
0x20d: {  	s13 =	sor.u32 $0x4300, s29  }
0x20e: {  	v38 =	vld [tilespmem:s13+$0x0];
	s8 =	sor.u32 $0x6300, s29  }
0x20f: {  	v30 =	vld [tilespmem:s8+$0x0]  }
0x210: {  	v6 =	vmul.f32 $1.442695020e+00, v41  }
0x211: {  	v13 =	vmul.f32 $1.442695020e+00, v39  }
0x212: {  	(erf) = vpow2.f32 v6  }
0x213: {  	v23 =	vmul.f32 $1.442695020e+00, v38;
	(erf) = vpow2.f32 v13  }
0x214: {  	v25 =	vmul.f32 $1.442695020e+00, v30  }
0x215: {  	(erf) = vpow2.f32 v23  }
0x216: {  	(erf) = vpow2.f32 v25;
	_ =	sdelay $0x4  }
0x217: {  	v26 =	vpop (erf)  }
0x218: {  	[tilespmem:s29+$0x8300] =	vst v26;
	v32 =	vpop (erf)  }
0x219: {  	[tilespmem:$0x1FE20] =	vst v32  }
0x21a: {  	v43 =	vpop (erf);
	[tilespmem:s29+$0xA300] =	vst v32  }
0x21b: {  	v45 =	vpop (erf);
	[tilespmem:s29+$0xC300] =	vst v43  }
0x21c: {  	s13 =	sor.u32 $0x2380, s29;
	v32 =	vld [tilespmem:s29+$0x380];
	[tilespmem:s29+$0xE300] =	vst v45  }
0x21d: {  	s8 =	sor.u32 $0x4380, s29;
	v23 =	vld [tilespmem:s13+$0x0]  }
0x21e: {  	s13 =	sor.u32 $0x6380, s29;
	v25 =	vld [tilespmem:s8+$0x0]  }
0x21f: {  	[tilespmem:$0x1FE10] =	vst v26;
	v26 =	vld [tilespmem:s13+$0x0];
	_ =	sdelay $0x1  }
0x220: {  	v1 =	vmul.f32 $1.442695020e+00, v32  }
0x221: {  	[tilespmem:$0x1FDF0] =	vst v5;
	v5 =	vmul.f32 $1.442695020e+00, v23  }
0x222: {  	(erf) = vpow2.f32 v1;
	v6 =	vmul.f32 $1.442695020e+00, v25  }
0x223: {  	v13 =	vmul.f32 $1.442695020e+00, v26;
	(erf) = vpow2.f32 v5  }
0x224: {  	(erf) = vpow2.f32 v6  }
0x225: {  	(erf) = vpow2.f32 v13;
	_ =	sdelay $0x4  }
0x226: {  	[tilespmem:$0x1FE30] =	vst v43  }
0x227: {  	[tilespmem:$0x1FE40] =	vst v45;
	v19 =	vpop (erf)  }
0x228: {  	[tilespmem:s29+$0x8380] =	vst v19;
	v43 =	vpop (erf)  }
0x229: {  	[tilespmem:s29+$0xA380] =	vst v43;
	v45 =	vpop (erf)  }
0x22a: {  	[tilespmem:s29+$0xC380] =	vst v45;
	v5 =	vpop (erf)  }
0x22b: {  	s8 =	sor.u32 $0x1000, s29;
	[tilespmem:s29+$0xE380] =	vst v5  }
0x22c: {  	[tilespmem:$0x1FE70] =	vst v45;
	v45 =	vld [tilespmem:s8+$0x0]  }
0x22d: {  	s13 =	sor.u32 $0x3000, s29  }
0x22e: {  	[tilespmem:$0x1FE60] =	vst v43;
	v43 =	vld [tilespmem:s13+$0x0]  }
0x22f: {  	s4 =	sor.u32 $0x5000, s29  }
0x230: {  	vm11 =	vgt.f32 v12, $-Inf;
	s13 =	sor.u32 $0x7000, s29;
	v18 =	vld [tilespmem:s4+$0x0]  }
0x231: {  	vm12 =	vlt.f32 v2, $-Inf;
	vm13 =	vgt.f32 v2, $-Inf;
	[tilespmem:$0x1FE50] =	vst v19;
	v19 =	vld [tilespmem:s13+$0x0];
	v6 =	vmul.f32 $1.442695020e+00, v45  }
0x232: {  	vm5 =	vmor vm13, vm12;
	vm7 =	vlt.f32 v9, $-Inf;
	vm12 =	vgt.f32 v9, $-Inf  }
0x233: {  	vm2 =	vmor vm12, vm7;
	v13 =	vmul.f32 $1.442695020e+00, v43;
	(erf) = vpow2.f32 v6  }
0x234: {  	vm14 =	vlt.f32 v11, $-Inf;
	vm6 =	vgt.f32 v11, $-Inf;
	v9 =	vnsel vm2, $0xFF800000, v9  }
0x235: {  	vm10 =	vmor vm6, vm14;
	[tilespmem:$0x1FE80] =	vst v5;
	v5 =	vmul.f32 $1.442695020e+00, v18;
	(erf) = vpow2.f32 v13  }
0x236: {  	vm7 =	vgt.f32 v24, $-Inf;
	v34 =	vadd.f32 $0.0e+00, v34;
	v6 =	vmul.f32 $1.442695020e+00, v19  }
0x237: {  	v33 =	vadd.f32 $0.0e+00, v33;
	vm13 =	vlt.f32 v3, $-Inf;
	(erf) = vpow2.f32 v5  }
0x238: {  	vm14 =	vgt.f32 v3, $-Inf;
	vm3 =	vlt.f32 v4, $-Inf;
	(erf) = vpow2.f32 v6  }
0x239: {  	vm4 =	vgt.f32 v4, $-Inf;
	vm1 =	vgt.f32 v4, v9;
	v13 =	vnsel vm11, $0xFF800000, v12  }
0x23a: {  	v20 =	vadd.f32 v20, v33;
	vm15 =	vgt.f32 v2, v13;
	v6 =	vimm.s32 $0x0  }
0x23b: {  	v12 =	vnsel vm5, $0xFF800000, v2;
	vm9 =	vmneg vm15;
	v1 =	vsel vm15, $0xFFFFFFFF, v6  }
0x23c: {  	v0 =	vadd.f32 $0.0e+00, v28;
	v6 =	vsel vm9, v12, v13;
	[tilespmem:$0x1FDD0] =	vst v1;
	v1 =	vsel vm9, v13, v2;
	v13 =	vpop (erf)  }
0x23d: {  	vm13 =	vmor vm14, vm13;
	vm6 =	vmor vm4, vm3;
	vm8 =	vlt.f32 v7, $-Inf;
	[tilespmem:$0x1FE90] =	vst v13  }
0x23e: {  	vm12 =	vgt.f32 v7, $-Inf;
	v0 =	vadd.f32 v31, v0;
	v20 =	vadd.f32 v62, v20;
	[tilespmem:s29+$0x9000] =	vst v13;
	v13 =	vpop (erf)  }
0x23f: {  	v62 =	vimm.s32 $0x0;
	v5 =	vnsel vm6, $0xFF800000, v4;
	v4 =	vsel vm1, v4, v9;
	[tilespmem:$0x1FEA0] =	vst v13  }
0x240: {  	v5 =	vsel vm1, v9, v5;
	vm15 =	vlt.f32 v24, $-Inf;
	v2 =	vnsel vm10, $0xFF800000, v11;
	[tilespmem:s29+$0xB000] =	vst v13;
	v13 =	vpop (erf)  }
0x241: {  	v11 =	vnsel vm13, $0xFF800000, v3;
	vm0 =	vmor vm7, vm15;
	vm15 =	vmor vm12, vm8;
	[tilespmem:s29+$0xD000] =	vst v13;
	v12 =	vpop (erf)  }
0x242: {  	s13 =	sor.u32 $0x1080, s29;
	vm7 =	vgt.f32 v8, v6;
	vm9 =	vmand vm9, vm5;
	vm11 =	vgt.f32 v3, v2;
	[tilespmem:s29+$0xF000] =	vst v12  }
0x243: {  	s8 =	sor.u32 $0x3080, s29;
	v9 =	vnsel vm0, $0xFF800000, v24;
	vm3 =	vgt.f32 v8, v1;
	v6 =	vsel vm7, v8, v6;
	v24 =	vld [tilespmem:s13+$0x0]  }
0x244: {  	v11 =	vsel vm11, v2, v11;
	v2 =	vsel vm11, v3, v2;
	[tilespmem:$0x1FEC0] =	vst v12;
	v12 =	vadd.f32 $0.0e+00, v27;
	v27 =	vld [tilespmem:s8+$0x0]  }
0x245: {  	vm8 =	vgt.f32 v7, v9;
	v6 =	vsel vm3, v1, v6;
	v8 =	vsel vm3, v8, v1  }
0x246: {  	vm12 =	vgt.f32 v14, v11;
	vm4 =	vgt.f32 v14, v2;
	vm5 =	vgt.f32 v22, v6;
	s13 =	sor.u32 $0x5080, s29  }
0x247: {  	v11 =	vsel vm12, v14, v11;
	v6 =	vsel vm5, v22, v6;
	[tilespmem:$0x1FEB0] =	vst v13;
	v13 =	vnsel vm15, $0xFF800000, v7;
	v28 =	vld [tilespmem:s13+$0x0]  }
0x248: {  	v7 =	vsel vm8, v7, v9;
	v3 =	vsel vm8, v9, v13;
	s8 =	sor.u32 $0x7080, s29;
	v31 =	vmul.f32 $1.442695020e+00, v24  }
0x249: {  	vm14 =	vgt.f32 v15, v3;
	v13 =	vadd.f32 v29, v12;
	v29 =	vld [tilespmem:s8+$0x0];
	v33 =	vmul.f32 $1.442695020e+00, v27  }
0x24a: {  	v12 =	vadd.f32 v21, v34;
	v34 =	vimm.s32 $0x0;
	(erf) = vpow2.f32 v31  }
0x24b: {  	v9 =	vsel vm12, $0xFFFFFFFF, v34;
	vm12 =	vgt.f32 v36, v5;
	(erf) = vpow2.f32 v33  }
0x24c: {  	[tilespmem:$0x1FDC0] =	vst v9;
	v5 =	vsel vm12, v36, v5;
	v13 =	vadd.f32 v37, v13;
	v9 =	vmul.f32 $1.442695020e+00, v28  }
0x24d: {  	v31 =	vsel vm4, v2, v11;
	v2 =	vsel vm4, v14, v2;
	v14 =	vimm.s32 $0x0  }
0x24e: {  	v21 =	vmul.f32 $1.442695020e+00, v29;
	v11 =	vadd.f32 v40, v0;
	v1 =	vsel vm10, $0x10, v14  }
0x24f: {  	v33 =	vimm.s32 $0x0;
	vm10 =	vgt.f32 v36, v4;
	(erf) = vpow2.f32 v9  }
0x250: {  	v37 =	vld [tilespmem:$0x1FD70];
	v34 =	vsel vm13, $0x11, v33;
	v9 =	vsel vm10, v4, v5;
	v4 =	vsel vm10, v36, v4  }
0x251: {  	vm13 =	vgt.f32 v15, v7;
	v36 =	vsel vm14, v15, v3;
	(erf) = vpow2.f32 v21  }
0x252: {  	v5 =	vsel vm13, v7, v36;
	v7 =	vsel vm13, v15, v7;
	v15 =	vadd.f32 v63, v12;
	v12 =	vld [tilespmem:$0x1FD80]  }
0x253: {  	v14 =	vsel vm11, v1, v34;
	v34 =	vsel vm2, $0x20, v62;
	vm2 =	vgt.f32 v22, v8;
	v0 =	vpop (erf)  }
0x254: {  	v6 =	vsel vm2, v8, v6;
	v8 =	vsel vm2, v22, v8;
	v22 =	vpop (erf)  }
0x255: {  	v20 =	vadd.f32 v61, v20;
	v13 =	vadd.f32 v59, v13;
	v40 =	vmul.f32 v37, v10;
	v33 =	vld [tilespmem:s19+$0x9280];
	[tilespmem:$0x1FEE0] =	vst v22  }
0x256: {  	v21 =	vsel vm11, $0x11, v1;
	v36 =	vld [tilespmem:s3+$0x8000];
	v63 =	vimm.s32 $0x0;
	[tilespmem:s29+$0xB080] =	vst v22;
	v22 =	vimm.s32 $0x0  }
0x257: {  	v62 =	vmul.f32 v12, v10;
	v12 =	vimm.s32 $0x0;
	v1 =	vsel vm15, $0x31, v22;
	v22 =	vld [tilespmem:$0x1FDA0]  }
0x258: {  	[tilespmem:s19+$0x9000] =	vst v40;
	v37 =	vsel vm0, $0x30, v63;
	v63 =	vld [tilespmem:$0x1FD90]  }
0x259: {  	v20 =	vadd.f32 v51, v20;
	v13 =	vadd.f32 v53, v13;
	v40 =	vld [tilespmem:s19+$0x9300];
	[tilespmem:$0x1FED0] =	vst v0  }
0x25a: {  	v11 =	vadd.f32 v60, v11;
	vm11 =	vgt.f32 v35, v31;
	v3 =	vsel vm6, $0x21, v12;
	[tilespmem:s29+$0x9080] =	vst v0;
	v12 =	vpop (erf)  }
0x25b: {  	v60 =	vimm.s32 $0x0;
	v13 =	vadd.f32 v46, v13;
	v31 =	vsel vm11, v35, v31;
	[tilespmem:$0x1FEF0] =	vst v12  }
0x25c: {  	v11 =	vadd.f32 v50, v11;
	v15 =	vadd.f32 v58, v15;
	[tilespmem:s29+$0xD080] =	vst v12;
	v12 =	vpop (erf);
	v0 =	vmul.f32 v22, v10;
	v22 =	vld [tilespmem:$0x1FDB0]  }
0x25d: {  	s13 =	sor.u32 $0x1100, s29;
	v33 =	vmul.f32 v33, v10;
	v63 =	vmul.f32 v63, v10;
	vm6 =	vgt.f32 v35, v2;
	[tilespmem:s29+$0xF080] =	vst v12  }
0x25e: {  	s8 =	sor.u32 $0x3100, s29;
	v40 =	vmul.f32 v40, v10;
	v31 =	vsel vm6, v2, v31;
	[tilespmem:s19+$0x9080] =	vst v62;
	v2 =	vsel vm6, v35, v2;
	v35 =	vld [tilespmem:s13+$0x0]  }
0x25f: {  	v62 =	vmul.f32 v36, v10;
	v3 =	vsel vm1, v34, v3;
	[tilespmem:s19+$0x9100] =	vst v63;
	v63 =	vimm.s32 $0x0;
	v36 =	vld [tilespmem:s8+$0x0]  }
0x260: {  	v3 =	vsel vm12, $0x22, v3;
	vm12 =	vgt.f32 v54, v31;
	v1 =	vsel vm8, v37, v1;
	s13 =	sor.u32 $0x5100, s29;
	[tilespmem:s12+$0x8000] =	vst v0  }
0x261: {  	v0 =	vsel vm1, $0x21, v34;
	v34 =	vsel vm8, $0x31, v37;
	v37 =	vld [tilespmem:s13+$0x0];
	[tilespmem:s19+$0x9280] =	vst v33;
	v22 =	vmul.f32 v22, v10  }
0x262: {  	v63 =	vsel vm9, $0x1, v63;
	vm15 =	vgt.f32 v57, v9;
	vm9 =	vgt.f32 v56, v7;
	[tilespmem:s19+$0x9300] =	vst v40  }
0x263: {  	v61 =	vld [tilespmem:$0x1FDD0];
	v9 =	vsel vm15, v57, v9;
	s8 =	sor.u32 $0x7100, s29;
	vm8 =	vgt.f32 v57, v4;
	v33 =	vmul.f32 $1.442695020e+00, v35;
	[tilespmem:s19+$0x9200] =	vst v22  }
0x264: {  	v9 =	vsel vm8, v4, v9;
	v40 =	vld [tilespmem:s8+$0x0];
	v4 =	vsel vm8, v57, v4;
	v57 =	vmul.f32 $1.442695020e+00, v36;
	[tilespmem:s3+$0x8000] =	vst v62  }
0x265: {  	(erf) = vpow2.f32 v33;
	v22 =	vsel vm7, $0x2, v63;
	vm7 =	vgt.f32 v56, v5;
	v33 =	vld [tilespmem:s19+$0xA000]  }
0x266: {  	(erf) = vpow2.f32 v57;
	v63 =	vmul.f32 $1.442695020e+00, v37;
	v5 =	vsel vm7, v56, v5;
	v57 =	vld [tilespmem:s19+$0xA080]  }
0x267: {  	v31 =	vsel vm12, v54, v31;
	v5 =	vsel vm9, v7, v5;
	v7 =	vsel vm9, v56, v7;
	v56 =	vld [tilespmem:s19+$0xA100]  }
0x268: {  	v1 =	vsel vm14, $0x32, v1;
	vm14 =	vnez.u8 v61;
	(erf) = vpow2.f32 v63;
	v63 =	vld [tilespmem:$0x1FDC0]  }
0x269: {  	vm1 =	vgt.f32 v55, v8;
	v3 =	vsel vm10, v0, v3;
	v1 =	vsel vm13, v34, v1  }
0x26a: {  	v0 =	vsel vm10, $0x22, v0;
	v3 =	vsel vm15, $0x23, v3;
	v59 =	vmul.f32 $1.442695020e+00, v40  }
0x26b: {  	v3 =	vsel vm8, v0, v3;
	v0 =	vsel vm8, $0x23, v0;
	v62 =	vimm.s32 $0x0  }
0x26c: {  	v1 =	vsel vm7, $0x33, v1;
	(erf) = vpow2.f32 v59;
	v33 =	vmul.f32 v33, v10  }
0x26d: {  	vm0 =	vnez.u8 v63;
	v57 =	vmul.f32 v57, v10;
	v56 =	vmul.f32 v56, v10  }
0x26e: {  	v63 =	vsel vm13, $0x32, v34;
	vm13 =	vgt.f32 v49, v9;
	v34 =	vadd.f32 v52, v15  }
0x26f: {  	v14 =	vsel vm0, $0x12, v14;
	vm0 =	vgt.f32 v55, v6;
	v9 =	vsel vm13, v49, v9  }
0x270: {  	v61 =	vld [tilespmem:s30+$0x8000];
	v1 =	vsel vm9, v63, v1;
	v3 =	vsel vm13, $0x24, v3;
	v58 =	vsel vm0, $0xFFFFFFFF, v60  }
0x271: {  	v6 =	vsel vm0, v55, v6;
	v60 =	vld [tilespmem:s19+$0xA200];
	vm0 =	vgt.f32 v54, v2;
	v14 =	vsel vm4, v21, v14  }
0x272: {  	v21 =	vsel vm4, $0x12, v21;
	vm4 =	vgt.f32 v16, v7;
	[tilespmem:$0x1FE00] =	vst v58;
	v58 =	vld [tilespmem:s28+$0x8000];
	v6 =	vsel vm1, v8, v6  }
0x273: {  	v15 =	vpop (erf);
	v8 =	vsel vm1, v55, v8;
	v55 =	vsel vm14, $0x1, v62;
	v31 =	vsel vm0, v2, v31  }
0x274: {  	[tilespmem:s29+$0x9100] =	vst v15;
	v2 =	vsel vm0, v54, v2;
	vm14 =	vgt.f32 v16, v5;
	v14 =	vsel vm11, $0x13, v14  }
0x275: {  	[tilespmem:s19+$0xA100] =	vst v56;
	v56 =	vmul.f32 v61, v10;
	v22 =	vsel vm3, v55, v22;
	v5 =	vsel vm14, v16, v5  }
0x276: {  	v59 =	vld [tilespmem:s19+$0xA280];
	[tilespmem:s19+$0xA000] =	vst v33;
	vm10 =	vgt.f32 v17, v6;
	v50 =	vsel vm6, v21, v14;
	v5 =	vsel vm4, v7, v5  }
0x277: {  	[tilespmem:s19+$0xA080] =	vst v57;
	v7 =	vsel vm4, v16, v7;
	v14 =	vpop (erf);
	v54 =	vmul.f32 v58, v10;
	v58 =	vmul.f32 v60, v10;
	v60 =	vld [tilespmem:s19+$0xA300]  }
0x278: {  	v57 =	vsel vm5, $0x3, v22;
	vm5 =	vgt.f32 v17, v8;
	v6 =	vsel vm10, v17, v6;
	[tilespmem:s29+$0xB100] =	vst v14;
	v16 =	vpop (erf)  }
0x279: {  	v33 =	vsel vm9, $0x33, v63;
	v6 =	vsel vm5, v8, v6;
	v8 =	vsel vm5, v17, v8;
	[tilespmem:s29+$0xD100] =	vst v16;
	v17 =	vpop (erf)  }
0x27a: {  	v55 =	vsel vm3, $0x2, v55;
	vm3 =	vgt.f32 v49, v4;
	v21 =	vsel vm6, $0x13, v21;
	[tilespmem:s29+$0xF100] =	vst v17  }
0x27b: {  	v9 =	vsel vm3, v4, v9;
	v4 =	vsel vm3, v49, v4;
	v49 =	vmul.f32 v59, v10;
	[tilespmem:s28+$0x8000] =	vst v54  }
0x27c: {  	vm11 =	vgt.f32 v47, v31;
	v1 =	vsel vm14, $0x34, v1;
	[tilespmem:s19+$0xA200] =	vst v58;
	v54 =	vmul.f32 v60, v10  }
0x27d: {  	v53 =	vsel vm4, $0x34, v33;
	v52 =	vsel vm2, $0x3, v55;
	v31 =	vsel vm11, v47, v31;
	[tilespmem:s19+$0xA280] =	vst v49  }
0x27e: {  	s12 =	sor.u32 $0x1180, s29;
	v3 =	vsel vm3, v0, v3;
	v49 =	vsel vm2, v55, v57;
	vm2 =	vgt.f32 v47, v2;
	v55 =	vld [tilespmem:$0x1FE00];
	[tilespmem:s19+$0xA300] =	vst v54  }
0x27f: {  	v1 =	vsel vm4, v33, v1;
	v31 =	vsel vm2, v2, v31;
	v2 =	vsel vm2, v47, v2;
	v47 =	vld [tilespmem:s12+$0x0];
	[tilespmem:s30+$0x8000] =	vst v56  }
0x280: {  	v0 =	vsel vm3, $0x24, v0;
	vm15 =	vgt.f32 v48, v9;
	vm6 =	vgt.f32 v48, v4;
	v58 =	vld [tilespmem:s19+$0xB000]  }
0x281: {  	vm8 =	vgt.f32 v42, v5;
	vm7 =	vgt.f32 v42, v7;
	v9 =	vsel vm15, v48, v9;
	v59 =	vld [tilespmem:s19+$0xB080]  }
0x282: {  	v5 =	vsel vm8, v42, v5;
	v3 =	vsel vm15, $0x25, v3;
	v1 =	vsel vm8, $0x35, v1;
	v60 =	vld [tilespmem:s19+$0xB100]  }
0x283: {  	v9 =	vsel vm6, v4, v9;
	v4 =	vsel vm6, v48, v4;
	v5 =	vsel vm7, v7, v5;
	v54 =	vld [tilespmem:s1+$0x8000]  }
0x284: {  	v7 =	vsel vm7, v42, v7;
	v3 =	vsel vm6, v0, v3;
	vm14 =	vgt.f32 v38, v9;
	v61 =	vld [tilespmem:s19+$0xB200]  }
0x285: {  	v1 =	vsel vm7, v53, v1;
	v0 =	vsel vm6, $0x25, v0;
	v9 =	vsel vm14, v38, v9;
	v56 =	vld [tilespmem:s19+$0xB280]  }
0x286: {  	s13 =	sor.u32 $0x3180, s29;
	v3 =	vsel vm14, $0x26, v3;
	vm13 =	vgt.f32 v39, v31;
	v57 =	vld [tilespmem:s19+$0xB300];
	v22 =	vmul.f32 v58, v10  }
0x287: {  	v48 =	vld [tilespmem:s13+$0x0];
	v31 =	vsel vm13, v39, v31;
	v51 =	vmul.f32 v59, v10;
	v62 =	vmul.f32 v60, v10  }
0x288: {  	s28 =	sor.u32 $0x5180, s29;
	vm9 =	vnez.u8 v55;
	v58 =	vld [tilespmem:s9+$0x8000];
	v63 =	vmul.f32 v54, v10;
	v54 =	vmul.f32 $1.442695020e+00, v47;
	[tilespmem:s19+$0xB000] =	vst v22  }
0x289: {  	v46 =	vld [tilespmem:s28+$0x0];
	v49 =	vsel vm9, $0x4, v49;
	vm9 =	vgt.f32 v41, v8;
	v60 =	vmul.f32 v61, v10;
	[tilespmem:s19+$0xB080] =	vst v51  }
0x28a: {  	v59 =	vld [tilespmem:$0x1FDE0];
	[tilespmem:s19+$0xB100] =	vst v62;
	v22 =	vadd.f32 v44, v34;
	(erf) = vpow2.f32 v54;
	v62 =	vmul.f32 v56, v10  }
0x28b: {  	v61 =	vld [tilespmem:$0x1FDF0];
	v56 =	vsel vm12, $0x14, v50;
	vm12 =	vgt.f32 v41, v6;
	[tilespmem:s1+$0x8000] =	vst v63;
	v63 =	vmul.f32 v57, v10  }
0x28c: {  	v57 =	vmul.f32 $1.442695020e+00, v48;
	v6 =	vsel vm12, v41, v6;
	v42 =	vsel vm0, v21, v56  }
0x28d: {  	v21 =	vsel vm0, $0x14, v21;
	vm0 =	vgt.f32 v39, v2;
	v6 =	vsel vm9, v8, v6  }
0x28e: {  	[tilespmem:s19+$0xB200] =	vst v60;
	v8 =	vsel vm9, v41, v8;
	v60 =	vsel vm1, v52, v49;
	v55 =	vsel vm11, $0x15, v42  }
0x28f: {  	vm11 =	vgt.f32 v30, v7;
	v11 =	vadd.f32 v59, v11;
	v54 =	vmul.f32 v58, v10  }
0x290: {  	s30 =	sor.u32 $0x7180, s29;
	v20 =	vadd.f32 v61, v20;
	v58 =	vmul.f32 $1.442695020e+00, v46;
	(erf) = vpow2.f32 v57  }
0x291: {  	v44 =	vld [tilespmem:s30+$0x0];
	v61 =	vsel vm1, $0x4, v52;
	vm1 =	vgt.f32 v38, v4;
	v52 =	vsel vm0, v2, v31  }
0x292: {  	v2 =	vsel vm0, v39, v2;
	v34 =	vsel vm2, v21, v55;
	v21 =	vsel vm2, $0x15, v21  }
0x293: {  	v57 =	vsel vm7, $0x35, v53;
	vm3 =	vgt.f32 v32, v8;
	vm15 =	vgt.f32 v32, v6  }
0x294: {  	[tilespmem:s19+$0xB280] =	vst v62;
	v41 =	vld [tilespmem:$0x1FE20];
	v9 =	vsel vm1, v4, v9;
	v4 =	vsel vm1, v38, v4;
	v56 =	vsel vm5, $0x5, v61  }
0x295: {  	v42 =	vld [tilespmem:$0x1FE30];
	[tilespmem:s19+$0xB300] =	vst v63;
	v3 =	vsel vm1, v0, v3;
	v55 =	vsel vm1, $0x26, v0;
	(erf) = vpow2.f32 v58  }
0x296: {  	[tilespmem:s9+$0x8000] =	vst v54;
	v63 =	vmul.f32 $1.442695020e+00, v44;
	v54 =	vsel vm10, $0x5, v60;
	vm10 =	vgt.f32 v30, v5  }
0x297: {  	v33 =	vsel vm5, v61, v54;
	v5 =	vsel vm10, v30, v5;
	v1 =	vsel vm10, $0x36, v1  }
0x298: {  	v59 =	vld [tilespmem:s19+$0xC000];
	vm10 =	vgt.f32 v25, v9;
	(erf) = vpow2.f32 v63;
	v5 =	vsel vm11, v7, v5  }
0x299: {  	v62 =	vld [tilespmem:s19+$0xC080];
	v58 =	vsel vm12, $0x6, v33;
	v7 =	vsel vm11, v30, v7;
	v63 =	vsel vm9, $0x6, v56  }
0x29a: {  	v41 =	vadd.f32 v41, v11;
	v42 =	vadd.f32 v42, v22;
	vm12 =	vgt.f32 v23, v2  }
0x29b: {  	v9 =	vsel vm10, v25, v9;
	v3 =	vsel vm10, $0x27, v3;
	v60 =	vsel vm9, v56, v58  }
0x29c: {  	vm14 =	vgt.f32 v26, v7;
	vm9 =	vgt.f32 v23, v52;
	v56 =	vsel vm15, v32, v6  }
0x29d: {  	v58 =	vsel vm3, v8, v56;
	v8 =	vsel vm3, v32, v8;
	v39 =	vmul.f32 v59, v10  }
0x29e: {  	v38 =	vmul.f32 v62, v10;
	v59 =	vsel vm13, $0x16, v34;
	v62 =	vsel vm11, v57, v1  }
0x29f: {  	vm13 =	vgt.f32 v25, v4;
	v61 =	vsel vm0, v21, v59;
	v21 =	vsel vm0, $0x16, v21  }
0x2a0: {  	v49 =	vld [tilespmem:$0x1FE40];
	v9 =	vsel vm13, v4, v9;
	v59 =	vsel vm15, $0x7, v60;
	v25 =	vsel vm13, v25, v4  }
0x2a1: {  	v34 =	vld [tilespmem:$0x1FE10];
	v56 =	vsel vm13, $0x27, v55;
	vm0 =	vgt.f32 v45, v8;
	vm15 =	vgt.f32 v45, v58  }
0x2a2: {  	v60 =	vsel vm9, $0x17, v61;
	v50 =	vsel vm3, v63, v59;
	vm10 =	vgt.f32 v18, v9  }
0x2a3: {  	v63 =	vsel vm3, $0x7, v63;
	v11 =	vsel vm15, v45, v58;
	v9 =	vsel vm10, v18, v9  }
0x2a4: {  	v11 =	vsel vm0, v8, v11;
	v50 =	vsel vm15, $0x8, v50;
	v8 =	vsel vm0, v45, v8  }
0x2a5: {  	v50 =	vsel vm0, v63, v50;
	vm3 =	vgt.f32 v24, v8;
	vm15 =	vgt.f32 v24, v11  }
0x2a6: {  	v31 =	vadd.f32 v34, v13;
	v13 =	vsel vm11, $0x36, v57;
	v34 =	vadd.f32 v49, v20  }
0x2a7: {  	vm11 =	vgt.f32 v26, v5;
	v57 =	vsel vm9, v23, v52;
	v20 =	vsel vm12, v21, v60  }
0x2a8: {  	v23 =	vsel vm12, v23, v2;
	v21 =	vsel vm12, $0x17, v21;
	v11 =	vsel vm15, v24, v11  }
0x2a9: {  	v5 =	vsel vm11, v26, v5;
	v6 =	vsel vm12, v2, v57;
	v61 =	vsel vm11, $0x37, v62  }
0x2aa: {  	v62 =	vsel vm13, v55, v3;
	vm12 =	vgt.f32 v43, v23;
	vm13 =	vgt.f32 v18, v25  }
0x2ab: {  	v11 =	vsel vm3, v8, v11;
	v55 =	vsel vm15, $0x9, v50;
	v8 =	vsel vm3, v24, v8  }
0x2ac: {  	v5 =	vsel vm14, v7, v5;
	v22 =	vsel vm14, v13, v61;
	v7 =	vsel vm14, v26, v7  }
0x2ad: {  	v13 =	vsel vm14, $0x37, v13;
	vm9 =	vgt.f32 v43, v6;
	v9 =	vsel vm13, v25, v9  }
0x2ae: {  	v51 =	vsel vm10, $0x28, v62;
	v25 =	vsel vm13, v18, v25;
	v26 =	vsel vm0, $0x8, v63  }
0x2af: {  	v62 =	vsel vm12, $0x18, v21;
	v32 =	vsel vm13, $0x28, v56;
	vm0 =	vgt.f32 v35, v8  }
0x2b0: {  	vm15 =	vgt.f32 v35, v11;
	vm14 =	vgt.f32 v19, v7;
	vm11 =	vgt.f32 v19, v5  }
0x2b1: {  	v30 =	vpop (erf);
	v6 =	vsel vm9, v43, v6;
	v20 =	vsel vm9, $0x18, v20;
	v51 =	vsel vm13, v56, v51  }
0x2b2: {  	[tilespmem:s29+$0x9180] =	vst v30;
	v1 =	vpop (erf);
	vm13 =	vgt.f32 v28, v25;
	vm10 =	vgt.f32 v28, v9;
	v11 =	vsel vm15, v35, v11  }
0x2b3: {  	[tilespmem:s29+$0xB180] =	vst v1;
	v49 =	vpop (erf);
	v5 =	vsel vm11, v19, v5;
	v6 =	vsel vm12, v23, v6;
	v22 =	vsel vm11, $0x38, v22  }
0x2b4: {  	v33 =	vpop (erf);
	[tilespmem:s29+$0xD180] =	vst v49;
	v61 =	vsel vm12, v21, v20;
	v23 =	vsel vm12, v43, v23;
	v9 =	vsel vm10, v28, v9  }
0x2b5: {  	s3 =	sor.u32 $0x1200, s29;
	[tilespmem:s29+$0xF180] =	vst v33;
	v51 =	vsel vm10, $0x29, v51;
	v11 =	vsel vm0, v8, v11;
	v8 =	vsel vm0, v35, v8  }
0x2b6: {  	s4 =	sor.u32 $0x3200, s29;
	v0 =	vld [tilespmem:s3+$0x0];
	v5 =	vsel vm14, v7, v5;
	v22 =	vsel vm14, v13, v22;
	v7 =	vsel vm14, v19, v7  }
0x2b7: {  	s8 =	sor.u32 $0x5200, s29;
	v2 =	vld [tilespmem:s4+$0x0];
	v13 =	vsel vm14, $0x38, v13;
	vm12 =	vgt.f32 v27, v23;
	vm9 =	vgt.f32 v27, v6  }
0x2b8: {  	s9 =	sor.u32 $0x7200, s29;
	v3 =	vld [tilespmem:s8+$0x0];
	v63 =	vsel vm13, v25, v9;
	v51 =	vsel vm13, v32, v51;
	v32 =	vsel vm13, $0x29, v32  }
0x2b9: {  	v4 =	vld [tilespmem:s9+$0x0];
	vm14 =	vgt.f32 v29, v7;
	vm11 =	vgt.f32 v29, v5;
	v6 =	vsel vm9, v27, v6  }
0x2ba: {  	v56 =	vsel vm9, $0x19, v61;
	vm10 =	vgt.f32 v37, v63;
	v5 =	vsel vm11, v29, v5  }
0x2bb: {  	v6 =	vsel vm12, v23, v6;
	v22 =	vsel vm11, $0x39, v22;
	v57 =	vmul.f32 $1.442695020e+00, v0  }
0x2bc: {  	v50 =	vsel vm12, v62, v56;
	v23 =	vsel vm12, v27, v23;
	v58 =	vmul.f32 $1.442695020e+00, v2  }
0x2bd: {  	v45 =	vsel vm10, v37, v63;
	v59 =	vmul.f32 $1.442695020e+00, v3;
	(erf) = vpow2.f32 v57  }
0x2be: {  	v51 =	vsel vm10, $0x2A, v51;
	v60 =	vmul.f32 $1.442695020e+00, v4;
	(erf) = vpow2.f32 v58  }
0x2bf: {  	v5 =	vsel vm14, v7, v5;
	v22 =	vsel vm14, v13, v22;
	(erf) = vpow2.f32 v59  }
0x2c0: {  	v7 =	vsel vm14, v29, v7;
	v13 =	vsel vm14, $0x39, v13;
	(erf) = vpow2.f32 v60  }
0x2c1: {  	vm9 =	vgt.f32 v36, v6;
	vm14 =	vgt.f32 v40, v7;
	vm11 =	vgt.f32 v40, v5  }
0x2c2: {  	v6 =	vsel vm9, v36, v6;
	v50 =	vsel vm9, $0x1A, v50;
	v57 =	vsel vm3, v26, v55  }
0x2c3: {  	v5 =	vsel vm11, v40, v5;
	v22 =	vsel vm11, $0x3A, v22;
	v58 =	vsel vm13, v28, v25  }
0x2c4: {  	v5 =	vsel vm14, v7, v5;
	v52 =	vsel vm15, $0xA, v57;
	v56 =	vsel vm14, v13, v22  }
0x2c5: {  	v7 =	vsel vm14, v40, v7;
	v13 =	vsel vm14, $0x3A, v13;
	vm15 =	vgt.f32 v47, v11  }
0x2c6: {  	v59 =	vsel vm3, $0x9, v26;
	v26 =	vsel vm12, $0x19, v62;
	vm12 =	vgt.f32 v36, v23;
	v19 =	vpop (erf)  }
0x2c7: {  	vm13 =	vgt.f32 v37, v58;
	vm3 =	vgt.f32 v47, v8;
	vm14 =	vgt.f32 v44, v7;
	v20 =	vpop (erf);
	[tilespmem:s29+$0x9200] =	vst v19  }
0x2c8: {  	vm11 =	vgt.f32 v44, v5;
	v11 =	vsel vm15, v47, v11;
	v6 =	vsel vm12, v23, v6;
	v21 =	vpop (erf);
	[tilespmem:s29+$0xB200] =	vst v20  }
0x2c9: {  	v45 =	vsel vm13, v58, v45;
	v52 =	vsel vm0, v59, v52;
	v50 =	vsel vm12, v26, v50;
	v18 =	vpop (erf);
	[tilespmem:s29+$0xD200] =	vst v21  }
0x2ca: {  	s12 =	sor.u32 $0x1280, s29;
	v55 =	vsel vm13, v32, v51;
	v57 =	vsel vm12, v36, v23;
	v58 =	vsel vm13, v37, v58;
	[tilespmem:s29+$0xF200] =	vst v18  }
0x2cb: {  	s13 =	sor.u32 $0x3280, s29;
	v59 =	vsel vm0, $0xA, v59;
	v26 =	vsel vm12, $0x1A, v26;
	v32 =	vsel vm13, $0x2A, v32;
	v9 =	vld [tilespmem:s12+$0x0]  }
0x2cc: {  	s28 =	sor.u32 $0x5280, s29;
	v5 =	vsel vm11, v44, v5;
	v11 =	vsel vm3, v8, v11;
	v51 =	vsel vm11, $0x3B, v56;
	v27 =	vld [tilespmem:s13+$0x0]  }
0x2cd: {  	s30 =	sor.u32 $0x7280, s29;
	v47 =	vsel vm3, v47, v8;
	v8 =	vsel vm14, $0x3B, v13;
	vm12 =	vgt.f32 v48, v57;
	v28 =	vld [tilespmem:s28+$0x0]  }
0x2ce: {  	vm13 =	vgt.f32 v46, v58;
	vm9 =	vgt.f32 v48, v6;
	vm10 =	vgt.f32 v46, v45;
	v29 =	vld [tilespmem:s30+$0x0]  }
0x2cf: {  	v5 =	vsel vm14, v7, v5;
	v51 =	vsel vm14, v13, v51;
	v7 =	vsel vm14, v44, v7  }
0x2d0: {  	v37 =	vsel vm3, $0xB, v59;
	vm14 =	vgt.f32 v0, v11;
	v60 =	vmul.f32 $1.442695020e+00, v9  }
0x2d1: {  	v6 =	vsel vm9, v48, v6;
	v50 =	vsel vm9, $0x1B, v50;
	v61 =	vmul.f32 $1.442695020e+00, v27  }
0x2d2: {  	v43 =	vsel vm10, $0x2B, v55;
	v62 =	vmul.f32 $1.442695020e+00, v28;
	(erf) = vpow2.f32 v60  }
0x2d3: {  	v48 =	vsel vm12, v48, v57;
	v63 =	vmul.f32 $1.442695020e+00, v29;
	(erf) = vpow2.f32 v61  }
0x2d4: {  	v11 =	vsel vm14, v0, v11;
	v6 =	vsel vm12, v57, v6;
	(erf) = vpow2.f32 v62  }
0x2d5: {  	v50 =	vsel vm12, v26, v50;
	v43 =	vsel vm13, v32, v43;
	(erf) = vpow2.f32 v63  }
0x2d6: {  	v32 =	vsel vm13, $0x2B, v32;
	v60 =	vsel vm10, v46, v45;
	v46 =	vsel vm13, v46, v58  }
0x2d7: {  	vm10 =	vgt.f32 v4, v5;
	v61 =	vsel vm13, v58, v60;
	vm13 =	vgt.f32 v2, v48  }
0x2d8: {  	vm0 =	vgt.f32 v3, v46;
	v5 =	vsel vm10, v4, v5;
	v62 =	vsel vm15, $0xB, v52  }
0x2d9: {  	vm15 =	vgt.f32 v2, v6;
	vm9 =	vgt.f32 v3, v61;
	v45 =	vsel vm3, v59, v62  }
0x2da: {  	v63 =	vsel vm12, $0x1B, v26;
	vm12 =	vgt.f32 v0, v47;
	vm3 =	vgt.f32 v4, v7  }
0x2db: {  	v6 =	vsel vm15, v2, v6;
	v56 =	vsel vm9, v3, v61;
	v61 =	vsel vm15, $0x1C, v50;
	v24 =	vpop (erf)  }
0x2dc: {  	v43 =	vsel vm9, $0x2C, v43;
	v2 =	vsel vm13, v2, v48;
	v3 =	vsel vm0, v3, v46;
	v25 =	vpop (erf);
	[tilespmem:s29+$0x9280] =	vst v24  }
0x2dd: {  	v11 =	vsel vm12, v47, v11;
	v6 =	vsel vm13, v48, v6;
	v40 =	vsel vm0, v46, v56;
	v23 =	vpop (erf);
	[tilespmem:s29+$0xB280] =	vst v25  }
0x2de: {  	v58 =	vsel vm3, v7, v5;
	v59 =	vsel vm14, $0xC, v45;
	v5 =	vsel vm13, v63, v61;
	v22 =	vpop (erf);
	[tilespmem:s29+$0xD280] =	vst v23  }
0x2df: {  	s3 =	sor.u32 $0x1300, s29;
	v62 =	vsel vm12, v0, v47;
	v4 =	vsel vm3, v4, v7;
	v26 =	vsel vm12, $0xC, v37;
	[tilespmem:s29+$0xF280] =	vst v22  }
0x2e0: {  	s4 =	sor.u32 $0x3300, s29;
	v0 =	vsel vm13, $0x1C, v63;
	vm15 =	vgt.f32 v27, v2;
	vm11 =	vgt.f32 v28, v3;
	v52 =	vld [tilespmem:s3+$0x0]  }
0x2e1: {  	s8 =	sor.u32 $0x5300, s29;
	v63 =	vimm.s32 $0x0;
	v46 =	vimm.s32 $0x0;
	v47 =	vimm.s32 $0x0;
	v44 =	vld [tilespmem:s4+$0x0]  }
0x2e2: {  	s9 =	sor.u32 $0x7300, s29;
	v48 =	vimm.s32 $0x0;
	v61 =	vimm.s32 $0x0;
	v35 =	vsel vm12, v37, v59;
	v13 =	vld [tilespmem:s8+$0x0]  }
0x2e3: {  	vm12 =	vgt.f32 v9, v62;
	v7 =	vsel vm11, $0xFFFFFFFF, v63;
	vm13 =	vgt.f32 v29, v4;
	v54 =	vld [tilespmem:s9+$0x0]  }
0x2e4: {  	v37 =	vimm.s32 $0x0;
	vm6 =	vgt.f32 v9, v11;
	vm14 =	vgt.f32 v27, v6  }
0x2e5: {  	vm9 =	vgt.f32 v28, v40;
	[tilespmem:$0x1FF30] =	vst v7;
	v7 =	vsel vm13, $0xFFFFFFFF, v37;
	v36 =	vmul.f32 $1.442695020e+00, v52  }
0x2e6: {  	v50 =	vsel vm6, v9, v11;
	v53 =	vsel vm9, v28, v40;
	v55 =	vmul.f32 $1.442695020e+00, v44  }
0x2e7: {  	v9 =	vsel vm12, v9, v62;
	v57 =	vmul.f32 $1.442695020e+00, v13;
	(erf) = vpow2.f32 v36  }
0x2e8: {  	v59 =	vsel vm13, v29, v4;
	v60 =	vmul.f32 $1.442695020e+00, v54;
	(erf) = vpow2.f32 v55  }
0x2e9: {  	[tilespmem:$0x1FF40] =	vst v7;
	v7 =	vsel vm14, $0xFFFFFFFF, v46;
	v37 =	vsel vm11, v3, v53;
	(erf) = vpow2.f32 v57  }
0x2ea: {  	[tilespmem:$0x1FF00] =	vst v7;
	v7 =	vsel vm9, $0xFFFFFFFF, v47;
	v47 =	vsel vm12, v62, v50;
	(erf) = vpow2.f32 v60  }
0x2eb: {  	v3 =	vsel vm11, v28, v3;
	v62 =	vimm.s32 $0x0;
	vm11 =	vgt.f32 v52, v47  }
0x2ec: {  	v56 =	vld [tilespmem:s19+$0xC100];
	v36 =	vsel vm10, $0x3C, v51;
	vm10 =	vgt.f32 v29, v58;
	v51 =	vsel vm14, v27, v6  }
0x2ed: {  	[tilespmem:$0x1FF10] =	vst v7;
	v50 =	vsel vm11, $0xFFFFFFFF, v61;
	v55 =	vsel vm10, v29, v58;
	v11 =	vsel vm15, v2, v51  }
0x2ee: {  	[tilespmem:$0x1FF50] =	vst v50;
	v7 =	vsel vm10, $0xFFFFFFFF, v48;
	v40 =	vsel vm13, v4, v55;
	vm13 =	vgt.f32 v44, v11  }
0x2ef: {  	[tilespmem:$0x1FF20] =	vst v7;
	v50 =	vsel vm13, $0xFFFFFFFF, v62  }
0x2f0: {  	v43 =	vsel vm0, v32, v43;
	[tilespmem:$0x1FF60] =	vst v50;
	v6 =	vpop (erf)  }
0x2f1: {  	v63 =	vimm.s32 $0x0;
	v53 =	vimm.s32 $0x0;
	v46 =	vmul.f32 v56, v10;
	v58 =	vld [tilespmem:s19+$0xC200];
	v7 =	vpop (erf);
	[tilespmem:s29+$0x9300] =	vst v6  }
0x2f2: {  	v56 =	vimm.s32 $0x0;
	vm9 =	vgt.f32 v52, v9;
	v27 =	vsel vm15, v27, v2;
	v57 =	vld [tilespmem:s22+$0x8000];
	v2 =	vpop (erf);
	[tilespmem:s29+$0xB300] =	vst v7  }
0x2f3: {  	vm8 =	vgt.f32 v13, v3;
	v47 =	vsel vm11, v52, v47;
	vm14 =	vgt.f32 v13, v37;
	v60 =	vld [tilespmem:s19+$0xC280];
	v4 =	vpop (erf);
	[tilespmem:s29+$0xD300] =	vst v2  }
0x2f4: {  	s12 =	sor.u32 $0x1380, s29;
	v47 =	vsel vm9, v9, v47;
	v9 =	vsel vm9, v52, v9;
	v62 =	vld [tilespmem:s23+$0x8000];
	v50 =	vsel vm14, $0xFFFFFFFF, v63;
	[tilespmem:s29+$0xF300] =	vst v4  }
0x2f5: {  	s13 =	sor.u32 $0x3380, s29;
	vm7 =	vgt.f32 v44, v27;
	v37 =	vsel vm14, v13, v37;
	v13 =	vsel vm8, v13, v3;
	[tilespmem:$0x1FF70] =	vst v50;
	v50 =	vld [tilespmem:s12+$0x0]  }
0x2f6: {  	s28 =	sor.u32 $0x5380, s29;
	v37 =	vsel vm8, v3, v37;
	v3 =	vsel vm0, $0x2C, v32;
	v11 =	vsel vm13, v44, v11;
	v51 =	vld [tilespmem:s13+$0x0]  }
0x2f7: {  	s30 =	sor.u32 $0x7380, s29;
	vm10 =	vgt.f32 v54, v40;
	[tilespmem:s19+$0xC000] =	vst v39;
	v11 =	vsel vm7, v27, v11;
	v27 =	vsel vm7, v44, v27;
	v44 =	vld [tilespmem:s28+$0x0]  }
0x2f8: {  	vm13 =	vgt.f32 v54, v59;
	[tilespmem:s19+$0xC080] =	vst v38;
	v32 =	vsel vm10, $0xFFFFFFFF, v53;
	v55 =	vsel vm10, v54, v40;
	v52 =	vld [tilespmem:s30+$0x0]  }
0x2f9: {  	v28 =	vsel vm13, v54, v59;
	[tilespmem:$0x1FF80] =	vst v32;
	v32 =	vsel vm13, v59, v55;
	v48 =	vmul.f32 v57, v10  }
0x2fa: {  	[tilespmem:s19+$0xC100] =	vst v46;
	v59 =	vimm.s32 $0x0;
	v45 =	vmul.f32 v58, v10;
	v58 =	vimm.s32 $0x0  }
0x2fb: {  	v61 =	vld [tilespmem:s19+$0xC300];
	v29 =	vmul.f32 v60, v10;
	v60 =	vimm.s32 $0x0;
	[tilespmem:s22+$0x8000] =	vst v48;
	v48 =	vmul.f32 v62, v10  }
0x2fc: {  	vm11 =	vgt.f32 v50, v47;
	vm14 =	vgt.f32 v51, v11;
	vm4 =	vgt.f32 v44, v37  }
0x2fd: {  	vm5 =	vgt.f32 v52, v32;
	vm10 =	vgt.f32 v51, v27;
	v40 =	vsel vm11, $0xFFFFFFFF, v56  }
0x2fe: {  	v57 =	vsel vm11, v50, v47;
	v47 =	vsel vm14, $0xFFFFFFFF, v58;
	v11 =	vsel vm14, v51, v11  }
0x2ff: {  	v37 =	vsel vm4, v44, v37;
	v32 =	vsel vm5, v52, v32;
	vm14 =	vgt.f32 v50, v9  }
0x300: {  	vm11 =	vgt.f32 v44, v13;
	[tilespmem:$0x1FFA0] =	vst v47;
	v47 =	vsel vm4, $0xFFFFFFFF, v59;
	v63 =	vsel vm14, v9, v57  }
0x301: {  	v62 =	vld [tilespmem:$0x1FE80];
	v11 =	vsel vm10, v27, v11;
	v37 =	vsel vm11, v13, v37;
	v9 =	vsel vm14, v50, v9  }
0x302: {  	v56 =	vld [tilespmem:$0x1FE50];
	v27 =	vsel vm10, v51, v27;
	[tilespmem:$0x1FFB0] =	vst v47;
	v47 =	vsel vm5, $0xFFFFFFFF, v60;
	vm5 =	vgt.f32 v52, v28  }
0x303: {  	[tilespmem:s19+$0xC200] =	vst v45;
	v45 =	vld [tilespmem:$0x1FE90];
	v13 =	vsel vm11, v44, v13;
	vm2 =	vgt.f32 v27, v9;
	v32 =	vsel vm5, v28, v32  }
0x304: {  	v58 =	vld [tilespmem:$0x1FE70];
	v28 =	vsel vm5, v52, v28;
	v46 =	vsel vm2, v9, v63;
	v11 =	vsel vm2, v11, v27  }
0x305: {  	v57 =	vld [tilespmem:$0x1FE60];
	[tilespmem:$0x1FFC0] =	vst v47;
	v47 =	vmul.f32 v61, v10;
	vm4 =	vgt.f32 v28, v13;
	vm1 =	vgt.f32 v11, v46  }
0x306: {  	[tilespmem:s19+$0xC280] =	vst v29;
	v37 =	vsel vm4, v13, v37;
	v11 =	vsel vm1, v11, v46;
	v46 =	vld [tilespmem:$0x1FEA0]  }
0x307: {  	v32 =	vsel vm4, v32, v28;
	[tilespmem:s19+$0xC300] =	vst v47;
	v13 =	vsel vm4, v28, v13;
	v28 =	vadd.f32 v56, v31;
	v56 =	vld [tilespmem:$0x1FED0]  }
0x308: {  	v35 =	vsel vm6, $0xD, v35;
	v53 =	vimm.s32 $0x0;
	v54 =	vimm.s32 $0x0;
	[tilespmem:s23+$0x8000] =	vst v48;
	v48 =	vld [tilespmem:$0x1FEB0]  }
0x309: {  	v34 =	vadd.f32 v62, v34;
	[tilespmem:$0x1FF90] =	vst v40;
	v40 =	vmul.f32 $1.442695020e+00, v44;
	v44 =	vmul.f32 $1.442695020e+00, v52;
	v29 =	vld [tilespmem:s19+$0xD000]  }
0x30a: {  	v9 =	vsel vm2, v27, v9;
	v27 =	vsel vm1, $0xFFFFFFFF, v53;
	vm0 =	vgt.f32 v32, v37;
	v59 =	vld [tilespmem:s19+$0xD080]  }
0x30b: {  	[tilespmem:$0x1FFD0] =	vst v27;
	v27 =	vsel vm0, $0xFFFFFFFF, v54;
	v55 =	vsel vm0, v32, v37;
	vm0 =	vgt.f32 v13, v9;
	v61 =	vld [tilespmem:s19+$0xD100]  }
0x30c: {  	v60 =	vimm.s32 $0x0;
	v63 =	vld [tilespmem:s25+$0x8000];
	[tilespmem:$0x1FFE0] =	vst v27;
	v11 =	vsel vm0, v9, v11;
	v27 =	vsel vm0, v55, v13  }
0x30d: {  	v31 =	vadd.f32 v57, v41;
	v32 =	vadd.f32 v58, v42;
	v54 =	vld [tilespmem:$0x1FEC0];
	vm1 =	vgt.f32 v27, v11  }
0x30e: {  	v28 =	vadd.f32 v45, v28;
	v58 =	vld [tilespmem:$0x1FEE0];
	v9 =	vsel vm0, v13, v9;
	v38 =	vsel vm1, $0xFFFFFFFF, v60  }
0x30f: {  	v53 =	vld [tilespmem:s19+$0xD280];
	v11 =	vsel vm1, v27, v11;
	v27 =	vsel vm3, v8, v36;
	v8 =	vsel vm3, $0x3C, v8  }
0x310: {  	v57 =	vld [tilespmem:s31+$0x8000];
	v31 =	vadd.f32 v46, v31;
	v28 =	vadd.f32 v56, v28;
	v60 =	vmul.f32 $1.442695020e+00, v50  }
0x311: {  	v55 =	vld [tilespmem:s19+$0xD300];
	v9 =	vsub.f32 v11, v9;
	v32 =	vadd.f32 v48, v32;
	v29 =	vmul.f32 v29, v10  }
0x312: {  	v34 =	vadd.f32 v54, v34;
	v37 =	vmul.f32 v59, v10;
	v13 =	vmul.f32 v61, v10  }
0x313: {  	v47 =	vld [tilespmem:s19+$0xD200];
	v31 =	vadd.f32 v58, v31;
	v11 =	vmul.f32 v63, v10;
	v61 =	vmul.f32 $1.442695020e+00, v51  }
0x314: {  	v48 =	vld [tilespmem:$0x1FF00];
	v63 =	vadd.f32 v15, v28;
	(erf) = vpow2.f32 v60;
	v36 =	vmul.f32 v53, v10  }
0x315: {  	[tilespmem:$0x1FFF0] =	vst v38;
	v59 =	vld [tilespmem:$0x1FEF0];
	v38 =	vmul.f32 v57, v10;
	v9 =	vmul.f32 $1.442695020e+00, v9;
	v12 =	vadd.f32 v12, v34  }
0x316: {  	[tilespmem:s19+$0xD080] =	vst v37;
	(erf) = vpow2.f32 v61;
	v14 =	vadd.f32 v14, v31;
	v37 =	vmul.f32 v55, v10  }
0x317: {  	v50 =	vld [tilespmem:$0x1FF10];
	[tilespmem:s19+$0xD100] =	vst v13;
	v13 =	vadd.f32 v30, v63;
	v30 =	vsel vm12, v26, v35;
	v31 =	vsel vm12, $0xD, v26  }
0x318: {  	v52 =	vld [tilespmem:$0x1FF20];
	[tilespmem:s19+$0xD000] =	vst v29;
	v41 =	vadd.f32 $1.258291200e+07, v9;
	(erf) = vpow2.f32 v40;
	v12 =	vadd.f32 v17, v12  }
0x319: {  	[tilespmem:s25+$0x8000] =	vst v11;
	v1 =	vadd.f32 v1, v14;
	v13 =	vadd.f32 v19, v13;
	(erf) = vpow2.f32 v44  }
0x31a: {  	[tilespmem:s19+$0xD280] =	vst v36;
	vm6 =	vnez.u8 v48;
	v29 =	vadd.f32 v59, v32;
	v32 =	vmul.f32 v47, v10  }
0x31b: {  	[tilespmem:s19+$0xD300] =	vst v37;
	v36 =	vld [tilespmem:$0x1FF40];
	v62 =	vadd.f32 $-1.258291200e+07, v41;
	v5 =	vsel vm6, $0x1D, v5;
	v12 =	vadd.f32 v33, v12  }
0x31c: {  	v37 =	vld [tilespmem:$0x1FF50];
	vm6 =	vnez.u8 v50;
	v1 =	vadd.f32 v20, v1;
	v13 =	vadd.f32 v24, v13;
	[tilespmem:s19+$0xD200] =	vst v32  }
0x31d: {  	v19 =	vsel vm6, $0x2D, v43;
	vm6 =	vnez.u8 v52;
	v24 =	vshll.u32 v41, $0x17;
	v33 =	vld [tilespmem:$0x1FF30];
	[tilespmem:s31+$0x8000] =	vst v38  }
0x31e: {  	v9 =	vsub.f32 v9, v62;
	v39 =	vadd.f32 v16, v29;
	v32 =	vsel vm15, v0, v5;
	v46 =	vld [tilespmem:s19+$0xE000]  }
0x31f: {  	v0 =	vsel vm15, $0x1D, v0;
	v1 =	vadd.f32 v25, v1;
	v12 =	vadd.f32 v18, v12;
	v47 =	vld [tilespmem:s19+$0xE080]  }
0x320: {  	v6 =	vadd.f32 v6, v13;
	v42 =	vmul.f32 $9.574329480e-03, v9;
	v11 =	vadd.f32 v49, v39;
	v49 =	vld [tilespmem:s19+$0xE100]  }
0x321: {  	v43 =	vsel vm7, $0x1E, v0;
	v51 =	vld [tilespmem:s20+$0x8000];
	v1 =	vadd.f32 v7, v1;
	v12 =	vadd.f32 v22, v12  }
0x322: {  	v53 =	vld [tilespmem:s19+$0xE200];
	vm15 =	vnez.u8 v36;
	v13 =	vpop (erf);
	v45 =	vadd.f32 $5.592967570e-02, v42;
	v11 =	vadd.f32 v21, v11  }
0x323: {  	v54 =	vld [tilespmem:s19+$0xE280];
	v21 =	vsel vm6, $0x3D, v27;
	v6 =	vadd.f32 v13, v6;
	v27 =	vadd.s32 $0x3F800000, v24  }
0x324: {  	v57 =	vld [tilespmem:s19+$0xE300];
	vm12 =	vnez.u8 v33;
	vm6 =	vnez.u8 v37;
	v15 =	vmul.f32 v46, v10  }
0x325: {  	v58 =	vld [tilespmem:s21+$0x8000];
	v56 =	vpop (erf);
	v42 =	vsel vm9, $0xE, v31;
	v14 =	vmul.f32 v45, v9;
	v16 =	vmul.f32 v47, v10  }
0x326: {  	v40 =	vld [tilespmem:$0x1FF80];
	v1 =	vadd.f32 v56, v1;
	v4 =	vadd.f32 v4, v12;
	v60 =	vpop (erf);
	v59 =	vmul.f32 v49, v10;
	[tilespmem:s19+$0xE000] =	vst v15  }
0x327: {  	v50 =	vld [tilespmem:$0x1FFB0];
	v11 =	vadd.f32 v23, v11;
	v62 =	vpop (erf);
	v61 =	vmul.f32 v51, v10;
	v14 =	vadd.f32 $2.402472350e-01, v14;
	[tilespmem:s19+$0xE080] =	vst v16  }
0x328: {  	v1 =	vadd.f32 v1, v6;
	v63 =	vmul.f32 v53, v10;
	v4 =	vadd.f32 v62, v4;
	[tilespmem:s19+$0xE100] =	vst v59  }
0x329: {  	v38 =	vld [tilespmem:$0x1FF60];
	v20 =	vmul.f32 v54, v10;
	v2 =	vadd.f32 v2, v11;
	v55 =	vmul.f32 v14, v9;
	[tilespmem:s20+$0x8000] =	vst v61  }
0x32a: {  	v25 =	vmul.f32 v57, v10;
	v29 =	vmul.f32 v58, v10;
	v11 =	vsel vm6, $0xE, v30;
	[tilespmem:s19+$0xE200] =	vst v63  }
0x32b: {  	v52 =	vld [tilespmem:$0x1FFC0];
	vm6 =	vnez.u8 v40;
	v2 =	vadd.f32 v60, v2;
	[tilespmem:s19+$0xE280] =	vst v20;
	v7 =	vadd.f32 $6.931198230e-01, v55  }
0x32c: {  	v48 =	vld [tilespmem:$0x1FF90];
	v41 =	vsel vm9, v31, v11;
	vm9 =	vnez.u8 v50;
	v11 =	vsel vm14, $0xF, v42;
	[tilespmem:s19+$0xE300] =	vst v25  }
0x32d: {  	v39 =	vld [tilespmem:$0x1FF70];
	v15 =	vsel vm10, $0x1F, v43;
	v2 =	vadd.f32 v4, v2;
	[tilespmem:s21+$0x8000] =	vst v29;
	v7 =	vmul.f32 v7, v9  }
0x32e: {  	v4 =	vsel vm12, v3, v19;
	v3 =	vsel vm12, $0x2D, v3;
	vm12 =	vnez.u8 v38;
	v35 =	vld [tilespmem:s19+$0xF000]  }
0x32f: {  	v1 =	vadd.f32 v2, v1;
	v2 =	vsel vm12, $0x1E, v32;
	v7 =	vadd.f32 $9.999992250e-01, v7  }
0x330: {  	[tilespmem:s29+$0x9380] =	vst v13;
	v13 =	vld [tilespmem:$0x1FFF0];
	v57 =	vsel vm2, v15, v11;
	vm12 =	vnez.u8 v52;
	v2 =	vsel vm7, v0, v2  }
0x331: {  	v49 =	vld [tilespmem:$0x1FFA0];
	vm7 =	vnez.u8 v48;
	(erf) = vrcp.f32 v1;
	v28 =	vmul.f32 v27, v7  }
0x332: {  	[tilespmem:s29+$0xD380] =	vst v60;
	v60 =	vld [tilespmem:$0x1FFD0];
	v7 =	vsel vm15, v8, v21;
	v8 =	vsel vm15, $0x3D, v8;
	vm15 =	vnez.u8 v39  }
0x333: {  	[tilespmem:s29+$0xF380] =	vst v62;
	v62 =	vld [tilespmem:$0x1FFE0];
	v1 =	vmul.f32 v35, v10;
	v4 =	vsel vm15, $0x2E, v4;
	v34 =	vadd.f32 $1.000000000e+00, v28  }
0x334: {  	v5 =	vsel vm6, $0x3E, v7;
	v46 =	vsel vm13, $0x3E, v8;
	v7 =	vsel vm7, $0xF, v41  }
0x335: {  	vm15 =	vnez.u8 v13;
	v44 =	vsel vm8, v3, v4;
	(erf) = vrcp.f32 v34  }
0x336: {  	v3 =	vsel vm8, $0x2E, v3;
	v45 =	vsel vm13, v8, v5;
	vm8 =	vnez.u8 v49  }
0x337: {  	v53 =	vsel vm14, v42, v7;
	v5 =	vsel vm5, $0x3F, v46;
	vm13 =	vnez.u8 v60  }
0x338: {  	v47 =	vld [tilespmem:s24+$0x8000];
	vm14 =	vnez.u8 v62;
	v2 =	vsel vm8, $0x1F, v2;
	v0 =	vsel vm9, $0x2F, v44  }
0x339: {  	v51 =	vld [tilespmem:s26+$0x8000];
	[tilespmem:s19+$0xF000] =	vst v1;
	v4 =	vsel vm12, $0x3F, v45;
	v1 =	vsel vm2, v11, v53;
	v2 =	vsel vm10, v43, v2  }
0x33a: {  	v54 =	vsel vm11, v3, v0;
	v4 =	vsel vm5, v46, v4;
	v3 =	vsel vm11, $0x2F, v3  }
0x33b: {  	v55 =	vld [tilespmem:s19+$0xF080];
	v2 =	vsel vm2, v2, v15;
	v7 =	vsel vm4, v3, v54;
	v4 =	vsel vm4, v4, v5  }
0x33c: {  	[tilespmem:s29+$0xB380] =	vst v56;
	v56 =	vld [tilespmem:s19+$0xF100];
	v61 =	vsel vm4, v5, v3;
	v1 =	vsel vm13, v2, v1;
	v3 =	vsel vm14, v4, v7  }
0x33d: {  	s0 =	sor.u32 s0, s11;
	v5 =	vsel vm0, v61, v57;
	v0 =	vpop (erf);
	v1 =	vsel vm0, v57, v1;
	v2 =	vsel vm0, v3, v61  }
0x33e: {  	v59 =	vld [tilespmem:s19+$0xF200];
	[tilespmem:s0+$0x10400] =	vst v5;
	v1 =	vsel vm15, v2, v1;
	v58 =	vpop (erf)  }
0x33f: {  	v63 =	vld [tilespmem:s19+$0xF280];
	[tilespmem:s0+$0x10480] =	vst v1;
	v6 =	vmul.f32 v58, v28  }
0x340: {  	v12 =	vmul.f32 v55, v10;
	v11 =	vld [tilespmem:s19+$0xF300];
	[tilespmem:s0+$0x10000] =	vst v58  }
0x341: {  	v15 =	vmul.f32 v56, v10;
	[tilespmem:s0+$0x10080] =	vst v6  }
0x342: {  	v17 =	vmul.f32 v47, v10;
	[tilespmem:s19+$0xF080] =	vst v12;
	v5 =	vld [tilespmem:s29+$0x8000]  }
0x343: {  	v18 =	vmul.f32 v59, v10;
	[tilespmem:s19+$0xF100] =	vst v15;
	v19 =	vld [tilespmem:s29+$0x8080]  }
0x344: {  	v4 =	vmul.f32 v63, v10;
	[tilespmem:s24+$0x8000] =	vst v17;
	v20 =	vld [tilespmem:s29+$0x8100]  }
0x345: {  	v3 =	vmul.f32 v11, v10;
	[tilespmem:s19+$0xF200] =	vst v18;
	v21 =	vld [tilespmem:s29+$0x8180]  }
0x346: {  	v22 =	vmul.f32 v51, v10;
	[tilespmem:s19+$0xF280] =	vst v4;
	v23 =	vld [tilespmem:s29+$0x8200]  }
0x347: {  	[tilespmem:s19+$0xF300] =	vst v3;
	v24 =	vld [tilespmem:s29+$0x8280];
	v5 =	vmul.f32 v5, v0  }
0x348: {  	[tilespmem:s26+$0x8000] =	vst v22;
	v25 =	vld [tilespmem:s29+$0x8300];
	v2 =	vmul.f32 v19, v0  }
0x349: {  	v26 =	vld [tilespmem:s29+$0x8380];
	v1 =	vmul.f32 v20, v0;
	[tilespmem:s29+$0x8000] =	vst v5  }
0x34a: {  	v32 =	vld [tilespmem:s29+$0x9180];
	v27 =	vmul.f32 v21, v0;
	[tilespmem:s29+$0x8080] =	vst v2  }
0x34b: {  	v35 =	vld [tilespmem:s29+$0x9280];
	v4 =	vmul.f32 v23, v0;
	[tilespmem:s29+$0x8100] =	vst v1  }
0x34c: {  	v36 =	vld [tilespmem:s29+$0x9300];
	v3 =	vmul.f32 v24, v0;
	[tilespmem:s29+$0x8180] =	vst v27  }
0x34d: {  	v37 =	vld [tilespmem:s29+$0x9380];
	v31 =	vmul.f32 v25, v0;
	[tilespmem:s29+$0x8200] =	vst v4  }
0x34e: {  	v44 =	vld [tilespmem:s29+$0xA180];
	v33 =	vmul.f32 v26, v0;
	[tilespmem:s29+$0x8280] =	vst v3  }
0x34f: {  	v46 =	vld [tilespmem:s29+$0xA200];
	v38 =	vmul.f32 v32, v0;
	[tilespmem:s29+$0x8300] =	vst v31  }
0x350: {  	v47 =	vld [tilespmem:s29+$0xA280];
	v41 =	vmul.f32 v35, v0;
	[tilespmem:s29+$0x8380] =	vst v33  }
0x351: {  	v48 =	vld [tilespmem:s29+$0xA300];
	v43 =	vmul.f32 v36, v0;
	[tilespmem:s29+$0x9180] =	vst v38  }
0x352: {  	v49 =	vld [tilespmem:s29+$0xA380];
	v45 =	vmul.f32 v37, v0;
	[tilespmem:s29+$0x9280] =	vst v41  }
0x353: {  	v57 =	vld [tilespmem:s29+$0xB180];
	v50 =	vmul.f32 v44, v0;
	[tilespmem:s29+$0x9300] =	vst v43  }
0x354: {  	v59 =	vld [tilespmem:s29+$0xB200];
	v52 =	vmul.f32 v46, v0;
	[tilespmem:s29+$0x9380] =	vst v45  }
0x355: {  	v60 =	vld [tilespmem:s29+$0xB280];
	v54 =	vmul.f32 v47, v0;
	[tilespmem:s29+$0xA180] =	vst v50  }
0x356: {  	v61 =	vld [tilespmem:s29+$0xB300];
	v56 =	vmul.f32 v48, v0;
	[tilespmem:s29+$0xA200] =	vst v52  }
0x357: {  	v62 =	vld [tilespmem:s29+$0xB380];
	v58 =	vmul.f32 v49, v0;
	[tilespmem:s29+$0xA280] =	vst v54  }
0x358: {  	v15 =	vld [tilespmem:s29+$0xC180];
	v63 =	vmul.f32 v57, v0;
	[tilespmem:s29+$0xA300] =	vst v56  }
0x359: {  	v17 =	vld [tilespmem:s29+$0xC200];
	v10 =	vmul.f32 v59, v0;
	[tilespmem:s29+$0xA380] =	vst v58  }
0x35a: {  	v18 =	vld [tilespmem:s29+$0xC280];
	v12 =	vmul.f32 v60, v0;
	[tilespmem:s29+$0xB180] =	vst v63  }
0x35b: {  	v28 =	vld [tilespmem:s29+$0x9000];
	v14 =	vmul.f32 v61, v0;
	[tilespmem:s29+$0xB200] =	vst v10  }
0x35c: {  	v29 =	vld [tilespmem:s29+$0x9080];
	v16 =	vmul.f32 v62, v0;
	[tilespmem:s29+$0xB280] =	vst v12  }
0x35d: {  	v30 =	vld [tilespmem:s29+$0x9100];
	v21 =	vmul.f32 v15, v0;
	[tilespmem:s29+$0xB300] =	vst v14  }
0x35e: {  	v34 =	vld [tilespmem:s29+$0x9200];
	v23 =	vmul.f32 v17, v0;
	[tilespmem:s29+$0xB380] =	vst v16  }
0x35f: {  	v40 =	vld [tilespmem:s29+$0xA080];
	v25 =	vmul.f32 v18, v0;
	[tilespmem:s29+$0xC180] =	vst v21  }
0x360: {  	v39 =	vld [tilespmem:s29+$0xA000];
	v2 =	vmul.f32 v28, v0;
	[tilespmem:s29+$0xC200] =	vst v23  }
0x361: {  	v42 =	vld [tilespmem:s29+$0xA100];
	v1 =	vmul.f32 v29, v0;
	[tilespmem:s29+$0xC280] =	vst v25  }
0x362: {  	v51 =	vld [tilespmem:s29+$0xB000];
	v5 =	vmul.f32 v30, v0;
	[tilespmem:s29+$0x9000] =	vst v2  }
0x363: {  	v19 =	vld [tilespmem:s29+$0xC300];
	v3 =	vmul.f32 v34, v0;
	[tilespmem:s29+$0x9080] =	vst v1  }
0x364: {  	v20 =	vld [tilespmem:s29+$0xC380];
	v4 =	vmul.f32 v40, v0;
	[tilespmem:s29+$0x9100] =	vst v5  }
0x365: {  	v32 =	vld [tilespmem:s29+$0xD300];
	[tilespmem:s29+$0x9200] =	vst v3;
	v1 =	vmul.f32 v39, v0  }
0x366: {  	v44 =	vld [tilespmem:s29+$0xE280];
	v2 =	vmul.f32 v42, v0;
	[tilespmem:s29+$0xA080] =	vst v4  }
0x367: {  	v57 =	vld [tilespmem:s29+$0xF280];
	v3 =	vmul.f32 v51, v0;
	[tilespmem:s29+$0xA000] =	vst v1  }
0x368: {  	v53 =	vld [tilespmem:s29+$0xB080];
	v27 =	vmul.f32 v19, v0;
	[tilespmem:s29+$0xA100] =	vst v2  }
0x369: {  	v55 =	vld [tilespmem:s29+$0xB100];
	v29 =	vmul.f32 v20, v0;
	[tilespmem:s29+$0xB000] =	vst v3  }
0x36a: {  	v13 =	vld [tilespmem:s29+$0xC100];
	v40 =	vmul.f32 v32, v0;
	[tilespmem:s29+$0xC300] =	vst v27  }
0x36b: {  	v46 =	vld [tilespmem:s29+$0xE380];
	v51 =	vmul.f32 v44, v0;
	[tilespmem:s29+$0xC380] =	vst v29  }
0x36c: {  	v28 =	vld [tilespmem:s29+$0xD180];
	v62 =	vmul.f32 v57, v0;
	[tilespmem:s29+$0xD300] =	vst v40  }
0x36d: {  	v30 =	vld [tilespmem:s29+$0xD200];
	v2 =	vmul.f32 v53, v0;
	[tilespmem:s29+$0xE280] =	vst v51  }
0x36e: {  	v31 =	vld [tilespmem:s29+$0xD280];
	v1 =	vmul.f32 v55, v0;
	[tilespmem:s29+$0xF280] =	vst v62  }
0x36f: {  	v33 =	vld [tilespmem:s29+$0xD380];
	v3 =	vmul.f32 v13, v0;
	[tilespmem:s29+$0xB080] =	vst v2  }
0x370: {  	v41 =	vld [tilespmem:s29+$0xE180];
	v55 =	vmul.f32 v46, v0;
	[tilespmem:s29+$0xB100] =	vst v1  }
0x371: {  	v43 =	vld [tilespmem:s29+$0xE200];
	v34 =	vmul.f32 v28, v0;
	[tilespmem:s29+$0xC100] =	vst v3  }
0x372: {  	v45 =	vld [tilespmem:s29+$0xE300];
	v36 =	vmul.f32 v30, v0;
	[tilespmem:s29+$0xE380] =	vst v55  }
0x373: {  	v54 =	vld [tilespmem:s29+$0xF180];
	v38 =	vmul.f32 v31, v0;
	[tilespmem:s29+$0xD180] =	vst v34  }
0x374: {  	v56 =	vld [tilespmem:s29+$0xF200];
	v42 =	vmul.f32 v33, v0;
	[tilespmem:s29+$0xD200] =	vst v36  }
0x375: {  	v58 =	vld [tilespmem:s29+$0xF300];
	v47 =	vmul.f32 v41, v0;
	[tilespmem:s29+$0xD280] =	vst v38  }
0x376: {  	v9 =	vld [tilespmem:s29+$0xC000];
	v49 =	vmul.f32 v43, v0;
	[tilespmem:s29+$0xD380] =	vst v42  }
0x377: {  	v11 =	vld [tilespmem:s29+$0xC080];
	v53 =	vmul.f32 v45, v0;
	[tilespmem:s29+$0xE180] =	vst v47  }
0x378: {  	v24 =	vld [tilespmem:s29+$0xD080];
	v60 =	vmul.f32 v54, v0;
	[tilespmem:s29+$0xE200] =	vst v49  }
0x379: {  	v22 =	vld [tilespmem:s29+$0xD000];
	v61 =	vmul.f32 v56, v0;
	[tilespmem:s29+$0xE300] =	vst v53  }
0x37a: {  	v26 =	vld [tilespmem:s29+$0xD100];
	v63 =	vmul.f32 v58, v0;
	[tilespmem:s29+$0xF180] =	vst v60  }
0x37b: {  	v35 =	vld [tilespmem:s29+$0xE000];
	v2 =	vmul.f32 v9, v0;
	[tilespmem:s29+$0xF200] =	vst v61  }
0x37c: {  	v37 =	vld [tilespmem:s29+$0xE080];
	v1 =	vmul.f32 v11, v0;
	[tilespmem:s29+$0xF300] =	vst v63  }
0x37d: {  	v39 =	vld [tilespmem:s29+$0xE100];
	v3 =	vmul.f32 v24, v0;
	[tilespmem:s29+$0xC000] =	vst v2  }
0x37e: {  	v52 =	vld [tilespmem:s29+$0xF100];
	[tilespmem:s29+$0xC080] =	vst v1;
	v1 =	vmul.f32 v22, v0  }
0x37f: {  	v48 =	vld [tilespmem:s29+$0xF000];
	v2 =	vmul.f32 v26, v0;
	[tilespmem:s29+$0xD080] =	vst v3  }
0x380: {  	v50 =	vld [tilespmem:s29+$0xF080];
	v3 =	vmul.f32 v35, v0;
	[tilespmem:s29+$0xD000] =	vst v1  }
0x381: {  	v59 =	vld [tilespmem:s29+$0xF380];
	[tilespmem:s29+$0xD100] =	vst v2;
	v2 =	vmul.f32 v37, v0  }
0x382: {  	v1 =	vmul.f32 v39, v0;
	[tilespmem:s29+$0xE000] =	vst v3  }
0x383: {  	p0 =	slt.u32 s16, $0x1E;
	v3 =	vmul.f32 v52, v0;
	[tilespmem:s29+$0xE080] =	vst v2  }
.Ltmp0:
0x384: {  	[tilespmem:s29+$0xE100] =	vst v1;
	v2 =	vmul.f32 v48, v0;
	(pc) =	sbr.rel @p0 .LBB2_2-.Ltmp0, $4  }
0x385: {  	v1 =	vmul.f32 v50, v0;
	[tilespmem:s29+$0xF100] =	vst v3  }
0x386: {  	v0 =	vmul.f32 v59, v0;
	[tilespmem:s29+$0xF000] =	vst v2  }
0x387: {  	[tilespmem:s29+$0xF080] =	vst v1  }
0x388: {  	s18 =	sadd.s32 $0x2, s18;
	s17 =	sadd.s32 $0x20, s17;
	[tilespmem:s29+$0xF380] =	vst v0  }
0x389: {  	s0 =	rddreg [dreg:$0x6]  }
0x38a: {  	s1 =	simm.s32 $0x1000;
	s3 =	simm.s32 $0x20000;
	s4 =	simm.s32 $0x8000  }
0x38b: {  	[hbm4b:s0+s1] =	stream.strided.scatter [tilespmem:s4], [sflag:$0x1], $0x8000, s3, s1, $0x38;
	[tilespmem:$0x10800] =	vst v63  }
0x38c: {  	s30 =	simm.s32 $0x10000  }
0x38d: {  	[hbm4b:s5+s2] =	stream.linear.scatter [tilespmem:s30], [sflag:$0x2], $0x400, $0x38;
	[tilespmem:$0x10800] =	vst v63  }
0x38e: {  	_ =	swait.ge [sflag:s10], $0x400  }
0x38f: {  	[sflag:s10] =	ssyncset.done $0x0  }
0x390: {  	s31 =	simm.s32 $0x10400;
	s15 =	sadd.s32 $0x1, s15;
	[sflag:s10] =	ssyncadd.s32 $0xFFFFFC00  }
0x391: {  	[hbm4b:s6+s2] =	stream.linear.scatter [tilespmem:s31], [sflag:$0x2], $0x400, $0x38;
	[tilespmem:$0x10800] =	vst v63  }
0x392: {  	p0 =	sne.s32 s15, s7;
	_ =	swait.ge [sflag:s10], $0x400  }
.Ltmp1:
0x393: {  	[sflag:s10] =	ssyncset.done $0x0;
	(pc) =	sbr.rel @p0 .LBB2_1-.Ltmp1, $4  }
0x394: {  	[sflag:s10] =	ssyncadd.s32 $0xFFFFFC00  }
0x395: {  	_ =	swait.ge [sflag:s14], $0x8000  }
0x396: {  	[sflag:s14] =	ssyncset.done $0x0  }
0x397: {  	[sflag:s14] =	ssyncadd.s32 $0xFFFF8000  }
0x398: {  	_ =	sfence.sel $0x180000  }
0x399: {  	[bflag:$0x0] =	sbarrier.arrive $0xFFFF  }
0x39a: {  	_ =	strace $0x90000047  }
0x39b: {  	s0 =	stileid.u32;
	[bflag:$0x2] =	sbarrier.arrive $0xFFFF  }
0x39c: {  	p0 =	sne.s32 s0, $0x0;
	s0 =	rddreg [dreg:$0x4]  }
0x39d: {  	s0 =	sadd.s32 @!p0 $0x100000, s0  }
0x39e: {  	[sflag:s0] =	ssyncadd.tile.s32 @!p0 $0x1;
	_ =	shalt  }
.Lfunc_end2:
_tile_overlayer_lowered:
.L_overlay_start_2:
0x39f: {  	(tag) =	ssettag $0x2  }
0x3a0: {  	s0 =	rddreg [dreg:$0x0];
	s2 =	stileid.u32  }
0x3a1: {  	s1 =	rddreg [dreg:$0x1];
	p0 =	sne.s32 s2, $0x0  }
0x3a2: {  	s3 =	rddreg [dreg:$0x2];
	[bflag:$0x3] =	sbarrier.arrive $0xFFFF;
	s2 =	simm.s32 @!p0 $0x1C02  }
0x3a3: {  	[timem:s3], [sflag:s2] =	dma.local @!p0 [hbm:s0], s1  }
0x3a4: {  	s0 =	simm.s32 @!p0 $0x2  }
0x3a5: {  	_ =	swait.ge @!p0 [sflag:s0], s1  }
0x3a6: {  	s1 =	ssub.s32 @!p0 $0x0, s1;
	[sflag:s0] =	ssyncset.done @!p0 $0x0  }
0x3a7: {  	[sflag:s0] =	ssyncadd.s32 @!p0 s1  }
0x3a8: {  	[bflag:$0x3] =	sbarrier.arrive $0xFFFF  }
0x3a9: {  	_ =	shalt  }

</sc_bundles>
